<compile_context>
chip_gen: v7x
topology: tpu7x:2x2x1
jax: 0.10.2.dev20260603
libtpu: 0.0.44.dev20260713+nightly
codegen_flags: <defaults>
</compile_context>

<pallas_src>
import functools

import jax
import jax.numpy as jnp
from jax import lax
from jax.experimental import pallas as pl
from jax.experimental.pallas import tpu as pltpu
from jax.experimental.pallas import tpu_sc as plsc

N = 10000
E = 320000
F = 128
H = 128
R = 8

NC = 2
NS = 16
NW = NC * NS
EPW = E // NW
EC = 80
NCHUNK = EPW // EC

CPAD = 81920
CPS = CPAD // NS

NPAD = 10240
NPS = NPAD // NS
DRAIN = 128
IC = 80

_MESH = dict(core_axis_name="c", subcore_axis_name="s")
_SC_PARAMS = pltpu.CompilerParams(needs_layout_passes=False)


def _wid():
    return lax.axis_index("c") * NS + lax.axis_index("s")


CCH = (E // NS) // EC


def _make_cnt_kernel():
    @functools.partial(
        pl.kernel,
        out_type=jax.ShapeDtypeStruct((CPAD,), jnp.float32),
        mesh=plsc.VectorSubcoreMesh(**_MESH),
        compiler_params=_SC_PARAMS,
        scratch_types=[
            pltpu.VMEM((CCH, EC), jnp.int32),
            pltpu.VMEM((EC,), jnp.float32),
            pltpu.VMEM((CPS,), jnp.float32),
            pltpu.VMEM_SHARED((CPAD,), jnp.float32),
        ],
    )
    def cnt_kernel(cidx_hbm, zeros_hbm, inv_hbm, idx_v, ones_v, stg_v, cacc):
        c = lax.axis_index("c")
        s = lax.axis_index("s")
        pltpu.sync_copy(
            zeros_hbm.at[pl.ds(s * CPS, CPS)], cacc.at[pl.ds(s * CPS, CPS)]
        )
        pltpu.sync_copy(cidx_hbm.at[s], idx_v)
        for g in range(EC // 16):
            ones_v[pl.ds(g * 16, 16)] = jnp.ones((16,), jnp.float32)
        plsc.subcore_barrier()

        def chunk(k, carry):
            pltpu.sync_copy(ones_v, cacc.at[idx_v.at[k]], add=True)
            return carry

        lax.fori_loop(0, CCH, chunk, 0)
        plsc.subcore_barrier()

        @pl.when(c == 0)
        def _():
            pltpu.sync_copy(cacc.at[pl.ds(s * CPS, CPS)], stg_v)
            def inv(g, carry):
                sl = pl.ds(g * 16, 16)
                v = stg_v[sl]
                stg_v[sl] = 1.0 / jnp.maximum(v, 1.0)
                return carry
            lax.fori_loop(0, CPS // 16, inv, 0)
            pltpu.sync_copy(stg_v, inv_hbm.at[pl.ds(s * CPS, CPS)])

    return cnt_kernel


WC = 400


def _make_w_kernel():
    @functools.partial(
        pl.kernel,
        out_type=jax.ShapeDtypeStruct((E,), jnp.float32),
        mesh=plsc.VectorSubcoreMesh(**_MESH),
        compiler_params=_SC_PARAMS,
        scratch_types=[
            pltpu.VMEM((CPAD,), jnp.float32),
            pltpu.VMEM((WC,), jnp.int32),
            pltpu.VMEM((WC,), jnp.float32),
        ],
    )
    def w_kernel(cidx_hbm, inv_hbm, w_hbm, inv_v, ci_v, w_v):
        wid = _wid()
        pltpu.sync_copy(inv_hbm, inv_v)

        def chunk(k, carry):
            base = wid * EPW + k * WC
            pltpu.sync_copy(cidx_hbm.at[pl.ds(base, WC)], ci_v)
            def grp(g, carry2):
                sl = pl.ds(g * 16, 16)
                w_v[sl] = plsc.load_gather(inv_v, [ci_v[sl]])
                return carry2
            lax.fori_loop(0, WC // 16, grp, 0)
            pltpu.sync_copy(w_v, w_hbm.at[pl.ds(base, WC)])
            return carry

        lax.fori_loop(0, EPW // WC, chunk, 0)

    return w_kernel


def _make_edge_kernel():
    @functools.partial(
        pl.kernel,
        out_type=jax.ShapeDtypeStruct((NC, NPAD, H), jnp.float32),
        mesh=plsc.VectorSubcoreMesh(**_MESH),
        compiler_params=_SC_PARAMS,
        scratch_types=[
            pltpu.VMEM((2, EC), jnp.int32),
            pltpu.VMEM((2, EC), jnp.int32),
            pltpu.VMEM((EC,), jnp.float32),
            pltpu.VMEM((EC,), jnp.float32),
            pltpu.VMEM((EC, H), jnp.float32),
            pltpu.VMEM((EC, H), jnp.float32),
            pltpu.VMEM_SHARED((NPAD, H), jnp.float32),
            pltpu.SemaphoreType.DMA,
            pltpu.SemaphoreType.DMA,
            pltpu.SemaphoreType.DMA,
            pltpu.SemaphoreType.DMA,
            pltpu.SemaphoreType.DMA,
            pltpu.SemaphoreType.DMA,
        ],
    )
    def edge_kernel(hcat_hbm, meta_hbm, w_hbm, zrows_hbm, out_hbm,
                    m0_v, m1_v, w0_v, w1_v, rows0_v, rows1_v, acc,
                    gsem0, gsem1, wsem0, wsem1, msem0, msem1):
        c = lax.axis_index("c")
        s = lax.axis_index("s")
        wid = c * NS + s

        @pl.when(c == 0)
        def _():
            for t in range(NPS // IC):
                @pl.when(s * NPS + t * IC + IC <= N)
                def _():
                    pltpu.sync_copy(
                        hcat_hbm.at[pl.ds(R * N + s * NPS + t * IC, IC)],
                        acc.at[pl.ds(s * NPS + t * IC, IC)],
                    )

        @pl.when(c != 0)
        def _():
            pltpu.sync_copy(zrows_hbm, acc.at[pl.ds(s * NPS, NPS)])

        plsc.subcore_barrier()

        rbufs = (rows0_v, rows1_v)
        gsems = (gsem0, gsem1)
        wbufs = (w0_v, w1_v)
        wsems = (wsem0, wsem1)
        mbufs = (m0_v, m1_v)
        msems = (msem0, msem1)

        def fire_meta(k, b):
            pltpu.async_copy(meta_hbm.at[wid, k], mbufs[b], msems[b])

        def wait_meta(k, b):
            pltpu.make_async_copy(meta_hbm.at[wid, k], mbufs[b], msems[b]).wait()

        def fire_rows(k, b):
            pltpu.async_copy(hcat_hbm.at[mbufs[b].at[0]], rbufs[b], gsems[b])
            pltpu.async_copy(w_hbm.at[wid, k], wbufs[b], wsems[b])

        def process(k, b):
            pltpu.make_async_copy(
                hcat_hbm.at[mbufs[b].at[0]], rbufs[b], gsems[b]
            ).wait()
            pltpu.make_async_copy(w_hbm.at[wid, k], wbufs[b], wsems[b]).wait()
            buf = rbufs[b]
            wb_ref = wbufs[b]

            def row(i, carry2):
                wb = plsc.load_gather(wb_ref, [jnp.full((16,), i, jnp.int32)])
                for j in range(H // 16):
                    sl = pl.ds(j * 16, 16)
                    buf[i, sl] = buf[i, sl] * wb
                return carry2

            lax.fori_loop(0, EC, row, 0)
            pltpu.sync_copy(buf, acc.at[mbufs[b].at[1]], add=True)

        fire_meta(0, 0)
        fire_meta(1, 1)
        wait_meta(0, 0)
        fire_rows(0, 0)

        def pair(t, carry):
            for b in range(2):
                kk = t * 2 + b
                b2 = (b + 1) % 2

                @pl.when(kk < NCHUNK)
                def _():
                    @pl.when(kk + 1 < NCHUNK)
                    def _():
                        wait_meta(kk + 1, b2)
                        fire_rows(kk + 1, b2)
                    process(kk, b)

                    @pl.when(kk + 2 < NCHUNK)
                    def _():
                        fire_meta(kk + 2, b)
            return carry

        lax.fori_loop(0, (NCHUNK + 1) // 2, pair, 0)
        plsc.subcore_barrier()

        for t in range(NPS // DRAIN):
            r0 = s * NPS + t * DRAIN
            pltpu.sync_copy(acc.at[pl.ds(r0, DRAIN)], out_hbm.at[c, pl.ds(r0, DRAIN)])

    return edge_kernel


NB = 5
BN = N // NB


def _mm_body(x_ref, w_ref, b_ref, o_ref):
    r = pl.program_id(1)
    y = jnp.dot(x_ref[...], w_ref[0], preferred_element_type=jnp.float32)
    o_ref[...] = y + jnp.where(r == R, 1.0, 0.0) * b_ref[...]


def _matmul(x, wcat, b):
    return pl.pallas_call(
        _mm_body,
        grid=(NB, R + 1),
        in_specs=[
            pl.BlockSpec((BN, F), lambda n, r: (n, 0)),
            pl.BlockSpec((1, F, H), lambda n, r: (r, 0, 0)),
            pl.BlockSpec((1, H), lambda n, r: (0, 0)),
        ],
        out_specs=pl.BlockSpec((BN, H), lambda n, r: (r * NB + n, 0)),
        out_shape=jax.ShapeDtypeStruct(((R + 1) * N, H), jnp.float32),
    )(x, wcat, b)


def _comb_body(p_ref, o_ref):
    o_ref[...] = jnp.maximum(p_ref[0] + p_ref[1], 0.0)


def _combine(parts):
    return pl.pallas_call(
        _comb_body,
        grid=(NB,),
        in_specs=[pl.BlockSpec((NC, BN, H), lambda n: (0, n, 0))],
        out_specs=pl.BlockSpec((BN, H), lambda n: (n, 0)),
        out_shape=jax.ShapeDtypeStruct((N, H), jnp.float32),
    )(parts)


def kernel(x, edge_index, edge_type, W1, root1, b1, W2, root2, b2, W3, root3, b3):
    src = edge_index[0]
    dst = edge_index[1]
    fidx = edge_type * N + src
    cidx = dst * R + edge_type
    zeros_c = jnp.zeros((CPAD,), jnp.float32)
    zrows = jnp.zeros((NPS, H), jnp.float32)

    inv = _make_cnt_kernel()(cidx.reshape(NS, CCH, EC), zeros_c)
    w = _make_w_kernel()(cidx, inv)

    meta = jnp.stack(
        [fidx.reshape(NW, NCHUNK, EC), dst.reshape(NW, NCHUNK, EC)], axis=2
    )
    w2d = w.reshape(NW, NCHUNK, EC)

    edge_k = _make_edge_kernel()
    h = x
    for (Wr, rootr, br) in ((W1, root1, b1), (W2, root2, b2), (W3, root3, b3)):
        wcat = jnp.concatenate([Wr, rootr[None]], axis=0)
        hcat = _matmul(h, wcat, br.reshape(1, H))
        parts = edge_k(hcat, meta, w2d, zrows)
        h = _combine(parts)
    return h

# --- scband reference (transcript-rebuilt; emitter-appended) ---
"""Pipeline reference for scband-hetero-rgcn-31593779429426 (READ-ONLY COPY).

The authoritative reference and input builder live on the scoring server;
editing this copy changes nothing except your own understanding.
"""

import jax, jax.numpy as jnp
import numpy as np

N = 10000
E = 320000
F = 128
H = 128
R = 8


def setup_inputs(seed: int = 0) -> dict:
    key = jax.random.key(seed)
    ks = jax.random.split(key, 16)
    x = jax.random.normal(ks[0], (N, F), dtype=jnp.float32)
    edge_index = jax.random.randint(ks[1], (2, E), 0, N, dtype=jnp.int32)
    edge_type = jax.random.randint(ks[2], (E,), 0, R, dtype=jnp.int32)
    s_in = 1.0 / np.sqrt(F)
    s_h = 1.0 / np.sqrt(H)
    W1 = jax.random.normal(ks[3], (R, F, H), dtype=jnp.float32) * s_in
    root1 = jax.random.normal(ks[4], (F, H), dtype=jnp.float32) * s_in
    b1 = jnp.zeros((H,), dtype=jnp.float32)
    W2 = jax.random.normal(ks[5], (R, H, H), dtype=jnp.float32) * s_h
    root2 = jax.random.normal(ks[6], (H, H), dtype=jnp.float32) * s_h
    b2 = jnp.zeros((H,), dtype=jnp.float32)
    W3 = jax.random.normal(ks[7], (R, H, H), dtype=jnp.float32) * s_h
    root3 = jax.random.normal(ks[8], (H, H), dtype=jnp.float32) * s_h
    b3 = jnp.zeros((H,), dtype=jnp.float32)
    return {"x": x, "edge_index": edge_index, "edge_type": edge_type,
            "W1": W1, "root1": root1, "b1": b1,
            "W2": W2, "root2": root2, "b2": b2,
            "W3": W3, "root3": root3, "b3": b3}


def _rgcn_layer(x, W, Wroot, b, src, dst, etype):
    # PyG RGCNConv semantics: per-relation mean aggregation + root transform + bias
    n = x.shape[0]
    out_dim = W.shape[2]
    out = x @ Wroot + b
    for r in range(R):
        mask = (etype == r).astype(x.dtype)
        h = x @ W[r]                      # transform-then-propagate
        msg = jnp.take(h, src, axis=0) * mask[:, None]
        agg = jnp.zeros((n, out_dim), dtype=x.dtype).at[dst].add(msg)
        cnt = jnp.zeros((n,), dtype=x.dtype).at[dst].add(mask)
        out = out + agg / jnp.maximum(cnt, 1.0)[:, None]
    return out


def reference(x, edge_index, edge_type, W1, root1, b1, W2, root2, b2, W3, root3, b3):
    src = edge_index[0]
    dst = edge_index[1]
    # dropout is identity in eval mode
    h = jax.nn.relu(_rgcn_layer(x, W1, root1, b1, src, dst, edge_type))
    h = jax.nn.relu(_rgcn_layer(h, W2, root2, b2, src, dst, edge_type))
    h = jax.nn.relu(_rgcn_layer(h, W3, root3, b3, src, dst, edge_type))
    return h

if __name__ == "__main__":
    import jax
    _d = setup_inputs()
    print(jax.jit(kernel)(*tuple(_d.values())))

</pallas_src>

<mosaic_0001>
#map = affine_map<(d0, d1) -> (0, 0, 0)>
#map1 = affine_map<(d0, d1) -> (0)>
module attributes {stable_mosaic.version = 14 : i64} {
  func.func @cnt_kernel(%arg0: i32, %arg1: i32, %arg2: memref<16x250x80xi32, #tpu.memory_space<hbm>>, %arg3: memref<81920xf32, #tpu.memory_space<hbm>>, %arg4: memref<81920xf32, #tpu.memory_space<hbm>>, %arg5: memref<250x80xi32, #tpu.memory_space<vmem>>, %arg6: memref<80xf32, #tpu.memory_space<vmem>>, %arg7: memref<5120xf32, #tpu.memory_space<vmem>>, %arg8: memref<81920xf32, #tpu.memory_space<vmem_shared>>) attributes {dimension_semantics = [#tpu.dimension_semantics<core_parallel>, #tpu.dimension_semantics<subcore_parallel>], iteration_bounds = array<i64: 2, 16>, scalar_prefetch = 0 : i64, scratch_operands = 4 : i64, tpu.core_type = #tpu.core_type<sc_vector_subcore>, window_params = [{transform_indices = #map}, {transform_indices = #map1}, {transform_indices = #map1}]} {
    %mul3A = arith.constant 5120 : i32
    %mul3A_0 = arith.muli %arg1, %mul3A : i32
    %mul3A_1 = arith.constant 5120 : i32
    %mul3A_2 = arith.muli %arg1, %mul3A_1 : i32
    "tpu.region"() ({
      %run_scoped3A = tpu.sem_alloc : memref<!tpu.dma_semaphore, #tpu.memory_space<semaphore_mem>>
      %dma_start3A = tpu.memref_slice %arg8[%mul3A_2] : memref<81920xf32, #tpu.memory_space<vmem_shared>> -> memref<5120xf32, #tpu.memory_space<vmem_shared>>
      %dma_start3A_29 = tpu.memref_slice %arg3[%mul3A_0] : memref<81920xf32, #tpu.memory_space<hbm>> -> memref<5120xf32, #tpu.memory_space<hbm>>
      tpu.enqueue_dma source(%dma_start3A_29 : memref<5120xf32, #tpu.memory_space<hbm>>) target(%dma_start3A : memref<5120xf32, #tpu.memory_space<vmem_shared>>) target_semaphore(%run_scoped3A : memref<!tpu.dma_semaphore, #tpu.memory_space<semaphore_mem>>)
      %dma_wait3A = tpu.memref_slice %arg8[%mul3A_2] : memref<81920xf32, #tpu.memory_space<vmem_shared>> -> memref<5120xf32, #tpu.memory_space<vmem_shared>>
      %dma_wait3A_30 = tpu.memref_slice %arg3[%mul3A_0] : memref<81920xf32, #tpu.memory_space<hbm>> -> memref<5120xf32, #tpu.memory_space<hbm>>
      tpu.wait_dma2 semaphore(%run_scoped3A : memref<!tpu.dma_semaphore, #tpu.memory_space<semaphore_mem>>) src(%dma_wait3A_30 : memref<5120xf32, #tpu.memory_space<hbm>>) dst(%dma_wait3A : memref<5120xf32, #tpu.memory_space<vmem_shared>>)
      tpu.yield
    }) : () -> ()
    "tpu.region"() ({
      %run_scoped3A = tpu.sem_alloc : memref<!tpu.dma_semaphore, #tpu.memory_space<semaphore_mem>>
      %dma_start3A = arith.constant 0 : i32
      %dma_start3A_29 = arith.constant 0 : i32
      %dma_start3A_30 = tpu.memref_slice %arg2[%arg1, %dma_start3A, %dma_start3A_29] : memref<16x250x80xi32, #tpu.memory_space<hbm>> -> memref<1x250x80xi32, #tpu.memory_space<hbm>>
      %dma_start3A_31 = tpu.memref_squeeze %dma_start3A_30 : memref<1x250x80xi32, #tpu.memory_space<hbm>> -> memref<250x80xi32, #tpu.memory_space<hbm>>
      %dma_start3A_32 = arith.constant 0 : i32
      %dma_start3A_33 = arith.constant 0 : i32
      %dma_start3A_34 = tpu.memref_slice %arg2[%arg1, %dma_start3A_32, %dma_start3A_33] : memref<16x250x80xi32, #tpu.memory_space<hbm>> -> memref<1x250x80xi32, #tpu.memory_space<hbm>>
      %dma_start3A_35 = tpu.memref_squeeze %dma_start3A_34 : memref<1x250x80xi32, #tpu.memory_space<hbm>> -> memref<250x80xi32, #tpu.memory_space<hbm>>
      tpu.enqueue_dma source(%dma_start3A_35 : memref<250x80xi32, #tpu.memory_space<hbm>>) target(%arg5 : memref<250x80xi32, #tpu.memory_space<vmem>>) target_semaphore(%run_scoped3A : memref<!tpu.dma_semaphore, #tpu.memory_space<semaphore_mem>>)
      %dma_wait3A = arith.constant 0 : i32
      %dma_wait3A_36 = arith.constant 0 : i32
      %dma_wait3A_37 = tpu.memref_slice %arg2[%arg1, %dma_wait3A, %dma_wait3A_36] : memref<16x250x80xi32, #tpu.memory_space<hbm>> -> memref<1x250x80xi32, #tpu.memory_space<hbm>>
      %dma_wait3A_38 = tpu.memref_squeeze %dma_wait3A_37 : memref<1x250x80xi32, #tpu.memory_space<hbm>> -> memref<250x80xi32, #tpu.memory_space<hbm>>
      %dma_wait3A_39 = arith.constant 0 : i32
      %dma_wait3A_40 = arith.constant 0 : i32
      %dma_wait3A_41 = tpu.memref_slice %arg2[%arg1, %dma_wait3A_39, %dma_wait3A_40] : memref<16x250x80xi32, #tpu.memory_space<hbm>> -> memref<1x250x80xi32, #tpu.memory_space<hbm>>
      %dma_wait3A_42 = tpu.memref_squeeze %dma_wait3A_41 : memref<1x250x80xi32, #tpu.memory_space<hbm>> -> memref<250x80xi32, #tpu.memory_space<hbm>>
      tpu.wait_dma2 semaphore(%run_scoped3A : memref<!tpu.dma_semaphore, #tpu.memory_space<semaphore_mem>>) src(%dma_wait3A_42 : memref<250x80xi32, #tpu.memory_space<hbm>>) dst(%arg5 : memref<250x80xi32, #tpu.memory_space<vmem>>)
      tpu.yield
    }) : () -> ()
    %broadcast_in_dim3A = arith.constant 1.000000e+00 : f32
    %broadcast_in_dim3A_3 = vector.broadcast %broadcast_in_dim3A : f32 to vector<16xf32>
    %swap3A = arith.constant 0 : index
    %swap3A_4 = tpu.vector_load %arg6[%swap3A] {strides = array<i32>} : memref<80xf32, #tpu.memory_space<vmem>>, vector<16xf32>,
    tpu.vector_store %arg6[%swap3A], %broadcast_in_dim3A_3 {strides = array<i32>} : memref<80xf32, #tpu.memory_space<vmem>>, vector<16xf32>,
    %broadcast_in_dim3A_5 = arith.constant 1.000000e+00 : f32
    %broadcast_in_dim3A_6 = vector.broadcast %broadcast_in_dim3A_5 : f32 to vector<16xf32>
    %swap3A_7 = arith.constant 16 : index
    %swap3A_8 = tpu.vector_load %arg6[%swap3A_7] {strides = array<i32>} : memref<80xf32, #tpu.memory_space<vmem>>, vector<16xf32>,
    tpu.vector_store %arg6[%swap3A_7], %broadcast_in_dim3A_6 {strides = array<i32>} : memref<80xf32, #tpu.memory_space<vmem>>, vector<16xf32>,
    %broadcast_in_dim3A_9 = arith.constant 1.000000e+00 : f32
    %broadcast_in_dim3A_10 = vector.broadcast %broadcast_in_dim3A_9 : f32 to vector<16xf32>
    %swap3A_11 = arith.constant 32 : index
    %swap3A_12 = tpu.vector_load %arg6[%swap3A_11] {strides = array<i32>} : memref<80xf32, #tpu.memory_space<vmem>>, vector<16xf32>,
    tpu.vector_store %arg6[%swap3A_11], %broadcast_in_dim3A_10 {strides = array<i32>} : memref<80xf32, #tpu.memory_space<vmem>>, vector<16xf32>,
    %broadcast_in_dim3A_13 = arith.constant 1.000000e+00 : f32
    %broadcast_in_dim3A_14 = vector.broadcast %broadcast_in_dim3A_13 : f32 to vector<16xf32>
    %swap3A_15 = arith.constant 48 : index
    %swap3A_16 = tpu.vector_load %arg6[%swap3A_15] {strides = array<i32>} : memref<80xf32, #tpu.memory_space<vmem>>, vector<16xf32>,
    tpu.vector_store %arg6[%swap3A_15], %broadcast_in_dim3A_14 {strides = array<i32>} : memref<80xf32, #tpu.memory_space<vmem>>, vector<16xf32>,
    %broadcast_in_dim3A_17 = arith.constant 1.000000e+00 : f32
    %broadcast_in_dim3A_18 = vector.broadcast %broadcast_in_dim3A_17 : f32 to vector<16xf32>
    %swap3A_19 = arith.constant 64 : index
    %swap3A_20 = tpu.vector_load %arg6[%swap3A_19] {strides = array<i32>} : memref<80xf32, #tpu.memory_space<vmem>>, vector<16xf32>,
    tpu.vector_store %arg6[%swap3A_19], %broadcast_in_dim3A_18 {strides = array<i32>} : memref<80xf32, #tpu.memory_space<vmem>>, vector<16xf32>,
    %barrier3A = arith.constant 0 : index
    tpu.barrier barrier_id(%barrier3A)
    %scan3A = arith.constant 0 : i32
    %scan3A_21 = arith.constant 0 : i32
    %scan3A_22 = arith.constant 250 : i32
    %scan3A_23 = arith.addi %scan3A_21, %scan3A_22 : i32
    %scan3A_24 = arith.constant 1 : i32
    scf.for %scan3A_29 = %scan3A_21 to %scan3A_23 step %scan3A_24  : i32 {
      "tpu.region"() ({
        %run_scoped3A = tpu.sem_alloc : memref<!tpu.dma_semaphore, #tpu.memory_space<semaphore_mem>>
        %dma_start3A = arith.constant 0 : i32
        %dma_start3A_30 = tpu.memref_slice %arg5[%scan3A_29, %dma_start3A] : memref<250x80xi32, #tpu.memory_space<vmem>> -> memref<1x80xi32, #tpu.memory_space<vmem>>
        %dma_start3A_31 = tpu.memref_squeeze %dma_start3A_30 : memref<1x80xi32, #tpu.memory_space<vmem>> -> memref<80xi32, #tpu.memory_space<vmem>>
        %dma_start3A_32 = arith.constant 0 : i32
        %dma_start3A_33 = tpu.memref_slice %arg8[%dma_start3A_32] : memref<81920xf32, #tpu.memory_space<vmem_shared>> -> memref<81920xf32, #tpu.memory_space<vmem_shared>>
        tpu.enqueue_indirect_dma source(%arg6 : memref<80xf32, #tpu.memory_space<vmem>>) target(%dma_start3A_33 : memref<81920xf32, #tpu.memory_space<vmem_shared>>) offsets(%dma_start3A_31 : memref<80xi32, #tpu.memory_space<vmem>>) semaphore(%run_scoped3A : memref<!tpu.dma_semaphore, #tpu.memory_space<semaphore_mem>>) {add = true}
        %dma_wait3A = arith.constant 0 : i32
        %dma_wait3A_34 = tpu.memref_slice %arg5[%scan3A_29, %dma_wait3A] : memref<250x80xi32, #tpu.memory_space<vmem>> -> memref<1x80xi32, #tpu.memory_space<vmem>>
        %dma_wait3A_35 = tpu.memref_squeeze %dma_wait3A_34 : memref<1x80xi32, #tpu.memory_space<vmem>> -> memref<80xi32, #tpu.memory_space<vmem>>
        %dma_wait3A_36 = arith.constant 0 : i32
        %dma_wait3A_37 = tpu.memref_slice %arg8[%dma_wait3A_36] : memref<81920xf32, #tpu.memory_space<vmem_shared>> -> memref<81920xf32, #tpu.memory_space<vmem_shared>>
        tpu.wait_indirect_dma semaphore(%run_scoped3A : memref<!tpu.dma_semaphore, #tpu.memory_space<semaphore_mem>>) src(%arg6 : memref<80xf32, #tpu.memory_space<vmem>>) dst(%dma_wait3A_37 : memref<81920xf32, #tpu.memory_space<vmem_shared>>)
        tpu.yield
      }) : () -> ()
    }
    %scan3A_25 = arith.constant 250 : i32
    %barrier3A_26 = arith.constant 0 : index
    tpu.barrier barrier_id(%barrier3A_26)
    %eq3A = arith.constant 0 : i32
    %eq3A_27 = arith.cmpi eq, %arg0, %eq3A : i32
    %convert_element_type3A = arith.extui %eq3A_27 : i1 to i32
    %cond3A = arith.constant 0 : i32
    %cond3A_28 = arith.cmpi ne, %convert_element_type3A, %cond3A : i32
    scf.if %cond3A_28 {
      %mul3A_29 = arith.constant 5120 : i32
      %mul3A_30 = arith.muli %arg1, %mul3A_29 : i32
      "tpu.region"() ({
        %run_scoped3A = tpu.sem_alloc : memref<!tpu.dma_semaphore, #tpu.memory_space<semaphore_mem>>
        %dma_start3A = tpu.memref_slice %arg8[%mul3A_30] : memref<81920xf32, #tpu.memory_space<vmem_shared>> -> memref<5120xf32, #tpu.memory_space<vmem_shared>>
        %dma_start3A_39 = tpu.memref_slice %arg8[%mul3A_30] : memref<81920xf32, #tpu.memory_space<vmem_shared>> -> memref<5120xf32, #tpu.memory_space<vmem_shared>>
        tpu.enqueue_dma source(%dma_start3A_39 : memref<5120xf32, #tpu.memory_space<vmem_shared>>) target(%arg7 : memref<5120xf32, #tpu.memory_space<vmem>>) target_semaphore(%run_scoped3A : memref<!tpu.dma_semaphore, #tpu.memory_space<semaphore_mem>>)
        %dma_wait3A = tpu.memref_slice %arg8[%mul3A_30] : memref<81920xf32, #tpu.memory_space<vmem_shared>> -> memref<5120xf32, #tpu.memory_space<vmem_shared>>
        %dma_wait3A_40 = tpu.memref_slice %arg8[%mul3A_30] : memref<81920xf32, #tpu.memory_space<vmem_shared>> -> memref<5120xf32, #tpu.memory_space<vmem_shared>>
        tpu.wait_dma2 semaphore(%run_scoped3A : memref<!tpu.dma_semaphore, #tpu.memory_space<semaphore_mem>>) src(%dma_wait3A_40 : memref<5120xf32, #tpu.memory_space<vmem_shared>>) dst(%arg7 : memref<5120xf32, #tpu.memory_space<vmem>>)
        tpu.yield
      }) : () -> ()
      %scan3A_31 = arith.constant 0 : i32
      %scan3A_32 = arith.constant 0 : i32
      %scan3A_33 = arith.constant 320 : i32
      %scan3A_34 = arith.addi %scan3A_32, %scan3A_33 : i32
      %scan3A_35 = arith.constant 1 : i32
      scf.for %scan3A_39 = %scan3A_32 to %scan3A_34 step %scan3A_35  : i32 {
        %mul3A_40 = arith.constant 16 : i32
        %mul3A_41 = arith.muli %scan3A_39, %mul3A_40 : i32
        %get3A = arith.index_cast %mul3A_41 : i32 to index
        %get3A_42 = tpu.vector_load %arg7[%get3A] {strides = array<i32>} : memref<5120xf32, #tpu.memory_space<vmem>>, vector<16xf32>,
        %max3A = arith.constant 1.000000e+00 : f32
        %max3A_43 = vector.broadcast %max3A : f32 to vector<16xf32>
        %max3A_44 = arith.maximumf %get3A_42, %max3A_43 : vector<16xf32>
        %div3A = arith.constant 1.000000e+00 : f32
        %div3A_45 = vector.broadcast %div3A : f32 to vector<16xf32>
        %div3A_46 = arith.divf %div3A_45, %max3A_44 : vector<16xf32>
        %swap3A_47 = arith.index_cast %mul3A_41 : i32 to index
        %swap3A_48 = tpu.vector_load %arg7[%swap3A_47] {strides = array<i32>} : memref<5120xf32, #tpu.memory_space<vmem>>, vector<16xf32>,
        tpu.vector_store %arg7[%swap3A_47], %div3A_46 {strides = array<i32>} : memref<5120xf32, #tpu.memory_space<vmem>>, vector<16xf32>,
      }
      %scan3A_36 = arith.constant 320 : i32
      %mul3A_37 = arith.constant 5120 : i32
      %mul3A_38 = arith.muli %arg1, %mul3A_37 : i32
      "tpu.region"() ({
        %run_scoped3A = tpu.sem_alloc : memref<!tpu.dma_semaphore, #tpu.memory_space<semaphore_mem>>
        %dma_start3A = tpu.memref_slice %arg4[%mul3A_38] : memref<81920xf32, #tpu.memory_space<hbm>> -> memref<5120xf32, #tpu.memory_space<hbm>>
        %dma_start3A_39 = tpu.memref_slice %arg4[%mul3A_38] : memref<81920xf32, #tpu.memory_space<hbm>> -> memref<5120xf32, #tpu.memory_space<hbm>>
        tpu.enqueue_dma source(%arg7 : memref<5120xf32, #tpu.memory_space<vmem>>) target(%dma_start3A_39 : memref<5120xf32, #tpu.memory_space<hbm>>) target_semaphore(%run_scoped3A : memref<!tpu.dma_semaphore, #tpu.memory_space<semaphore_mem>>)
        %dma_wait3A = tpu.memref_slice %arg4[%mul3A_38] : memref<81920xf32, #tpu.memory_space<hbm>> -> memref<5120xf32, #tpu.memory_space<hbm>>
        %dma_wait3A_40 = tpu.memref_slice %arg4[%mul3A_38] : memref<81920xf32, #tpu.memory_space<hbm>> -> memref<5120xf32, #tpu.memory_space<hbm>>
        tpu.wait_dma2 semaphore(%run_scoped3A : memref<!tpu.dma_semaphore, #tpu.memory_space<semaphore_mem>>) src(%arg7 : memref<5120xf32, #tpu.memory_space<vmem>>) dst(%dma_wait3A_40 : memref<5120xf32, #tpu.memory_space<hbm>>)
        tpu.yield
      }) : () -> ()
    } else {
    }
    return
  }
}

#map = affine_map<(d0, d1) -> (0)>
module attributes {stable_mosaic.version = 14 : i64} {
  func.func @w_kernel(%arg0: i32, %arg1: i32, %arg2: memref<320000xi32, #tpu.memory_space<hbm>>, %arg3: memref<81920xf32, #tpu.memory_space<hbm>>, %arg4: memref<320000xf32, #tpu.memory_space<hbm>>, %arg5: memref<81920xf32, #tpu.memory_space<vmem>>, %arg6: memref<400xi32, #tpu.memory_space<vmem>>, %arg7: memref<400xf32, #tpu.memory_space<vmem>>) attributes {dimension_semantics = [#tpu.dimension_semantics<core_parallel>, #tpu.dimension_semantics<subcore_parallel>], iteration_bounds = array<i64: 2, 16>, scalar_prefetch = 0 : i64, scratch_operands = 3 : i64, tpu.core_type = #tpu.core_type<sc_vector_subcore>, window_params = [{transform_indices = #map}, {transform_indices = #map}, {transform_indices = #map}]} {
    %mul3A = arith.constant 16 : i32
    %mul3A_0 = arith.muli %arg0, %mul3A : i32
    %add3A = arith.addi %mul3A_0, %arg1 : i32
    "tpu.region"() ({
      %run_scoped3A = tpu.sem_alloc : memref<!tpu.dma_semaphore, #tpu.memory_space<semaphore_mem>>
      tpu.enqueue_dma source(%arg3 : memref<81920xf32, #tpu.memory_space<hbm>>) target(%arg5 : memref<81920xf32, #tpu.memory_space<vmem>>) target_semaphore(%run_scoped3A : memref<!tpu.dma_semaphore, #tpu.memory_space<semaphore_mem>>)
      tpu.wait_dma2 semaphore(%run_scoped3A : memref<!tpu.dma_semaphore, #tpu.memory_space<semaphore_mem>>) src(%arg3 : memref<81920xf32, #tpu.memory_space<hbm>>) dst(%arg5 : memref<81920xf32, #tpu.memory_space<vmem>>)
      tpu.yield
    }) : () -> ()
    %scan3A = arith.constant 0 : i32
    %scan3A_1 = arith.constant 0 : i32
    %scan3A_2 = arith.constant 25 : i32
    %scan3A_3 = arith.addi %scan3A_1, %scan3A_2 : i32
    %scan3A_4 = arith.constant 1 : i32
    scf.for %scan3A_6 = %scan3A_1 to %scan3A_3 step %scan3A_4  : i32 {
      %mul3A_7 = arith.constant 10000 : i32
      %mul3A_8 = arith.muli %add3A, %mul3A_7 : i32
      %mul3A_9 = arith.constant 400 : i32
      %mul3A_10 = arith.muli %scan3A_6, %mul3A_9 : i32
      %add3A_11 = arith.addi %mul3A_8, %mul3A_10 : i32
      "tpu.region"() ({
        %run_scoped3A = tpu.sem_alloc : memref<!tpu.dma_semaphore, #tpu.memory_space<semaphore_mem>>
        %dma_start3A = tpu.memref_slice %arg2[%add3A_11] : memref<320000xi32, #tpu.memory_space<hbm>> -> memref<400xi32, #tpu.memory_space<hbm>>
        %dma_start3A_18 = tpu.memref_slice %arg2[%add3A_11] : memref<320000xi32, #tpu.memory_space<hbm>> -> memref<400xi32, #tpu.memory_space<hbm>>
        tpu.enqueue_dma source(%dma_start3A_18 : memref<400xi32, #tpu.memory_space<hbm>>) target(%arg6 : memref<400xi32, #tpu.memory_space<vmem>>) target_semaphore(%run_scoped3A : memref<!tpu.dma_semaphore, #tpu.memory_space<semaphore_mem>>)
        %dma_wait3A = tpu.memref_slice %arg2[%add3A_11] : memref<320000xi32, #tpu.memory_space<hbm>> -> memref<400xi32, #tpu.memory_space<hbm>>
        %dma_wait3A_19 = tpu.memref_slice %arg2[%add3A_11] : memref<320000xi32, #tpu.memory_space<hbm>> -> memref<400xi32, #tpu.memory_space<hbm>>
        tpu.wait_dma2 semaphore(%run_scoped3A : memref<!tpu.dma_semaphore, #tpu.memory_space<semaphore_mem>>) src(%dma_wait3A_19 : memref<400xi32, #tpu.memory_space<hbm>>) dst(%arg6 : memref<400xi32, #tpu.memory_space<vmem>>)
        tpu.yield
      }) : () -> ()
      %scan3A_12 = arith.constant 0 : i32
      %scan3A_13 = arith.constant 0 : i32
      %scan3A_14 = arith.constant 25 : i32
      %scan3A_15 = arith.addi %scan3A_13, %scan3A_14 : i32
      %scan3A_16 = arith.constant 1 : i32
      scf.for %scan3A_18 = %scan3A_13 to %scan3A_15 step %scan3A_16  : i32 {
        %mul3A_19 = arith.constant 16 : i32
        %mul3A_20 = arith.muli %scan3A_18, %mul3A_19 : i32
        %get3A = arith.index_cast %mul3A_20 : i32 to index
        %get3A_21 = tpu.vector_load %arg6[%get3A] {strides = array<i32>} : memref<400xi32, #tpu.memory_space<vmem>>, vector<16xi32>,
        %gather3A = tpu.vector_load_idx %arg5[%get3A_21] : memref<81920xf32, #tpu.memory_space<vmem>>[vector<16xi32>], vector<16xf32>,
        %swap3A = arith.index_cast %mul3A_20 : i32 to index
        %swap3A_22 = tpu.vector_load %arg7[%swap3A] {strides = array<i32>} : memref<400xf32, #tpu.memory_space<vmem>>, vector<16xf32>,
        tpu.vector_store %arg7[%swap3A], %gather3A {strides = array<i32>} : memref<400xf32, #tpu.memory_space<vmem>>, vector<16xf32>,
      }
      %scan3A_17 = arith.constant 25 : i32
      "tpu.region"() ({
        %run_scoped3A = tpu.sem_alloc : memref<!tpu.dma_semaphore, #tpu.memory_space<semaphore_mem>>
        %dma_start3A = tpu.memref_slice %arg4[%add3A_11] : memref<320000xf32, #tpu.memory_space<hbm>> -> memref<400xf32, #tpu.memory_space<hbm>>
        %dma_start3A_18 = tpu.memref_slice %arg4[%add3A_11] : memref<320000xf32, #tpu.memory_space<hbm>> -> memref<400xf32, #tpu.memory_space<hbm>>
        tpu.enqueue_dma source(%arg7 : memref<400xf32, #tpu.memory_space<vmem>>) target(%dma_start3A_18 : memref<400xf32, #tpu.memory_space<hbm>>) target_semaphore(%run_scoped3A : memref<!tpu.dma_semaphore, #tpu.memory_space<semaphore_mem>>)
        %dma_wait3A = tpu.memref_slice %arg4[%add3A_11] : memref<320000xf32, #tpu.memory_space<hbm>> -> memref<400xf32, #tpu.memory_space<hbm>>
        %dma_wait3A_19 = tpu.memref_slice %arg4[%add3A_11] : memref<320000xf32, #tpu.memory_space<hbm>> -> memref<400xf32, #tpu.memory_space<hbm>>
        tpu.wait_dma2 semaphore(%run_scoped3A : memref<!tpu.dma_semaphore, #tpu.memory_space<semaphore_mem>>) src(%arg7 : memref<400xf32, #tpu.memory_space<vmem>>) dst(%dma_wait3A_19 : memref<400xf32, #tpu.memory_space<hbm>>)
        tpu.yield
      }) : () -> ()
    }
    %scan3A_5 = arith.constant 25 : i32
    return
  }
}

#map = affine_map<(d0, d1) -> (0, 0)>
#map1 = affine_map<(d0, d1) -> (0, 0, 0, 0)>
#map2 = affine_map<(d0, d1) -> (0, 0, 0)>
module attributes {stable_mosaic.version = 14 : i64} {
  func.func @edge_kernel(%arg0: i32, %arg1: i32, %arg2: memref<90000x128xf32, #tpu.memory_space<hbm>>, %arg3: memref<32x125x2x80xi32, #tpu.memory_space<hbm>>, %arg4: memref<32x125x80xf32, #tpu.memory_space<hbm>>, %arg5: memref<640x128xf32, #tpu.memory_space<hbm>>, %arg6: memref<2x10240x128xf32, #tpu.memory_space<hbm>>, %arg7: memref<2x80xi32, #tpu.memory_space<vmem>>, %arg8: memref<2x80xi32, #tpu.memory_space<vmem>>, %arg9: memref<80xf32, #tpu.memory_space<vmem>>, %arg10: memref<80xf32, #tpu.memory_space<vmem>>, %arg11: memref<80x128xf32, #tpu.memory_space<vmem>>, %arg12: memref<80x128xf32, #tpu.memory_space<vmem>>, %arg13: memref<10240x128xf32, #tpu.memory_space<vmem_shared>>, %arg14: memref<!tpu.dma_semaphore, #tpu.memory_space<semaphore_mem>>, %arg15: memref<!tpu.dma_semaphore, #tpu.memory_space<semaphore_mem>>, %arg16: memref<!tpu.dma_semaphore, #tpu.memory_space<semaphore_mem>>, %arg17: memref<!tpu.dma_semaphore, #tpu.memory_space<semaphore_mem>>, %arg18: memref<!tpu.dma_semaphore, #tpu.memory_space<semaphore_mem>>, %arg19: memref<!tpu.dma_semaphore, #tpu.memory_space<semaphore_mem>>) attributes {dimension_semantics = [#tpu.dimension_semantics<core_parallel>, #tpu.dimension_semantics<subcore_parallel>], iteration_bounds = array<i64: 2, 16>, scalar_prefetch = 0 : i64, scratch_operands = 13 : i64, tpu.core_type = #tpu.core_type<sc_vector_subcore>, window_params = [{transform_indices = #map}, {transform_indices = #map1}, {transform_indices = #map2}, {transform_indices = #map}, {transform_indices = #map2}]} {
    %mul3A = arith.constant 16 : i32
    %mul3A_0 = arith.muli %arg0, %mul3A : i32
    %add3A = arith.addi %mul3A_0, %arg1 : i32
    %eq3A = arith.constant 0 : i32
    %eq3A_1 = arith.cmpi eq, %arg0, %eq3A : i32
    %convert_element_type3A = arith.extui %eq3A_1 : i1 to i32
    %cond3A = arith.constant 0 : i32
    %cond3A_2 = arith.cmpi ne, %convert_element_type3A, %cond3A : i32
    scf.if %cond3A_2 {
      %mul3A_72 = arith.constant 640 : i32
      %mul3A_73 = arith.muli %arg1, %mul3A_72 : i32
      %add3A_74 = arith.constant 0 : i32
      %add3A_75 = arith.addi %mul3A_73, %add3A_74 : i32
      %add3A_76 = arith.constant 80 : i32
      %add3A_77 = arith.addi %add3A_75, %add3A_76 : i32
      %le3A = arith.constant 10000 : i32
      %le3A_78 = arith.cmpi sle, %add3A_77, %le3A : i32
      %convert_element_type3A_79 = arith.extui %le3A_78 : i1 to i32
      %cond3A_80 = arith.constant 0 : i32
      %cond3A_81 = arith.cmpi ne, %convert_element_type3A_79, %cond3A_80 : i32
      scf.if %cond3A_81 {
        %mul3A_159 = arith.constant 640 : i32
        %mul3A_160 = arith.muli %arg1, %mul3A_159 : i32
        %add3A_161 = arith.constant 80000 : i32
        %add3A_162 = arith.addi %add3A_161, %mul3A_160 : i32
        %add3A_163 = arith.constant 0 : i32
        %add3A_164 = arith.addi %add3A_162, %add3A_163 : i32
        %mul3A_165 = arith.constant 640 : i32
        %mul3A_166 = arith.muli %arg1, %mul3A_165 : i32
        %add3A_167 = arith.constant 0 : i32
        %add3A_168 = arith.addi %mul3A_166, %add3A_167 : i32
        "tpu.region"() ({
          %run_scoped3A = tpu.sem_alloc : memref<!tpu.dma_semaphore, #tpu.memory_space<semaphore_mem>>
          %dma_start3A_169 = arith.constant 0 : i32
          %dma_start3A_170 = tpu.memref_slice %arg13[%add3A_168, %dma_start3A_169] : memref<10240x128xf32, #tpu.memory_space<vmem_shared>> -> memref<80x128xf32, #tpu.memory_space<vmem_shared>>
          %dma_start3A_171 = arith.constant 0 : i32
          %dma_start3A_172 = tpu.memref_slice %arg2[%add3A_164, %dma_start3A_171] : memref<90000x128xf32, #tpu.memory_space<hbm>> -> memref<80x128xf32, #tpu.memory_space<hbm>>
          tpu.enqueue_dma source(%dma_start3A_172 : memref<80x128xf32, #tpu.memory_space<hbm>>) target(%dma_start3A_170 : memref<80x128xf32, #tpu.memory_space<vmem_shared>>) target_semaphore(%run_scoped3A : memref<!tpu.dma_semaphore, #tpu.memory_space<semaphore_mem>>)
          %dma_wait3A_173 = arith.constant 0 : i32
          %dma_wait3A_174 = tpu.memref_slice %arg13[%add3A_168, %dma_wait3A_173] : memref<10240x128xf32, #tpu.memory_space<vmem_shared>> -> memref<80x128xf32, #tpu.memory_space<vmem_shared>>
          %dma_wait3A_175 = arith.constant 0 : i32
          %dma_wait3A_176 = tpu.memref_slice %arg2[%add3A_164, %dma_wait3A_175] : memref<90000x128xf32, #tpu.memory_space<hbm>> -> memref<80x128xf32, #tpu.memory_space<hbm>>
          tpu.wait_dma2 semaphore(%run_scoped3A : memref<!tpu.dma_semaphore, #tpu.memory_space<semaphore_mem>>) src(%dma_wait3A_176 : memref<80x128xf32, #tpu.memory_space<hbm>>) dst(%dma_wait3A_174 : memref<80x128xf32, #tpu.memory_space<vmem_shared>>)
          tpu.yield
        }) : () -> ()
      } else {
      }
      %mul3A_82 = arith.constant 640 : i32
      %mul3A_83 = arith.muli %arg1, %mul3A_82 : i32
      %add3A_84 = arith.constant 80 : i32
      %add3A_85 = arith.addi %mul3A_83, %add3A_84 : i32
      %add3A_86 = arith.constant 80 : i32
      %add3A_87 = arith.addi %add3A_85, %add3A_86 : i32
      %le3A_88 = arith.constant 10000 : i32
      %le3A_89 = arith.cmpi sle, %add3A_87, %le3A_88 : i32
      %convert_element_type3A_90 = arith.extui %le3A_89 : i1 to i32
      %cond3A_91 = arith.constant 0 : i32
      %cond3A_92 = arith.cmpi ne, %convert_element_type3A_90, %cond3A_91 : i32
      scf.if %cond3A_92 {
        %mul3A_159 = arith.constant 640 : i32
        %mul3A_160 = arith.muli %arg1, %mul3A_159 : i32
        %add3A_161 = arith.constant 80000 : i32
        %add3A_162 = arith.addi %add3A_161, %mul3A_160 : i32
        %add3A_163 = arith.constant 80 : i32
        %add3A_164 = arith.addi %add3A_162, %add3A_163 : i32
        %mul3A_165 = arith.constant 640 : i32
        %mul3A_166 = arith.muli %arg1, %mul3A_165 : i32
        %add3A_167 = arith.constant 80 : i32
        %add3A_168 = arith.addi %mul3A_166, %add3A_167 : i32
        "tpu.region"() ({
          %run_scoped3A = tpu.sem_alloc : memref<!tpu.dma_semaphore, #tpu.memory_space<semaphore_mem>>
          %dma_start3A_169 = arith.constant 0 : i32
          %dma_start3A_170 = tpu.memref_slice %arg13[%add3A_168, %dma_start3A_169] : memref<10240x128xf32, #tpu.memory_space<vmem_shared>> -> memref<80x128xf32, #tpu.memory_space<vmem_shared>>
          %dma_start3A_171 = arith.constant 0 : i32
          %dma_start3A_172 = tpu.memref_slice %arg2[%add3A_164, %dma_start3A_171] : memref<90000x128xf32, #tpu.memory_space<hbm>> -> memref<80x128xf32, #tpu.memory_space<hbm>>
          tpu.enqueue_dma source(%dma_start3A_172 : memref<80x128xf32, #tpu.memory_space<hbm>>) target(%dma_start3A_170 : memref<80x128xf32, #tpu.memory_space<vmem_shared>>) target_semaphore(%run_scoped3A : memref<!tpu.dma_semaphore, #tpu.memory_space<semaphore_mem>>)
          %dma_wait3A_173 = arith.constant 0 : i32
          %dma_wait3A_174 = tpu.memref_slice %arg13[%add3A_168, %dma_wait3A_173] : memref<10240x128xf32, #tpu.memory_space<vmem_shared>> -> memref<80x128xf32, #tpu.memory_space<vmem_shared>>
          %dma_wait3A_175 = arith.constant 0 : i32
          %dma_wait3A_176 = tpu.memref_slice %arg2[%add3A_164, %dma_wait3A_175] : memref<90000x128xf32, #tpu.memory_space<hbm>> -> memref<80x128xf32, #tpu.memory_space<hbm>>
          tpu.wait_dma2 semaphore(%run_scoped3A : memref<!tpu.dma_semaphore, #tpu.memory_space<semaphore_mem>>) src(%dma_wait3A_176 : memref<80x128xf32, #tpu.memory_space<hbm>>) dst(%dma_wait3A_174 : memref<80x128xf32, #tpu.memory_space<vmem_shared>>)
          tpu.yield
        }) : () -> ()
      } else {
      }
      %mul3A_93 = arith.constant 640 : i32
      %mul3A_94 = arith.muli %arg1, %mul3A_93 : i32
      %add3A_95 = arith.constant 160 : i32
      %add3A_96 = arith.addi %mul3A_94, %add3A_95 : i32
      %add3A_97 = arith.constant 80 : i32
      %add3A_98 = arith.addi %add3A_96, %add3A_97 : i32
      %le3A_99 = arith.constant 10000 : i32
      %le3A_100 = arith.cmpi sle, %add3A_98, %le3A_99 : i32
      %convert_element_type3A_101 = arith.extui %le3A_100 : i1 to i32
      %cond3A_102 = arith.constant 0 : i32
      %cond3A_103 = arith.cmpi ne, %convert_element_type3A_101, %cond3A_102 : i32
      scf.if %cond3A_103 {
        %mul3A_159 = arith.constant 640 : i32
        %mul3A_160 = arith.muli %arg1, %mul3A_159 : i32
        %add3A_161 = arith.constant 80000 : i32
        %add3A_162 = arith.addi %add3A_161, %mul3A_160 : i32
        %add3A_163 = arith.constant 160 : i32
        %add3A_164 = arith.addi %add3A_162, %add3A_163 : i32
        %mul3A_165 = arith.constant 640 : i32
        %mul3A_166 = arith.muli %arg1, %mul3A_165 : i32
        %add3A_167 = arith.constant 160 : i32
        %add3A_168 = arith.addi %mul3A_166, %add3A_167 : i32
        "tpu.region"() ({
          %run_scoped3A = tpu.sem_alloc : memref<!tpu.dma_semaphore, #tpu.memory_space<semaphore_mem>>
          %dma_start3A_169 = arith.constant 0 : i32
          %dma_start3A_170 = tpu.memref_slice %arg13[%add3A_168, %dma_start3A_169] : memref<10240x128xf32, #tpu.memory_space<vmem_shared>> -> memref<80x128xf32, #tpu.memory_space<vmem_shared>>
          %dma_start3A_171 = arith.constant 0 : i32
          %dma_start3A_172 = tpu.memref_slice %arg2[%add3A_164, %dma_start3A_171] : memref<90000x128xf32, #tpu.memory_space<hbm>> -> memref<80x128xf32, #tpu.memory_space<hbm>>
          tpu.enqueue_dma source(%dma_start3A_172 : memref<80x128xf32, #tpu.memory_space<hbm>>) target(%dma_start3A_170 : memref<80x128xf32, #tpu.memory_space<vmem_shared>>) target_semaphore(%run_scoped3A : memref<!tpu.dma_semaphore, #tpu.memory_space<semaphore_mem>>)
          %dma_wait3A_173 = arith.constant 0 : i32
          %dma_wait3A_174 = tpu.memref_slice %arg13[%add3A_168, %dma_wait3A_173] : memref<10240x128xf32, #tpu.memory_space<vmem_shared>> -> memref<80x128xf32, #tpu.memory_space<vmem_shared>>
          %dma_wait3A_175 = arith.constant 0 : i32
          %dma_wait3A_176 = tpu.memref_slice %arg2[%add3A_164, %dma_wait3A_175] : memref<90000x128xf32, #tpu.memory_space<hbm>> -> memref<80x128xf32, #tpu.memory_space<hbm>>
          tpu.wait_dma2 semaphore(%run_scoped3A : memref<!tpu.dma_semaphore, #tpu.memory_space<semaphore_mem>>) src(%dma_wait3A_176 : memref<80x128xf32, #tpu.memory_space<hbm>>) dst(%dma_wait3A_174 : memref<80x128xf32, #tpu.memory_space<vmem_shared>>)
          tpu.yield
        }) : () -> ()
      } else {
      }
      %mul3A_104 = arith.constant 640 : i32
      %mul3A_105 = arith.muli %arg1, %mul3A_104 : i32
      %add3A_106 = arith.constant 240 : i32
      %add3A_107 = arith.addi %mul3A_105, %add3A_106 : i32
      %add3A_108 = arith.constant 80 : i32
      %add3A_109 = arith.addi %add3A_107, %add3A_108 : i32
      %le3A_110 = arith.constant 10000 : i32
      %le3A_111 = arith.cmpi sle, %add3A_109, %le3A_110 : i32
      %convert_element_type3A_112 = arith.extui %le3A_111 : i1 to i32
      %cond3A_113 = arith.constant 0 : i32
      %cond3A_114 = arith.cmpi ne, %convert_element_type3A_112, %cond3A_113 : i32
      scf.if %cond3A_114 {
        %mul3A_159 = arith.constant 640 : i32
        %mul3A_160 = arith.muli %arg1, %mul3A_159 : i32
        %add3A_161 = arith.constant 80000 : i32
        %add3A_162 = arith.addi %add3A_161, %mul3A_160 : i32
        %add3A_163 = arith.constant 240 : i32
        %add3A_164 = arith.addi %add3A_162, %add3A_163 : i32
        %mul3A_165 = arith.constant 640 : i32
        %mul3A_166 = arith.muli %arg1, %mul3A_165 : i32
        %add3A_167 = arith.constant 240 : i32
        %add3A_168 = arith.addi %mul3A_166, %add3A_167 : i32
        "tpu.region"() ({
          %run_scoped3A = tpu.sem_alloc : memref<!tpu.dma_semaphore, #tpu.memory_space<semaphore_mem>>
          %dma_start3A_169 = arith.constant 0 : i32
          %dma_start3A_170 = tpu.memref_slice %arg13[%add3A_168, %dma_start3A_169] : memref<10240x128xf32, #tpu.memory_space<vmem_shared>> -> memref<80x128xf32, #tpu.memory_space<vmem_shared>>
          %dma_start3A_171 = arith.constant 0 : i32
          %dma_start3A_172 = tpu.memref_slice %arg2[%add3A_164, %dma_start3A_171] : memref<90000x128xf32, #tpu.memory_space<hbm>> -> memref<80x128xf32, #tpu.memory_space<hbm>>
          tpu.enqueue_dma source(%dma_start3A_172 : memref<80x128xf32, #tpu.memory_space<hbm>>) target(%dma_start3A_170 : memref<80x128xf32, #tpu.memory_space<vmem_shared>>) target_semaphore(%run_scoped3A : memref<!tpu.dma_semaphore, #tpu.memory_space<semaphore_mem>>)
          %dma_wait3A_173 = arith.constant 0 : i32
          %dma_wait3A_174 = tpu.memref_slice %arg13[%add3A_168, %dma_wait3A_173] : memref<10240x128xf32, #tpu.memory_space<vmem_shared>> -> memref<80x128xf32, #tpu.memory_space<vmem_shared>>
          %dma_wait3A_175 = arith.constant 0 : i32
          %dma_wait3A_176 = tpu.memref_slice %arg2[%add3A_164, %dma_wait3A_175] : memref<90000x128xf32, #tpu.memory_space<hbm>> -> memref<80x128xf32, #tpu.memory_space<hbm>>
          tpu.wait_dma2 semaphore(%run_scoped3A : memref<!tpu.dma_semaphore, #tpu.memory_space<semaphore_mem>>) src(%dma_wait3A_176 : memref<80x128xf32, #tpu.memory_space<hbm>>) dst(%dma_wait3A_174 : memref<80x128xf32, #tpu.memory_space<vmem_shared>>)
          tpu.yield
        }) : () -> ()
      } else {
      }
      %mul3A_115 = arith.constant 640 : i32
      %mul3A_116 = arith.muli %arg1, %mul3A_115 : i32
      %add3A_117 = arith.constant 320 : i32
      %add3A_118 = arith.addi %mul3A_116, %add3A_117 : i32
      %add3A_119 = arith.constant 80 : i32
      %add3A_120 = arith.addi %add3A_118, %add3A_119 : i32
      %le3A_121 = arith.constant 10000 : i32
      %le3A_122 = arith.cmpi sle, %add3A_120, %le3A_121 : i32
      %convert_element_type3A_123 = arith.extui %le3A_122 : i1 to i32
      %cond3A_124 = arith.constant 0 : i32
      %cond3A_125 = arith.cmpi ne, %convert_element_type3A_123, %cond3A_124 : i32
      scf.if %cond3A_125 {
        %mul3A_159 = arith.constant 640 : i32
        %mul3A_160 = arith.muli %arg1, %mul3A_159 : i32
        %add3A_161 = arith.constant 80000 : i32
        %add3A_162 = arith.addi %add3A_161, %mul3A_160 : i32
        %add3A_163 = arith.constant 320 : i32
        %add3A_164 = arith.addi %add3A_162, %add3A_163 : i32
        %mul3A_165 = arith.constant 640 : i32
        %mul3A_166 = arith.muli %arg1, %mul3A_165 : i32
        %add3A_167 = arith.constant 320 : i32
        %add3A_168 = arith.addi %mul3A_166, %add3A_167 : i32
        "tpu.region"() ({
          %run_scoped3A = tpu.sem_alloc : memref<!tpu.dma_semaphore, #tpu.memory_space<semaphore_mem>>
          %dma_start3A_169 = arith.constant 0 : i32
          %dma_start3A_170 = tpu.memref_slice %arg13[%add3A_168, %dma_start3A_169] : memref<10240x128xf32, #tpu.memory_space<vmem_shared>> -> memref<80x128xf32, #tpu.memory_space<vmem_shared>>
          %dma_start3A_171 = arith.constant 0 : i32
          %dma_start3A_172 = tpu.memref_slice %arg2[%add3A_164, %dma_start3A_171] : memref<90000x128xf32, #tpu.memory_space<hbm>> -> memref<80x128xf32, #tpu.memory_space<hbm>>
          tpu.enqueue_dma source(%dma_start3A_172 : memref<80x128xf32, #tpu.memory_space<hbm>>) target(%dma_start3A_170 : memref<80x128xf32, #tpu.memory_space<vmem_shared>>) target_semaphore(%run_scoped3A : memref<!tpu.dma_semaphore, #tpu.memory_space<semaphore_mem>>)
          %dma_wait3A_173 = arith.constant 0 : i32
          %dma_wait3A_174 = tpu.memref_slice %arg13[%add3A_168, %dma_wait3A_173] : memref<10240x128xf32, #tpu.memory_space<vmem_shared>> -> memref<80x128xf32, #tpu.memory_space<vmem_shared>>
          %dma_wait3A_175 = arith.constant 0 : i32
          %dma_wait3A_176 = tpu.memref_slice %arg2[%add3A_164, %dma_wait3A_175] : memref<90000x128xf32, #tpu.memory_space<hbm>> -> memref<80x128xf32, #tpu.memory_space<hbm>>
          tpu.wait_dma2 semaphore(%run_scoped3A : memref<!tpu.dma_semaphore, #tpu.memory_space<semaphore_mem>>) src(%dma_wait3A_176 : memref<80x128xf32, #tpu.memory_space<hbm>>) dst(%dma_wait3A_174 : memref<80x128xf32, #tpu.memory_space<vmem_shared>>)
          tpu.yield
        }) : () -> ()
      } else {
      }
      %mul3A_126 = arith.constant 640 : i32
      %mul3A_127 = arith.muli %arg1, %mul3A_126 : i32
      %add3A_128 = arith.constant 400 : i32
      %add3A_129 = arith.addi %mul3A_127, %add3A_128 : i32
      %add3A_130 = arith.constant 80 : i32
      %add3A_131 = arith.addi %add3A_129, %add3A_130 : i32
      %le3A_132 = arith.constant 10000 : i32
      %le3A_133 = arith.cmpi sle, %add3A_131, %le3A_132 : i32
      %convert_element_type3A_134 = arith.extui %le3A_133 : i1 to i32
      %cond3A_135 = arith.constant 0 : i32
      %cond3A_136 = arith.cmpi ne, %convert_element_type3A_134, %cond3A_135 : i32
      scf.if %cond3A_136 {
        %mul3A_159 = arith.constant 640 : i32
        %mul3A_160 = arith.muli %arg1, %mul3A_159 : i32
        %add3A_161 = arith.constant 80000 : i32
        %add3A_162 = arith.addi %add3A_161, %mul3A_160 : i32
        %add3A_163 = arith.constant 400 : i32
        %add3A_164 = arith.addi %add3A_162, %add3A_163 : i32
        %mul3A_165 = arith.constant 640 : i32
        %mul3A_166 = arith.muli %arg1, %mul3A_165 : i32
        %add3A_167 = arith.constant 400 : i32
        %add3A_168 = arith.addi %mul3A_166, %add3A_167 : i32
        "tpu.region"() ({
          %run_scoped3A = tpu.sem_alloc : memref<!tpu.dma_semaphore, #tpu.memory_space<semaphore_mem>>
          %dma_start3A_169 = arith.constant 0 : i32
          %dma_start3A_170 = tpu.memref_slice %arg13[%add3A_168, %dma_start3A_169] : memref<10240x128xf32, #tpu.memory_space<vmem_shared>> -> memref<80x128xf32, #tpu.memory_space<vmem_shared>>
          %dma_start3A_171 = arith.constant 0 : i32
          %dma_start3A_172 = tpu.memref_slice %arg2[%add3A_164, %dma_start3A_171] : memref<90000x128xf32, #tpu.memory_space<hbm>> -> memref<80x128xf32, #tpu.memory_space<hbm>>
          tpu.enqueue_dma source(%dma_start3A_172 : memref<80x128xf32, #tpu.memory_space<hbm>>) target(%dma_start3A_170 : memref<80x128xf32, #tpu.memory_space<vmem_shared>>) target_semaphore(%run_scoped3A : memref<!tpu.dma_semaphore, #tpu.memory_space<semaphore_mem>>)
          %dma_wait3A_173 = arith.constant 0 : i32
          %dma_wait3A_174 = tpu.memref_slice %arg13[%add3A_168, %dma_wait3A_173] : memref<10240x128xf32, #tpu.memory_space<vmem_shared>> -> memref<80x128xf32, #tpu.memory_space<vmem_shared>>
          %dma_wait3A_175 = arith.constant 0 : i32
          %dma_wait3A_176 = tpu.memref_slice %arg2[%add3A_164, %dma_wait3A_175] : memref<90000x128xf32, #tpu.memory_space<hbm>> -> memref<80x128xf32, #tpu.memory_space<hbm>>
          tpu.wait_dma2 semaphore(%run_scoped3A : memref<!tpu.dma_semaphore, #tpu.memory_space<semaphore_mem>>) src(%dma_wait3A_176 : memref<80x128xf32, #tpu.memory_space<hbm>>) dst(%dma_wait3A_174 : memref<80x128xf32, #tpu.memory_space<vmem_shared>>)
          tpu.yield
        }) : () -> ()
      } else {
      }
      %mul3A_137 = arith.constant 640 : i32
      %mul3A_138 = arith.muli %arg1, %mul3A_137 : i32
      %add3A_139 = arith.constant 480 : i32
      %add3A_140 = arith.addi %mul3A_138, %add3A_139 : i32
      %add3A_141 = arith.constant 80 : i32
      %add3A_142 = arith.addi %add3A_140, %add3A_141 : i32
      %le3A_143 = arith.constant 10000 : i32
      %le3A_144 = arith.cmpi sle, %add3A_142, %le3A_143 : i32
      %convert_element_type3A_145 = arith.extui %le3A_144 : i1 to i32
      %cond3A_146 = arith.constant 0 : i32
      %cond3A_147 = arith.cmpi ne, %convert_element_type3A_145, %cond3A_146 : i32
      scf.if %cond3A_147 {
        %mul3A_159 = arith.constant 640 : i32
        %mul3A_160 = arith.muli %arg1, %mul3A_159 : i32
        %add3A_161 = arith.constant 80000 : i32
        %add3A_162 = arith.addi %add3A_161, %mul3A_160 : i32
        %add3A_163 = arith.constant 480 : i32
        %add3A_164 = arith.addi %add3A_162, %add3A_163 : i32
        %mul3A_165 = arith.constant 640 : i32
        %mul3A_166 = arith.muli %arg1, %mul3A_165 : i32
        %add3A_167 = arith.constant 480 : i32
        %add3A_168 = arith.addi %mul3A_166, %add3A_167 : i32
        "tpu.region"() ({
          %run_scoped3A = tpu.sem_alloc : memref<!tpu.dma_semaphore, #tpu.memory_space<semaphore_mem>>
          %dma_start3A_169 = arith.constant 0 : i32
          %dma_start3A_170 = tpu.memref_slice %arg13[%add3A_168, %dma_start3A_169] : memref<10240x128xf32, #tpu.memory_space<vmem_shared>> -> memref<80x128xf32, #tpu.memory_space<vmem_shared>>
          %dma_start3A_171 = arith.constant 0 : i32
          %dma_start3A_172 = tpu.memref_slice %arg2[%add3A_164, %dma_start3A_171] : memref<90000x128xf32, #tpu.memory_space<hbm>> -> memref<80x128xf32, #tpu.memory_space<hbm>>
          tpu.enqueue_dma source(%dma_start3A_172 : memref<80x128xf32, #tpu.memory_space<hbm>>) target(%dma_start3A_170 : memref<80x128xf32, #tpu.memory_space<vmem_shared>>) target_semaphore(%run_scoped3A : memref<!tpu.dma_semaphore, #tpu.memory_space<semaphore_mem>>)
          %dma_wait3A_173 = arith.constant 0 : i32
          %dma_wait3A_174 = tpu.memref_slice %arg13[%add3A_168, %dma_wait3A_173] : memref<10240x128xf32, #tpu.memory_space<vmem_shared>> -> memref<80x128xf32, #tpu.memory_space<vmem_shared>>
          %dma_wait3A_175 = arith.constant 0 : i32
          %dma_wait3A_176 = tpu.memref_slice %arg2[%add3A_164, %dma_wait3A_175] : memref<90000x128xf32, #tpu.memory_space<hbm>> -> memref<80x128xf32, #tpu.memory_space<hbm>>
          tpu.wait_dma2 semaphore(%run_scoped3A : memref<!tpu.dma_semaphore, #tpu.memory_space<semaphore_mem>>) src(%dma_wait3A_176 : memref<80x128xf32, #tpu.memory_space<hbm>>) dst(%dma_wait3A_174 : memref<80x128xf32, #tpu.memory_space<vmem_shared>>)
          tpu.yield
        }) : () -> ()
      } else {
      }
      %mul3A_148 = arith.constant 640 : i32
      %mul3A_149 = arith.muli %arg1, %mul3A_148 : i32
      %add3A_150 = arith.constant 560 : i32
      %add3A_151 = arith.addi %mul3A_149, %add3A_150 : i32
      %add3A_152 = arith.constant 80 : i32
      %add3A_153 = arith.addi %add3A_151, %add3A_152 : i32
      %le3A_154 = arith.constant 10000 : i32
      %le3A_155 = arith.cmpi sle, %add3A_153, %le3A_154 : i32
      %convert_element_type3A_156 = arith.extui %le3A_155 : i1 to i32
      %cond3A_157 = arith.constant 0 : i32
      %cond3A_158 = arith.cmpi ne, %convert_element_type3A_156, %cond3A_157 : i32
      scf.if %cond3A_158 {
        %mul3A_159 = arith.constant 640 : i32
        %mul3A_160 = arith.muli %arg1, %mul3A_159 : i32
        %add3A_161 = arith.constant 80000 : i32
        %add3A_162 = arith.addi %add3A_161, %mul3A_160 : i32
        %add3A_163 = arith.constant 560 : i32
        %add3A_164 = arith.addi %add3A_162, %add3A_163 : i32
        %mul3A_165 = arith.constant 640 : i32
        %mul3A_166 = arith.muli %arg1, %mul3A_165 : i32
        %add3A_167 = arith.constant 560 : i32
        %add3A_168 = arith.addi %mul3A_166, %add3A_167 : i32
        "tpu.region"() ({
          %run_scoped3A = tpu.sem_alloc : memref<!tpu.dma_semaphore, #tpu.memory_space<semaphore_mem>>
          %dma_start3A_169 = arith.constant 0 : i32
          %dma_start3A_170 = tpu.memref_slice %arg13[%add3A_168, %dma_start3A_169] : memref<10240x128xf32, #tpu.memory_space<vmem_shared>> -> memref<80x128xf32, #tpu.memory_space<vmem_shared>>
          %dma_start3A_171 = arith.constant 0 : i32
          %dma_start3A_172 = tpu.memref_slice %arg2[%add3A_164, %dma_start3A_171] : memref<90000x128xf32, #tpu.memory_space<hbm>> -> memref<80x128xf32, #tpu.memory_space<hbm>>
          tpu.enqueue_dma source(%dma_start3A_172 : memref<80x128xf32, #tpu.memory_space<hbm>>) target(%dma_start3A_170 : memref<80x128xf32, #tpu.memory_space<vmem_shared>>) target_semaphore(%run_scoped3A : memref<!tpu.dma_semaphore, #tpu.memory_space<semaphore_mem>>)
          %dma_wait3A_173 = arith.constant 0 : i32
          %dma_wait3A_174 = tpu.memref_slice %arg13[%add3A_168, %dma_wait3A_173] : memref<10240x128xf32, #tpu.memory_space<vmem_shared>> -> memref<80x128xf32, #tpu.memory_space<vmem_shared>>
          %dma_wait3A_175 = arith.constant 0 : i32
          %dma_wait3A_176 = tpu.memref_slice %arg2[%add3A_164, %dma_wait3A_175] : memref<90000x128xf32, #tpu.memory_space<hbm>> -> memref<80x128xf32, #tpu.memory_space<hbm>>
          tpu.wait_dma2 semaphore(%run_scoped3A : memref<!tpu.dma_semaphore, #tpu.memory_space<semaphore_mem>>) src(%dma_wait3A_176 : memref<80x128xf32, #tpu.memory_space<hbm>>) dst(%dma_wait3A_174 : memref<80x128xf32, #tpu.memory_space<vmem_shared>>)
          tpu.yield
        }) : () -> ()
      } else {
      }
    } else {
    }
    %ne3A = arith.constant 0 : i32
    %ne3A_3 = arith.cmpi ne, %arg0, %ne3A : i32
    %convert_element_type3A_4 = arith.extui %ne3A_3 : i1 to i32
    %cond3A_5 = arith.constant 0 : i32
    %cond3A_6 = arith.cmpi ne, %convert_element_type3A_4, %cond3A_5 : i32
    scf.if %cond3A_6 {
      %mul3A_72 = arith.constant 640 : i32
      %mul3A_73 = arith.muli %arg1, %mul3A_72 : i32
      "tpu.region"() ({
        %run_scoped3A = tpu.sem_alloc : memref<!tpu.dma_semaphore, #tpu.memory_space<semaphore_mem>>
        %dma_start3A_74 = arith.constant 0 : i32
        %dma_start3A_75 = tpu.memref_slice %arg13[%mul3A_73, %dma_start3A_74] : memref<10240x128xf32, #tpu.memory_space<vmem_shared>> -> memref<640x128xf32, #tpu.memory_space<vmem_shared>>
        tpu.enqueue_dma source(%arg5 : memref<640x128xf32, #tpu.memory_space<hbm>>) target(%dma_start3A_75 : memref<640x128xf32, #tpu.memory_space<vmem_shared>>) target_semaphore(%run_scoped3A : memref<!tpu.dma_semaphore, #tpu.memory_space<semaphore_mem>>)
        %dma_wait3A_76 = arith.constant 0 : i32
        %dma_wait3A_77 = tpu.memref_slice %arg13[%mul3A_73, %dma_wait3A_76] : memref<10240x128xf32, #tpu.memory_space<vmem_shared>> -> memref<640x128xf32, #tpu.memory_space<vmem_shared>>
        tpu.wait_dma2 semaphore(%run_scoped3A : memref<!tpu.dma_semaphore, #tpu.memory_space<semaphore_mem>>) src(%arg5 : memref<640x128xf32, #tpu.memory_space<hbm>>) dst(%dma_wait3A_77 : memref<640x128xf32, #tpu.memory_space<vmem_shared>>)
        tpu.yield
      }) : () -> ()
    } else {
    }
    %barrier3A = arith.constant 0 : index
    tpu.barrier barrier_id(%barrier3A)
    %dma_start3A = arith.constant 0 : i32
    %dma_start3A_7 = arith.constant 0 : i32
    %dma_start3A_8 = arith.constant 0 : i32
    %dma_start3A_9 = tpu.memref_slice %arg3[%add3A, %dma_start3A, %dma_start3A_7, %dma_start3A_8] : memref<32x125x2x80xi32, #tpu.memory_space<hbm>> -> memref<1x1x2x80xi32, #tpu.memory_space<hbm>>
    %dma_start3A_10 = tpu.memref_squeeze %dma_start3A_9 : memref<1x1x2x80xi32, #tpu.memory_space<hbm>> -> memref<2x80xi32, #tpu.memory_space<hbm>>
    %dma_start3A_11 = arith.constant 0 : i32
    %dma_start3A_12 = arith.constant 0 : i32
    %dma_start3A_13 = tpu.memref_slice %arg3[%add3A, %dma_start3A, %dma_start3A_11, %dma_start3A_12] : memref<32x125x2x80xi32, #tpu.memory_space<hbm>> -> memref<1x1x2x80xi32, #tpu.memory_space<hbm>>
    %dma_start3A_14 = tpu.memref_squeeze %dma_start3A_13 : memref<1x1x2x80xi32, #tpu.memory_space<hbm>> -> memref<2x80xi32, #tpu.memory_space<hbm>>
    tpu.enqueue_dma source(%dma_start3A_14 : memref<2x80xi32, #tpu.memory_space<hbm>>) target(%arg7 : memref<2x80xi32, #tpu.memory_space<vmem>>) target_semaphore(%arg18 : memref<!tpu.dma_semaphore, #tpu.memory_space<semaphore_mem>>)
    %dma_start3A_15 = arith.constant 1 : i32
    %dma_start3A_16 = arith.constant 0 : i32
    %dma_start3A_17 = arith.constant 0 : i32
    %dma_start3A_18 = tpu.memref_slice %arg3[%add3A, %dma_start3A_15, %dma_start3A_16, %dma_start3A_17] : memref<32x125x2x80xi32, #tpu.memory_space<hbm>> -> memref<1x1x2x80xi32, #tpu.memory_space<hbm>>
    %dma_start3A_19 = tpu.memref_squeeze %dma_start3A_18 : memref<1x1x2x80xi32, #tpu.memory_space<hbm>> -> memref<2x80xi32, #tpu.memory_space<hbm>>
    %dma_start3A_20 = arith.constant 0 : i32
    %dma_start3A_21 = arith.constant 0 : i32
    %dma_start3A_22 = tpu.memref_slice %arg3[%add3A, %dma_start3A_15, %dma_start3A_20, %dma_start3A_21] : memref<32x125x2x80xi32, #tpu.memory_space<hbm>> -> memref<1x1x2x80xi32, #tpu.memory_space<hbm>>
    %dma_start3A_23 = tpu.memref_squeeze %dma_start3A_22 : memref<1x1x2x80xi32, #tpu.memory_space<hbm>> -> memref<2x80xi32, #tpu.memory_space<hbm>>
    tpu.enqueue_dma source(%dma_start3A_23 : memref<2x80xi32, #tpu.memory_space<hbm>>) target(%arg8 : memref<2x80xi32, #tpu.memory_space<vmem>>) target_semaphore(%arg19 : memref<!tpu.dma_semaphore, #tpu.memory_space<semaphore_mem>>)
    %dma_wait3A = arith.constant 0 : i32
    %dma_wait3A_24 = arith.constant 0 : i32
    %dma_wait3A_25 = arith.constant 0 : i32
    %dma_wait3A_26 = tpu.memref_slice %arg3[%add3A, %dma_wait3A, %dma_wait3A_24, %dma_wait3A_25] : memref<32x125x2x80xi32, #tpu.memory_space<hbm>> -> memref<1x1x2x80xi32, #tpu.memory_space<hbm>>
    %dma_wait3A_27 = tpu.memref_squeeze %dma_wait3A_26 : memref<1x1x2x80xi32, #tpu.memory_space<hbm>> -> memref<2x80xi32, #tpu.memory_space<hbm>>
    %dma_wait3A_28 = arith.constant 0 : i32
    %dma_wait3A_29 = arith.constant 0 : i32
    %dma_wait3A_30 = tpu.memref_slice %arg3[%add3A, %dma_wait3A, %dma_wait3A_28, %dma_wait3A_29] : memref<32x125x2x80xi32, #tpu.memory_space<hbm>> -> memref<1x1x2x80xi32, #tpu.memory_space<hbm>>
    %dma_wait3A_31 = tpu.memref_squeeze %dma_wait3A_30 : memref<1x1x2x80xi32, #tpu.memory_space<hbm>> -> memref<2x80xi32, #tpu.memory_space<hbm>>
    tpu.wait_dma2 semaphore(%arg18 : memref<!tpu.dma_semaphore, #tpu.memory_space<semaphore_mem>>) src(%dma_wait3A_31 : memref<2x80xi32, #tpu.memory_space<hbm>>) dst(%arg7 : memref<2x80xi32, #tpu.memory_space<vmem>>)
    %dma_start3A_32 = arith.constant 0 : i32
    %dma_start3A_33 = arith.constant 0 : i32
    %dma_start3A_34 = tpu.memref_slice %arg7[%dma_start3A_32, %dma_start3A_33] : memref<2x80xi32, #tpu.memory_space<vmem>> -> memref<1x80xi32, #tpu.memory_space<vmem>>
    %dma_start3A_35 = tpu.memref_squeeze %dma_start3A_34 : memref<1x80xi32, #tpu.memory_space<vmem>> -> memref<80xi32, #tpu.memory_space<vmem>>
    %dma_start3A_36 = arith.constant 0 : i32
    %dma_start3A_37 = arith.constant 0 : i32
    %dma_start3A_38 = tpu.memref_slice %arg2[%dma_start3A_36, %dma_start3A_37] : memref<90000x128xf32, #tpu.memory_space<hbm>> -> memref<90000x128xf32, #tpu.memory_space<hbm>>
    tpu.enqueue_indirect_dma source(%dma_start3A_38 : memref<90000x128xf32, #tpu.memory_space<hbm>>) target(%arg11 : memref<80x128xf32, #tpu.memory_space<vmem>>) offsets(%dma_start3A_35 : memref<80xi32, #tpu.memory_space<vmem>>) semaphore(%arg14 : memref<!tpu.dma_semaphore, #tpu.memory_space<semaphore_mem>>)
    %dma_start3A_39 = arith.constant 0 : i32
    %dma_start3A_40 = arith.constant 0 : i32
    %dma_start3A_41 = tpu.memref_slice %arg4[%add3A, %dma_start3A_39, %dma_start3A_40] : memref<32x125x80xf32, #tpu.memory_space<hbm>> -> memref<1x1x80xf32, #tpu.memory_space<hbm>>
    %dma_start3A_42 = tpu.memref_squeeze %dma_start3A_41 : memref<1x1x80xf32, #tpu.memory_space<hbm>> -> memref<80xf32, #tpu.memory_space<hbm>>
    %dma_start3A_43 = arith.constant 0 : i32
    %dma_start3A_44 = tpu.memref_slice %arg4[%add3A, %dma_start3A_39, %dma_start3A_43] : memref<32x125x80xf32, #tpu.memory_space<hbm>> -> memref<1x1x80xf32, #tpu.memory_space<hbm>>
    %dma_start3A_45 = tpu.memref_squeeze %dma_start3A_44 : memref<1x1x80xf32, #tpu.memory_space<hbm>> -> memref<80xf32, #tpu.memory_space<hbm>>
    tpu.enqueue_dma source(%dma_start3A_45 : memref<80xf32, #tpu.memory_space<hbm>>) target(%arg9 : memref<80xf32, #tpu.memory_space<vmem>>) target_semaphore(%arg16 : memref<!tpu.dma_semaphore, #tpu.memory_space<semaphore_mem>>)
    %scan3A = arith.constant 0 : i32
    %scan3A_46 = arith.constant 0 : i32
    %scan3A_47 = arith.constant 63 : i32
    %scan3A_48 = arith.addi %scan3A_46, %scan3A_47 : i32
    %scan3A_49 = arith.constant 1 : i32
    scf.for %scan3A_72 = %scan3A_46 to %scan3A_48 step %scan3A_49  : i32 {
      %mul3A_73 = arith.constant 2 : i32
      %mul3A_74 = arith.muli %scan3A_72, %mul3A_73 : i32
      %add3A_75 = arith.constant 0 : i32
      %add3A_76 = arith.addi %mul3A_74, %add3A_75 : i32
      %lt3A = arith.constant 125 : i32
      %lt3A_77 = arith.cmpi slt, %add3A_76, %lt3A : i32
      %convert_element_type3A_78 = arith.extui %lt3A_77 : i1 to i32
      %cond3A_79 = arith.constant 0 : i32
      %cond3A_80 = arith.cmpi ne, %convert_element_type3A_78, %cond3A_79 : i32
      scf.if %cond3A_80 {
        %add3A_90 = arith.constant 1 : i32
        %add3A_91 = arith.addi %add3A_76, %add3A_90 : i32
        %lt3A_92 = arith.constant 125 : i32
        %lt3A_93 = arith.cmpi slt, %add3A_91, %lt3A_92 : i32
        %convert_element_type3A_94 = arith.extui %lt3A_93 : i1 to i32
        %cond3A_95 = arith.constant 0 : i32
        %cond3A_96 = arith.cmpi ne, %convert_element_type3A_94, %cond3A_95 : i32
        scf.if %cond3A_96 {
          %add3A_123 = arith.constant 1 : i32
          %add3A_124 = arith.addi %add3A_76, %add3A_123 : i32
          %dma_wait3A_125 = arith.constant 0 : i32
          %dma_wait3A_126 = arith.constant 0 : i32
          %dma_wait3A_127 = tpu.memref_slice %arg3[%add3A, %add3A_124, %dma_wait3A_125, %dma_wait3A_126] : memref<32x125x2x80xi32, #tpu.memory_space<hbm>> -> memref<1x1x2x80xi32, #tpu.memory_space<hbm>>
          %dma_wait3A_128 = tpu.memref_squeeze %dma_wait3A_127 : memref<1x1x2x80xi32, #tpu.memory_space<hbm>> -> memref<2x80xi32, #tpu.memory_space<hbm>>
          %dma_wait3A_129 = arith.constant 0 : i32
          %dma_wait3A_130 = arith.constant 0 : i32
          %dma_wait3A_131 = tpu.memref_slice %arg3[%add3A, %add3A_124, %dma_wait3A_129, %dma_wait3A_130] : memref<32x125x2x80xi32, #tpu.memory_space<hbm>> -> memref<1x1x2x80xi32, #tpu.memory_space<hbm>>
          %dma_wait3A_132 = tpu.memref_squeeze %dma_wait3A_131 : memref<1x1x2x80xi32, #tpu.memory_space<hbm>> -> memref<2x80xi32, #tpu.memory_space<hbm>>
          tpu.wait_dma2 semaphore(%arg19 : memref<!tpu.dma_semaphore, #tpu.memory_space<semaphore_mem>>) src(%dma_wait3A_132 : memref<2x80xi32, #tpu.memory_space<hbm>>) dst(%arg8 : memref<2x80xi32, #tpu.memory_space<vmem>>)
          %add3A_133 = arith.constant 1 : i32
          %add3A_134 = arith.addi %add3A_76, %add3A_133 : i32
          %dma_start3A_135 = arith.constant 0 : i32
          %dma_start3A_136 = arith.constant 0 : i32
          %dma_start3A_137 = tpu.memref_slice %arg8[%dma_start3A_135, %dma_start3A_136] : memref<2x80xi32, #tpu.memory_space<vmem>> -> memref<1x80xi32, #tpu.memory_space<vmem>>
          %dma_start3A_138 = tpu.memref_squeeze %dma_start3A_137 : memref<1x80xi32, #tpu.memory_space<vmem>> -> memref<80xi32, #tpu.memory_space<vmem>>
          %dma_start3A_139 = arith.constant 0 : i32
          %dma_start3A_140 = arith.constant 0 : i32
          %dma_start3A_141 = tpu.memref_slice %arg2[%dma_start3A_139, %dma_start3A_140] : memref<90000x128xf32, #tpu.memory_space<hbm>> -> memref<90000x128xf32, #tpu.memory_space<hbm>>
          tpu.enqueue_indirect_dma source(%dma_start3A_141 : memref<90000x128xf32, #tpu.memory_space<hbm>>) target(%arg12 : memref<80x128xf32, #tpu.memory_space<vmem>>) offsets(%dma_start3A_138 : memref<80xi32, #tpu.memory_space<vmem>>) semaphore(%arg15 : memref<!tpu.dma_semaphore, #tpu.memory_space<semaphore_mem>>)
          %dma_start3A_142 = arith.constant 0 : i32
          %dma_start3A_143 = tpu.memref_slice %arg4[%add3A, %add3A_134, %dma_start3A_142] : memref<32x125x80xf32, #tpu.memory_space<hbm>> -> memref<1x1x80xf32, #tpu.memory_space<hbm>>
          %dma_start3A_144 = tpu.memref_squeeze %dma_start3A_143 : memref<1x1x80xf32, #tpu.memory_space<hbm>> -> memref<80xf32, #tpu.memory_space<hbm>>
          %dma_start3A_145 = arith.constant 0 : i32
          %dma_start3A_146 = tpu.memref_slice %arg4[%add3A, %add3A_134, %dma_start3A_145] : memref<32x125x80xf32, #tpu.memory_space<hbm>> -> memref<1x1x80xf32, #tpu.memory_space<hbm>>
          %dma_start3A_147 = tpu.memref_squeeze %dma_start3A_146 : memref<1x1x80xf32, #tpu.memory_space<hbm>> -> memref<80xf32, #tpu.memory_space<hbm>>
          tpu.enqueue_dma source(%dma_start3A_147 : memref<80xf32, #tpu.memory_space<hbm>>) target(%arg10 : memref<80xf32, #tpu.memory_space<vmem>>) target_semaphore(%arg17 : memref<!tpu.dma_semaphore, #tpu.memory_space<semaphore_mem>>)
        } else {
        }
        %dma_wait3A_97 = arith.constant 0 : i32
        %dma_wait3A_98 = arith.constant 0 : i32
        %dma_wait3A_99 = tpu.memref_slice %arg7[%dma_wait3A_97, %dma_wait3A_98] : memref<2x80xi32, #tpu.memory_space<vmem>> -> memref<1x80xi32, #tpu.memory_space<vmem>>
        %dma_wait3A_100 = tpu.memref_squeeze %dma_wait3A_99 : memref<1x80xi32, #tpu.memory_space<vmem>> -> memref<80xi32, #tpu.memory_space<vmem>>
        %dma_wait3A_101 = arith.constant 0 : i32
        %dma_wait3A_102 = arith.constant 0 : i32
        %dma_wait3A_103 = tpu.memref_slice %arg2[%dma_wait3A_101, %dma_wait3A_102] : memref<90000x128xf32, #tpu.memory_space<hbm>> -> memref<90000x128xf32, #tpu.memory_space<hbm>>
        tpu.wait_indirect_dma semaphore(%arg14 : memref<!tpu.dma_semaphore, #tpu.memory_space<semaphore_mem>>) src(%dma_wait3A_103 : memref<90000x128xf32, #tpu.memory_space<hbm>>) dst(%arg11 : memref<80x128xf32, #tpu.memory_space<vmem>>)
        %dma_wait3A_104 = arith.constant 0 : i32
        %dma_wait3A_105 = tpu.memref_slice %arg4[%add3A, %add3A_76, %dma_wait3A_104] : memref<32x125x80xf32, #tpu.memory_space<hbm>> -> memref<1x1x80xf32, #tpu.memory_space<hbm>>
        %dma_wait3A_106 = tpu.memref_squeeze %dma_wait3A_105 : memref<1x1x80xf32, #tpu.memory_space<hbm>> -> memref<80xf32, #tpu.memory_space<hbm>>
        %dma_wait3A_107 = arith.constant 0 : i32
        %dma_wait3A_108 = tpu.memref_slice %arg4[%add3A, %add3A_76, %dma_wait3A_107] : memref<32x125x80xf32, #tpu.memory_space<hbm>> -> memref<1x1x80xf32, #tpu.memory_space<hbm>>
        %dma_wait3A_109 = tpu.memref_squeeze %dma_wait3A_108 : memref<1x1x80xf32, #tpu.memory_space<hbm>> -> memref<80xf32, #tpu.memory_space<hbm>>
        tpu.wait_dma2 semaphore(%arg16 : memref<!tpu.dma_semaphore, #tpu.memory_space<semaphore_mem>>) src(%dma_wait3A_109 : memref<80xf32, #tpu.memory_space<hbm>>) dst(%arg9 : memref<80xf32, #tpu.memory_space<vmem>>)
        %scan3A_110 = arith.constant 0 : i32
        %scan3A_111 = arith.constant 0 : i32
        %scan3A_112 = arith.constant 80 : i32
        %scan3A_113 = arith.addi %scan3A_111, %scan3A_112 : i32
        %scan3A_114 = arith.constant 1 : i32
        scf.for %scan3A_123 = %scan3A_111 to %scan3A_113 step %scan3A_114  : i32 {
          %broadcast_in_dim3A = vector.broadcast %scan3A_123 : i32 to vector<16xi32>
          %gather3A = tpu.vector_load_idx %arg9[%broadcast_in_dim3A] : memref<80xf32, #tpu.memory_space<vmem>>[vector<16xi32>], vector<16xf32>,
          %get3A = arith.index_cast %scan3A_123 : i32 to index
          %get3A_124 = arith.constant 0 : index
          %get3A_125 = tpu.vector_load %arg11[%get3A, %get3A_124] {strides = array<i32>} : memref<80x128xf32, #tpu.memory_space<vmem>>, vector<16xf32>,
          %mul3A_126 = arith.mulf %get3A_125, %gather3A : vector<16xf32>
          %swap3A = arith.index_cast %scan3A_123 : i32 to index
          %swap3A_127 = arith.constant 0 : index
          %swap3A_128 = tpu.vector_load %arg11[%swap3A, %swap3A_127] {strides = array<i32>} : memref<80x128xf32, #tpu.memory_space<vmem>>, vector<16xf32>,
          tpu.vector_store %arg11[%swap3A, %swap3A_127], %mul3A_126 {strides = array<i32>} : memref<80x128xf32, #tpu.memory_space<vmem>>, vector<16xf32>,
          %get3A_129 = arith.index_cast %scan3A_123 : i32 to index
          %get3A_130 = arith.constant 16 : index
          %get3A_131 = tpu.vector_load %arg11[%get3A_129, %get3A_130] {strides = array<i32>} : memref<80x128xf32, #tpu.memory_space<vmem>>, vector<16xf32>,
          %mul3A_132 = arith.mulf %get3A_131, %gather3A : vector<16xf32>
          %swap3A_133 = arith.index_cast %scan3A_123 : i32 to index
          %swap3A_134 = arith.constant 16 : index
          %swap3A_135 = tpu.vector_load %arg11[%swap3A_133, %swap3A_134] {strides = array<i32>} : memref<80x128xf32, #tpu.memory_space<vmem>>, vector<16xf32>,
          tpu.vector_store %arg11[%swap3A_133, %swap3A_134], %mul3A_132 {strides = array<i32>} : memref<80x128xf32, #tpu.memory_space<vmem>>, vector<16xf32>,
          %get3A_136 = arith.index_cast %scan3A_123 : i32 to index
          %get3A_137 = arith.constant 32 : index
          %get3A_138 = tpu.vector_load %arg11[%get3A_136, %get3A_137] {strides = array<i32>} : memref<80x128xf32, #tpu.memory_space<vmem>>, vector<16xf32>,
          %mul3A_139 = arith.mulf %get3A_138, %gather3A : vector<16xf32>
          %swap3A_140 = arith.index_cast %scan3A_123 : i32 to index
          %swap3A_141 = arith.constant 32 : index
          %swap3A_142 = tpu.vector_load %arg11[%swap3A_140, %swap3A_141] {strides = array<i32>} : memref<80x128xf32, #tpu.memory_space<vmem>>, vector<16xf32>,
          tpu.vector_store %arg11[%swap3A_140, %swap3A_141], %mul3A_139 {strides = array<i32>} : memref<80x128xf32, #tpu.memory_space<vmem>>, vector<16xf32>,
          %get3A_143 = arith.index_cast %scan3A_123 : i32 to index
          %get3A_144 = arith.constant 48 : index
          %get3A_145 = tpu.vector_load %arg11[%get3A_143, %get3A_144] {strides = array<i32>} : memref<80x128xf32, #tpu.memory_space<vmem>>, vector<16xf32>,
          %mul3A_146 = arith.mulf %get3A_145, %gather3A : vector<16xf32>
          %swap3A_147 = arith.index_cast %scan3A_123 : i32 to index
          %swap3A_148 = arith.constant 48 : index
          %swap3A_149 = tpu.vector_load %arg11[%swap3A_147, %swap3A_148] {strides = array<i32>} : memref<80x128xf32, #tpu.memory_space<vmem>>, vector<16xf32>,
          tpu.vector_store %arg11[%swap3A_147, %swap3A_148], %mul3A_146 {strides = array<i32>} : memref<80x128xf32, #tpu.memory_space<vmem>>, vector<16xf32>,
          %get3A_150 = arith.index_cast %scan3A_123 : i32 to index
          %get3A_151 = arith.constant 64 : index
          %get3A_152 = tpu.vector_load %arg11[%get3A_150, %get3A_151] {strides = array<i32>} : memref<80x128xf32, #tpu.memory_space<vmem>>, vector<16xf32>,
          %mul3A_153 = arith.mulf %get3A_152, %gather3A : vector<16xf32>
          %swap3A_154 = arith.index_cast %scan3A_123 : i32 to index
          %swap3A_155 = arith.constant 64 : index
          %swap3A_156 = tpu.vector_load %arg11[%swap3A_154, %swap3A_155] {strides = array<i32>} : memref<80x128xf32, #tpu.memory_space<vmem>>, vector<16xf32>,
          tpu.vector_store %arg11[%swap3A_154, %swap3A_155], %mul3A_153 {strides = array<i32>} : memref<80x128xf32, #tpu.memory_space<vmem>>, vector<16xf32>,
          %get3A_157 = arith.index_cast %scan3A_123 : i32 to index
          %get3A_158 = arith.constant 80 : index
          %get3A_159 = tpu.vector_load %arg11[%get3A_157, %get3A_158] {strides = array<i32>} : memref<80x128xf32, #tpu.memory_space<vmem>>, vector<16xf32>,
          %mul3A_160 = arith.mulf %get3A_159, %gather3A : vector<16xf32>
          %swap3A_161 = arith.index_cast %scan3A_123 : i32 to index
          %swap3A_162 = arith.constant 80 : index
          %swap3A_163 = tpu.vector_load %arg11[%swap3A_161, %swap3A_162] {strides = array<i32>} : memref<80x128xf32, #tpu.memory_space<vmem>>, vector<16xf32>,
          tpu.vector_store %arg11[%swap3A_161, %swap3A_162], %mul3A_160 {strides = array<i32>} : memref<80x128xf32, #tpu.memory_space<vmem>>, vector<16xf32>,
          %get3A_164 = arith.index_cast %scan3A_123 : i32 to index
          %get3A_165 = arith.constant 96 : index
          %get3A_166 = tpu.vector_load %arg11[%get3A_164, %get3A_165] {strides = array<i32>} : memref<80x128xf32, #tpu.memory_space<vmem>>, vector<16xf32>,
          %mul3A_167 = arith.mulf %get3A_166, %gather3A : vector<16xf32>
          %swap3A_168 = arith.index_cast %scan3A_123 : i32 to index
          %swap3A_169 = arith.constant 96 : index
          %swap3A_170 = tpu.vector_load %arg11[%swap3A_168, %swap3A_169] {strides = array<i32>} : memref<80x128xf32, #tpu.memory_space<vmem>>, vector<16xf32>,
          tpu.vector_store %arg11[%swap3A_168, %swap3A_169], %mul3A_167 {strides = array<i32>} : memref<80x128xf32, #tpu.memory_space<vmem>>, vector<16xf32>,
          %get3A_171 = arith.index_cast %scan3A_123 : i32 to index
          %get3A_172 = arith.constant 112 : index
          %get3A_173 = tpu.vector_load %arg11[%get3A_171, %get3A_172] {strides = array<i32>} : memref<80x128xf32, #tpu.memory_space<vmem>>, vector<16xf32>,
          %mul3A_174 = arith.mulf %get3A_173, %gather3A : vector<16xf32>
          %swap3A_175 = arith.index_cast %scan3A_123 : i32 to index
          %swap3A_176 = arith.constant 112 : index
          %swap3A_177 = tpu.vector_load %arg11[%swap3A_175, %swap3A_176] {strides = array<i32>} : memref<80x128xf32, #tpu.memory_space<vmem>>, vector<16xf32>,
          tpu.vector_store %arg11[%swap3A_175, %swap3A_176], %mul3A_174 {strides = array<i32>} : memref<80x128xf32, #tpu.memory_space<vmem>>, vector<16xf32>,
        }
        %scan3A_115 = arith.constant 80 : i32
        %run_scoped3A = arith.constant 1 : i32
        "tpu.region"() ({
          %run_scoped3A_123 = tpu.sem_alloc : memref<!tpu.dma_semaphore, #tpu.memory_space<semaphore_mem>>
          %dma_start3A_124 = arith.constant 0 : i32
          %dma_start3A_125 = tpu.memref_slice %arg7[%run_scoped3A, %dma_start3A_124] : memref<2x80xi32, #tpu.memory_space<vmem>> -> memref<1x80xi32, #tpu.memory_space<vmem>>
          %dma_start3A_126 = tpu.memref_squeeze %dma_start3A_125 : memref<1x80xi32, #tpu.memory_space<vmem>> -> memref<80xi32, #tpu.memory_space<vmem>>
          %dma_start3A_127 = arith.constant 0 : i32
          %dma_start3A_128 = arith.constant 0 : i32
          %dma_start3A_129 = tpu.memref_slice %arg13[%dma_start3A_127, %dma_start3A_128] : memref<10240x128xf32, #tpu.memory_space<vmem_shared>> -> memref<10240x128xf32, #tpu.memory_space<vmem_shared>>
          tpu.enqueue_indirect_dma source(%arg11 : memref<80x128xf32, #tpu.memory_space<vmem>>) target(%dma_start3A_129 : memref<10240x128xf32, #tpu.memory_space<vmem_shared>>) offsets(%dma_start3A_126 : memref<80xi32, #tpu.memory_space<vmem>>) semaphore(%run_scoped3A_123 : memref<!tpu.dma_semaphore, #tpu.memory_space<semaphore_mem>>) {add = true}
          %dma_wait3A_130 = arith.constant 0 : i32
          %dma_wait3A_131 = tpu.memref_slice %arg7[%run_scoped3A, %dma_wait3A_130] : memref<2x80xi32, #tpu.memory_space<vmem>> -> memref<1x80xi32, #tpu.memory_space<vmem>>
          %dma_wait3A_132 = tpu.memref_squeeze %dma_wait3A_131 : memref<1x80xi32, #tpu.memory_space<vmem>> -> memref<80xi32, #tpu.memory_space<vmem>>
          %dma_wait3A_133 = arith.constant 0 : i32
          %dma_wait3A_134 = arith.constant 0 : i32
          %dma_wait3A_135 = tpu.memref_slice %arg13[%dma_wait3A_133, %dma_wait3A_134] : memref<10240x128xf32, #tpu.memory_space<vmem_shared>> -> memref<10240x128xf32, #tpu.memory_space<vmem_shared>>
          tpu.wait_indirect_dma semaphore(%run_scoped3A_123 : memref<!tpu.dma_semaphore, #tpu.memory_space<semaphore_mem>>) src(%arg11 : memref<80x128xf32, #tpu.memory_space<vmem>>) dst(%dma_wait3A_135 : memref<10240x128xf32, #tpu.memory_space<vmem_shared>>)
          tpu.yield
        }) : () -> ()
        %add3A_116 = arith.constant 2 : i32
        %add3A_117 = arith.addi %add3A_76, %add3A_116 : i32
        %lt3A_118 = arith.constant 125 : i32
        %lt3A_119 = arith.cmpi slt, %add3A_117, %lt3A_118 : i32
        %convert_element_type3A_120 = arith.extui %lt3A_119 : i1 to i32
        %cond3A_121 = arith.constant 0 : i32
        %cond3A_122 = arith.cmpi ne, %convert_element_type3A_120, %cond3A_121 : i32
        scf.if %cond3A_122 {
          %add3A_123 = arith.constant 2 : i32
          %add3A_124 = arith.addi %add3A_76, %add3A_123 : i32
          %dma_start3A_125 = arith.constant 0 : i32
          %dma_start3A_126 = arith.constant 0 : i32
          %dma_start3A_127 = tpu.memref_slice %arg3[%add3A, %add3A_124, %dma_start3A_125, %dma_start3A_126] : memref<32x125x2x80xi32, #tpu.memory_space<hbm>> -> memref<1x1x2x80xi32, #tpu.memory_space<hbm>>
          %dma_start3A_128 = tpu.memref_squeeze %dma_start3A_127 : memref<1x1x2x80xi32, #tpu.memory_space<hbm>> -> memref<2x80xi32, #tpu.memory_space<hbm>>
          %dma_start3A_129 = arith.constant 0 : i32
          %dma_start3A_130 = arith.constant 0 : i32
          %dma_start3A_131 = tpu.memref_slice %arg3[%add3A, %add3A_124, %dma_start3A_129, %dma_start3A_130] : memref<32x125x2x80xi32, #tpu.memory_space<hbm>> -> memref<1x1x2x80xi32, #tpu.memory_space<hbm>>
          %dma_start3A_132 = tpu.memref_squeeze %dma_start3A_131 : memref<1x1x2x80xi32, #tpu.memory_space<hbm>> -> memref<2x80xi32, #tpu.memory_space<hbm>>
          tpu.enqueue_dma source(%dma_start3A_132 : memref<2x80xi32, #tpu.memory_space<hbm>>) target(%arg7 : memref<2x80xi32, #tpu.memory_space<vmem>>) target_semaphore(%arg18 : memref<!tpu.dma_semaphore, #tpu.memory_space<semaphore_mem>>)
        } else {
        }
      } else {
      }
      %mul3A_81 = arith.constant 2 : i32
      %mul3A_82 = arith.muli %scan3A_72, %mul3A_81 : i32
      %add3A_83 = arith.constant 1 : i32
      %add3A_84 = arith.addi %mul3A_82, %add3A_83 : i32
      %lt3A_85 = arith.constant 125 : i32
      %lt3A_86 = arith.cmpi slt, %add3A_84, %lt3A_85 : i32
      %convert_element_type3A_87 = arith.extui %lt3A_86 : i1 to i32
      %cond3A_88 = arith.constant 0 : i32
      %cond3A_89 = arith.cmpi ne, %convert_element_type3A_87, %cond3A_88 : i32
      scf.if %cond3A_89 {
        %add3A_90 = arith.constant 1 : i32
        %add3A_91 = arith.addi %add3A_84, %add3A_90 : i32
        %lt3A_92 = arith.constant 125 : i32
        %lt3A_93 = arith.cmpi slt, %add3A_91, %lt3A_92 : i32
        %convert_element_type3A_94 = arith.extui %lt3A_93 : i1 to i32
        %cond3A_95 = arith.constant 0 : i32
        %cond3A_96 = arith.cmpi ne, %convert_element_type3A_94, %cond3A_95 : i32
        scf.if %cond3A_96 {
          %add3A_123 = arith.constant 1 : i32
          %add3A_124 = arith.addi %add3A_84, %add3A_123 : i32
          %dma_wait3A_125 = arith.constant 0 : i32
          %dma_wait3A_126 = arith.constant 0 : i32
          %dma_wait3A_127 = tpu.memref_slice %arg3[%add3A, %add3A_124, %dma_wait3A_125, %dma_wait3A_126] : memref<32x125x2x80xi32, #tpu.memory_space<hbm>> -> memref<1x1x2x80xi32, #tpu.memory_space<hbm>>
          %dma_wait3A_128 = tpu.memref_squeeze %dma_wait3A_127 : memref<1x1x2x80xi32, #tpu.memory_space<hbm>> -> memref<2x80xi32, #tpu.memory_space<hbm>>
          %dma_wait3A_129 = arith.constant 0 : i32
          %dma_wait3A_130 = arith.constant 0 : i32
          %dma_wait3A_131 = tpu.memref_slice %arg3[%add3A, %add3A_124, %dma_wait3A_129, %dma_wait3A_130] : memref<32x125x2x80xi32, #tpu.memory_space<hbm>> -> memref<1x1x2x80xi32, #tpu.memory_space<hbm>>
          %dma_wait3A_132 = tpu.memref_squeeze %dma_wait3A_131 : memref<1x1x2x80xi32, #tpu.memory_space<hbm>> -> memref<2x80xi32, #tpu.memory_space<hbm>>
          tpu.wait_dma2 semaphore(%arg18 : memref<!tpu.dma_semaphore, #tpu.memory_space<semaphore_mem>>) src(%dma_wait3A_132 : memref<2x80xi32, #tpu.memory_space<hbm>>) dst(%arg7 : memref<2x80xi32, #tpu.memory_space<vmem>>)
          %add3A_133 = arith.constant 1 : i32
          %add3A_134 = arith.addi %add3A_84, %add3A_133 : i32
          %dma_start3A_135 = arith.constant 0 : i32
          %dma_start3A_136 = arith.constant 0 : i32
          %dma_start3A_137 = tpu.memref_slice %arg7[%dma_start3A_135, %dma_start3A_136] : memref<2x80xi32, #tpu.memory_space<vmem>> -> memref<1x80xi32, #tpu.memory_space<vmem>>
          %dma_start3A_138 = tpu.memref_squeeze %dma_start3A_137 : memref<1x80xi32, #tpu.memory_space<vmem>> -> memref<80xi32, #tpu.memory_space<vmem>>
          %dma_start3A_139 = arith.constant 0 : i32
          %dma_start3A_140 = arith.constant 0 : i32
          %dma_start3A_141 = tpu.memref_slice %arg2[%dma_start3A_139, %dma_start3A_140] : memref<90000x128xf32, #tpu.memory_space<hbm>> -> memref<90000x128xf32, #tpu.memory_space<hbm>>
          tpu.enqueue_indirect_dma source(%dma_start3A_141 : memref<90000x128xf32, #tpu.memory_space<hbm>>) target(%arg11 : memref<80x128xf32, #tpu.memory_space<vmem>>) offsets(%dma_start3A_138 : memref<80xi32, #tpu.memory_space<vmem>>) semaphore(%arg14 : memref<!tpu.dma_semaphore, #tpu.memory_space<semaphore_mem>>)
          %dma_start3A_142 = arith.constant 0 : i32
          %dma_start3A_143 = tpu.memref_slice %arg4[%add3A, %add3A_134, %dma_start3A_142] : memref<32x125x80xf32, #tpu.memory_space<hbm>> -> memref<1x1x80xf32, #tpu.memory_space<hbm>>
          %dma_start3A_144 = tpu.memref_squeeze %dma_start3A_143 : memref<1x1x80xf32, #tpu.memory_space<hbm>> -> memref<80xf32, #tpu.memory_space<hbm>>
          %dma_start3A_145 = arith.constant 0 : i32
          %dma_start3A_146 = tpu.memref_slice %arg4[%add3A, %add3A_134, %dma_start3A_145] : memref<32x125x80xf32, #tpu.memory_space<hbm>> -> memref<1x1x80xf32, #tpu.memory_space<hbm>>
          %dma_start3A_147 = tpu.memref_squeeze %dma_start3A_146 : memref<1x1x80xf32, #tpu.memory_space<hbm>> -> memref<80xf32, #tpu.memory_space<hbm>>
          tpu.enqueue_dma source(%dma_start3A_147 : memref<80xf32, #tpu.memory_space<hbm>>) target(%arg9 : memref<80xf32, #tpu.memory_space<vmem>>) target_semaphore(%arg16 : memref<!tpu.dma_semaphore, #tpu.memory_space<semaphore_mem>>)
        } else {
        }
        %dma_wait3A_97 = arith.constant 0 : i32
        %dma_wait3A_98 = arith.constant 0 : i32
        %dma_wait3A_99 = tpu.memref_slice %arg8[%dma_wait3A_97, %dma_wait3A_98] : memref<2x80xi32, #tpu.memory_space<vmem>> -> memref<1x80xi32, #tpu.memory_space<vmem>>
        %dma_wait3A_100 = tpu.memref_squeeze %dma_wait3A_99 : memref<1x80xi32, #tpu.memory_space<vmem>> -> memref<80xi32, #tpu.memory_space<vmem>>
        %dma_wait3A_101 = arith.constant 0 : i32
        %dma_wait3A_102 = arith.constant 0 : i32
        %dma_wait3A_103 = tpu.memref_slice %arg2[%dma_wait3A_101, %dma_wait3A_102] : memref<90000x128xf32, #tpu.memory_space<hbm>> -> memref<90000x128xf32, #tpu.memory_space<hbm>>
        tpu.wait_indirect_dma semaphore(%arg15 : memref<!tpu.dma_semaphore, #tpu.memory_space<semaphore_mem>>) src(%dma_wait3A_103 : memref<90000x128xf32, #tpu.memory_space<hbm>>) dst(%arg12 : memref<80x128xf32, #tpu.memory_space<vmem>>)
        %dma_wait3A_104 = arith.constant 0 : i32
        %dma_wait3A_105 = tpu.memref_slice %arg4[%add3A, %add3A_84, %dma_wait3A_104] : memref<32x125x80xf32, #tpu.memory_space<hbm>> -> memref<1x1x80xf32, #tpu.memory_space<hbm>>
        %dma_wait3A_106 = tpu.memref_squeeze %dma_wait3A_105 : memref<1x1x80xf32, #tpu.memory_space<hbm>> -> memref<80xf32, #tpu.memory_space<hbm>>
        %dma_wait3A_107 = arith.constant 0 : i32
        %dma_wait3A_108 = tpu.memref_slice %arg4[%add3A, %add3A_84, %dma_wait3A_107] : memref<32x125x80xf32, #tpu.memory_space<hbm>> -> memref<1x1x80xf32, #tpu.memory_space<hbm>>
        %dma_wait3A_109 = tpu.memref_squeeze %dma_wait3A_108 : memref<1x1x80xf32, #tpu.memory_space<hbm>> -> memref<80xf32, #tpu.memory_space<hbm>>
        tpu.wait_dma2 semaphore(%arg17 : memref<!tpu.dma_semaphore, #tpu.memory_space<semaphore_mem>>) src(%dma_wait3A_109 : memref<80xf32, #tpu.memory_space<hbm>>) dst(%arg10 : memref<80xf32, #tpu.memory_space<vmem>>)
        %scan3A_110 = arith.constant 0 : i32
        %scan3A_111 = arith.constant 0 : i32
        %scan3A_112 = arith.constant 80 : i32
        %scan3A_113 = arith.addi %scan3A_111, %scan3A_112 : i32
        %scan3A_114 = arith.constant 1 : i32
        scf.for %scan3A_123 = %scan3A_111 to %scan3A_113 step %scan3A_114  : i32 {
          %broadcast_in_dim3A = vector.broadcast %scan3A_123 : i32 to vector<16xi32>
          %gather3A = tpu.vector_load_idx %arg10[%broadcast_in_dim3A] : memref<80xf32, #tpu.memory_space<vmem>>[vector<16xi32>], vector<16xf32>,
          %get3A = arith.index_cast %scan3A_123 : i32 to index
          %get3A_124 = arith.constant 0 : index
          %get3A_125 = tpu.vector_load %arg12[%get3A, %get3A_124] {strides = array<i32>} : memref<80x128xf32, #tpu.memory_space<vmem>>, vector<16xf32>,
          %mul3A_126 = arith.mulf %get3A_125, %gather3A : vector<16xf32>
          %swap3A = arith.index_cast %scan3A_123 : i32 to index
          %swap3A_127 = arith.constant 0 : index
          %swap3A_128 = tpu.vector_load %arg12[%swap3A, %swap3A_127] {strides = array<i32>} : memref<80x128xf32, #tpu.memory_space<vmem>>, vector<16xf32>,
          tpu.vector_store %arg12[%swap3A, %swap3A_127], %mul3A_126 {strides = array<i32>} : memref<80x128xf32, #tpu.memory_space<vmem>>, vector<16xf32>,
          %get3A_129 = arith.index_cast %scan3A_123 : i32 to index
          %get3A_130 = arith.constant 16 : index
          %get3A_131 = tpu.vector_load %arg12[%get3A_129, %get3A_130] {strides = array<i32>} : memref<80x128xf32, #tpu.memory_space<vmem>>, vector<16xf32>,
          %mul3A_132 = arith.mulf %get3A_131, %gather3A : vector<16xf32>
          %swap3A_133 = arith.index_cast %scan3A_123 : i32 to index
          %swap3A_134 = arith.constant 16 : index
          %swap3A_135 = tpu.vector_load %arg12[%swap3A_133, %swap3A_134] {strides = array<i32>} : memref<80x128xf32, #tpu.memory_space<vmem>>, vector<16xf32>,
          tpu.vector_store %arg12[%swap3A_133, %swap3A_134], %mul3A_132 {strides = array<i32>} : memref<80x128xf32, #tpu.memory_space<vmem>>, vector<16xf32>,
          %get3A_136 = arith.index_cast %scan3A_123 : i32 to index
          %get3A_137 = arith.constant 32 : index
          %get3A_138 = tpu.vector_load %arg12[%get3A_136, %get3A_137] {strides = array<i32>} : memref<80x128xf32, #tpu.memory_space<vmem>>, vector<16xf32>,
          %mul3A_139 = arith.mulf %get3A_138, %gather3A : vector<16xf32>
          %swap3A_140 = arith.index_cast %scan3A_123 : i32 to index
          %swap3A_141 = arith.constant 32 : index
          %swap3A_142 = tpu.vector_load %arg12[%swap3A_140, %swap3A_141] {strides = array<i32>} : memref<80x128xf32, #tpu.memory_space<vmem>>, vector<16xf32>,
          tpu.vector_store %arg12[%swap3A_140, %swap3A_141], %mul3A_139 {strides = array<i32>} : memref<80x128xf32, #tpu.memory_space<vmem>>, vector<16xf32>,
          %get3A_143 = arith.index_cast %scan3A_123 : i32 to index
          %get3A_144 = arith.constant 48 : index
          %get3A_145 = tpu.vector_load %arg12[%get3A_143, %get3A_144] {strides = array<i32>} : memref<80x128xf32, #tpu.memory_space<vmem>>, vector<16xf32>,
          %mul3A_146 = arith.mulf %get3A_145, %gather3A : vector<16xf32>
          %swap3A_147 = arith.index_cast %scan3A_123 : i32 to index
          %swap3A_148 = arith.constant 48 : index
          %swap3A_149 = tpu.vector_load %arg12[%swap3A_147, %swap3A_148] {strides = array<i32>} : memref<80x128xf32, #tpu.memory_space<vmem>>, vector<16xf32>,
          tpu.vector_store %arg12[%swap3A_147, %swap3A_148], %mul3A_146 {strides = array<i32>} : memref<80x128xf32, #tpu.memory_space<vmem>>, vector<16xf32>,
          %get3A_150 = arith.index_cast %scan3A_123 : i32 to index
          %get3A_151 = arith.constant 64 : index
          %get3A_152 = tpu.vector_load %arg12[%get3A_150, %get3A_151] {strides = array<i32>} : memref<80x128xf32, #tpu.memory_space<vmem>>, vector<16xf32>,
          %mul3A_153 = arith.mulf %get3A_152, %gather3A : vector<16xf32>
          %swap3A_154 = arith.index_cast %scan3A_123 : i32 to index
          %swap3A_155 = arith.constant 64 : index
          %swap3A_156 = tpu.vector_load %arg12[%swap3A_154, %swap3A_155] {strides = array<i32>} : memref<80x128xf32, #tpu.memory_space<vmem>>, vector<16xf32>,
          tpu.vector_store %arg12[%swap3A_154, %swap3A_155], %mul3A_153 {strides = array<i32>} : memref<80x128xf32, #tpu.memory_space<vmem>>, vector<16xf32>,
          %get3A_157 = arith.index_cast %scan3A_123 : i32 to index
          %get3A_158 = arith.constant 80 : index
          %get3A_159 = tpu.vector_load %arg12[%get3A_157, %get3A_158] {strides = array<i32>} : memref<80x128xf32, #tpu.memory_space<vmem>>, vector<16xf32>,
          %mul3A_160 = arith.mulf %get3A_159, %gather3A : vector<16xf32>
          %swap3A_161 = arith.index_cast %scan3A_123 : i32 to index
          %swap3A_162 = arith.constant 80 : index
          %swap3A_163 = tpu.vector_load %arg12[%swap3A_161, %swap3A_162] {strides = array<i32>} : memref<80x128xf32, #tpu.memory_space<vmem>>, vector<16xf32>,
          tpu.vector_store %arg12[%swap3A_161, %swap3A_162], %mul3A_160 {strides = array<i32>} : memref<80x128xf32, #tpu.memory_space<vmem>>, vector<16xf32>,
          %get3A_164 = arith.index_cast %scan3A_123 : i32 to index
          %get3A_165 = arith.constant 96 : index
          %get3A_166 = tpu.vector_load %arg12[%get3A_164, %get3A_165] {strides = array<i32>} : memref<80x128xf32, #tpu.memory_space<vmem>>, vector<16xf32>,
          %mul3A_167 = arith.mulf %get3A_166, %gather3A : vector<16xf32>
          %swap3A_168 = arith.index_cast %scan3A_123 : i32 to index
          %swap3A_169 = arith.constant 96 : index
          %swap3A_170 = tpu.vector_load %arg12[%swap3A_168, %swap3A_169] {strides = array<i32>} : memref<80x128xf32, #tpu.memory_space<vmem>>, vector<16xf32>,
          tpu.vector_store %arg12[%swap3A_168, %swap3A_169], %mul3A_167 {strides = array<i32>} : memref<80x128xf32, #tpu.memory_space<vmem>>, vector<16xf32>,
          %get3A_171 = arith.index_cast %scan3A_123 : i32 to index
          %get3A_172 = arith.constant 112 : index
          %get3A_173 = tpu.vector_load %arg12[%get3A_171, %get3A_172] {strides = array<i32>} : memref<80x128xf32, #tpu.memory_space<vmem>>, vector<16xf32>,
          %mul3A_174 = arith.mulf %get3A_173, %gather3A : vector<16xf32>
          %swap3A_175 = arith.index_cast %scan3A_123 : i32 to index
          %swap3A_176 = arith.constant 112 : index
          %swap3A_177 = tpu.vector_load %arg12[%swap3A_175, %swap3A_176] {strides = array<i32>} : memref<80x128xf32, #tpu.memory_space<vmem>>, vector<16xf32>,
          tpu.vector_store %arg12[%swap3A_175, %swap3A_176], %mul3A_174 {strides = array<i32>} : memref<80x128xf32, #tpu.memory_space<vmem>>, vector<16xf32>,
        }
        %scan3A_115 = arith.constant 80 : i32
        %run_scoped3A = arith.constant 1 : i32
        "tpu.region"() ({
          %run_scoped3A_123 = tpu.sem_alloc : memref<!tpu.dma_semaphore, #tpu.memory_space<semaphore_mem>>
          %dma_start3A_124 = arith.constant 0 : i32
          %dma_start3A_125 = tpu.memref_slice %arg8[%run_scoped3A, %dma_start3A_124] : memref<2x80xi32, #tpu.memory_space<vmem>> -> memref<1x80xi32, #tpu.memory_space<vmem>>
          %dma_start3A_126 = tpu.memref_squeeze %dma_start3A_125 : memref<1x80xi32, #tpu.memory_space<vmem>> -> memref<80xi32, #tpu.memory_space<vmem>>
          %dma_start3A_127 = arith.constant 0 : i32
          %dma_start3A_128 = arith.constant 0 : i32
          %dma_start3A_129 = tpu.memref_slice %arg13[%dma_start3A_127, %dma_start3A_128] : memref<10240x128xf32, #tpu.memory_space<vmem_shared>> -> memref<10240x128xf32, #tpu.memory_space<vmem_shared>>
          tpu.enqueue_indirect_dma source(%arg12 : memref<80x128xf32, #tpu.memory_space<vmem>>) target(%dma_start3A_129 : memref<10240x128xf32, #tpu.memory_space<vmem_shared>>) offsets(%dma_start3A_126 : memref<80xi32, #tpu.memory_space<vmem>>) semaphore(%run_scoped3A_123 : memref<!tpu.dma_semaphore, #tpu.memory_space<semaphore_mem>>) {add = true}
          %dma_wait3A_130 = arith.constant 0 : i32
          %dma_wait3A_131 = tpu.memref_slice %arg8[%run_scoped3A, %dma_wait3A_130] : memref<2x80xi32, #tpu.memory_space<vmem>> -> memref<1x80xi32, #tpu.memory_space<vmem>>
          %dma_wait3A_132 = tpu.memref_squeeze %dma_wait3A_131 : memref<1x80xi32, #tpu.memory_space<vmem>> -> memref<80xi32, #tpu.memory_space<vmem>>
          %dma_wait3A_133 = arith.constant 0 : i32
          %dma_wait3A_134 = arith.constant 0 : i32
          %dma_wait3A_135 = tpu.memref_slice %arg13[%dma_wait3A_133, %dma_wait3A_134] : memref<10240x128xf32, #tpu.memory_space<vmem_shared>> -> memref<10240x128xf32, #tpu.memory_space<vmem_shared>>
          tpu.wait_indirect_dma semaphore(%run_scoped3A_123 : memref<!tpu.dma_semaphore, #tpu.memory_space<semaphore_mem>>) src(%arg12 : memref<80x128xf32, #tpu.memory_space<vmem>>) dst(%dma_wait3A_135 : memref<10240x128xf32, #tpu.memory_space<vmem_shared>>)
          tpu.yield
        }) : () -> ()
        %add3A_116 = arith.constant 2 : i32
        %add3A_117 = arith.addi %add3A_84, %add3A_116 : i32
        %lt3A_118 = arith.constant 125 : i32
        %lt3A_119 = arith.cmpi slt, %add3A_117, %lt3A_118 : i32
        %convert_element_type3A_120 = arith.extui %lt3A_119 : i1 to i32
        %cond3A_121 = arith.constant 0 : i32
        %cond3A_122 = arith.cmpi ne, %convert_element_type3A_120, %cond3A_121 : i32
        scf.if %cond3A_122 {
          %add3A_123 = arith.constant 2 : i32
          %add3A_124 = arith.addi %add3A_84, %add3A_123 : i32
          %dma_start3A_125 = arith.constant 0 : i32
          %dma_start3A_126 = arith.constant 0 : i32
          %dma_start3A_127 = tpu.memref_slice %arg3[%add3A, %add3A_124, %dma_start3A_125, %dma_start3A_126] : memref<32x125x2x80xi32, #tpu.memory_space<hbm>> -> memref<1x1x2x80xi32, #tpu.memory_space<hbm>>
          %dma_start3A_128 = tpu.memref_squeeze %dma_start3A_127 : memref<1x1x2x80xi32, #tpu.memory_space<hbm>> -> memref<2x80xi32, #tpu.memory_space<hbm>>
          %dma_start3A_129 = arith.constant 0 : i32
          %dma_start3A_130 = arith.constant 0 : i32
          %dma_start3A_131 = tpu.memref_slice %arg3[%add3A, %add3A_124, %dma_start3A_129, %dma_start3A_130] : memref<32x125x2x80xi32, #tpu.memory_space<hbm>> -> memref<1x1x2x80xi32, #tpu.memory_space<hbm>>
          %dma_start3A_132 = tpu.memref_squeeze %dma_start3A_131 : memref<1x1x2x80xi32, #tpu.memory_space<hbm>> -> memref<2x80xi32, #tpu.memory_space<hbm>>
          tpu.enqueue_dma source(%dma_start3A_132 : memref<2x80xi32, #tpu.memory_space<hbm>>) target(%arg8 : memref<2x80xi32, #tpu.memory_space<vmem>>) target_semaphore(%arg19 : memref<!tpu.dma_semaphore, #tpu.memory_space<semaphore_mem>>)
        } else {
        }
      } else {
      }
    }
    %scan3A_50 = arith.constant 63 : i32
    %barrier3A_51 = arith.constant 0 : index
    tpu.barrier barrier_id(%barrier3A_51)
    %mul3A_52 = arith.constant 640 : i32
    %mul3A_53 = arith.muli %arg1, %mul3A_52 : i32
    %add3A_54 = arith.constant 0 : i32
    %add3A_55 = arith.addi %mul3A_53, %add3A_54 : i32
    "tpu.region"() ({
      %run_scoped3A = tpu.sem_alloc : memref<!tpu.dma_semaphore, #tpu.memory_space<semaphore_mem>>
      %dma_start3A_72 = arith.constant 0 : i32
      %dma_start3A_73 = tpu.memref_slice %arg6[%arg0, %add3A_55, %dma_start3A_72] : memref<2x10240x128xf32, #tpu.memory_space<hbm>> -> memref<1x128x128xf32, #tpu.memory_space<hbm>>
      %dma_start3A_74 = tpu.memref_squeeze %dma_start3A_73 : memref<1x128x128xf32, #tpu.memory_space<hbm>> -> memref<128x128xf32, #tpu.memory_space<hbm>>
      %dma_start3A_75 = arith.constant 0 : i32
      %dma_start3A_76 = tpu.memref_slice %arg13[%add3A_55, %dma_start3A_75] : memref<10240x128xf32, #tpu.memory_space<vmem_shared>> -> memref<128x128xf32, #tpu.memory_space<vmem_shared>>
      tpu.enqueue_dma source(%dma_start3A_76 : memref<128x128xf32, #tpu.memory_space<vmem_shared>>) target(%dma_start3A_74 : memref<128x128xf32, #tpu.memory_space<hbm>>) target_semaphore(%run_scoped3A : memref<!tpu.dma_semaphore, #tpu.memory_space<semaphore_mem>>)
      %dma_wait3A_77 = arith.constant 0 : i32
      %dma_wait3A_78 = tpu.memref_slice %arg6[%arg0, %add3A_55, %dma_wait3A_77] : memref<2x10240x128xf32, #tpu.memory_space<hbm>> -> memref<1x128x128xf32, #tpu.memory_space<hbm>>
      %dma_wait3A_79 = tpu.memref_squeeze %dma_wait3A_78 : memref<1x128x128xf32, #tpu.memory_space<hbm>> -> memref<128x128xf32, #tpu.memory_space<hbm>>
      %dma_wait3A_80 = arith.constant 0 : i32
      %dma_wait3A_81 = tpu.memref_slice %arg13[%add3A_55, %dma_wait3A_80] : memref<10240x128xf32, #tpu.memory_space<vmem_shared>> -> memref<128x128xf32, #tpu.memory_space<vmem_shared>>
      tpu.wait_dma2 semaphore(%run_scoped3A : memref<!tpu.dma_semaphore, #tpu.memory_space<semaphore_mem>>) src(%dma_wait3A_81 : memref<128x128xf32, #tpu.memory_space<vmem_shared>>) dst(%dma_wait3A_79 : memref<128x128xf32, #tpu.memory_space<hbm>>)
      tpu.yield
    }) : () -> ()
    %mul3A_56 = arith.constant 640 : i32
    %mul3A_57 = arith.muli %arg1, %mul3A_56 : i32
    %add3A_58 = arith.constant 128 : i32
    %add3A_59 = arith.addi %mul3A_57, %add3A_58 : i32
    "tpu.region"() ({
      %run_scoped3A = tpu.sem_alloc : memref<!tpu.dma_semaphore, #tpu.memory_space<semaphore_mem>>
      %dma_start3A_72 = arith.constant 0 : i32
      %dma_start3A_73 = tpu.memref_slice %arg6[%arg0, %add3A_59, %dma_start3A_72] : memref<2x10240x128xf32, #tpu.memory_space<hbm>> -> memref<1x128x128xf32, #tpu.memory_space<hbm>>
      %dma_start3A_74 = tpu.memref_squeeze %dma_start3A_73 : memref<1x128x128xf32, #tpu.memory_space<hbm>> -> memref<128x128xf32, #tpu.memory_space<hbm>>
      %dma_start3A_75 = arith.constant 0 : i32
      %dma_start3A_76 = tpu.memref_slice %arg13[%add3A_59, %dma_start3A_75] : memref<10240x128xf32, #tpu.memory_space<vmem_shared>> -> memref<128x128xf32, #tpu.memory_space<vmem_shared>>
      tpu.enqueue_dma source(%dma_start3A_76 : memref<128x128xf32, #tpu.memory_space<vmem_shared>>) target(%dma_start3A_74 : memref<128x128xf32, #tpu.memory_space<hbm>>) target_semaphore(%run_scoped3A : memref<!tpu.dma_semaphore, #tpu.memory_space<semaphore_mem>>)
      %dma_wait3A_77 = arith.constant 0 : i32
      %dma_wait3A_78 = tpu.memref_slice %arg6[%arg0, %add3A_59, %dma_wait3A_77] : memref<2x10240x128xf32, #tpu.memory_space<hbm>> -> memref<1x128x128xf32, #tpu.memory_space<hbm>>
      %dma_wait3A_79 = tpu.memref_squeeze %dma_wait3A_78 : memref<1x128x128xf32, #tpu.memory_space<hbm>> -> memref<128x128xf32, #tpu.memory_space<hbm>>
      %dma_wait3A_80 = arith.constant 0 : i32
      %dma_wait3A_81 = tpu.memref_slice %arg13[%add3A_59, %dma_wait3A_80] : memref<10240x128xf32, #tpu.memory_space<vmem_shared>> -> memref<128x128xf32, #tpu.memory_space<vmem_shared>>
      tpu.wait_dma2 semaphore(%run_scoped3A : memref<!tpu.dma_semaphore, #tpu.memory_space<semaphore_mem>>) src(%dma_wait3A_81 : memref<128x128xf32, #tpu.memory_space<vmem_shared>>) dst(%dma_wait3A_79 : memref<128x128xf32, #tpu.memory_space<hbm>>)
      tpu.yield
    }) : () -> ()
    %mul3A_60 = arith.constant 640 : i32
    %mul3A_61 = arith.muli %arg1, %mul3A_60 : i32
    %add3A_62 = arith.constant 256 : i32
    %add3A_63 = arith.addi %mul3A_61, %add3A_62 : i32
    "tpu.region"() ({
      %run_scoped3A = tpu.sem_alloc : memref<!tpu.dma_semaphore, #tpu.memory_space<semaphore_mem>>
      %dma_start3A_72 = arith.constant 0 : i32
      %dma_start3A_73 = tpu.memref_slice %arg6[%arg0, %add3A_63, %dma_start3A_72] : memref<2x10240x128xf32, #tpu.memory_space<hbm>> -> memref<1x128x128xf32, #tpu.memory_space<hbm>>
      %dma_start3A_74 = tpu.memref_squeeze %dma_start3A_73 : memref<1x128x128xf32, #tpu.memory_space<hbm>> -> memref<128x128xf32, #tpu.memory_space<hbm>>
      %dma_start3A_75 = arith.constant 0 : i32
      %dma_start3A_76 = tpu.memref_slice %arg13[%add3A_63, %dma_start3A_75] : memref<10240x128xf32, #tpu.memory_space<vmem_shared>> -> memref<128x128xf32, #tpu.memory_space<vmem_shared>>
      tpu.enqueue_dma source(%dma_start3A_76 : memref<128x128xf32, #tpu.memory_space<vmem_shared>>) target(%dma_start3A_74 : memref<128x128xf32, #tpu.memory_space<hbm>>) target_semaphore(%run_scoped3A : memref<!tpu.dma_semaphore, #tpu.memory_space<semaphore_mem>>)
      %dma_wait3A_77 = arith.constant 0 : i32
      %dma_wait3A_78 = tpu.memref_slice %arg6[%arg0, %add3A_63, %dma_wait3A_77] : memref<2x10240x128xf32, #tpu.memory_space<hbm>> -> memref<1x128x128xf32, #tpu.memory_space<hbm>>
      %dma_wait3A_79 = tpu.memref_squeeze %dma_wait3A_78 : memref<1x128x128xf32, #tpu.memory_space<hbm>> -> memref<128x128xf32, #tpu.memory_space<hbm>>
      %dma_wait3A_80 = arith.constant 0 : i32
      %dma_wait3A_81 = tpu.memref_slice %arg13[%add3A_63, %dma_wait3A_80] : memref<10240x128xf32, #tpu.memory_space<vmem_shared>> -> memref<128x128xf32, #tpu.memory_space<vmem_shared>>
      tpu.wait_dma2 semaphore(%run_scoped3A : memref<!tpu.dma_semaphore, #tpu.memory_space<semaphore_mem>>) src(%dma_wait3A_81 : memref<128x128xf32, #tpu.memory_space<vmem_shared>>) dst(%dma_wait3A_79 : memref<128x128xf32, #tpu.memory_space<hbm>>)
      tpu.yield
    }) : () -> ()
    %mul3A_64 = arith.constant 640 : i32
    %mul3A_65 = arith.muli %arg1, %mul3A_64 : i32
    %add3A_66 = arith.constant 384 : i32
    %add3A_67 = arith.addi %mul3A_65, %add3A_66 : i32
    "tpu.region"() ({
      %run_scoped3A = tpu.sem_alloc : memref<!tpu.dma_semaphore, #tpu.memory_space<semaphore_mem>>
      %dma_start3A_72 = arith.constant 0 : i32
      %dma_start3A_73 = tpu.memref_slice %arg6[%arg0, %add3A_67, %dma_start3A_72] : memref<2x10240x128xf32, #tpu.memory_space<hbm>> -> memref<1x128x128xf32, #tpu.memory_space<hbm>>
      %dma_start3A_74 = tpu.memref_squeeze %dma_start3A_73 : memref<1x128x128xf32, #tpu.memory_space<hbm>> -> memref<128x128xf32, #tpu.memory_space<hbm>>
      %dma_start3A_75 = arith.constant 0 : i32
      %dma_start3A_76 = tpu.memref_slice %arg13[%add3A_67, %dma_start3A_75] : memref<10240x128xf32, #tpu.memory_space<vmem_shared>> -> memref<128x128xf32, #tpu.memory_space<vmem_shared>>
      tpu.enqueue_dma source(%dma_start3A_76 : memref<128x128xf32, #tpu.memory_space<vmem_shared>>) target(%dma_start3A_74 : memref<128x128xf32, #tpu.memory_space<hbm>>) target_semaphore(%run_scoped3A : memref<!tpu.dma_semaphore, #tpu.memory_space<semaphore_mem>>)
      %dma_wait3A_77 = arith.constant 0 : i32
      %dma_wait3A_78 = tpu.memref_slice %arg6[%arg0, %add3A_67, %dma_wait3A_77] : memref<2x10240x128xf32, #tpu.memory_space<hbm>> -> memref<1x128x128xf32, #tpu.memory_space<hbm>>
      %dma_wait3A_79 = tpu.memref_squeeze %dma_wait3A_78 : memref<1x128x128xf32, #tpu.memory_space<hbm>> -> memref<128x128xf32, #tpu.memory_space<hbm>>
      %dma_wait3A_80 = arith.constant 0 : i32
      %dma_wait3A_81 = tpu.memref_slice %arg13[%add3A_67, %dma_wait3A_80] : memref<10240x128xf32, #tpu.memory_space<vmem_shared>> -> memref<128x128xf32, #tpu.memory_space<vmem_shared>>
      tpu.wait_dma2 semaphore(%run_scoped3A : memref<!tpu.dma_semaphore, #tpu.memory_space<semaphore_mem>>) src(%dma_wait3A_81 : memref<128x128xf32, #tpu.memory_space<vmem_shared>>) dst(%dma_wait3A_79 : memref<128x128xf32, #tpu.memory_space<hbm>>)
      tpu.yield
    }) : () -> ()
    %mul3A_68 = arith.constant 640 : i32
    %mul3A_69 = arith.muli %arg1, %mul3A_68 : i32
    %add3A_70 = arith.constant 512 : i32
    %add3A_71 = arith.addi %mul3A_69, %add3A_70 : i32
    "tpu.region"() ({
      %run_scoped3A = tpu.sem_alloc : memref<!tpu.dma_semaphore, #tpu.memory_space<semaphore_mem>>
      %dma_start3A_72 = arith.constant 0 : i32
      %dma_start3A_73 = tpu.memref_slice %arg6[%arg0, %add3A_71, %dma_start3A_72] : memref<2x10240x128xf32, #tpu.memory_space<hbm>> -> memref<1x128x128xf32, #tpu.memory_space<hbm>>
      %dma_start3A_74 = tpu.memref_squeeze %dma_start3A_73 : memref<1x128x128xf32, #tpu.memory_space<hbm>> -> memref<128x128xf32, #tpu.memory_space<hbm>>
      %dma_start3A_75 = arith.constant 0 : i32
      %dma_start3A_76 = tpu.memref_slice %arg13[%add3A_71, %dma_start3A_75] : memref<10240x128xf32, #tpu.memory_space<vmem_shared>> -> memref<128x128xf32, #tpu.memory_space<vmem_shared>>
      tpu.enqueue_dma source(%dma_start3A_76 : memref<128x128xf32, #tpu.memory_space<vmem_shared>>) target(%dma_start3A_74 : memref<128x128xf32, #tpu.memory_space<hbm>>) target_semaphore(%run_scoped3A : memref<!tpu.dma_semaphore, #tpu.memory_space<semaphore_mem>>)
      %dma_wait3A_77 = arith.constant 0 : i32
      %dma_wait3A_78 = tpu.memref_slice %arg6[%arg0, %add3A_71, %dma_wait3A_77] : memref<2x10240x128xf32, #tpu.memory_space<hbm>> -> memref<1x128x128xf32, #tpu.memory_space<hbm>>
      %dma_wait3A_79 = tpu.memref_squeeze %dma_wait3A_78 : memref<1x128x128xf32, #tpu.memory_space<hbm>> -> memref<128x128xf32, #tpu.memory_space<hbm>>
      %dma_wait3A_80 = arith.constant 0 : i32
      %dma_wait3A_81 = tpu.memref_slice %arg13[%add3A_71, %dma_wait3A_80] : memref<10240x128xf32, #tpu.memory_space<vmem_shared>> -> memref<128x128xf32, #tpu.memory_space<vmem_shared>>
      tpu.wait_dma2 semaphore(%run_scoped3A : memref<!tpu.dma_semaphore, #tpu.memory_space<semaphore_mem>>) src(%dma_wait3A_81 : memref<128x128xf32, #tpu.memory_space<vmem_shared>>) dst(%dma_wait3A_79 : memref<128x128xf32, #tpu.memory_space<hbm>>)
      tpu.yield
    }) : () -> ()
    return
  }
}

#map = affine_map<(d0, d1) -> (0, 0)>
#map1 = affine_map<(d0, d1) -> (0, 0, 0, 0)>
#map2 = affine_map<(d0, d1) -> (0, 0, 0)>
module attributes {stable_mosaic.version = 14 : i64} {
  func.func @edge_kernel(%arg0: i32, %arg1: i32, %arg2: memref<90000x128xf32, #tpu.memory_space<hbm>>, %arg3: memref<32x125x2x80xi32, #tpu.memory_space<hbm>>, %arg4: memref<32x125x80xf32, #tpu.memory_space<hbm>>, %arg5: memref<640x128xf32, #tpu.memory_space<hbm>>, %arg6: memref<2x10240x128xf32, #tpu.memory_space<hbm>>, %arg7: memref<2x80xi32, #tpu.memory_space<vmem>>, %arg8: memref<2x80xi32, #tpu.memory_space<vmem>>, %arg9: memref<80xf32, #tpu.memory_space<vmem>>, %arg10: memref<80xf32, #tpu.memory_space<vmem>>, %arg11: memref<80x128xf32, #tpu.memory_space<vmem>>, %arg12: memref<80x128xf32, #tpu.memory_space<vmem>>, %arg13: memref<10240x128xf32, #tpu.memory_space<vmem_shared>>, %arg14: memref<!tpu.dma_semaphore, #tpu.memory_space<semaphore_mem>>, %arg15: memref<!tpu.dma_semaphore, #tpu.memory_space<semaphore_mem>>, %arg16: memref<!tpu.dma_semaphore, #tpu.memory_space<semaphore_mem>>, %arg17: memref<!tpu.dma_semaphore, #tpu.memory_space<semaphore_mem>>, %arg18: memref<!tpu.dma_semaphore, #tpu.memory_space<semaphore_mem>>, %arg19: memref<!tpu.dma_semaphore, #tpu.memory_space<semaphore_mem>>) attributes {dimension_semantics = [#tpu.dimension_semantics<core_parallel>, #tpu.dimension_semantics<subcore_parallel>], iteration_bounds = array<i64: 2, 16>, scalar_prefetch = 0 : i64, scratch_operands = 13 : i64, tpu.core_type = #tpu.core_type<sc_vector_subcore>, window_params = [{transform_indices = #map}, {transform_indices = #map1}, {transform_indices = #map2}, {transform_indices = #map}, {transform_indices = #map2}]} {
    %mul3A = arith.constant 16 : i32
    %mul3A_0 = arith.muli %arg0, %mul3A : i32
    %add3A = arith.addi %mul3A_0, %arg1 : i32
    %eq3A = arith.constant 0 : i32
    %eq3A_1 = arith.cmpi eq, %arg0, %eq3A : i32
    %convert_element_type3A = arith.extui %eq3A_1 : i1 to i32
    %cond3A = arith.constant 0 : i32
    %cond3A_2 = arith.cmpi ne, %convert_element_type3A, %cond3A : i32
    scf.if %cond3A_2 {
      %mul3A_72 = arith.constant 640 : i32
      %mul3A_73 = arith.muli %arg1, %mul3A_72 : i32
      %add3A_74 = arith.constant 0 : i32
      %add3A_75 = arith.addi %mul3A_73, %add3A_74 : i32
      %add3A_76 = arith.constant 80 : i32
      %add3A_77 = arith.addi %add3A_75, %add3A_76 : i32
      %le3A = arith.constant 10000 : i32
      %le3A_78 = arith.cmpi sle, %add3A_77, %le3A : i32
      %convert_element_type3A_79 = arith.extui %le3A_78 : i1 to i32
      %cond3A_80 = arith.constant 0 : i32
      %cond3A_81 = arith.cmpi ne, %convert_element_type3A_79, %cond3A_80 : i32
      scf.if %cond3A_81 {
        %mul3A_159 = arith.constant 640 : i32
        %mul3A_160 = arith.muli %arg1, %mul3A_159 : i32
        %add3A_161 = arith.constant 80000 : i32
        %add3A_162 = arith.addi %add3A_161, %mul3A_160 : i32
        %add3A_163 = arith.constant 0 : i32
        %add3A_164 = arith.addi %add3A_162, %add3A_163 : i32
        %mul3A_165 = arith.constant 640 : i32
        %mul3A_166 = arith.muli %arg1, %mul3A_165 : i32
        %add3A_167 = arith.constant 0 : i32
        %add3A_168 = arith.addi %mul3A_166, %add3A_167 : i32
        "tpu.region"() ({
          %run_scoped3A = tpu.sem_alloc : memref<!tpu.dma_semaphore, #tpu.memory_space<semaphore_mem>>
          %dma_start3A_169 = arith.constant 0 : i32
          %dma_start3A_170 = tpu.memref_slice %arg13[%add3A_168, %dma_start3A_169] : memref<10240x128xf32, #tpu.memory_space<vmem_shared>> -> memref<80x128xf32, #tpu.memory_space<vmem_shared>>
          %dma_start3A_171 = arith.constant 0 : i32
          %dma_start3A_172 = tpu.memref_slice %arg2[%add3A_164, %dma_start3A_171] : memref<90000x128xf32, #tpu.memory_space<hbm>> -> memref<80x128xf32, #tpu.memory_space<hbm>>
          tpu.enqueue_dma source(%dma_start3A_172 : memref<80x128xf32, #tpu.memory_space<hbm>>) target(%dma_start3A_170 : memref<80x128xf32, #tpu.memory_space<vmem_shared>>) target_semaphore(%run_scoped3A : memref<!tpu.dma_semaphore, #tpu.memory_space<semaphore_mem>>)
          %dma_wait3A_173 = arith.constant 0 : i32
          %dma_wait3A_174 = tpu.memref_slice %arg13[%add3A_168, %dma_wait3A_173] : memref<10240x128xf32, #tpu.memory_space<vmem_shared>> -> memref<80x128xf32, #tpu.memory_space<vmem_shared>>
          %dma_wait3A_175 = arith.constant 0 : i32
          %dma_wait3A_176 = tpu.memref_slice %arg2[%add3A_164, %dma_wait3A_175] : memref<90000x128xf32, #tpu.memory_space<hbm>> -> memref<80x128xf32, #tpu.memory_space<hbm>>
          tpu.wait_dma2 semaphore(%run_scoped3A : memref<!tpu.dma_semaphore, #tpu.memory_space<semaphore_mem>>) src(%dma_wait3A_176 : memref<80x128xf32, #tpu.memory_space<hbm>>) dst(%dma_wait3A_174 : memref<80x128xf32, #tpu.memory_space<vmem_shared>>)
          tpu.yield
        }) : () -> ()
      } else {
      }
      %mul3A_82 = arith.constant 640 : i32
      %mul3A_83 = arith.muli %arg1, %mul3A_82 : i32
      %add3A_84 = arith.constant 80 : i32
      %add3A_85 = arith.addi %mul3A_83, %add3A_84 : i32
      %add3A_86 = arith.constant 80 : i32
      %add3A_87 = arith.addi %add3A_85, %add3A_86 : i32
      %le3A_88 = arith.constant 10000 : i32
      %le3A_89 = arith.cmpi sle, %add3A_87, %le3A_88 : i32
      %convert_element_type3A_90 = arith.extui %le3A_89 : i1 to i32
      %cond3A_91 = arith.constant 0 : i32
      %cond3A_92 = arith.cmpi ne, %convert_element_type3A_90, %cond3A_91 : i32
      scf.if %cond3A_92 {
        %mul3A_159 = arith.constant 640 : i32
        %mul3A_160 = arith.muli %arg1, %mul3A_159 : i32
        %add3A_161 = arith.constant 80000 : i32
        %add3A_162 = arith.addi %add3A_161, %mul3A_160 : i32
        %add3A_163 = arith.constant 80 : i32
        %add3A_164 = arith.addi %add3A_162, %add3A_163 : i32
        %mul3A_165 = arith.constant 640 : i32
        %mul3A_166 = arith.muli %arg1, %mul3A_165 : i32
        %add3A_167 = arith.constant 80 : i32
        %add3A_168 = arith.addi %mul3A_166, %add3A_167 : i32
        "tpu.region"() ({
          %run_scoped3A = tpu.sem_alloc : memref<!tpu.dma_semaphore, #tpu.memory_space<semaphore_mem>>
          %dma_start3A_169 = arith.constant 0 : i32
          %dma_start3A_170 = tpu.memref_slice %arg13[%add3A_168, %dma_start3A_169] : memref<10240x128xf32, #tpu.memory_space<vmem_shared>> -> memref<80x128xf32, #tpu.memory_space<vmem_shared>>
          %dma_start3A_171 = arith.constant 0 : i32
          %dma_start3A_172 = tpu.memref_slice %arg2[%add3A_164, %dma_start3A_171] : memref<90000x128xf32, #tpu.memory_space<hbm>> -> memref<80x128xf32, #tpu.memory_space<hbm>>
          tpu.enqueue_dma source(%dma_start3A_172 : memref<80x128xf32, #tpu.memory_space<hbm>>) target(%dma_start3A_170 : memref<80x128xf32, #tpu.memory_space<vmem_shared>>) target_semaphore(%run_scoped3A : memref<!tpu.dma_semaphore, #tpu.memory_space<semaphore_mem>>)
          %dma_wait3A_173 = arith.constant 0 : i32
          %dma_wait3A_174 = tpu.memref_slice %arg13[%add3A_168, %dma_wait3A_173] : memref<10240x128xf32, #tpu.memory_space<vmem_shared>> -> memref<80x128xf32, #tpu.memory_space<vmem_shared>>
          %dma_wait3A_175 = arith.constant 0 : i32
          %dma_wait3A_176 = tpu.memref_slice %arg2[%add3A_164, %dma_wait3A_175] : memref<90000x128xf32, #tpu.memory_space<hbm>> -> memref<80x128xf32, #tpu.memory_space<hbm>>
          tpu.wait_dma2 semaphore(%run_scoped3A : memref<!tpu.dma_semaphore, #tpu.memory_space<semaphore_mem>>) src(%dma_wait3A_176 : memref<80x128xf32, #tpu.memory_space<hbm>>) dst(%dma_wait3A_174 : memref<80x128xf32, #tpu.memory_space<vmem_shared>>)
          tpu.yield
        }) : () -> ()
      } else {
      }
      %mul3A_93 = arith.constant 640 : i32
      %mul3A_94 = arith.muli %arg1, %mul3A_93 : i32
      %add3A_95 = arith.constant 160 : i32
      %add3A_96 = arith.addi %mul3A_94, %add3A_95 : i32
      %add3A_97 = arith.constant 80 : i32
      %add3A_98 = arith.addi %add3A_96, %add3A_97 : i32
      %le3A_99 = arith.constant 10000 : i32
      %le3A_100 = arith.cmpi sle, %add3A_98, %le3A_99 : i32
      %convert_element_type3A_101 = arith.extui %le3A_100 : i1 to i32
      %cond3A_102 = arith.constant 0 : i32
      %cond3A_103 = arith.cmpi ne, %convert_element_type3A_101, %cond3A_102 : i32
      scf.if %cond3A_103 {
        %mul3A_159 = arith.constant 640 : i32
        %mul3A_160 = arith.muli %arg1, %mul3A_159 : i32
        %add3A_161 = arith.constant 80000 : i32
        %add3A_162 = arith.addi %add3A_161, %mul3A_160 : i32
        %add3A_163 = arith.constant 160 : i32
        %add3A_164 = arith.addi %add3A_162, %add3A_163 : i32
        %mul3A_165 = arith.constant 640 : i32
        %mul3A_166 = arith.muli %arg1, %mul3A_165 : i32
        %add3A_167 = arith.constant 160 : i32
        %add3A_168 = arith.addi %mul3A_166, %add3A_167 : i32
        "tpu.region"() ({
          %run_scoped3A = tpu.sem_alloc : memref<!tpu.dma_semaphore, #tpu.memory_space<semaphore_mem>>
          %dma_start3A_169 = arith.constant 0 : i32
          %dma_start3A_170 = tpu.memref_slice %arg13[%add3A_168, %dma_start3A_169] : memref<10240x128xf32, #tpu.memory_space<vmem_shared>> -> memref<80x128xf32, #tpu.memory_space<vmem_shared>>
          %dma_start3A_171 = arith.constant 0 : i32
          %dma_start3A_172 = tpu.memref_slice %arg2[%add3A_164, %dma_start3A_171] : memref<90000x128xf32, #tpu.memory_space<hbm>> -> memref<80x128xf32, #tpu.memory_space<hbm>>
          tpu.enqueue_dma source(%dma_start3A_172 : memref<80x128xf32, #tpu.memory_space<hbm>>) target(%dma_start3A_170 : memref<80x128xf32, #tpu.memory_space<vmem_shared>>) target_semaphore(%run_scoped3A : memref<!tpu.dma_semaphore, #tpu.memory_space<semaphore_mem>>)
          %dma_wait3A_173 = arith.constant 0 : i32
          %dma_wait3A_174 = tpu.memref_slice %arg13[%add3A_168, %dma_wait3A_173] : memref<10240x128xf32, #tpu.memory_space<vmem_shared>> -> memref<80x128xf32, #tpu.memory_space<vmem_shared>>
          %dma_wait3A_175 = arith.constant 0 : i32
          %dma_wait3A_176 = tpu.memref_slice %arg2[%add3A_164, %dma_wait3A_175] : memref<90000x128xf32, #tpu.memory_space<hbm>> -> memref<80x128xf32, #tpu.memory_space<hbm>>
          tpu.wait_dma2 semaphore(%run_scoped3A : memref<!tpu.dma_semaphore, #tpu.memory_space<semaphore_mem>>) src(%dma_wait3A_176 : memref<80x128xf32, #tpu.memory_space<hbm>>) dst(%dma_wait3A_174 : memref<80x128xf32, #tpu.memory_space<vmem_shared>>)
          tpu.yield
        }) : () -> ()
      } else {
      }
      %mul3A_104 = arith.constant 640 : i32
      %mul3A_105 = arith.muli %arg1, %mul3A_104 : i32
      %add3A_106 = arith.constant 240 : i32
      %add3A_107 = arith.addi %mul3A_105, %add3A_106 : i32
      %add3A_108 = arith.constant 80 : i32
      %add3A_109 = arith.addi %add3A_107, %add3A_108 : i32
      %le3A_110 = arith.constant 10000 : i32
      %le3A_111 = arith.cmpi sle, %add3A_109, %le3A_110 : i32
      %convert_element_type3A_112 = arith.extui %le3A_111 : i1 to i32
      %cond3A_113 = arith.constant 0 : i32
      %cond3A_114 = arith.cmpi ne, %convert_element_type3A_112, %cond3A_113 : i32
      scf.if %cond3A_114 {
        %mul3A_159 = arith.constant 640 : i32
        %mul3A_160 = arith.muli %arg1, %mul3A_159 : i32
        %add3A_161 = arith.constant 80000 : i32
        %add3A_162 = arith.addi %add3A_161, %mul3A_160 : i32
        %add3A_163 = arith.constant 240 : i32
        %add3A_164 = arith.addi %add3A_162, %add3A_163 : i32
        %mul3A_165 = arith.constant 640 : i32
        %mul3A_166 = arith.muli %arg1, %mul3A_165 : i32
        %add3A_167 = arith.constant 240 : i32
        %add3A_168 = arith.addi %mul3A_166, %add3A_167 : i32
        "tpu.region"() ({
          %run_scoped3A = tpu.sem_alloc : memref<!tpu.dma_semaphore, #tpu.memory_space<semaphore_mem>>
          %dma_start3A_169 = arith.constant 0 : i32
          %dma_start3A_170 = tpu.memref_slice %arg13[%add3A_168, %dma_start3A_169] : memref<10240x128xf32, #tpu.memory_space<vmem_shared>> -> memref<80x128xf32, #tpu.memory_space<vmem_shared>>
          %dma_start3A_171 = arith.constant 0 : i32
          %dma_start3A_172 = tpu.memref_slice %arg2[%add3A_164, %dma_start3A_171] : memref<90000x128xf32, #tpu.memory_space<hbm>> -> memref<80x128xf32, #tpu.memory_space<hbm>>
          tpu.enqueue_dma source(%dma_start3A_172 : memref<80x128xf32, #tpu.memory_space<hbm>>) target(%dma_start3A_170 : memref<80x128xf32, #tpu.memory_space<vmem_shared>>) target_semaphore(%run_scoped3A : memref<!tpu.dma_semaphore, #tpu.memory_space<semaphore_mem>>)
          %dma_wait3A_173 = arith.constant 0 : i32
          %dma_wait3A_174 = tpu.memref_slice %arg13[%add3A_168, %dma_wait3A_173] : memref<10240x128xf32, #tpu.memory_space<vmem_shared>> -> memref<80x128xf32, #tpu.memory_space<vmem_shared>>
          %dma_wait3A_175 = arith.constant 0 : i32
          %dma_wait3A_176 = tpu.memref_slice %arg2[%add3A_164, %dma_wait3A_175] : memref<90000x128xf32, #tpu.memory_space<hbm>> -> memref<80x128xf32, #tpu.memory_space<hbm>>
          tpu.wait_dma2 semaphore(%run_scoped3A : memref<!tpu.dma_semaphore, #tpu.memory_space<semaphore_mem>>) src(%dma_wait3A_176 : memref<80x128xf32, #tpu.memory_space<hbm>>) dst(%dma_wait3A_174 : memref<80x128xf32, #tpu.memory_space<vmem_shared>>)
          tpu.yield
        }) : () -> ()
      } else {
      }
      %mul3A_115 = arith.constant 640 : i32
      %mul3A_116 = arith.muli %arg1, %mul3A_115 : i32
      %add3A_117 = arith.constant 320 : i32
      %add3A_118 = arith.addi %mul3A_116, %add3A_117 : i32
      %add3A_119 = arith.constant 80 : i32
      %add3A_120 = arith.addi %add3A_118, %add3A_119 : i32
      %le3A_121 = arith.constant 10000 : i32
      %le3A_122 = arith.cmpi sle, %add3A_120, %le3A_121 : i32
      %convert_element_type3A_123 = arith.extui %le3A_122 : i1 to i32
      %cond3A_124 = arith.constant 0 : i32
      %cond3A_125 = arith.cmpi ne, %convert_element_type3A_123, %cond3A_124 : i32
      scf.if %cond3A_125 {
        %mul3A_159 = arith.constant 640 : i32
        %mul3A_160 = arith.muli %arg1, %mul3A_159 : i32
        %add3A_161 = arith.constant 80000 : i32
        %add3A_162 = arith.addi %add3A_161, %mul3A_160 : i32
        %add3A_163 = arith.constant 320 : i32
        %add3A_164 = arith.addi %add3A_162, %add3A_163 : i32
        %mul3A_165 = arith.constant 640 : i32
        %mul3A_166 = arith.muli %arg1, %mul3A_165 : i32
        %add3A_167 = arith.constant 320 : i32
        %add3A_168 = arith.addi %mul3A_166, %add3A_167 : i32
        "tpu.region"() ({
          %run_scoped3A = tpu.sem_alloc : memref<!tpu.dma_semaphore, #tpu.memory_space<semaphore_mem>>
          %dma_start3A_169 = arith.constant 0 : i32
          %dma_start3A_170 = tpu.memref_slice %arg13[%add3A_168, %dma_start3A_169] : memref<10240x128xf32, #tpu.memory_space<vmem_shared>> -> memref<80x128xf32, #tpu.memory_space<vmem_shared>>
          %dma_start3A_171 = arith.constant 0 : i32
          %dma_start3A_172 = tpu.memref_slice %arg2[%add3A_164, %dma_start3A_171] : memref<90000x128xf32, #tpu.memory_space<hbm>> -> memref<80x128xf32, #tpu.memory_space<hbm>>
          tpu.enqueue_dma source(%dma_start3A_172 : memref<80x128xf32, #tpu.memory_space<hbm>>) target(%dma_start3A_170 : memref<80x128xf32, #tpu.memory_space<vmem_shared>>) target_semaphore(%run_scoped3A : memref<!tpu.dma_semaphore, #tpu.memory_space<semaphore_mem>>)
          %dma_wait3A_173 = arith.constant 0 : i32
          %dma_wait3A_174 = tpu.memref_slice %arg13[%add3A_168, %dma_wait3A_173] : memref<10240x128xf32, #tpu.memory_space<vmem_shared>> -> memref<80x128xf32, #tpu.memory_space<vmem_shared>>
          %dma_wait3A_175 = arith.constant 0 : i32
          %dma_wait3A_176 = tpu.memref_slice %arg2[%add3A_164, %dma_wait3A_175] : memref<90000x128xf32, #tpu.memory_space<hbm>> -> memref<80x128xf32, #tpu.memory_space<hbm>>
          tpu.wait_dma2 semaphore(%run_scoped3A : memref<!tpu.dma_semaphore, #tpu.memory_space<semaphore_mem>>) src(%dma_wait3A_176 : memref<80x128xf32, #tpu.memory_space<hbm>>) dst(%dma_wait3A_174 : memref<80x128xf32, #tpu.memory_space<vmem_shared>>)
          tpu.yield
        }) : () -> ()
      } else {
      }
      %mul3A_126 = arith.constant 640 : i32
      %mul3A_127 = arith.muli %arg1, %mul3A_126 : i32
      %add3A_128 = arith.constant 400 : i32
      %add3A_129 = arith.addi %mul3A_127, %add3A_128 : i32
      %add3A_130 = arith.constant 80 : i32
      %add3A_131 = arith.addi %add3A_129, %add3A_130 : i32
      %le3A_132 = arith.constant 10000 : i32
      %le3A_133 = arith.cmpi sle, %add3A_131, %le3A_132 : i32
      %convert_element_type3A_134 = arith.extui %le3A_133 : i1 to i32
      %cond3A_135 = arith.constant 0 : i32
      %cond3A_136 = arith.cmpi ne, %convert_element_type3A_134, %cond3A_135 : i32
      scf.if %cond3A_136 {
        %mul3A_159 = arith.constant 640 : i32
        %mul3A_160 = arith.muli %arg1, %mul3A_159 : i32
        %add3A_161 = arith.constant 80000 : i32
        %add3A_162 = arith.addi %add3A_161, %mul3A_160 : i32
        %add3A_163 = arith.constant 400 : i32
        %add3A_164 = arith.addi %add3A_162, %add3A_163 : i32
        %mul3A_165 = arith.constant 640 : i32
        %mul3A_166 = arith.muli %arg1, %mul3A_165 : i32
        %add3A_167 = arith.constant 400 : i32
        %add3A_168 = arith.addi %mul3A_166, %add3A_167 : i32
        "tpu.region"() ({
          %run_scoped3A = tpu.sem_alloc : memref<!tpu.dma_semaphore, #tpu.memory_space<semaphore_mem>>
          %dma_start3A_169 = arith.constant 0 : i32
          %dma_start3A_170 = tpu.memref_slice %arg13[%add3A_168, %dma_start3A_169] : memref<10240x128xf32, #tpu.memory_space<vmem_shared>> -> memref<80x128xf32, #tpu.memory_space<vmem_shared>>
          %dma_start3A_171 = arith.constant 0 : i32
          %dma_start3A_172 = tpu.memref_slice %arg2[%add3A_164, %dma_start3A_171] : memref<90000x128xf32, #tpu.memory_space<hbm>> -> memref<80x128xf32, #tpu.memory_space<hbm>>
          tpu.enqueue_dma source(%dma_start3A_172 : memref<80x128xf32, #tpu.memory_space<hbm>>) target(%dma_start3A_170 : memref<80x128xf32, #tpu.memory_space<vmem_shared>>) target_semaphore(%run_scoped3A : memref<!tpu.dma_semaphore, #tpu.memory_space<semaphore_mem>>)
          %dma_wait3A_173 = arith.constant 0 : i32
          %dma_wait3A_174 = tpu.memref_slice %arg13[%add3A_168, %dma_wait3A_173] : memref<10240x128xf32, #tpu.memory_space<vmem_shared>> -> memref<80x128xf32, #tpu.memory_space<vmem_shared>>
          %dma_wait3A_175 = arith.constant 0 : i32
          %dma_wait3A_176 = tpu.memref_slice %arg2[%add3A_164, %dma_wait3A_175] : memref<90000x128xf32, #tpu.memory_space<hbm>> -> memref<80x128xf32, #tpu.memory_space<hbm>>
          tpu.wait_dma2 semaphore(%run_scoped3A : memref<!tpu.dma_semaphore, #tpu.memory_space<semaphore_mem>>) src(%dma_wait3A_176 : memref<80x128xf32, #tpu.memory_space<hbm>>) dst(%dma_wait3A_174 : memref<80x128xf32, #tpu.memory_space<vmem_shared>>)
          tpu.yield
        }) : () -> ()
      } else {
      }
      %mul3A_137 = arith.constant 640 : i32
      %mul3A_138 = arith.muli %arg1, %mul3A_137 : i32
      %add3A_139 = arith.constant 480 : i32
      %add3A_140 = arith.addi %mul3A_138, %add3A_139 : i32
      %add3A_141 = arith.constant 80 : i32
      %add3A_142 = arith.addi %add3A_140, %add3A_141 : i32
      %le3A_143 = arith.constant 10000 : i32
      %le3A_144 = arith.cmpi sle, %add3A_142, %le3A_143 : i32
      %convert_element_type3A_145 = arith.extui %le3A_144 : i1 to i32
      %cond3A_146 = arith.constant 0 : i32
      %cond3A_147 = arith.cmpi ne, %convert_element_type3A_145, %cond3A_146 : i32
      scf.if %cond3A_147 {
        %mul3A_159 = arith.constant 640 : i32
        %mul3A_160 = arith.muli %arg1, %mul3A_159 : i32
        %add3A_161 = arith.constant 80000 : i32
        %add3A_162 = arith.addi %add3A_161, %mul3A_160 : i32
        %add3A_163 = arith.constant 480 : i32
        %add3A_164 = arith.addi %add3A_162, %add3A_163 : i32
        %mul3A_165 = arith.constant 640 : i32
        %mul3A_166 = arith.muli %arg1, %mul3A_165 : i32
        %add3A_167 = arith.constant 480 : i32
        %add3A_168 = arith.addi %mul3A_166, %add3A_167 : i32
        "tpu.region"() ({
          %run_scoped3A = tpu.sem_alloc : memref<!tpu.dma_semaphore, #tpu.memory_space<semaphore_mem>>
          %dma_start3A_169 = arith.constant 0 : i32
          %dma_start3A_170 = tpu.memref_slice %arg13[%add3A_168, %dma_start3A_169] : memref<10240x128xf32, #tpu.memory_space<vmem_shared>> -> memref<80x128xf32, #tpu.memory_space<vmem_shared>>
          %dma_start3A_171 = arith.constant 0 : i32
          %dma_start3A_172 = tpu.memref_slice %arg2[%add3A_164, %dma_start3A_171] : memref<90000x128xf32, #tpu.memory_space<hbm>> -> memref<80x128xf32, #tpu.memory_space<hbm>>
          tpu.enqueue_dma source(%dma_start3A_172 : memref<80x128xf32, #tpu.memory_space<hbm>>) target(%dma_start3A_170 : memref<80x128xf32, #tpu.memory_space<vmem_shared>>) target_semaphore(%run_scoped3A : memref<!tpu.dma_semaphore, #tpu.memory_space<semaphore_mem>>)
          %dma_wait3A_173 = arith.constant 0 : i32
          %dma_wait3A_174 = tpu.memref_slice %arg13[%add3A_168, %dma_wait3A_173] : memref<10240x128xf32, #tpu.memory_space<vmem_shared>> -> memref<80x128xf32, #tpu.memory_space<vmem_shared>>
          %dma_wait3A_175 = arith.constant 0 : i32
          %dma_wait3A_176 = tpu.memref_slice %arg2[%add3A_164, %dma_wait3A_175] : memref<90000x128xf32, #tpu.memory_space<hbm>> -> memref<80x128xf32, #tpu.memory_space<hbm>>
          tpu.wait_dma2 semaphore(%run_scoped3A : memref<!tpu.dma_semaphore, #tpu.memory_space<semaphore_mem>>) src(%dma_wait3A_176 : memref<80x128xf32, #tpu.memory_space<hbm>>) dst(%dma_wait3A_174 : memref<80x128xf32, #tpu.memory_space<vmem_shared>>)
          tpu.yield
        }) : () -> ()
      } else {
      }
      %mul3A_148 = arith.constant 640 : i32
      %mul3A_149 = arith.muli %arg1, %mul3A_148 : i32
      %add3A_150 = arith.constant 560 : i32
      %add3A_151 = arith.addi %mul3A_149, %add3A_150 : i32
      %add3A_152 = arith.constant 80 : i32
      %add3A_153 = arith.addi %add3A_151, %add3A_152 : i32
      %le3A_154 = arith.constant 10000 : i32
      %le3A_155 = arith.cmpi sle, %add3A_153, %le3A_154 : i32
      %convert_element_type3A_156 = arith.extui %le3A_155 : i1 to i32
      %cond3A_157 = arith.constant 0 : i32
      %cond3A_158 = arith.cmpi ne, %convert_element_type3A_156, %cond3A_157 : i32
      scf.if %cond3A_158 {
        %mul3A_159 = arith.constant 640 : i32
        %mul3A_160 = arith.muli %arg1, %mul3A_159 : i32
        %add3A_161 = arith.constant 80000 : i32
        %add3A_162 = arith.addi %add3A_161, %mul3A_160 : i32
        %add3A_163 = arith.constant 560 : i32
        %add3A_164 = arith.addi %add3A_162, %add3A_163 : i32
        %mul3A_165 = arith.constant 640 : i32
        %mul3A_166 = arith.muli %arg1, %mul3A_165 : i32
        %add3A_167 = arith.constant 560 : i32
        %add3A_168 = arith.addi %mul3A_166, %add3A_167 : i32
        "tpu.region"() ({
          %run_scoped3A = tpu.sem_alloc : memref<!tpu.dma_semaphore, #tpu.memory_space<semaphore_mem>>
          %dma_start3A_169 = arith.constant 0 : i32
          %dma_start3A_170 = tpu.memref_slice %arg13[%add3A_168, %dma_start3A_169] : memref<10240x128xf32, #tpu.memory_space<vmem_shared>> -> memref<80x128xf32, #tpu.memory_space<vmem_shared>>
          %dma_start3A_171 = arith.constant 0 : i32
          %dma_start3A_172 = tpu.memref_slice %arg2[%add3A_164, %dma_start3A_171] : memref<90000x128xf32, #tpu.memory_space<hbm>> -> memref<80x128xf32, #tpu.memory_space<hbm>>
          tpu.enqueue_dma source(%dma_start3A_172 : memref<80x128xf32, #tpu.memory_space<hbm>>) target(%dma_start3A_170 : memref<80x128xf32, #tpu.memory_space<vmem_shared>>) target_semaphore(%run_scoped3A : memref<!tpu.dma_semaphore, #tpu.memory_space<semaphore_mem>>)
          %dma_wait3A_173 = arith.constant 0 : i32
          %dma_wait3A_174 = tpu.memref_slice %arg13[%add3A_168, %dma_wait3A_173] : memref<10240x128xf32, #tpu.memory_space<vmem_shared>> -> memref<80x128xf32, #tpu.memory_space<vmem_shared>>
          %dma_wait3A_175 = arith.constant 0 : i32
          %dma_wait3A_176 = tpu.memref_slice %arg2[%add3A_164, %dma_wait3A_175] : memref<90000x128xf32, #tpu.memory_space<hbm>> -> memref<80x128xf32, #tpu.memory_space<hbm>>
          tpu.wait_dma2 semaphore(%run_scoped3A : memref<!tpu.dma_semaphore, #tpu.memory_space<semaphore_mem>>) src(%dma_wait3A_176 : memref<80x128xf32, #tpu.memory_space<hbm>>) dst(%dma_wait3A_174 : memref<80x128xf32, #tpu.memory_space<vmem_shared>>)
          tpu.yield
        }) : () -> ()
      } else {
      }
    } else {
    }
    %ne3A = arith.constant 0 : i32
    %ne3A_3 = arith.cmpi ne, %arg0, %ne3A : i32
    %convert_element_type3A_4 = arith.extui %ne3A_3 : i1 to i32
    %cond3A_5 = arith.constant 0 : i32
    %cond3A_6 = arith.cmpi ne, %convert_element_type3A_4, %cond3A_5 : i32
    scf.if %cond3A_6 {
      %mul3A_72 = arith.constant 640 : i32
      %mul3A_73 = arith.muli %arg1, %mul3A_72 : i32
      "tpu.region"() ({
        %run_scoped3A = tpu.sem_alloc : memref<!tpu.dma_semaphore, #tpu.memory_space<semaphore_mem>>
        %dma_start3A_74 = arith.constant 0 : i32
        %dma_start3A_75 = tpu.memref_slice %arg13[%mul3A_73, %dma_start3A_74] : memref<10240x128xf32, #tpu.memory_space<vmem_shared>> -> memref<640x128xf32, #tpu.memory_space<vmem_shared>>
        tpu.enqueue_dma source(%arg5 : memref<640x128xf32, #tpu.memory_space<hbm>>) target(%dma_start3A_75 : memref<640x128xf32, #tpu.memory_space<vmem_shared>>) target_semaphore(%run_scoped3A : memref<!tpu.dma_semaphore, #tpu.memory_space<semaphore_mem>>)
        %dma_wait3A_76 = arith.constant 0 : i32
        %dma_wait3A_77 = tpu.memref_slice %arg13[%mul3A_73, %dma_wait3A_76] : memref<10240x128xf32, #tpu.memory_space<vmem_shared>> -> memref<640x128xf32, #tpu.memory_space<vmem_shared>>
        tpu.wait_dma2 semaphore(%run_scoped3A : memref<!tpu.dma_semaphore, #tpu.memory_space<semaphore_mem>>) src(%arg5 : memref<640x128xf32, #tpu.memory_space<hbm>>) dst(%dma_wait3A_77 : memref<640x128xf32, #tpu.memory_space<vmem_shared>>)
        tpu.yield
      }) : () -> ()
    } else {
    }
    %barrier3A = arith.constant 0 : index
    tpu.barrier barrier_id(%barrier3A)
    %dma_start3A = arith.constant 0 : i32
    %dma_start3A_7 = arith.constant 0 : i32
    %dma_start3A_8 = arith.constant 0 : i32
    %dma_start3A_9 = tpu.memref_slice %arg3[%add3A, %dma_start3A, %dma_start3A_7, %dma_start3A_8] : memref<32x125x2x80xi32, #tpu.memory_space<hbm>> -> memref<1x1x2x80xi32, #tpu.memory_space<hbm>>
    %dma_start3A_10 = tpu.memref_squeeze %dma_start3A_9 : memref<1x1x2x80xi32, #tpu.memory_space<hbm>> -> memref<2x80xi32, #tpu.memory_space<hbm>>
    %dma_start3A_11 = arith.constant 0 : i32
    %dma_start3A_12 = arith.constant 0 : i32
    %dma_start3A_13 = tpu.memref_slice %arg3[%add3A, %dma_start3A, %dma_start3A_11, %dma_start3A_12] : memref<32x125x2x80xi32, #tpu.memory_space<hbm>> -> memref<1x1x2x80xi32, #tpu.memory_space<hbm>>
    %dma_start3A_14 = tpu.memref_squeeze %dma_start3A_13 : memref<1x1x2x80xi32, #tpu.memory_space<hbm>> -> memref<2x80xi32, #tpu.memory_space<hbm>>
    tpu.enqueue_dma source(%dma_start3A_14 : memref<2x80xi32, #tpu.memory_space<hbm>>) target(%arg7 : memref<2x80xi32, #tpu.memory_space<vmem>>) target_semaphore(%arg18 : memref<!tpu.dma_semaphore, #tpu.memory_space<semaphore_mem>>)
    %dma_start3A_15 = arith.constant 1 : i32
    %dma_start3A_16 = arith.constant 0 : i32
    %dma_start3A_17 = arith.constant 0 : i32
    %dma_start3A_18 = tpu.memref_slice %arg3[%add3A, %dma_start3A_15, %dma_start3A_16, %dma_start3A_17] : memref<32x125x2x80xi32, #tpu.memory_space<hbm>> -> memref<1x1x2x80xi32, #tpu.memory_space<hbm>>
    %dma_start3A_19 = tpu.memref_squeeze %dma_start3A_18 : memref<1x1x2x80xi32, #tpu.memory_space<hbm>> -> memref<2x80xi32, #tpu.memory_space<hbm>>
    %dma_start3A_20 = arith.constant 0 : i32
    %dma_start3A_21 = arith.constant 0 : i32
    %dma_start3A_22 = tpu.memref_slice %arg3[%add3A, %dma_start3A_15, %dma_start3A_20, %dma_start3A_21] : memref<32x125x2x80xi32, #tpu.memory_space<hbm>> -> memref<1x1x2x80xi32, #tpu.memory_space<hbm>>
    %dma_start3A_23 = tpu.memref_squeeze %dma_start3A_22 : memref<1x1x2x80xi32, #tpu.memory_space<hbm>> -> memref<2x80xi32, #tpu.memory_space<hbm>>
    tpu.enqueue_dma source(%dma_start3A_23 : memref<2x80xi32, #tpu.memory_space<hbm>>) target(%arg8 : memref<2x80xi32, #tpu.memory_space<vmem>>) target_semaphore(%arg19 : memref<!tpu.dma_semaphore, #tpu.memory_space<semaphore_mem>>)
    %dma_wait3A = arith.constant 0 : i32
    %dma_wait3A_24 = arith.constant 0 : i32
    %dma_wait3A_25 = arith.constant 0 : i32
    %dma_wait3A_26 = tpu.memref_slice %arg3[%add3A, %dma_wait3A, %dma_wait3A_24, %dma_wait3A_25] : memref<32x125x2x80xi32, #tpu.memory_space<hbm>> -> memref<1x1x2x80xi32, #tpu.memory_space<hbm>>
    %dma_wait3A_27 = tpu.memref_squeeze %dma_wait3A_26 : memref<1x1x2x80xi32, #tpu.memory_space<hbm>> -> memref<2x80xi32, #tpu.memory_space<hbm>>
    %dma_wait3A_28 = arith.constant 0 : i32
    %dma_wait3A_29 = arith.constant 0 : i32
    %dma_wait3A_30 = tpu.memref_slice %arg3[%add3A, %dma_wait3A, %dma_wait3A_28, %dma_wait3A_29] : memref<32x125x2x80xi32, #tpu.memory_space<hbm>> -> memref<1x1x2x80xi32, #tpu.memory_space<hbm>>
    %dma_wait3A_31 = tpu.memref_squeeze %dma_wait3A_30 : memref<1x1x2x80xi32, #tpu.memory_space<hbm>> -> memref<2x80xi32, #tpu.memory_space<hbm>>
    tpu.wait_dma2 semaphore(%arg18 : memref<!tpu.dma_semaphore, #tpu.memory_space<semaphore_mem>>) src(%dma_wait3A_31 : memref<2x80xi32, #tpu.memory_space<hbm>>) dst(%arg7 : memref<2x80xi32, #tpu.memory_space<vmem>>)
    %dma_start3A_32 = arith.constant 0 : i32
    %dma_start3A_33 = arith.constant 0 : i32
    %dma_start3A_34 = tpu.memref_slice %arg7[%dma_start3A_32, %dma_start3A_33] : memref<2x80xi32, #tpu.memory_space<vmem>> -> memref<1x80xi32, #tpu.memory_space<vmem>>
    %dma_start3A_35 = tpu.memref_squeeze %dma_start3A_34 : memref<1x80xi32, #tpu.memory_space<vmem>> -> memref<80xi32, #tpu.memory_space<vmem>>
    %dma_start3A_36 = arith.constant 0 : i32
    %dma_start3A_37 = arith.constant 0 : i32
    %dma_start3A_38 = tpu.memref_slice %arg2[%dma_start3A_36, %dma_start3A_37] : memref<90000x128xf32, #tpu.memory_space<hbm>> -> memref<90000x128xf32, #tpu.memory_space<hbm>>
    tpu.enqueue_indirect_dma source(%dma_start3A_38 : memref<90000x128xf32, #tpu.memory_space<hbm>>) target(%arg11 : memref<80x128xf32, #tpu.memory_space<vmem>>) offsets(%dma_start3A_35 : memref<80xi32, #tpu.memory_space<vmem>>) semaphore(%arg14 : memref<!tpu.dma_semaphore, #tpu.memory_space<semaphore_mem>>)
    %dma_start3A_39 = arith.constant 0 : i32
    %dma_start3A_40 = arith.constant 0 : i32
    %dma_start3A_41 = tpu.memref_slice %arg4[%add3A, %dma_start3A_39, %dma_start3A_40] : memref<32x125x80xf32, #tpu.memory_space<hbm>> -> memref<1x1x80xf32, #tpu.memory_space<hbm>>
    %dma_start3A_42 = tpu.memref_squeeze %dma_start3A_41 : memref<1x1x80xf32, #tpu.memory_space<hbm>> -> memref<80xf32, #tpu.memory_space<hbm>>
    %dma_start3A_43 = arith.constant 0 : i32
    %dma_start3A_44 = tpu.memref_slice %arg4[%add3A, %dma_start3A_39, %dma_start3A_43] : memref<32x125x80xf32, #tpu.memory_space<hbm>> -> memref<1x1x80xf32, #tpu.memory_space<hbm>>
    %dma_start3A_45 = tpu.memref_squeeze %dma_start3A_44 : memref<1x1x80xf32, #tpu.memory_space<hbm>> -> memref<80xf32, #tpu.memory_space<hbm>>
    tpu.enqueue_dma source(%dma_start3A_45 : memref<80xf32, #tpu.memory_space<hbm>>) target(%arg9 : memref<80xf32, #tpu.memory_space<vmem>>) target_semaphore(%arg16 : memref<!tpu.dma_semaphore, #tpu.memory_space<semaphore_mem>>)
    %scan3A = arith.constant 0 : i32
    %scan3A_46 = arith.constant 0 : i32
    %scan3A_47 = arith.constant 63 : i32
    %scan3A_48 = arith.addi %scan3A_46, %scan3A_47 : i32
    %scan3A_49 = arith.constant 1 : i32
    scf.for %scan3A_72 = %scan3A_46 to %scan3A_48 step %scan3A_49  : i32 {
      %mul3A_73 = arith.constant 2 : i32
      %mul3A_74 = arith.muli %scan3A_72, %mul3A_73 : i32
      %add3A_75 = arith.constant 0 : i32
      %add3A_76 = arith.addi %mul3A_74, %add3A_75 : i32
      %lt3A = arith.constant 125 : i32
      %lt3A_77 = arith.cmpi slt, %add3A_76, %lt3A : i32
      %convert_element_type3A_78 = arith.extui %lt3A_77 : i1 to i32
      %cond3A_79 = arith.constant 0 : i32
      %cond3A_80 = arith.cmpi ne, %convert_element_type3A_78, %cond3A_79 : i32
      scf.if %cond3A_80 {
        %add3A_90 = arith.constant 1 : i32
        %add3A_91 = arith.addi %add3A_76, %add3A_90 : i32
        %lt3A_92 = arith.constant 125 : i32
        %lt3A_93 = arith.cmpi slt, %add3A_91, %lt3A_92 : i32
        %convert_element_type3A_94 = arith.extui %lt3A_93 : i1 to i32
        %cond3A_95 = arith.constant 0 : i32
        %cond3A_96 = arith.cmpi ne, %convert_element_type3A_94, %cond3A_95 : i32
        scf.if %cond3A_96 {
          %add3A_123 = arith.constant 1 : i32
          %add3A_124 = arith.addi %add3A_76, %add3A_123 : i32
          %dma_wait3A_125 = arith.constant 0 : i32
          %dma_wait3A_126 = arith.constant 0 : i32
          %dma_wait3A_127 = tpu.memref_slice %arg3[%add3A, %add3A_124, %dma_wait3A_125, %dma_wait3A_126] : memref<32x125x2x80xi32, #tpu.memory_space<hbm>> -> memref<1x1x2x80xi32, #tpu.memory_space<hbm>>
          %dma_wait3A_128 = tpu.memref_squeeze %dma_wait3A_127 : memref<1x1x2x80xi32, #tpu.memory_space<hbm>> -> memref<2x80xi32, #tpu.memory_space<hbm>>
          %dma_wait3A_129 = arith.constant 0 : i32
          %dma_wait3A_130 = arith.constant 0 : i32
          %dma_wait3A_131 = tpu.memref_slice %arg3[%add3A, %add3A_124, %dma_wait3A_129, %dma_wait3A_130] : memref<32x125x2x80xi32, #tpu.memory_space<hbm>> -> memref<1x1x2x80xi32, #tpu.memory_space<hbm>>
          %dma_wait3A_132 = tpu.memref_squeeze %dma_wait3A_131 : memref<1x1x2x80xi32, #tpu.memory_space<hbm>> -> memref<2x80xi32, #tpu.memory_space<hbm>>
          tpu.wait_dma2 semaphore(%arg19 : memref<!tpu.dma_semaphore, #tpu.memory_space<semaphore_mem>>) src(%dma_wait3A_132 : memref<2x80xi32, #tpu.memory_space<hbm>>) dst(%arg8 : memref<2x80xi32, #tpu.memory_space<vmem>>)
          %add3A_133 = arith.constant 1 : i32
          %add3A_134 = arith.addi %add3A_76, %add3A_133 : i32
          %dma_start3A_135 = arith.constant 0 : i32
          %dma_start3A_136 = arith.constant 0 : i32
          %dma_start3A_137 = tpu.memref_slice %arg8[%dma_start3A_135, %dma_start3A_136] : memref<2x80xi32, #tpu.memory_space<vmem>> -> memref<1x80xi32, #tpu.memory_space<vmem>>
          %dma_start3A_138 = tpu.memref_squeeze %dma_start3A_137 : memref<1x80xi32, #tpu.memory_space<vmem>> -> memref<80xi32, #tpu.memory_space<vmem>>
          %dma_start3A_139 = arith.constant 0 : i32
          %dma_start3A_140 = arith.constant 0 : i32
          %dma_start3A_141 = tpu.memref_slice %arg2[%dma_start3A_139, %dma_start3A_140] : memref<90000x128xf32, #tpu.memory_space<hbm>> -> memref<90000x128xf32, #tpu.memory_space<hbm>>
          tpu.enqueue_indirect_dma source(%dma_start3A_141 : memref<90000x128xf32, #tpu.memory_space<hbm>>) target(%arg12 : memref<80x128xf32, #tpu.memory_space<vmem>>) offsets(%dma_start3A_138 : memref<80xi32, #tpu.memory_space<vmem>>) semaphore(%arg15 : memref<!tpu.dma_semaphore, #tpu.memory_space<semaphore_mem>>)
          %dma_start3A_142 = arith.constant 0 : i32
          %dma_start3A_143 = tpu.memref_slice %arg4[%add3A, %add3A_134, %dma_start3A_142] : memref<32x125x80xf32, #tpu.memory_space<hbm>> -> memref<1x1x80xf32, #tpu.memory_space<hbm>>
          %dma_start3A_144 = tpu.memref_squeeze %dma_start3A_143 : memref<1x1x80xf32, #tpu.memory_space<hbm>> -> memref<80xf32, #tpu.memory_space<hbm>>
          %dma_start3A_145 = arith.constant 0 : i32
          %dma_start3A_146 = tpu.memref_slice %arg4[%add3A, %add3A_134, %dma_start3A_145] : memref<32x125x80xf32, #tpu.memory_space<hbm>> -> memref<1x1x80xf32, #tpu.memory_space<hbm>>
          %dma_start3A_147 = tpu.memref_squeeze %dma_start3A_146 : memref<1x1x80xf32, #tpu.memory_space<hbm>> -> memref<80xf32, #tpu.memory_space<hbm>>
          tpu.enqueue_dma source(%dma_start3A_147 : memref<80xf32, #tpu.memory_space<hbm>>) target(%arg10 : memref<80xf32, #tpu.memory_space<vmem>>) target_semaphore(%arg17 : memref<!tpu.dma_semaphore, #tpu.memory_space<semaphore_mem>>)
        } else {
        }
        %dma_wait3A_97 = arith.constant 0 : i32
        %dma_wait3A_98 = arith.constant 0 : i32
        %dma_wait3A_99 = tpu.memref_slice %arg7[%dma_wait3A_97, %dma_wait3A_98] : memref<2x80xi32, #tpu.memory_space<vmem>> -> memref<1x80xi32, #tpu.memory_space<vmem>>
        %dma_wait3A_100 = tpu.memref_squeeze %dma_wait3A_99 : memref<1x80xi32, #tpu.memory_space<vmem>> -> memref<80xi32, #tpu.memory_space<vmem>>
        %dma_wait3A_101 = arith.constant 0 : i32
        %dma_wait3A_102 = arith.constant 0 : i32
        %dma_wait3A_103 = tpu.memref_slice %arg2[%dma_wait3A_101, %dma_wait3A_102] : memref<90000x128xf32, #tpu.memory_space<hbm>> -> memref<90000x128xf32, #tpu.memory_space<hbm>>
        tpu.wait_indirect_dma semaphore(%arg14 : memref<!tpu.dma_semaphore, #tpu.memory_space<semaphore_mem>>) src(%dma_wait3A_103 : memref<90000x128xf32, #tpu.memory_space<hbm>>) dst(%arg11 : memref<80x128xf32, #tpu.memory_space<vmem>>)
        %dma_wait3A_104 = arith.constant 0 : i32
        %dma_wait3A_105 = tpu.memref_slice %arg4[%add3A, %add3A_76, %dma_wait3A_104] : memref<32x125x80xf32, #tpu.memory_space<hbm>> -> memref<1x1x80xf32, #tpu.memory_space<hbm>>
        %dma_wait3A_106 = tpu.memref_squeeze %dma_wait3A_105 : memref<1x1x80xf32, #tpu.memory_space<hbm>> -> memref<80xf32, #tpu.memory_space<hbm>>
        %dma_wait3A_107 = arith.constant 0 : i32
        %dma_wait3A_108 = tpu.memref_slice %arg4[%add3A, %add3A_76, %dma_wait3A_107] : memref<32x125x80xf32, #tpu.memory_space<hbm>> -> memref<1x1x80xf32, #tpu.memory_space<hbm>>
        %dma_wait3A_109 = tpu.memref_squeeze %dma_wait3A_108 : memref<1x1x80xf32, #tpu.memory_space<hbm>> -> memref<80xf32, #tpu.memory_space<hbm>>
        tpu.wait_dma2 semaphore(%arg16 : memref<!tpu.dma_semaphore, #tpu.memory_space<semaphore_mem>>) src(%dma_wait3A_109 : memref<80xf32, #tpu.memory_space<hbm>>) dst(%arg9 : memref<80xf32, #tpu.memory_space<vmem>>)
        %scan3A_110 = arith.constant 0 : i32
        %scan3A_111 = arith.constant 0 : i32
        %scan3A_112 = arith.constant 80 : i32
        %scan3A_113 = arith.addi %scan3A_111, %scan3A_112 : i32
        %scan3A_114 = arith.constant 1 : i32
        scf.for %scan3A_123 = %scan3A_111 to %scan3A_113 step %scan3A_114  : i32 {
          %broadcast_in_dim3A = vector.broadcast %scan3A_123 : i32 to vector<16xi32>
          %gather3A = tpu.vector_load_idx %arg9[%broadcast_in_dim3A] : memref<80xf32, #tpu.memory_space<vmem>>[vector<16xi32>], vector<16xf32>,
          %get3A = arith.index_cast %scan3A_123 : i32 to index
          %get3A_124 = arith.constant 0 : index
          %get3A_125 = tpu.vector_load %arg11[%get3A, %get3A_124] {strides = array<i32>} : memref<80x128xf32, #tpu.memory_space<vmem>>, vector<16xf32>,
          %mul3A_126 = arith.mulf %get3A_125, %gather3A : vector<16xf32>
          %swap3A = arith.index_cast %scan3A_123 : i32 to index
          %swap3A_127 = arith.constant 0 : index
          %swap3A_128 = tpu.vector_load %arg11[%swap3A, %swap3A_127] {strides = array<i32>} : memref<80x128xf32, #tpu.memory_space<vmem>>, vector<16xf32>,
          tpu.vector_store %arg11[%swap3A, %swap3A_127], %mul3A_126 {strides = array<i32>} : memref<80x128xf32, #tpu.memory_space<vmem>>, vector<16xf32>,
          %get3A_129 = arith.index_cast %scan3A_123 : i32 to index
          %get3A_130 = arith.constant 16 : index
          %get3A_131 = tpu.vector_load %arg11[%get3A_129, %get3A_130] {strides = array<i32>} : memref<80x128xf32, #tpu.memory_space<vmem>>, vector<16xf32>,
          %mul3A_132 = arith.mulf %get3A_131, %gather3A : vector<16xf32>
          %swap3A_133 = arith.index_cast %scan3A_123 : i32 to index
          %swap3A_134 = arith.constant 16 : index
          %swap3A_135 = tpu.vector_load %arg11[%swap3A_133, %swap3A_134] {strides = array<i32>} : memref<80x128xf32, #tpu.memory_space<vmem>>, vector<16xf32>,
          tpu.vector_store %arg11[%swap3A_133, %swap3A_134], %mul3A_132 {strides = array<i32>} : memref<80x128xf32, #tpu.memory_space<vmem>>, vector<16xf32>,
          %get3A_136 = arith.index_cast %scan3A_123 : i32 to index
          %get3A_137 = arith.constant 32 : index
          %get3A_138 = tpu.vector_load %arg11[%get3A_136, %get3A_137] {strides = array<i32>} : memref<80x128xf32, #tpu.memory_space<vmem>>, vector<16xf32>,
          %mul3A_139 = arith.mulf %get3A_138, %gather3A : vector<16xf32>
          %swap3A_140 = arith.index_cast %scan3A_123 : i32 to index
          %swap3A_141 = arith.constant 32 : index
          %swap3A_142 = tpu.vector_load %arg11[%swap3A_140, %swap3A_141] {strides = array<i32>} : memref<80x128xf32, #tpu.memory_space<vmem>>, vector<16xf32>,
          tpu.vector_store %arg11[%swap3A_140, %swap3A_141], %mul3A_139 {strides = array<i32>} : memref<80x128xf32, #tpu.memory_space<vmem>>, vector<16xf32>,
          %get3A_143 = arith.index_cast %scan3A_123 : i32 to index
          %get3A_144 = arith.constant 48 : index
          %get3A_145 = tpu.vector_load %arg11[%get3A_143, %get3A_144] {strides = array<i32>} : memref<80x128xf32, #tpu.memory_space<vmem>>, vector<16xf32>,
          %mul3A_146 = arith.mulf %get3A_145, %gather3A : vector<16xf32>
          %swap3A_147 = arith.index_cast %scan3A_123 : i32 to index
          %swap3A_148 = arith.constant 48 : index
          %swap3A_149 = tpu.vector_load %arg11[%swap3A_147, %swap3A_148] {strides = array<i32>} : memref<80x128xf32, #tpu.memory_space<vmem>>, vector<16xf32>,
          tpu.vector_store %arg11[%swap3A_147, %swap3A_148], %mul3A_146 {strides = array<i32>} : memref<80x128xf32, #tpu.memory_space<vmem>>, vector<16xf32>,
          %get3A_150 = arith.index_cast %scan3A_123 : i32 to index
          %get3A_151 = arith.constant 64 : index
          %get3A_152 = tpu.vector_load %arg11[%get3A_150, %get3A_151] {strides = array<i32>} : memref<80x128xf32, #tpu.memory_space<vmem>>, vector<16xf32>,
          %mul3A_153 = arith.mulf %get3A_152, %gather3A : vector<16xf32>
          %swap3A_154 = arith.index_cast %scan3A_123 : i32 to index
          %swap3A_155 = arith.constant 64 : index
          %swap3A_156 = tpu.vector_load %arg11[%swap3A_154, %swap3A_155] {strides = array<i32>} : memref<80x128xf32, #tpu.memory_space<vmem>>, vector<16xf32>,
          tpu.vector_store %arg11[%swap3A_154, %swap3A_155], %mul3A_153 {strides = array<i32>} : memref<80x128xf32, #tpu.memory_space<vmem>>, vector<16xf32>,
          %get3A_157 = arith.index_cast %scan3A_123 : i32 to index
          %get3A_158 = arith.constant 80 : index
          %get3A_159 = tpu.vector_load %arg11[%get3A_157, %get3A_158] {strides = array<i32>} : memref<80x128xf32, #tpu.memory_space<vmem>>, vector<16xf32>,
          %mul3A_160 = arith.mulf %get3A_159, %gather3A : vector<16xf32>
          %swap3A_161 = arith.index_cast %scan3A_123 : i32 to index
          %swap3A_162 = arith.constant 80 : index
          %swap3A_163 = tpu.vector_load %arg11[%swap3A_161, %swap3A_162] {strides = array<i32>} : memref<80x128xf32, #tpu.memory_space<vmem>>, vector<16xf32>,
          tpu.vector_store %arg11[%swap3A_161, %swap3A_162], %mul3A_160 {strides = array<i32>} : memref<80x128xf32, #tpu.memory_space<vmem>>, vector<16xf32>,
          %get3A_164 = arith.index_cast %scan3A_123 : i32 to index
          %get3A_165 = arith.constant 96 : index
          %get3A_166 = tpu.vector_load %arg11[%get3A_164, %get3A_165] {strides = array<i32>} : memref<80x128xf32, #tpu.memory_space<vmem>>, vector<16xf32>,
          %mul3A_167 = arith.mulf %get3A_166, %gather3A : vector<16xf32>
          %swap3A_168 = arith.index_cast %scan3A_123 : i32 to index
          %swap3A_169 = arith.constant 96 : index
          %swap3A_170 = tpu.vector_load %arg11[%swap3A_168, %swap3A_169] {strides = array<i32>} : memref<80x128xf32, #tpu.memory_space<vmem>>, vector<16xf32>,
          tpu.vector_store %arg11[%swap3A_168, %swap3A_169], %mul3A_167 {strides = array<i32>} : memref<80x128xf32, #tpu.memory_space<vmem>>, vector<16xf32>,
          %get3A_171 = arith.index_cast %scan3A_123 : i32 to index
          %get3A_172 = arith.constant 112 : index
          %get3A_173 = tpu.vector_load %arg11[%get3A_171, %get3A_172] {strides = array<i32>} : memref<80x128xf32, #tpu.memory_space<vmem>>, vector<16xf32>,
          %mul3A_174 = arith.mulf %get3A_173, %gather3A : vector<16xf32>
          %swap3A_175 = arith.index_cast %scan3A_123 : i32 to index
          %swap3A_176 = arith.constant 112 : index
          %swap3A_177 = tpu.vector_load %arg11[%swap3A_175, %swap3A_176] {strides = array<i32>} : memref<80x128xf32, #tpu.memory_space<vmem>>, vector<16xf32>,
          tpu.vector_store %arg11[%swap3A_175, %swap3A_176], %mul3A_174 {strides = array<i32>} : memref<80x128xf32, #tpu.memory_space<vmem>>, vector<16xf32>,
        }
        %scan3A_115 = arith.constant 80 : i32
        %run_scoped3A = arith.constant 1 : i32
        "tpu.region"() ({
          %run_scoped3A_123 = tpu.sem_alloc : memref<!tpu.dma_semaphore, #tpu.memory_space<semaphore_mem>>
          %dma_start3A_124 = arith.constant 0 : i32
          %dma_start3A_125 = tpu.memref_slice %arg7[%run_scoped3A, %dma_start3A_124] : memref<2x80xi32, #tpu.memory_space<vmem>> -> memref<1x80xi32, #tpu.memory_space<vmem>>
          %dma_start3A_126 = tpu.memref_squeeze %dma_start3A_125 : memref<1x80xi32, #tpu.memory_space<vmem>> -> memref<80xi32, #tpu.memory_space<vmem>>
          %dma_start3A_127 = arith.constant 0 : i32
          %dma_start3A_128 = arith.constant 0 : i32
          %dma_start3A_129 = tpu.memref_slice %arg13[%dma_start3A_127, %dma_start3A_128] : memref<10240x128xf32, #tpu.memory_space<vmem_shared>> -> memref<10240x128xf32, #tpu.memory_space<vmem_shared>>
          tpu.enqueue_indirect_dma source(%arg11 : memref<80x128xf32, #tpu.memory_space<vmem>>) target(%dma_start3A_129 : memref<10240x128xf32, #tpu.memory_space<vmem_shared>>) offsets(%dma_start3A_126 : memref<80xi32, #tpu.memory_space<vmem>>) semaphore(%run_scoped3A_123 : memref<!tpu.dma_semaphore, #tpu.memory_space<semaphore_mem>>) {add = true}
          %dma_wait3A_130 = arith.constant 0 : i32
          %dma_wait3A_131 = tpu.memref_slice %arg7[%run_scoped3A, %dma_wait3A_130] : memref<2x80xi32, #tpu.memory_space<vmem>> -> memref<1x80xi32, #tpu.memory_space<vmem>>
          %dma_wait3A_132 = tpu.memref_squeeze %dma_wait3A_131 : memref<1x80xi32, #tpu.memory_space<vmem>> -> memref<80xi32, #tpu.memory_space<vmem>>
          %dma_wait3A_133 = arith.constant 0 : i32
          %dma_wait3A_134 = arith.constant 0 : i32
          %dma_wait3A_135 = tpu.memref_slice %arg13[%dma_wait3A_133, %dma_wait3A_134] : memref<10240x128xf32, #tpu.memory_space<vmem_shared>> -> memref<10240x128xf32, #tpu.memory_space<vmem_shared>>
          tpu.wait_indirect_dma semaphore(%run_scoped3A_123 : memref<!tpu.dma_semaphore, #tpu.memory_space<semaphore_mem>>) src(%arg11 : memref<80x128xf32, #tpu.memory_space<vmem>>) dst(%dma_wait3A_135 : memref<10240x128xf32, #tpu.memory_space<vmem_shared>>)
          tpu.yield
        }) : () -> ()
        %add3A_116 = arith.constant 2 : i32
        %add3A_117 = arith.addi %add3A_76, %add3A_116 : i32
        %lt3A_118 = arith.constant 125 : i32
        %lt3A_119 = arith.cmpi slt, %add3A_117, %lt3A_118 : i32
        %convert_element_type3A_120 = arith.extui %lt3A_119 : i1 to i32
        %cond3A_121 = arith.constant 0 : i32
        %cond3A_122 = arith.cmpi ne, %convert_element_type3A_120, %cond3A_121 : i32
        scf.if %cond3A_122 {
          %add3A_123 = arith.constant 2 : i32
          %add3A_124 = arith.addi %add3A_76, %add3A_123 : i32
          %dma_start3A_125 = arith.constant 0 : i32
          %dma_start3A_126 = arith.constant 0 : i32
          %dma_start3A_127 = tpu.memref_slice %arg3[%add3A, %add3A_124, %dma_start3A_125, %dma_start3A_126] : memref<32x125x2x80xi32, #tpu.memory_space<hbm>> -> memref<1x1x2x80xi32, #tpu.memory_space<hbm>>
          %dma_start3A_128 = tpu.memref_squeeze %dma_start3A_127 : memref<1x1x2x80xi32, #tpu.memory_space<hbm>> -> memref<2x80xi32, #tpu.memory_space<hbm>>
          %dma_start3A_129 = arith.constant 0 : i32
          %dma_start3A_130 = arith.constant 0 : i32
          %dma_start3A_131 = tpu.memref_slice %arg3[%add3A, %add3A_124, %dma_start3A_129, %dma_start3A_130] : memref<32x125x2x80xi32, #tpu.memory_space<hbm>> -> memref<1x1x2x80xi32, #tpu.memory_space<hbm>>
          %dma_start3A_132 = tpu.memref_squeeze %dma_start3A_131 : memref<1x1x2x80xi32, #tpu.memory_space<hbm>> -> memref<2x80xi32, #tpu.memory_space<hbm>>
          tpu.enqueue_dma source(%dma_start3A_132 : memref<2x80xi32, #tpu.memory_space<hbm>>) target(%arg7 : memref<2x80xi32, #tpu.memory_space<vmem>>) target_semaphore(%arg18 : memref<!tpu.dma_semaphore, #tpu.memory_space<semaphore_mem>>)
        } else {
        }
      } else {
      }
      %mul3A_81 = arith.constant 2 : i32
      %mul3A_82 = arith.muli %scan3A_72, %mul3A_81 : i32
      %add3A_83 = arith.constant 1 : i32
      %add3A_84 = arith.addi %mul3A_82, %add3A_83 : i32
      %lt3A_85 = arith.constant 125 : i32
      %lt3A_86 = arith.cmpi slt, %add3A_84, %lt3A_85 : i32
      %convert_element_type3A_87 = arith.extui %lt3A_86 : i1 to i32
      %cond3A_88 = arith.constant 0 : i32
      %cond3A_89 = arith.cmpi ne, %convert_element_type3A_87, %cond3A_88 : i32
      scf.if %cond3A_89 {
        %add3A_90 = arith.constant 1 : i32
        %add3A_91 = arith.addi %add3A_84, %add3A_90 : i32
        %lt3A_92 = arith.constant 125 : i32
        %lt3A_93 = arith.cmpi slt, %add3A_91, %lt3A_92 : i32
        %convert_element_type3A_94 = arith.extui %lt3A_93 : i1 to i32
        %cond3A_95 = arith.constant 0 : i32
        %cond3A_96 = arith.cmpi ne, %convert_element_type3A_94, %cond3A_95 : i32
        scf.if %cond3A_96 {
          %add3A_123 = arith.constant 1 : i32
          %add3A_124 = arith.addi %add3A_84, %add3A_123 : i32
          %dma_wait3A_125 = arith.constant 0 : i32
          %dma_wait3A_126 = arith.constant 0 : i32
          %dma_wait3A_127 = tpu.memref_slice %arg3[%add3A, %add3A_124, %dma_wait3A_125, %dma_wait3A_126] : memref<32x125x2x80xi32, #tpu.memory_space<hbm>> -> memref<1x1x2x80xi32, #tpu.memory_space<hbm>>
          %dma_wait3A_128 = tpu.memref_squeeze %dma_wait3A_127 : memref<1x1x2x80xi32, #tpu.memory_space<hbm>> -> memref<2x80xi32, #tpu.memory_space<hbm>>
          %dma_wait3A_129 = arith.constant 0 : i32
          %dma_wait3A_130 = arith.constant 0 : i32
          %dma_wait3A_131 = tpu.memref_slice %arg3[%add3A, %add3A_124, %dma_wait3A_129, %dma_wait3A_130] : memref<32x125x2x80xi32, #tpu.memory_space<hbm>> -> memref<1x1x2x80xi32, #tpu.memory_space<hbm>>
          %dma_wait3A_132 = tpu.memref_squeeze %dma_wait3A_131 : memref<1x1x2x80xi32, #tpu.memory_space<hbm>> -> memref<2x80xi32, #tpu.memory_space<hbm>>
          tpu.wait_dma2 semaphore(%arg18 : memref<!tpu.dma_semaphore, #tpu.memory_space<semaphore_mem>>) src(%dma_wait3A_132 : memref<2x80xi32, #tpu.memory_space<hbm>>) dst(%arg7 : memref<2x80xi32, #tpu.memory_space<vmem>>)
          %add3A_133 = arith.constant 1 : i32
          %add3A_134 = arith.addi %add3A_84, %add3A_133 : i32
          %dma_start3A_135 = arith.constant 0 : i32
          %dma_start3A_136 = arith.constant 0 : i32
          %dma_start3A_137 = tpu.memref_slice %arg7[%dma_start3A_135, %dma_start3A_136] : memref<2x80xi32, #tpu.memory_space<vmem>> -> memref<1x80xi32, #tpu.memory_space<vmem>>
          %dma_start3A_138 = tpu.memref_squeeze %dma_start3A_137 : memref<1x80xi32, #tpu.memory_space<vmem>> -> memref<80xi32, #tpu.memory_space<vmem>>
          %dma_start3A_139 = arith.constant 0 : i32
          %dma_start3A_140 = arith.constant 0 : i32
          %dma_start3A_141 = tpu.memref_slice %arg2[%dma_start3A_139, %dma_start3A_140] : memref<90000x128xf32, #tpu.memory_space<hbm>> -> memref<90000x128xf32, #tpu.memory_space<hbm>>
          tpu.enqueue_indirect_dma source(%dma_start3A_141 : memref<90000x128xf32, #tpu.memory_space<hbm>>) target(%arg11 : memref<80x128xf32, #tpu.memory_space<vmem>>) offsets(%dma_start3A_138 : memref<80xi32, #tpu.memory_space<vmem>>) semaphore(%arg14 : memref<!tpu.dma_semaphore, #tpu.memory_space<semaphore_mem>>)
          %dma_start3A_142 = arith.constant 0 : i32
          %dma_start3A_143 = tpu.memref_slice %arg4[%add3A, %add3A_134, %dma_start3A_142] : memref<32x125x80xf32, #tpu.memory_space<hbm>> -> memref<1x1x80xf32, #tpu.memory_space<hbm>>
          %dma_start3A_144 = tpu.memref_squeeze %dma_start3A_143 : memref<1x1x80xf32, #tpu.memory_space<hbm>> -> memref<80xf32, #tpu.memory_space<hbm>>
          %dma_start3A_145 = arith.constant 0 : i32
          %dma_start3A_146 = tpu.memref_slice %arg4[%add3A, %add3A_134, %dma_start3A_145] : memref<32x125x80xf32, #tpu.memory_space<hbm>> -> memref<1x1x80xf32, #tpu.memory_space<hbm>>
          %dma_start3A_147 = tpu.memref_squeeze %dma_start3A_146 : memref<1x1x80xf32, #tpu.memory_space<hbm>> -> memref<80xf32, #tpu.memory_space<hbm>>
          tpu.enqueue_dma source(%dma_start3A_147 : memref<80xf32, #tpu.memory_space<hbm>>) target(%arg9 : memref<80xf32, #tpu.memory_space<vmem>>) target_semaphore(%arg16 : memref<!tpu.dma_semaphore, #tpu.memory_space<semaphore_mem>>)
        } else {
        }
        %dma_wait3A_97 = arith.constant 0 : i32
        %dma_wait3A_98 = arith.constant 0 : i32
        %dma_wait3A_99 = tpu.memref_slice %arg8[%dma_wait3A_97, %dma_wait3A_98] : memref<2x80xi32, #tpu.memory_space<vmem>> -> memref<1x80xi32, #tpu.memory_space<vmem>>
        %dma_wait3A_100 = tpu.memref_squeeze %dma_wait3A_99 : memref<1x80xi32, #tpu.memory_space<vmem>> -> memref<80xi32, #tpu.memory_space<vmem>>
        %dma_wait3A_101 = arith.constant 0 : i32
        %dma_wait3A_102 = arith.constant 0 : i32
        %dma_wait3A_103 = tpu.memref_slice %arg2[%dma_wait3A_101, %dma_wait3A_102] : memref<90000x128xf32, #tpu.memory_space<hbm>> -> memref<90000x128xf32, #tpu.memory_space<hbm>>
        tpu.wait_indirect_dma semaphore(%arg15 : memref<!tpu.dma_semaphore, #tpu.memory_space<semaphore_mem>>) src(%dma_wait3A_103 : memref<90000x128xf32, #tpu.memory_space<hbm>>) dst(%arg12 : memref<80x128xf32, #tpu.memory_space<vmem>>)
        %dma_wait3A_104 = arith.constant 0 : i32
        %dma_wait3A_105 = tpu.memref_slice %arg4[%add3A, %add3A_84, %dma_wait3A_104] : memref<32x125x80xf32, #tpu.memory_space<hbm>> -> memref<1x1x80xf32, #tpu.memory_space<hbm>>
        %dma_wait3A_106 = tpu.memref_squeeze %dma_wait3A_105 : memref<1x1x80xf32, #tpu.memory_space<hbm>> -> memref<80xf32, #tpu.memory_space<hbm>>
        %dma_wait3A_107 = arith.constant 0 : i32
        %dma_wait3A_108 = tpu.memref_slice %arg4[%add3A, %add3A_84, %dma_wait3A_107] : memref<32x125x80xf32, #tpu.memory_space<hbm>> -> memref<1x1x80xf32, #tpu.memory_space<hbm>>
        %dma_wait3A_109 = tpu.memref_squeeze %dma_wait3A_108 : memref<1x1x80xf32, #tpu.memory_space<hbm>> -> memref<80xf32, #tpu.memory_space<hbm>>
        tpu.wait_dma2 semaphore(%arg17 : memref<!tpu.dma_semaphore, #tpu.memory_space<semaphore_mem>>) src(%dma_wait3A_109 : memref<80xf32, #tpu.memory_space<hbm>>) dst(%arg10 : memref<80xf32, #tpu.memory_space<vmem>>)
        %scan3A_110 = arith.constant 0 : i32
        %scan3A_111 = arith.constant 0 : i32
        %scan3A_112 = arith.constant 80 : i32
        %scan3A_113 = arith.addi %scan3A_111, %scan3A_112 : i32
        %scan3A_114 = arith.constant 1 : i32
        scf.for %scan3A_123 = %scan3A_111 to %scan3A_113 step %scan3A_114  : i32 {
          %broadcast_in_dim3A = vector.broadcast %scan3A_123 : i32 to vector<16xi32>
          %gather3A = tpu.vector_load_idx %arg10[%broadcast_in_dim3A] : memref<80xf32, #tpu.memory_space<vmem>>[vector<16xi32>], vector<16xf32>,
          %get3A = arith.index_cast %scan3A_123 : i32 to index
          %get3A_124 = arith.constant 0 : index
          %get3A_125 = tpu.vector_load %arg12[%get3A, %get3A_124] {strides = array<i32>} : memref<80x128xf32, #tpu.memory_space<vmem>>, vector<16xf32>,
          %mul3A_126 = arith.mulf %get3A_125, %gather3A : vector<16xf32>
          %swap3A = arith.index_cast %scan3A_123 : i32 to index
          %swap3A_127 = arith.constant 0 : index
          %swap3A_128 = tpu.vector_load %arg12[%swap3A, %swap3A_127] {strides = array<i32>} : memref<80x128xf32, #tpu.memory_space<vmem>>, vector<16xf32>,
          tpu.vector_store %arg12[%swap3A, %swap3A_127], %mul3A_126 {strides = array<i32>} : memref<80x128xf32, #tpu.memory_space<vmem>>, vector<16xf32>,
          %get3A_129 = arith.index_cast %scan3A_123 : i32 to index
          %get3A_130 = arith.constant 16 : index
          %get3A_131 = tpu.vector_load %arg12[%get3A_129, %get3A_130] {strides = array<i32>} : memref<80x128xf32, #tpu.memory_space<vmem>>, vector<16xf32>,
          %mul3A_132 = arith.mulf %get3A_131, %gather3A : vector<16xf32>
          %swap3A_133 = arith.index_cast %scan3A_123 : i32 to index
          %swap3A_134 = arith.constant 16 : index
          %swap3A_135 = tpu.vector_load %arg12[%swap3A_133, %swap3A_134] {strides = array<i32>} : memref<80x128xf32, #tpu.memory_space<vmem>>, vector<16xf32>,
          tpu.vector_store %arg12[%swap3A_133, %swap3A_134], %mul3A_132 {strides = array<i32>} : memref<80x128xf32, #tpu.memory_space<vmem>>, vector<16xf32>,
          %get3A_136 = arith.index_cast %scan3A_123 : i32 to index
          %get3A_137 = arith.constant 32 : index
          %get3A_138 = tpu.vector_load %arg12[%get3A_136, %get3A_137] {strides = array<i32>} : memref<80x128xf32, #tpu.memory_space<vmem>>, vector<16xf32>,
          %mul3A_139 = arith.mulf %get3A_138, %gather3A : vector<16xf32>
          %swap3A_140 = arith.index_cast %scan3A_123 : i32 to index
          %swap3A_141 = arith.constant 32 : index
          %swap3A_142 = tpu.vector_load %arg12[%swap3A_140, %swap3A_141] {strides = array<i32>} : memref<80x128xf32, #tpu.memory_space<vmem>>, vector<16xf32>,
          tpu.vector_store %arg12[%swap3A_140, %swap3A_141], %mul3A_139 {strides = array<i32>} : memref<80x128xf32, #tpu.memory_space<vmem>>, vector<16xf32>,
          %get3A_143 = arith.index_cast %scan3A_123 : i32 to index
          %get3A_144 = arith.constant 48 : index
          %get3A_145 = tpu.vector_load %arg12[%get3A_143, %get3A_144] {strides = array<i32>} : memref<80x128xf32, #tpu.memory_space<vmem>>, vector<16xf32>,
          %mul3A_146 = arith.mulf %get3A_145, %gather3A : vector<16xf32>
          %swap3A_147 = arith.index_cast %scan3A_123 : i32 to index
          %swap3A_148 = arith.constant 48 : index
          %swap3A_149 = tpu.vector_load %arg12[%swap3A_147, %swap3A_148] {strides = array<i32>} : memref<80x128xf32, #tpu.memory_space<vmem>>, vector<16xf32>,
          tpu.vector_store %arg12[%swap3A_147, %swap3A_148], %mul3A_146 {strides = array<i32>} : memref<80x128xf32, #tpu.memory_space<vmem>>, vector<16xf32>,
          %get3A_150 = arith.index_cast %scan3A_123 : i32 to index
          %get3A_151 = arith.constant 64 : index
          %get3A_152 = tpu.vector_load %arg12[%get3A_150, %get3A_151] {strides = array<i32>} : memref<80x128xf32, #tpu.memory_space<vmem>>, vector<16xf32>,
          %mul3A_153 = arith.mulf %get3A_152, %gather3A : vector<16xf32>
          %swap3A_154 = arith.index_cast %scan3A_123 : i32 to index
          %swap3A_155 = arith.constant 64 : index
          %swap3A_156 = tpu.vector_load %arg12[%swap3A_154, %swap3A_155] {strides = array<i32>} : memref<80x128xf32, #tpu.memory_space<vmem>>, vector<16xf32>,
          tpu.vector_store %arg12[%swap3A_154, %swap3A_155], %mul3A_153 {strides = array<i32>} : memref<80x128xf32, #tpu.memory_space<vmem>>, vector<16xf32>,
          %get3A_157 = arith.index_cast %scan3A_123 : i32 to index
          %get3A_158 = arith.constant 80 : index
          %get3A_159 = tpu.vector_load %arg12[%get3A_157, %get3A_158] {strides = array<i32>} : memref<80x128xf32, #tpu.memory_space<vmem>>, vector<16xf32>,
          %mul3A_160 = arith.mulf %get3A_159, %gather3A : vector<16xf32>
          %swap3A_161 = arith.index_cast %scan3A_123 : i32 to index
          %swap3A_162 = arith.constant 80 : index
          %swap3A_163 = tpu.vector_load %arg12[%swap3A_161, %swap3A_162] {strides = array<i32>} : memref<80x128xf32, #tpu.memory_space<vmem>>, vector<16xf32>,
          tpu.vector_store %arg12[%swap3A_161, %swap3A_162], %mul3A_160 {strides = array<i32>} : memref<80x128xf32, #tpu.memory_space<vmem>>, vector<16xf32>,
          %get3A_164 = arith.index_cast %scan3A_123 : i32 to index
          %get3A_165 = arith.constant 96 : index
          %get3A_166 = tpu.vector_load %arg12[%get3A_164, %get3A_165] {strides = array<i32>} : memref<80x128xf32, #tpu.memory_space<vmem>>, vector<16xf32>,
          %mul3A_167 = arith.mulf %get3A_166, %gather3A : vector<16xf32>
          %swap3A_168 = arith.index_cast %scan3A_123 : i32 to index
          %swap3A_169 = arith.constant 96 : index
          %swap3A_170 = tpu.vector_load %arg12[%swap3A_168, %swap3A_169] {strides = array<i32>} : memref<80x128xf32, #tpu.memory_space<vmem>>, vector<16xf32>,
          tpu.vector_store %arg12[%swap3A_168, %swap3A_169], %mul3A_167 {strides = array<i32>} : memref<80x128xf32, #tpu.memory_space<vmem>>, vector<16xf32>,
          %get3A_171 = arith.index_cast %scan3A_123 : i32 to index
          %get3A_172 = arith.constant 112 : index
          %get3A_173 = tpu.vector_load %arg12[%get3A_171, %get3A_172] {strides = array<i32>} : memref<80x128xf32, #tpu.memory_space<vmem>>, vector<16xf32>,
          %mul3A_174 = arith.mulf %get3A_173, %gather3A : vector<16xf32>
          %swap3A_175 = arith.index_cast %scan3A_123 : i32 to index
          %swap3A_176 = arith.constant 112 : index
          %swap3A_177 = tpu.vector_load %arg12[%swap3A_175, %swap3A_176] {strides = array<i32>} : memref<80x128xf32, #tpu.memory_space<vmem>>, vector<16xf32>,
          tpu.vector_store %arg12[%swap3A_175, %swap3A_176], %mul3A_174 {strides = array<i32>} : memref<80x128xf32, #tpu.memory_space<vmem>>, vector<16xf32>,
        }
        %scan3A_115 = arith.constant 80 : i32
        %run_scoped3A = arith.constant 1 : i32
        "tpu.region"() ({
          %run_scoped3A_123 = tpu.sem_alloc : memref<!tpu.dma_semaphore, #tpu.memory_space<semaphore_mem>>
          %dma_start3A_124 = arith.constant 0 : i32
          %dma_start3A_125 = tpu.memref_slice %arg8[%run_scoped3A, %dma_start3A_124] : memref<2x80xi32, #tpu.memory_space<vmem>> -> memref<1x80xi32, #tpu.memory_space<vmem>>
          %dma_start3A_126 = tpu.memref_squeeze %dma_start3A_125 : memref<1x80xi32, #tpu.memory_space<vmem>> -> memref<80xi32, #tpu.memory_space<vmem>>
          %dma_start3A_127 = arith.constant 0 : i32
          %dma_start3A_128 = arith.constant 0 : i32
          %dma_start3A_129 = tpu.memref_slice %arg13[%dma_start3A_127, %dma_start3A_128] : memref<10240x128xf32, #tpu.memory_space<vmem_shared>> -> memref<10240x128xf32, #tpu.memory_space<vmem_shared>>
          tpu.enqueue_indirect_dma source(%arg12 : memref<80x128xf32, #tpu.memory_space<vmem>>) target(%dma_start3A_129 : memref<10240x128xf32, #tpu.memory_space<vmem_shared>>) offsets(%dma_start3A_126 : memref<80xi32, #tpu.memory_space<vmem>>) semaphore(%run_scoped3A_123 : memref<!tpu.dma_semaphore, #tpu.memory_space<semaphore_mem>>) {add = true}
          %dma_wait3A_130 = arith.constant 0 : i32
          %dma_wait3A_131 = tpu.memref_slice %arg8[%run_scoped3A, %dma_wait3A_130] : memref<2x80xi32, #tpu.memory_space<vmem>> -> memref<1x80xi32, #tpu.memory_space<vmem>>
          %dma_wait3A_132 = tpu.memref_squeeze %dma_wait3A_131 : memref<1x80xi32, #tpu.memory_space<vmem>> -> memref<80xi32, #tpu.memory_space<vmem>>
          %dma_wait3A_133 = arith.constant 0 : i32
          %dma_wait3A_134 = arith.constant 0 : i32
          %dma_wait3A_135 = tpu.memref_slice %arg13[%dma_wait3A_133, %dma_wait3A_134] : memref<10240x128xf32, #tpu.memory_space<vmem_shared>> -> memref<10240x128xf32, #tpu.memory_space<vmem_shared>>
          tpu.wait_indirect_dma semaphore(%run_scoped3A_123 : memref<!tpu.dma_semaphore, #tpu.memory_space<semaphore_mem>>) src(%arg12 : memref<80x128xf32, #tpu.memory_space<vmem>>) dst(%dma_wait3A_135 : memref<10240x128xf32, #tpu.memory_space<vmem_shared>>)
          tpu.yield
        }) : () -> ()
        %add3A_116 = arith.constant 2 : i32
        %add3A_117 = arith.addi %add3A_84, %add3A_116 : i32
        %lt3A_118 = arith.constant 125 : i32
        %lt3A_119 = arith.cmpi slt, %add3A_117, %lt3A_118 : i32
        %convert_element_type3A_120 = arith.extui %lt3A_119 : i1 to i32
        %cond3A_121 = arith.constant 0 : i32
        %cond3A_122 = arith.cmpi ne, %convert_element_type3A_120, %cond3A_121 : i32
        scf.if %cond3A_122 {
          %add3A_123 = arith.constant 2 : i32
          %add3A_124 = arith.addi %add3A_84, %add3A_123 : i32
          %dma_start3A_125 = arith.constant 0 : i32
          %dma_start3A_126 = arith.constant 0 : i32
          %dma_start3A_127 = tpu.memref_slice %arg3[%add3A, %add3A_124, %dma_start3A_125, %dma_start3A_126] : memref<32x125x2x80xi32, #tpu.memory_space<hbm>> -> memref<1x1x2x80xi32, #tpu.memory_space<hbm>>
          %dma_start3A_128 = tpu.memref_squeeze %dma_start3A_127 : memref<1x1x2x80xi32, #tpu.memory_space<hbm>> -> memref<2x80xi32, #tpu.memory_space<hbm>>
          %dma_start3A_129 = arith.constant 0 : i32
          %dma_start3A_130 = arith.constant 0 : i32
          %dma_start3A_131 = tpu.memref_slice %arg3[%add3A, %add3A_124, %dma_start3A_129, %dma_start3A_130] : memref<32x125x2x80xi32, #tpu.memory_space<hbm>> -> memref<1x1x2x80xi32, #tpu.memory_space<hbm>>
          %dma_start3A_132 = tpu.memref_squeeze %dma_start3A_131 : memref<1x1x2x80xi32, #tpu.memory_space<hbm>> -> memref<2x80xi32, #tpu.memory_space<hbm>>
          tpu.enqueue_dma source(%dma_start3A_132 : memref<2x80xi32, #tpu.memory_space<hbm>>) target(%arg8 : memref<2x80xi32, #tpu.memory_space<vmem>>) target_semaphore(%arg19 : memref<!tpu.dma_semaphore, #tpu.memory_space<semaphore_mem>>)
        } else {
        }
      } else {
      }
    }
    %scan3A_50 = arith.constant 63 : i32
    %barrier3A_51 = arith.constant 0 : index
    tpu.barrier barrier_id(%barrier3A_51)
    %mul3A_52 = arith.constant 640 : i32
    %mul3A_53 = arith.muli %arg1, %mul3A_52 : i32
    %add3A_54 = arith.constant 0 : i32
    %add3A_55 = arith.addi %mul3A_53, %add3A_54 : i32
    "tpu.region"() ({
      %run_scoped3A = tpu.sem_alloc : memref<!tpu.dma_semaphore, #tpu.memory_space<semaphore_mem>>
      %dma_start3A_72 = arith.constant 0 : i32
      %dma_start3A_73 = tpu.memref_slice %arg6[%arg0, %add3A_55, %dma_start3A_72] : memref<2x10240x128xf32, #tpu.memory_space<hbm>> -> memref<1x128x128xf32, #tpu.memory_space<hbm>>
      %dma_start3A_74 = tpu.memref_squeeze %dma_start3A_73 : memref<1x128x128xf32, #tpu.memory_space<hbm>> -> memref<128x128xf32, #tpu.memory_space<hbm>>
      %dma_start3A_75 = arith.constant 0 : i32
      %dma_start3A_76 = tpu.memref_slice %arg13[%add3A_55, %dma_start3A_75] : memref<10240x128xf32, #tpu.memory_space<vmem_shared>> -> memref<128x128xf32, #tpu.memory_space<vmem_shared>>
      tpu.enqueue_dma source(%dma_start3A_76 : memref<128x128xf32, #tpu.memory_space<vmem_shared>>) target(%dma_start3A_74 : memref<128x128xf32, #tpu.memory_space<hbm>>) target_semaphore(%run_scoped3A : memref<!tpu.dma_semaphore, #tpu.memory_space<semaphore_mem>>)
      %dma_wait3A_77 = arith.constant 0 : i32
      %dma_wait3A_78 = tpu.memref_slice %arg6[%arg0, %add3A_55, %dma_wait3A_77] : memref<2x10240x128xf32, #tpu.memory_space<hbm>> -> memref<1x128x128xf32, #tpu.memory_space<hbm>>
      %dma_wait3A_79 = tpu.memref_squeeze %dma_wait3A_78 : memref<1x128x128xf32, #tpu.memory_space<hbm>> -> memref<128x128xf32, #tpu.memory_space<hbm>>
      %dma_wait3A_80 = arith.constant 0 : i32
      %dma_wait3A_81 = tpu.memref_slice %arg13[%add3A_55, %dma_wait3A_80] : memref<10240x128xf32, #tpu.memory_space<vmem_shared>> -> memref<128x128xf32, #tpu.memory_space<vmem_shared>>
      tpu.wait_dma2 semaphore(%run_scoped3A : memref<!tpu.dma_semaphore, #tpu.memory_space<semaphore_mem>>) src(%dma_wait3A_81 : memref<128x128xf32, #tpu.memory_space<vmem_shared>>) dst(%dma_wait3A_79 : memref<128x128xf32, #tpu.memory_space<hbm>>)
      tpu.yield
    }) : () -> ()
    %mul3A_56 = arith.constant 640 : i32
    %mul3A_57 = arith.muli %arg1, %mul3A_56 : i32
    %add3A_58 = arith.constant 128 : i32
    %add3A_59 = arith.addi %mul3A_57, %add3A_58 : i32
    "tpu.region"() ({
      %run_scoped3A = tpu.sem_alloc : memref<!tpu.dma_semaphore, #tpu.memory_space<semaphore_mem>>
      %dma_start3A_72 = arith.constant 0 : i32
      %dma_start3A_73 = tpu.memref_slice %arg6[%arg0, %add3A_59, %dma_start3A_72] : memref<2x10240x128xf32, #tpu.memory_space<hbm>> -> memref<1x128x128xf32, #tpu.memory_space<hbm>>
      %dma_start3A_74 = tpu.memref_squeeze %dma_start3A_73 : memref<1x128x128xf32, #tpu.memory_space<hbm>> -> memref<128x128xf32, #tpu.memory_space<hbm>>
      %dma_start3A_75 = arith.constant 0 : i32
      %dma_start3A_76 = tpu.memref_slice %arg13[%add3A_59, %dma_start3A_75] : memref<10240x128xf32, #tpu.memory_space<vmem_shared>> -> memref<128x128xf32, #tpu.memory_space<vmem_shared>>
      tpu.enqueue_dma source(%dma_start3A_76 : memref<128x128xf32, #tpu.memory_space<vmem_shared>>) target(%dma_start3A_74 : memref<128x128xf32, #tpu.memory_space<hbm>>) target_semaphore(%run_scoped3A : memref<!tpu.dma_semaphore, #tpu.memory_space<semaphore_mem>>)
      %dma_wait3A_77 = arith.constant 0 : i32
      %dma_wait3A_78 = tpu.memref_slice %arg6[%arg0, %add3A_59, %dma_wait3A_77] : memref<2x10240x128xf32, #tpu.memory_space<hbm>> -> memref<1x128x128xf32, #tpu.memory_space<hbm>>
      %dma_wait3A_79 = tpu.memref_squeeze %dma_wait3A_78 : memref<1x128x128xf32, #tpu.memory_space<hbm>> -> memref<128x128xf32, #tpu.memory_space<hbm>>
      %dma_wait3A_80 = arith.constant 0 : i32
      %dma_wait3A_81 = tpu.memref_slice %arg13[%add3A_59, %dma_wait3A_80] : memref<10240x128xf32, #tpu.memory_space<vmem_shared>> -> memref<128x128xf32, #tpu.memory_space<vmem_shared>>
      tpu.wait_dma2 semaphore(%run_scoped3A : memref<!tpu.dma_semaphore, #tpu.memory_space<semaphore_mem>>) src(%dma_wait3A_81 : memref<128x128xf32, #tpu.memory_space<vmem_shared>>) dst(%dma_wait3A_79 : memref<128x128xf32, #tpu.memory_space<hbm>>)
      tpu.yield
    }) : () -> ()
    %mul3A_60 = arith.constant 640 : i32
    %mul3A_61 = arith.muli %arg1, %mul3A_60 : i32
    %add3A_62 = arith.constant 256 : i32
    %add3A_63 = arith.addi %mul3A_61, %add3A_62 : i32
    "tpu.region"() ({
      %run_scoped3A = tpu.sem_alloc : memref<!tpu.dma_semaphore, #tpu.memory_space<semaphore_mem>>
      %dma_start3A_72 = arith.constant 0 : i32
      %dma_start3A_73 = tpu.memref_slice %arg6[%arg0, %add3A_63, %dma_start3A_72] : memref<2x10240x128xf32, #tpu.memory_space<hbm>> -> memref<1x128x128xf32, #tpu.memory_space<hbm>>
      %dma_start3A_74 = tpu.memref_squeeze %dma_start3A_73 : memref<1x128x128xf32, #tpu.memory_space<hbm>> -> memref<128x128xf32, #tpu.memory_space<hbm>>
      %dma_start3A_75 = arith.constant 0 : i32
      %dma_start3A_76 = tpu.memref_slice %arg13[%add3A_63, %dma_start3A_75] : memref<10240x128xf32, #tpu.memory_space<vmem_shared>> -> memref<128x128xf32, #tpu.memory_space<vmem_shared>>
      tpu.enqueue_dma source(%dma_start3A_76 : memref<128x128xf32, #tpu.memory_space<vmem_shared>>) target(%dma_start3A_74 : memref<128x128xf32, #tpu.memory_space<hbm>>) target_semaphore(%run_scoped3A : memref<!tpu.dma_semaphore, #tpu.memory_space<semaphore_mem>>)
      %dma_wait3A_77 = arith.constant 0 : i32
      %dma_wait3A_78 = tpu.memref_slice %arg6[%arg0, %add3A_63, %dma_wait3A_77] : memref<2x10240x128xf32, #tpu.memory_space<hbm>> -> memref<1x128x128xf32, #tpu.memory_space<hbm>>
      %dma_wait3A_79 = tpu.memref_squeeze %dma_wait3A_78 : memref<1x128x128xf32, #tpu.memory_space<hbm>> -> memref<128x128xf32, #tpu.memory_space<hbm>>
      %dma_wait3A_80 = arith.constant 0 : i32
      %dma_wait3A_81 = tpu.memref_slice %arg13[%add3A_63, %dma_wait3A_80] : memref<10240x128xf32, #tpu.memory_space<vmem_shared>> -> memref<128x128xf32, #tpu.memory_space<vmem_shared>>
      tpu.wait_dma2 semaphore(%run_scoped3A : memref<!tpu.dma_semaphore, #tpu.memory_space<semaphore_mem>>) src(%dma_wait3A_81 : memref<128x128xf32, #tpu.memory_space<vmem_shared>>) dst(%dma_wait3A_79 : memref<128x128xf32, #tpu.memory_space<hbm>>)
      tpu.yield
    }) : () -> ()
    %mul3A_64 = arith.constant 640 : i32
    %mul3A_65 = arith.muli %arg1, %mul3A_64 : i32
    %add3A_66 = arith.constant 384 : i32
    %add3A_67 = arith.addi %mul3A_65, %add3A_66 : i32
    "tpu.region"() ({
      %run_scoped3A = tpu.sem_alloc : memref<!tpu.dma_semaphore, #tpu.memory_space<semaphore_mem>>
      %dma_start3A_72 = arith.constant 0 : i32
      %dma_start3A_73 = tpu.memref_slice %arg6[%arg0, %add3A_67, %dma_start3A_72] : memref<2x10240x128xf32, #tpu.memory_space<hbm>> -> memref<1x128x128xf32, #tpu.memory_space<hbm>>
      %dma_start3A_74 = tpu.memref_squeeze %dma_start3A_73 : memref<1x128x128xf32, #tpu.memory_space<hbm>> -> memref<128x128xf32, #tpu.memory_space<hbm>>
      %dma_start3A_75 = arith.constant 0 : i32
      %dma_start3A_76 = tpu.memref_slice %arg13[%add3A_67, %dma_start3A_75] : memref<10240x128xf32, #tpu.memory_space<vmem_shared>> -> memref<128x128xf32, #tpu.memory_space<vmem_shared>>
      tpu.enqueue_dma source(%dma_start3A_76 : memref<128x128xf32, #tpu.memory_space<vmem_shared>>) target(%dma_start3A_74 : memref<128x128xf32, #tpu.memory_space<hbm>>) target_semaphore(%run_scoped3A : memref<!tpu.dma_semaphore, #tpu.memory_space<semaphore_mem>>)
      %dma_wait3A_77 = arith.constant 0 : i32
      %dma_wait3A_78 = tpu.memref_slice %arg6[%arg0, %add3A_67, %dma_wait3A_77] : memref<2x10240x128xf32, #tpu.memory_space<hbm>> -> memref<1x128x128xf32, #tpu.memory_space<hbm>>
      %dma_wait3A_79 = tpu.memref_squeeze %dma_wait3A_78 : memref<1x128x128xf32, #tpu.memory_space<hbm>> -> memref<128x128xf32, #tpu.memory_space<hbm>>
      %dma_wait3A_80 = arith.constant 0 : i32
      %dma_wait3A_81 = tpu.memref_slice %arg13[%add3A_67, %dma_wait3A_80] : memref<10240x128xf32, #tpu.memory_space<vmem_shared>> -> memref<128x128xf32, #tpu.memory_space<vmem_shared>>
      tpu.wait_dma2 semaphore(%run_scoped3A : memref<!tpu.dma_semaphore, #tpu.memory_space<semaphore_mem>>) src(%dma_wait3A_81 : memref<128x128xf32, #tpu.memory_space<vmem_shared>>) dst(%dma_wait3A_79 : memref<128x128xf32, #tpu.memory_space<hbm>>)
      tpu.yield
    }) : () -> ()
    %mul3A_68 = arith.constant 640 : i32
    %mul3A_69 = arith.muli %arg1, %mul3A_68 : i32
    %add3A_70 = arith.constant 512 : i32
    %add3A_71 = arith.addi %mul3A_69, %add3A_70 : i32
    "tpu.region"() ({
      %run_scoped3A = tpu.sem_alloc : memref<!tpu.dma_semaphore, #tpu.memory_space<semaphore_mem>>
      %dma_start3A_72 = arith.constant 0 : i32
      %dma_start3A_73 = tpu.memref_slice %arg6[%arg0, %add3A_71, %dma_start3A_72] : memref<2x10240x128xf32, #tpu.memory_space<hbm>> -> memref<1x128x128xf32, #tpu.memory_space<hbm>>
      %dma_start3A_74 = tpu.memref_squeeze %dma_start3A_73 : memref<1x128x128xf32, #tpu.memory_space<hbm>> -> memref<128x128xf32, #tpu.memory_space<hbm>>
      %dma_start3A_75 = arith.constant 0 : i32
      %dma_start3A_76 = tpu.memref_slice %arg13[%add3A_71, %dma_start3A_75] : memref<10240x128xf32, #tpu.memory_space<vmem_shared>> -> memref<128x128xf32, #tpu.memory_space<vmem_shared>>
      tpu.enqueue_dma source(%dma_start3A_76 : memref<128x128xf32, #tpu.memory_space<vmem_shared>>) target(%dma_start3A_74 : memref<128x128xf32, #tpu.memory_space<hbm>>) target_semaphore(%run_scoped3A : memref<!tpu.dma_semaphore, #tpu.memory_space<semaphore_mem>>)
      %dma_wait3A_77 = arith.constant 0 : i32
      %dma_wait3A_78 = tpu.memref_slice %arg6[%arg0, %add3A_71, %dma_wait3A_77] : memref<2x10240x128xf32, #tpu.memory_space<hbm>> -> memref<1x128x128xf32, #tpu.memory_space<hbm>>
      %dma_wait3A_79 = tpu.memref_squeeze %dma_wait3A_78 : memref<1x128x128xf32, #tpu.memory_space<hbm>> -> memref<128x128xf32, #tpu.memory_space<hbm>>
      %dma_wait3A_80 = arith.constant 0 : i32
      %dma_wait3A_81 = tpu.memref_slice %arg13[%add3A_71, %dma_wait3A_80] : memref<10240x128xf32, #tpu.memory_space<vmem_shared>> -> memref<128x128xf32, #tpu.memory_space<vmem_shared>>
      tpu.wait_dma2 semaphore(%run_scoped3A : memref<!tpu.dma_semaphore, #tpu.memory_space<semaphore_mem>>) src(%dma_wait3A_81 : memref<128x128xf32, #tpu.memory_space<vmem_shared>>) dst(%dma_wait3A_79 : memref<128x128xf32, #tpu.memory_space<hbm>>)
      tpu.yield
    }) : () -> ()
    return
  }
}

#map = affine_map<(d0, d1) -> (0, 0)>
#map1 = affine_map<(d0, d1) -> (0, 0, 0, 0)>
#map2 = affine_map<(d0, d1) -> (0, 0, 0)>
module attributes {stable_mosaic.version = 14 : i64} {
  func.func @edge_kernel(%arg0: i32, %arg1: i32, %arg2: memref<90000x128xf32, #tpu.memory_space<hbm>>, %arg3: memref<32x125x2x80xi32, #tpu.memory_space<hbm>>, %arg4: memref<32x125x80xf32, #tpu.memory_space<hbm>>, %arg5: memref<640x128xf32, #tpu.memory_space<hbm>>, %arg6: memref<2x10240x128xf32, #tpu.memory_space<hbm>>, %arg7: memref<2x80xi32, #tpu.memory_space<vmem>>, %arg8: memref<2x80xi32, #tpu.memory_space<vmem>>, %arg9: memref<80xf32, #tpu.memory_space<vmem>>, %arg10: memref<80xf32, #tpu.memory_space<vmem>>, %arg11: memref<80x128xf32, #tpu.memory_space<vmem>>, %arg12: memref<80x128xf32, #tpu.memory_space<vmem>>, %arg13: memref<10240x128xf32, #tpu.memory_space<vmem_shared>>, %arg14: memref<!tpu.dma_semaphore, #tpu.memory_space<semaphore_mem>>, %arg15: memref<!tpu.dma_semaphore, #tpu.memory_space<semaphore_mem>>, %arg16: memref<!tpu.dma_semaphore, #tpu.memory_space<semaphore_mem>>, %arg17: memref<!tpu.dma_semaphore, #tpu.memory_space<semaphore_mem>>, %arg18: memref<!tpu.dma_semaphore, #tpu.memory_space<semaphore_mem>>, %arg19: memref<!tpu.dma_semaphore, #tpu.memory_space<semaphore_mem>>) attributes {dimension_semantics = [#tpu.dimension_semantics<core_parallel>, #tpu.dimension_semantics<subcore_parallel>], iteration_bounds = array<i64: 2, 16>, scalar_prefetch = 0 : i64, scratch_operands = 13 : i64, tpu.core_type = #tpu.core_type<sc_vector_subcore>, window_params = [{transform_indices = #map}, {transform_indices = #map1}, {transform_indices = #map2}, {transform_indices = #map}, {transform_indices = #map2}]} {
    %mul3A = arith.constant 16 : i32
    %mul3A_0 = arith.muli %arg0, %mul3A : i32
    %add3A = arith.addi %mul3A_0, %arg1 : i32
    %eq3A = arith.constant 0 : i32
    %eq3A_1 = arith.cmpi eq, %arg0, %eq3A : i32
    %convert_element_type3A = arith.extui %eq3A_1 : i1 to i32
    %cond3A = arith.constant 0 : i32
    %cond3A_2 = arith.cmpi ne, %convert_element_type3A, %cond3A : i32
    scf.if %cond3A_2 {
      %mul3A_72 = arith.constant 640 : i32
      %mul3A_73 = arith.muli %arg1, %mul3A_72 : i32
      %add3A_74 = arith.constant 0 : i32
      %add3A_75 = arith.addi %mul3A_73, %add3A_74 : i32
      %add3A_76 = arith.constant 80 : i32
      %add3A_77 = arith.addi %add3A_75, %add3A_76 : i32
      %le3A = arith.constant 10000 : i32
      %le3A_78 = arith.cmpi sle, %add3A_77, %le3A : i32
      %convert_element_type3A_79 = arith.extui %le3A_78 : i1 to i32
      %cond3A_80 = arith.constant 0 : i32
      %cond3A_81 = arith.cmpi ne, %convert_element_type3A_79, %cond3A_80 : i32
      scf.if %cond3A_81 {
        %mul3A_159 = arith.constant 640 : i32
        %mul3A_160 = arith.muli %arg1, %mul3A_159 : i32
        %add3A_161 = arith.constant 80000 : i32
        %add3A_162 = arith.addi %add3A_161, %mul3A_160 : i32
        %add3A_163 = arith.constant 0 : i32
        %add3A_164 = arith.addi %add3A_162, %add3A_163 : i32
        %mul3A_165 = arith.constant 640 : i32
        %mul3A_166 = arith.muli %arg1, %mul3A_165 : i32
        %add3A_167 = arith.constant 0 : i32
        %add3A_168 = arith.addi %mul3A_166, %add3A_167 : i32
        "tpu.region"() ({
          %run_scoped3A = tpu.sem_alloc : memref<!tpu.dma_semaphore, #tpu.memory_space<semaphore_mem>>
          %dma_start3A_169 = arith.constant 0 : i32
          %dma_start3A_170 = tpu.memref_slice %arg13[%add3A_168, %dma_start3A_169] : memref<10240x128xf32, #tpu.memory_space<vmem_shared>> -> memref<80x128xf32, #tpu.memory_space<vmem_shared>>
          %dma_start3A_171 = arith.constant 0 : i32
          %dma_start3A_172 = tpu.memref_slice %arg2[%add3A_164, %dma_start3A_171] : memref<90000x128xf32, #tpu.memory_space<hbm>> -> memref<80x128xf32, #tpu.memory_space<hbm>>
          tpu.enqueue_dma source(%dma_start3A_172 : memref<80x128xf32, #tpu.memory_space<hbm>>) target(%dma_start3A_170 : memref<80x128xf32, #tpu.memory_space<vmem_shared>>) target_semaphore(%run_scoped3A : memref<!tpu.dma_semaphore, #tpu.memory_space<semaphore_mem>>)
          %dma_wait3A_173 = arith.constant 0 : i32
          %dma_wait3A_174 = tpu.memref_slice %arg13[%add3A_168, %dma_wait3A_173] : memref<10240x128xf32, #tpu.memory_space<vmem_shared>> -> memref<80x128xf32, #tpu.memory_space<vmem_shared>>
          %dma_wait3A_175 = arith.constant 0 : i32
          %dma_wait3A_176 = tpu.memref_slice %arg2[%add3A_164, %dma_wait3A_175] : memref<90000x128xf32, #tpu.memory_space<hbm>> -> memref<80x128xf32, #tpu.memory_space<hbm>>
          tpu.wait_dma2 semaphore(%run_scoped3A : memref<!tpu.dma_semaphore, #tpu.memory_space<semaphore_mem>>) src(%dma_wait3A_176 : memref<80x128xf32, #tpu.memory_space<hbm>>) dst(%dma_wait3A_174 : memref<80x128xf32, #tpu.memory_space<vmem_shared>>)
          tpu.yield
        }) : () -> ()
      } else {
      }
      %mul3A_82 = arith.constant 640 : i32
      %mul3A_83 = arith.muli %arg1, %mul3A_82 : i32
      %add3A_84 = arith.constant 80 : i32
      %add3A_85 = arith.addi %mul3A_83, %add3A_84 : i32
      %add3A_86 = arith.constant 80 : i32
      %add3A_87 = arith.addi %add3A_85, %add3A_86 : i32
      %le3A_88 = arith.constant 10000 : i32
      %le3A_89 = arith.cmpi sle, %add3A_87, %le3A_88 : i32
      %convert_element_type3A_90 = arith.extui %le3A_89 : i1 to i32
      %cond3A_91 = arith.constant 0 : i32
      %cond3A_92 = arith.cmpi ne, %convert_element_type3A_90, %cond3A_91 : i32
      scf.if %cond3A_92 {
        %mul3A_159 = arith.constant 640 : i32
        %mul3A_160 = arith.muli %arg1, %mul3A_159 : i32
        %add3A_161 = arith.constant 80000 : i32
        %add3A_162 = arith.addi %add3A_161, %mul3A_160 : i32
        %add3A_163 = arith.constant 80 : i32
        %add3A_164 = arith.addi %add3A_162, %add3A_163 : i32
        %mul3A_165 = arith.constant 640 : i32
        %mul3A_166 = arith.muli %arg1, %mul3A_165 : i32
        %add3A_167 = arith.constant 80 : i32
        %add3A_168 = arith.addi %mul3A_166, %add3A_167 : i32
        "tpu.region"() ({
          %run_scoped3A = tpu.sem_alloc : memref<!tpu.dma_semaphore, #tpu.memory_space<semaphore_mem>>
          %dma_start3A_169 = arith.constant 0 : i32
          %dma_start3A_170 = tpu.memref_slice %arg13[%add3A_168, %dma_start3A_169] : memref<10240x128xf32, #tpu.memory_space<vmem_shared>> -> memref<80x128xf32, #tpu.memory_space<vmem_shared>>
          %dma_start3A_171 = arith.constant 0 : i32
          %dma_start3A_172 = tpu.memref_slice %arg2[%add3A_164, %dma_start3A_171] : memref<90000x128xf32, #tpu.memory_space<hbm>> -> memref<80x128xf32, #tpu.memory_space<hbm>>
          tpu.enqueue_dma source(%dma_start3A_172 : memref<80x128xf32, #tpu.memory_space<hbm>>) target(%dma_start3A_170 : memref<80x128xf32, #tpu.memory_space<vmem_shared>>) target_semaphore(%run_scoped3A : memref<!tpu.dma_semaphore, #tpu.memory_space<semaphore_mem>>)
          %dma_wait3A_173 = arith.constant 0 : i32
          %dma_wait3A_174 = tpu.memref_slice %arg13[%add3A_168, %dma_wait3A_173] : memref<10240x128xf32, #tpu.memory_space<vmem_shared>> -> memref<80x128xf32, #tpu.memory_space<vmem_shared>>
          %dma_wait3A_175 = arith.constant 0 : i32
          %dma_wait3A_176 = tpu.memref_slice %arg2[%add3A_164, %dma_wait3A_175] : memref<90000x128xf32, #tpu.memory_space<hbm>> -> memref<80x128xf32, #tpu.memory_space<hbm>>
          tpu.wait_dma2 semaphore(%run_scoped3A : memref<!tpu.dma_semaphore, #tpu.memory_space<semaphore_mem>>) src(%dma_wait3A_176 : memref<80x128xf32, #tpu.memory_space<hbm>>) dst(%dma_wait3A_174 : memref<80x128xf32, #tpu.memory_space<vmem_shared>>)
          tpu.yield
        }) : () -> ()
      } else {
      }
      %mul3A_93 = arith.constant 640 : i32
      %mul3A_94 = arith.muli %arg1, %mul3A_93 : i32
      %add3A_95 = arith.constant 160 : i32
      %add3A_96 = arith.addi %mul3A_94, %add3A_95 : i32
      %add3A_97 = arith.constant 80 : i32
      %add3A_98 = arith.addi %add3A_96, %add3A_97 : i32
      %le3A_99 = arith.constant 10000 : i32
      %le3A_100 = arith.cmpi sle, %add3A_98, %le3A_99 : i32
      %convert_element_type3A_101 = arith.extui %le3A_100 : i1 to i32
      %cond3A_102 = arith.constant 0 : i32
      %cond3A_103 = arith.cmpi ne, %convert_element_type3A_101, %cond3A_102 : i32
      scf.if %cond3A_103 {
        %mul3A_159 = arith.constant 640 : i32
        %mul3A_160 = arith.muli %arg1, %mul3A_159 : i32
        %add3A_161 = arith.constant 80000 : i32
        %add3A_162 = arith.addi %add3A_161, %mul3A_160 : i32
        %add3A_163 = arith.constant 160 : i32
        %add3A_164 = arith.addi %add3A_162, %add3A_163 : i32
        %mul3A_165 = arith.constant 640 : i32
        %mul3A_166 = arith.muli %arg1, %mul3A_165 : i32
        %add3A_167 = arith.constant 160 : i32
        %add3A_168 = arith.addi %mul3A_166, %add3A_167 : i32
        "tpu.region"() ({
          %run_scoped3A = tpu.sem_alloc : memref<!tpu.dma_semaphore, #tpu.memory_space<semaphore_mem>>
          %dma_start3A_169 = arith.constant 0 : i32
          %dma_start3A_170 = tpu.memref_slice %arg13[%add3A_168, %dma_start3A_169] : memref<10240x128xf32, #tpu.memory_space<vmem_shared>> -> memref<80x128xf32, #tpu.memory_space<vmem_shared>>
          %dma_start3A_171 = arith.constant 0 : i32
          %dma_start3A_172 = tpu.memref_slice %arg2[%add3A_164, %dma_start3A_171] : memref<90000x128xf32, #tpu.memory_space<hbm>> -> memref<80x128xf32, #tpu.memory_space<hbm>>
          tpu.enqueue_dma source(%dma_start3A_172 : memref<80x128xf32, #tpu.memory_space<hbm>>) target(%dma_start3A_170 : memref<80x128xf32, #tpu.memory_space<vmem_shared>>) target_semaphore(%run_scoped3A : memref<!tpu.dma_semaphore, #tpu.memory_space<semaphore_mem>>)
          %dma_wait3A_173 = arith.constant 0 : i32
          %dma_wait3A_174 = tpu.memref_slice %arg13[%add3A_168, %dma_wait3A_173] : memref<10240x128xf32, #tpu.memory_space<vmem_shared>> -> memref<80x128xf32, #tpu.memory_space<vmem_shared>>
          %dma_wait3A_175 = arith.constant 0 : i32
          %dma_wait3A_176 = tpu.memref_slice %arg2[%add3A_164, %dma_wait3A_175] : memref<90000x128xf32, #tpu.memory_space<hbm>> -> memref<80x128xf32, #tpu.memory_space<hbm>>
          tpu.wait_dma2 semaphore(%run_scoped3A : memref<!tpu.dma_semaphore, #tpu.memory_space<semaphore_mem>>) src(%dma_wait3A_176 : memref<80x128xf32, #tpu.memory_space<hbm>>) dst(%dma_wait3A_174 : memref<80x128xf32, #tpu.memory_space<vmem_shared>>)
          tpu.yield
        }) : () -> ()
      } else {
      }
      %mul3A_104 = arith.constant 640 : i32
      %mul3A_105 = arith.muli %arg1, %mul3A_104 : i32
      %add3A_106 = arith.constant 240 : i32
      %add3A_107 = arith.addi %mul3A_105, %add3A_106 : i32
      %add3A_108 = arith.constant 80 : i32
      %add3A_109 = arith.addi %add3A_107, %add3A_108 : i32
      %le3A_110 = arith.constant 10000 : i32
      %le3A_111 = arith.cmpi sle, %add3A_109, %le3A_110 : i32
      %convert_element_type3A_112 = arith.extui %le3A_111 : i1 to i32
      %cond3A_113 = arith.constant 0 : i32
      %cond3A_114 = arith.cmpi ne, %convert_element_type3A_112, %cond3A_113 : i32
      scf.if %cond3A_114 {
        %mul3A_159 = arith.constant 640 : i32
        %mul3A_160 = arith.muli %arg1, %mul3A_159 : i32
        %add3A_161 = arith.constant 80000 : i32
        %add3A_162 = arith.addi %add3A_161, %mul3A_160 : i32
        %add3A_163 = arith.constant 240 : i32
        %add3A_164 = arith.addi %add3A_162, %add3A_163 : i32
        %mul3A_165 = arith.constant 640 : i32
        %mul3A_166 = arith.muli %arg1, %mul3A_165 : i32
        %add3A_167 = arith.constant 240 : i32
        %add3A_168 = arith.addi %mul3A_166, %add3A_167 : i32
        "tpu.region"() ({
          %run_scoped3A = tpu.sem_alloc : memref<!tpu.dma_semaphore, #tpu.memory_space<semaphore_mem>>
          %dma_start3A_169 = arith.constant 0 : i32
          %dma_start3A_170 = tpu.memref_slice %arg13[%add3A_168, %dma_start3A_169] : memref<10240x128xf32, #tpu.memory_space<vmem_shared>> -> memref<80x128xf32, #tpu.memory_space<vmem_shared>>
          %dma_start3A_171 = arith.constant 0 : i32
          %dma_start3A_172 = tpu.memref_slice %arg2[%add3A_164, %dma_start3A_171] : memref<90000x128xf32, #tpu.memory_space<hbm>> -> memref<80x128xf32, #tpu.memory_space<hbm>>
          tpu.enqueue_dma source(%dma_start3A_172 : memref<80x128xf32, #tpu.memory_space<hbm>>) target(%dma_start3A_170 : memref<80x128xf32, #tpu.memory_space<vmem_shared>>) target_semaphore(%run_scoped3A : memref<!tpu.dma_semaphore, #tpu.memory_space<semaphore_mem>>)
          %dma_wait3A_173 = arith.constant 0 : i32
          %dma_wait3A_174 = tpu.memref_slice %arg13[%add3A_168, %dma_wait3A_173] : memref<10240x128xf32, #tpu.memory_space<vmem_shared>> -> memref<80x128xf32, #tpu.memory_space<vmem_shared>>
          %dma_wait3A_175 = arith.constant 0 : i32
          %dma_wait3A_176 = tpu.memref_slice %arg2[%add3A_164, %dma_wait3A_175] : memref<90000x128xf32, #tpu.memory_space<hbm>> -> memref<80x128xf32, #tpu.memory_space<hbm>>
          tpu.wait_dma2 semaphore(%run_scoped3A : memref<!tpu.dma_semaphore, #tpu.memory_space<semaphore_mem>>) src(%dma_wait3A_176 : memref<80x128xf32, #tpu.memory_space<hbm>>) dst(%dma_wait3A_174 : memref<80x128xf32, #tpu.memory_space<vmem_shared>>)
          tpu.yield
        }) : () -> ()
      } else {
      }
      %mul3A_115 = arith.constant 640 : i32
      %mul3A_116 = arith.muli %arg1, %mul3A_115 : i32
      %add3A_117 = arith.constant 320 : i32
      %add3A_118 = arith.addi %mul3A_116, %add3A_117 : i32
      %add3A_119 = arith.constant 80 : i32
      %add3A_120 = arith.addi %add3A_118, %add3A_119 : i32
      %le3A_121 = arith.constant 10000 : i32
      %le3A_122 = arith.cmpi sle, %add3A_120, %le3A_121 : i32
      %convert_element_type3A_123 = arith.extui %le3A_122 : i1 to i32
      %cond3A_124 = arith.constant 0 : i32
      %cond3A_125 = arith.cmpi ne, %convert_element_type3A_123, %cond3A_124 : i32
      scf.if %cond3A_125 {
        %mul3A_159 = arith.constant 640 : i32
        %mul3A_160 = arith.muli %arg1, %mul3A_159 : i32
        %add3A_161 = arith.constant 80000 : i32
        %add3A_162 = arith.addi %add3A_161, %mul3A_160 : i32
        %add3A_163 = arith.constant 320 : i32
        %add3A_164 = arith.addi %add3A_162, %add3A_163 : i32
        %mul3A_165 = arith.constant 640 : i32
        %mul3A_166 = arith.muli %arg1, %mul3A_165 : i32
        %add3A_167 = arith.constant 320 : i32
        %add3A_168 = arith.addi %mul3A_166, %add3A_167 : i32
        "tpu.region"() ({
          %run_scoped3A = tpu.sem_alloc : memref<!tpu.dma_semaphore, #tpu.memory_space<semaphore_mem>>
          %dma_start3A_169 = arith.constant 0 : i32
          %dma_start3A_170 = tpu.memref_slice %arg13[%add3A_168, %dma_start3A_169] : memref<10240x128xf32, #tpu.memory_space<vmem_shared>> -> memref<80x128xf32, #tpu.memory_space<vmem_shared>>
          %dma_start3A_171 = arith.constant 0 : i32
          %dma_start3A_172 = tpu.memref_slice %arg2[%add3A_164, %dma_start3A_171] : memref<90000x128xf32, #tpu.memory_space<hbm>> -> memref<80x128xf32, #tpu.memory_space<hbm>>
          tpu.enqueue_dma source(%dma_start3A_172 : memref<80x128xf32, #tpu.memory_space<hbm>>) target(%dma_start3A_170 : memref<80x128xf32, #tpu.memory_space<vmem_shared>>) target_semaphore(%run_scoped3A : memref<!tpu.dma_semaphore, #tpu.memory_space<semaphore_mem>>)
          %dma_wait3A_173 = arith.constant 0 : i32
          %dma_wait3A_174 = tpu.memref_slice %arg13[%add3A_168, %dma_wait3A_173] : memref<10240x128xf32, #tpu.memory_space<vmem_shared>> -> memref<80x128xf32, #tpu.memory_space<vmem_shared>>
          %dma_wait3A_175 = arith.constant 0 : i32
          %dma_wait3A_176 = tpu.memref_slice %arg2[%add3A_164, %dma_wait3A_175] : memref<90000x128xf32, #tpu.memory_space<hbm>> -> memref<80x128xf32, #tpu.memory_space<hbm>>
          tpu.wait_dma2 semaphore(%run_scoped3A : memref<!tpu.dma_semaphore, #tpu.memory_space<semaphore_mem>>) src(%dma_wait3A_176 : memref<80x128xf32, #tpu.memory_space<hbm>>) dst(%dma_wait3A_174 : memref<80x128xf32, #tpu.memory_space<vmem_shared>>)
          tpu.yield
        }) : () -> ()
      } else {
      }
      %mul3A_126 = arith.constant 640 : i32
      %mul3A_127 = arith.muli %arg1, %mul3A_126 : i32
      %add3A_128 = arith.constant 400 : i32
      %add3A_129 = arith.addi %mul3A_127, %add3A_128 : i32
      %add3A_130 = arith.constant 80 : i32
      %add3A_131 = arith.addi %add3A_129, %add3A_130 : i32
      %le3A_132 = arith.constant 10000 : i32
      %le3A_133 = arith.cmpi sle, %add3A_131, %le3A_132 : i32
      %convert_element_type3A_134 = arith.extui %le3A_133 : i1 to i32
      %cond3A_135 = arith.constant 0 : i32
      %cond3A_136 = arith.cmpi ne, %convert_element_type3A_134, %cond3A_135 : i32
      scf.if %cond3A_136 {
        %mul3A_159 = arith.constant 640 : i32
        %mul3A_160 = arith.muli %arg1, %mul3A_159 : i32
        %add3A_161 = arith.constant 80000 : i32
        %add3A_162 = arith.addi %add3A_161, %mul3A_160 : i32
        %add3A_163 = arith.constant 400 : i32
        %add3A_164 = arith.addi %add3A_162, %add3A_163 : i32
        %mul3A_165 = arith.constant 640 : i32
        %mul3A_166 = arith.muli %arg1, %mul3A_165 : i32
        %add3A_167 = arith.constant 400 : i32
        %add3A_168 = arith.addi %mul3A_166, %add3A_167 : i32
        "tpu.region"() ({
          %run_scoped3A = tpu.sem_alloc : memref<!tpu.dma_semaphore, #tpu.memory_space<semaphore_mem>>
          %dma_start3A_169 = arith.constant 0 : i32
          %dma_start3A_170 = tpu.memref_slice %arg13[%add3A_168, %dma_start3A_169] : memref<10240x128xf32, #tpu.memory_space<vmem_shared>> -> memref<80x128xf32, #tpu.memory_space<vmem_shared>>
          %dma_start3A_171 = arith.constant 0 : i32
          %dma_start3A_172 = tpu.memref_slice %arg2[%add3A_164, %dma_start3A_171] : memref<90000x128xf32, #tpu.memory_space<hbm>> -> memref<80x128xf32, #tpu.memory_space<hbm>>
          tpu.enqueue_dma source(%dma_start3A_172 : memref<80x128xf32, #tpu.memory_space<hbm>>) target(%dma_start3A_170 : memref<80x128xf32, #tpu.memory_space<vmem_shared>>) target_semaphore(%run_scoped3A : memref<!tpu.dma_semaphore, #tpu.memory_space<semaphore_mem>>)
          %dma_wait3A_173 = arith.constant 0 : i32
          %dma_wait3A_174 = tpu.memref_slice %arg13[%add3A_168, %dma_wait3A_173] : memref<10240x128xf32, #tpu.memory_space<vmem_shared>> -> memref<80x128xf32, #tpu.memory_space<vmem_shared>>
          %dma_wait3A_175 = arith.constant 0 : i32
          %dma_wait3A_176 = tpu.memref_slice %arg2[%add3A_164, %dma_wait3A_175] : memref<90000x128xf32, #tpu.memory_space<hbm>> -> memref<80x128xf32, #tpu.memory_space<hbm>>
          tpu.wait_dma2 semaphore(%run_scoped3A : memref<!tpu.dma_semaphore, #tpu.memory_space<semaphore_mem>>) src(%dma_wait3A_176 : memref<80x128xf32, #tpu.memory_space<hbm>>) dst(%dma_wait3A_174 : memref<80x128xf32, #tpu.memory_space<vmem_shared>>)
          tpu.yield
        }) : () -> ()
      } else {
      }
      %mul3A_137 = arith.constant 640 : i32
      %mul3A_138 = arith.muli %arg1, %mul3A_137 : i32
      %add3A_139 = arith.constant 480 : i32
      %add3A_140 = arith.addi %mul3A_138, %add3A_139 : i32
      %add3A_141 = arith.constant 80 : i32
      %add3A_142 = arith.addi %add3A_140, %add3A_141 : i32
      %le3A_143 = arith.constant 10000 : i32
      %le3A_144 = arith.cmpi sle, %add3A_142, %le3A_143 : i32
      %convert_element_type3A_145 = arith.extui %le3A_144 : i1 to i32
      %cond3A_146 = arith.constant 0 : i32
      %cond3A_147 = arith.cmpi ne, %convert_element_type3A_145, %cond3A_146 : i32
      scf.if %cond3A_147 {
        %mul3A_159 = arith.constant 640 : i32
        %mul3A_160 = arith.muli %arg1, %mul3A_159 : i32
        %add3A_161 = arith.constant 80000 : i32
        %add3A_162 = arith.addi %add3A_161, %mul3A_160 : i32
        %add3A_163 = arith.constant 480 : i32
        %add3A_164 = arith.addi %add3A_162, %add3A_163 : i32
        %mul3A_165 = arith.constant 640 : i32
        %mul3A_166 = arith.muli %arg1, %mul3A_165 : i32
        %add3A_167 = arith.constant 480 : i32
        %add3A_168 = arith.addi %mul3A_166, %add3A_167 : i32
        "tpu.region"() ({
          %run_scoped3A = tpu.sem_alloc : memref<!tpu.dma_semaphore, #tpu.memory_space<semaphore_mem>>
          %dma_start3A_169 = arith.constant 0 : i32
          %dma_start3A_170 = tpu.memref_slice %arg13[%add3A_168, %dma_start3A_169] : memref<10240x128xf32, #tpu.memory_space<vmem_shared>> -> memref<80x128xf32, #tpu.memory_space<vmem_shared>>
          %dma_start3A_171 = arith.constant 0 : i32
          %dma_start3A_172 = tpu.memref_slice %arg2[%add3A_164, %dma_start3A_171] : memref<90000x128xf32, #tpu.memory_space<hbm>> -> memref<80x128xf32, #tpu.memory_space<hbm>>
          tpu.enqueue_dma source(%dma_start3A_172 : memref<80x128xf32, #tpu.memory_space<hbm>>) target(%dma_start3A_170 : memref<80x128xf32, #tpu.memory_space<vmem_shared>>) target_semaphore(%run_scoped3A : memref<!tpu.dma_semaphore, #tpu.memory_space<semaphore_mem>>)
          %dma_wait3A_173 = arith.constant 0 : i32
          %dma_wait3A_174 = tpu.memref_slice %arg13[%add3A_168, %dma_wait3A_173] : memref<10240x128xf32, #tpu.memory_space<vmem_shared>> -> memref<80x128xf32, #tpu.memory_space<vmem_shared>>
          %dma_wait3A_175 = arith.constant 0 : i32
          %dma_wait3A_176 = tpu.memref_slice %arg2[%add3A_164, %dma_wait3A_175] : memref<90000x128xf32, #tpu.memory_space<hbm>> -> memref<80x128xf32, #tpu.memory_space<hbm>>
          tpu.wait_dma2 semaphore(%run_scoped3A : memref<!tpu.dma_semaphore, #tpu.memory_space<semaphore_mem>>) src(%dma_wait3A_176 : memref<80x128xf32, #tpu.memory_space<hbm>>) dst(%dma_wait3A_174 : memref<80x128xf32, #tpu.memory_space<vmem_shared>>)
          tpu.yield
        }) : () -> ()
      } else {
      }
      %mul3A_148 = arith.constant 640 : i32
      %mul3A_149 = arith.muli %arg1, %mul3A_148 : i32
      %add3A_150 = arith.constant 560 : i32
      %add3A_151 = arith.addi %mul3A_149, %add3A_150 : i32
      %add3A_152 = arith.constant 80 : i32
      %add3A_153 = arith.addi %add3A_151, %add3A_152 : i32
      %le3A_154 = arith.constant 10000 : i32
      %le3A_155 = arith.cmpi sle, %add3A_153, %le3A_154 : i32
      %convert_element_type3A_156 = arith.extui %le3A_155 : i1 to i32
      %cond3A_157 = arith.constant 0 : i32
      %cond3A_158 = arith.cmpi ne, %convert_element_type3A_156, %cond3A_157 : i32
      scf.if %cond3A_158 {
        %mul3A_159 = arith.constant 640 : i32
        %mul3A_160 = arith.muli %arg1, %mul3A_159 : i32
        %add3A_161 = arith.constant 80000 : i32
        %add3A_162 = arith.addi %add3A_161, %mul3A_160 : i32
        %add3A_163 = arith.constant 560 : i32
        %add3A_164 = arith.addi %add3A_162, %add3A_163 : i32
        %mul3A_165 = arith.constant 640 : i32
        %mul3A_166 = arith.muli %arg1, %mul3A_165 : i32
        %add3A_167 = arith.constant 560 : i32
        %add3A_168 = arith.addi %mul3A_166, %add3A_167 : i32
        "tpu.region"() ({
          %run_scoped3A = tpu.sem_alloc : memref<!tpu.dma_semaphore, #tpu.memory_space<semaphore_mem>>
          %dma_start3A_169 = arith.constant 0 : i32
          %dma_start3A_170 = tpu.memref_slice %arg13[%add3A_168, %dma_start3A_169] : memref<10240x128xf32, #tpu.memory_space<vmem_shared>> -> memref<80x128xf32, #tpu.memory_space<vmem_shared>>
          %dma_start3A_171 = arith.constant 0 : i32
          %dma_start3A_172 = tpu.memref_slice %arg2[%add3A_164, %dma_start3A_171] : memref<90000x128xf32, #tpu.memory_space<hbm>> -> memref<80x128xf32, #tpu.memory_space<hbm>>
          tpu.enqueue_dma source(%dma_start3A_172 : memref<80x128xf32, #tpu.memory_space<hbm>>) target(%dma_start3A_170 : memref<80x128xf32, #tpu.memory_space<vmem_shared>>) target_semaphore(%run_scoped3A : memref<!tpu.dma_semaphore, #tpu.memory_space<semaphore_mem>>)
          %dma_wait3A_173 = arith.constant 0 : i32
          %dma_wait3A_174 = tpu.memref_slice %arg13[%add3A_168, %dma_wait3A_173] : memref<10240x128xf32, #tpu.memory_space<vmem_shared>> -> memref<80x128xf32, #tpu.memory_space<vmem_shared>>
          %dma_wait3A_175 = arith.constant 0 : i32
          %dma_wait3A_176 = tpu.memref_slice %arg2[%add3A_164, %dma_wait3A_175] : memref<90000x128xf32, #tpu.memory_space<hbm>> -> memref<80x128xf32, #tpu.memory_space<hbm>>
          tpu.wait_dma2 semaphore(%run_scoped3A : memref<!tpu.dma_semaphore, #tpu.memory_space<semaphore_mem>>) src(%dma_wait3A_176 : memref<80x128xf32, #tpu.memory_space<hbm>>) dst(%dma_wait3A_174 : memref<80x128xf32, #tpu.memory_space<vmem_shared>>)
          tpu.yield
        }) : () -> ()
      } else {
      }
    } else {
    }
    %ne3A = arith.constant 0 : i32
    %ne3A_3 = arith.cmpi ne, %arg0, %ne3A : i32
    %convert_element_type3A_4 = arith.extui %ne3A_3 : i1 to i32
    %cond3A_5 = arith.constant 0 : i32
    %cond3A_6 = arith.cmpi ne, %convert_element_type3A_4, %cond3A_5 : i32
    scf.if %cond3A_6 {
      %mul3A_72 = arith.constant 640 : i32
      %mul3A_73 = arith.muli %arg1, %mul3A_72 : i32
      "tpu.region"() ({
        %run_scoped3A = tpu.sem_alloc : memref<!tpu.dma_semaphore, #tpu.memory_space<semaphore_mem>>
        %dma_start3A_74 = arith.constant 0 : i32
        %dma_start3A_75 = tpu.memref_slice %arg13[%mul3A_73, %dma_start3A_74] : memref<10240x128xf32, #tpu.memory_space<vmem_shared>> -> memref<640x128xf32, #tpu.memory_space<vmem_shared>>
        tpu.enqueue_dma source(%arg5 : memref<640x128xf32, #tpu.memory_space<hbm>>) target(%dma_start3A_75 : memref<640x128xf32, #tpu.memory_space<vmem_shared>>) target_semaphore(%run_scoped3A : memref<!tpu.dma_semaphore, #tpu.memory_space<semaphore_mem>>)
        %dma_wait3A_76 = arith.constant 0 : i32
        %dma_wait3A_77 = tpu.memref_slice %arg13[%mul3A_73, %dma_wait3A_76] : memref<10240x128xf32, #tpu.memory_space<vmem_shared>> -> memref<640x128xf32, #tpu.memory_space<vmem_shared>>
        tpu.wait_dma2 semaphore(%run_scoped3A : memref<!tpu.dma_semaphore, #tpu.memory_space<semaphore_mem>>) src(%arg5 : memref<640x128xf32, #tpu.memory_space<hbm>>) dst(%dma_wait3A_77 : memref<640x128xf32, #tpu.memory_space<vmem_shared>>)
        tpu.yield
      }) : () -> ()
    } else {
    }
    %barrier3A = arith.constant 0 : index
    tpu.barrier barrier_id(%barrier3A)
    %dma_start3A = arith.constant 0 : i32
    %dma_start3A_7 = arith.constant 0 : i32
    %dma_start3A_8 = arith.constant 0 : i32
    %dma_start3A_9 = tpu.memref_slice %arg3[%add3A, %dma_start3A, %dma_start3A_7, %dma_start3A_8] : memref<32x125x2x80xi32, #tpu.memory_space<hbm>> -> memref<1x1x2x80xi32, #tpu.memory_space<hbm>>
    %dma_start3A_10 = tpu.memref_squeeze %dma_start3A_9 : memref<1x1x2x80xi32, #tpu.memory_space<hbm>> -> memref<2x80xi32, #tpu.memory_space<hbm>>
    %dma_start3A_11 = arith.constant 0 : i32
    %dma_start3A_12 = arith.constant 0 : i32
    %dma_start3A_13 = tpu.memref_slice %arg3[%add3A, %dma_start3A, %dma_start3A_11, %dma_start3A_12] : memref<32x125x2x80xi32, #tpu.memory_space<hbm>> -> memref<1x1x2x80xi32, #tpu.memory_space<hbm>>
    %dma_start3A_14 = tpu.memref_squeeze %dma_start3A_13 : memref<1x1x2x80xi32, #tpu.memory_space<hbm>> -> memref<2x80xi32, #tpu.memory_space<hbm>>
    tpu.enqueue_dma source(%dma_start3A_14 : memref<2x80xi32, #tpu.memory_space<hbm>>) target(%arg7 : memref<2x80xi32, #tpu.memory_space<vmem>>) target_semaphore(%arg18 : memref<!tpu.dma_semaphore, #tpu.memory_space<semaphore_mem>>)
    %dma_start3A_15 = arith.constant 1 : i32
    %dma_start3A_16 = arith.constant 0 : i32
    %dma_start3A_17 = arith.constant 0 : i32
    %dma_start3A_18 = tpu.memref_slice %arg3[%add3A, %dma_start3A_15, %dma_start3A_16, %dma_start3A_17] : memref<32x125x2x80xi32, #tpu.memory_space<hbm>> -> memref<1x1x2x80xi32, #tpu.memory_space<hbm>>
    %dma_start3A_19 = tpu.memref_squeeze %dma_start3A_18 : memref<1x1x2x80xi32, #tpu.memory_space<hbm>> -> memref<2x80xi32, #tpu.memory_space<hbm>>
    %dma_start3A_20 = arith.constant 0 : i32
    %dma_start3A_21 = arith.constant 0 : i32
    %dma_start3A_22 = tpu.memref_slice %arg3[%add3A, %dma_start3A_15, %dma_start3A_20, %dma_start3A_21] : memref<32x125x2x80xi32, #tpu.memory_space<hbm>> -> memref<1x1x2x80xi32, #tpu.memory_space<hbm>>
    %dma_start3A_23 = tpu.memref_squeeze %dma_start3A_22 : memref<1x1x2x80xi32, #tpu.memory_space<hbm>> -> memref<2x80xi32, #tpu.memory_space<hbm>>
    tpu.enqueue_dma source(%dma_start3A_23 : memref<2x80xi32, #tpu.memory_space<hbm>>) target(%arg8 : memref<2x80xi32, #tpu.memory_space<vmem>>) target_semaphore(%arg19 : memref<!tpu.dma_semaphore, #tpu.memory_space<semaphore_mem>>)
    %dma_wait3A = arith.constant 0 : i32
    %dma_wait3A_24 = arith.constant 0 : i32
    %dma_wait3A_25 = arith.constant 0 : i32
    %dma_wait3A_26 = tpu.memref_slice %arg3[%add3A, %dma_wait3A, %dma_wait3A_24, %dma_wait3A_25] : memref<32x125x2x80xi32, #tpu.memory_space<hbm>> -> memref<1x1x2x80xi32, #tpu.memory_space<hbm>>
    %dma_wait3A_27 = tpu.memref_squeeze %dma_wait3A_26 : memref<1x1x2x80xi32, #tpu.memory_space<hbm>> -> memref<2x80xi32, #tpu.memory_space<hbm>>
    %dma_wait3A_28 = arith.constant 0 : i32
    %dma_wait3A_29 = arith.constant 0 : i32
    %dma_wait3A_30 = tpu.memref_slice %arg3[%add3A, %dma_wait3A, %dma_wait3A_28, %dma_wait3A_29] : memref<32x125x2x80xi32, #tpu.memory_space<hbm>> -> memref<1x1x2x80xi32, #tpu.memory_space<hbm>>
    %dma_wait3A_31 = tpu.memref_squeeze %dma_wait3A_30 : memref<1x1x2x80xi32, #tpu.memory_space<hbm>> -> memref<2x80xi32, #tpu.memory_space<hbm>>
    tpu.wait_dma2 semaphore(%arg18 : memref<!tpu.dma_semaphore, #tpu.memory_space<semaphore_mem>>) src(%dma_wait3A_31 : memref<2x80xi32, #tpu.memory_space<hbm>>) dst(%arg7 : memref<2x80xi32, #tpu.memory_space<vmem>>)
    %dma_start3A_32 = arith.constant 0 : i32
    %dma_start3A_33 = arith.constant 0 : i32
    %dma_start3A_34 = tpu.memref_slice %arg7[%dma_start3A_32, %dma_start3A_33] : memref<2x80xi32, #tpu.memory_space<vmem>> -> memref<1x80xi32, #tpu.memory_space<vmem>>
    %dma_start3A_35 = tpu.memref_squeeze %dma_start3A_34 : memref<1x80xi32, #tpu.memory_space<vmem>> -> memref<80xi32, #tpu.memory_space<vmem>>
    %dma_start3A_36 = arith.constant 0 : i32
    %dma_start3A_37 = arith.constant 0 : i32
    %dma_start3A_38 = tpu.memref_slice %arg2[%dma_start3A_36, %dma_start3A_37] : memref<90000x128xf32, #tpu.memory_space<hbm>> -> memref<90000x128xf32, #tpu.memory_space<hbm>>
    tpu.enqueue_indirect_dma source(%dma_start3A_38 : memref<90000x128xf32, #tpu.memory_space<hbm>>) target(%arg11 : memref<80x128xf32, #tpu.memory_space<vmem>>) offsets(%dma_start3A_35 : memref<80xi32, #tpu.memory_space<vmem>>) semaphore(%arg14 : memref<!tpu.dma_semaphore, #tpu.memory_space<semaphore_mem>>)
    %dma_start3A_39 = arith.constant 0 : i32
    %dma_start3A_40 = arith.constant 0 : i32
    %dma_start3A_41 = tpu.memref_slice %arg4[%add3A, %dma_start3A_39, %dma_start3A_40] : memref<32x125x80xf32, #tpu.memory_space<hbm>> -> memref<1x1x80xf32, #tpu.memory_space<hbm>>
    %dma_start3A_42 = tpu.memref_squeeze %dma_start3A_41 : memref<1x1x80xf32, #tpu.memory_space<hbm>> -> memref<80xf32, #tpu.memory_space<hbm>>
    %dma_start3A_43 = arith.constant 0 : i32
    %dma_start3A_44 = tpu.memref_slice %arg4[%add3A, %dma_start3A_39, %dma_start3A_43] : memref<32x125x80xf32, #tpu.memory_space<hbm>> -> memref<1x1x80xf32, #tpu.memory_space<hbm>>
    %dma_start3A_45 = tpu.memref_squeeze %dma_start3A_44 : memref<1x1x80xf32, #tpu.memory_space<hbm>> -> memref<80xf32, #tpu.memory_space<hbm>>
    tpu.enqueue_dma source(%dma_start3A_45 : memref<80xf32, #tpu.memory_space<hbm>>) target(%arg9 : memref<80xf32, #tpu.memory_space<vmem>>) target_semaphore(%arg16 : memref<!tpu.dma_semaphore, #tpu.memory_space<semaphore_mem>>)
    %scan3A = arith.constant 0 : i32
    %scan3A_46 = arith.constant 0 : i32
    %scan3A_47 = arith.constant 63 : i32
    %scan3A_48 = arith.addi %scan3A_46, %scan3A_47 : i32
    %scan3A_49 = arith.constant 1 : i32
    scf.for %scan3A_72 = %scan3A_46 to %scan3A_48 step %scan3A_49  : i32 {
      %mul3A_73 = arith.constant 2 : i32
      %mul3A_74 = arith.muli %scan3A_72, %mul3A_73 : i32
      %add3A_75 = arith.constant 0 : i32
      %add3A_76 = arith.addi %mul3A_74, %add3A_75 : i32
      %lt3A = arith.constant 125 : i32
      %lt3A_77 = arith.cmpi slt, %add3A_76, %lt3A : i32
      %convert_element_type3A_78 = arith.extui %lt3A_77 : i1 to i32
      %cond3A_79 = arith.constant 0 : i32
      %cond3A_80 = arith.cmpi ne, %convert_element_type3A_78, %cond3A_79 : i32
      scf.if %cond3A_80 {
        %add3A_90 = arith.constant 1 : i32
        %add3A_91 = arith.addi %add3A_76, %add3A_90 : i32
        %lt3A_92 = arith.constant 125 : i32
        %lt3A_93 = arith.cmpi slt, %add3A_91, %lt3A_92 : i32
        %convert_element_type3A_94 = arith.extui %lt3A_93 : i1 to i32
        %cond3A_95 = arith.constant 0 : i32
        %cond3A_96 = arith.cmpi ne, %convert_element_type3A_94, %cond3A_95 : i32
        scf.if %cond3A_96 {
          %add3A_123 = arith.constant 1 : i32
          %add3A_124 = arith.addi %add3A_76, %add3A_123 : i32
          %dma_wait3A_125 = arith.constant 0 : i32
          %dma_wait3A_126 = arith.constant 0 : i32
          %dma_wait3A_127 = tpu.memref_slice %arg3[%add3A, %add3A_124, %dma_wait3A_125, %dma_wait3A_126] : memref<32x125x2x80xi32, #tpu.memory_space<hbm>> -> memref<1x1x2x80xi32, #tpu.memory_space<hbm>>
          %dma_wait3A_128 = tpu.memref_squeeze %dma_wait3A_127 : memref<1x1x2x80xi32, #tpu.memory_space<hbm>> -> memref<2x80xi32, #tpu.memory_space<hbm>>
          %dma_wait3A_129 = arith.constant 0 : i32
          %dma_wait3A_130 = arith.constant 0 : i32
          %dma_wait3A_131 = tpu.memref_slice %arg3[%add3A, %add3A_124, %dma_wait3A_129, %dma_wait3A_130] : memref<32x125x2x80xi32, #tpu.memory_space<hbm>> -> memref<1x1x2x80xi32, #tpu.memory_space<hbm>>
          %dma_wait3A_132 = tpu.memref_squeeze %dma_wait3A_131 : memref<1x1x2x80xi32, #tpu.memory_space<hbm>> -> memref<2x80xi32, #tpu.memory_space<hbm>>
          tpu.wait_dma2 semaphore(%arg19 : memref<!tpu.dma_semaphore, #tpu.memory_space<semaphore_mem>>) src(%dma_wait3A_132 : memref<2x80xi32, #tpu.memory_space<hbm>>) dst(%arg8 : memref<2x80xi32, #tpu.memory_space<vmem>>)
          %add3A_133 = arith.constant 1 : i32
          %add3A_134 = arith.addi %add3A_76, %add3A_133 : i32
          %dma_start3A_135 = arith.constant 0 : i32
          %dma_start3A_136 = arith.constant 0 : i32
          %dma_start3A_137 = tpu.memref_slice %arg8[%dma_start3A_135, %dma_start3A_136] : memref<2x80xi32, #tpu.memory_space<vmem>> -> memref<1x80xi32, #tpu.memory_space<vmem>>
          %dma_start3A_138 = tpu.memref_squeeze %dma_start3A_137 : memref<1x80xi32, #tpu.memory_space<vmem>> -> memref<80xi32, #tpu.memory_space<vmem>>
          %dma_start3A_139 = arith.constant 0 : i32
          %dma_start3A_140 = arith.constant 0 : i32
          %dma_start3A_141 = tpu.memref_slice %arg2[%dma_start3A_139, %dma_start3A_140] : memref<90000x128xf32, #tpu.memory_space<hbm>> -> memref<90000x128xf32, #tpu.memory_space<hbm>>
          tpu.enqueue_indirect_dma source(%dma_start3A_141 : memref<90000x128xf32, #tpu.memory_space<hbm>>) target(%arg12 : memref<80x128xf32, #tpu.memory_space<vmem>>) offsets(%dma_start3A_138 : memref<80xi32, #tpu.memory_space<vmem>>) semaphore(%arg15 : memref<!tpu.dma_semaphore, #tpu.memory_space<semaphore_mem>>)
          %dma_start3A_142 = arith.constant 0 : i32
          %dma_start3A_143 = tpu.memref_slice %arg4[%add3A, %add3A_134, %dma_start3A_142] : memref<32x125x80xf32, #tpu.memory_space<hbm>> -> memref<1x1x80xf32, #tpu.memory_space<hbm>>
          %dma_start3A_144 = tpu.memref_squeeze %dma_start3A_143 : memref<1x1x80xf32, #tpu.memory_space<hbm>> -> memref<80xf32, #tpu.memory_space<hbm>>
          %dma_start3A_145 = arith.constant 0 : i32
          %dma_start3A_146 = tpu.memref_slice %arg4[%add3A, %add3A_134, %dma_start3A_145] : memref<32x125x80xf32, #tpu.memory_space<hbm>> -> memref<1x1x80xf32, #tpu.memory_space<hbm>>
          %dma_start3A_147 = tpu.memref_squeeze %dma_start3A_146 : memref<1x1x80xf32, #tpu.memory_space<hbm>> -> memref<80xf32, #tpu.memory_space<hbm>>
          tpu.enqueue_dma source(%dma_start3A_147 : memref<80xf32, #tpu.memory_space<hbm>>) target(%arg10 : memref<80xf32, #tpu.memory_space<vmem>>) target_semaphore(%arg17 : memref<!tpu.dma_semaphore, #tpu.memory_space<semaphore_mem>>)
        } else {
        }
        %dma_wait3A_97 = arith.constant 0 : i32
        %dma_wait3A_98 = arith.constant 0 : i32
        %dma_wait3A_99 = tpu.memref_slice %arg7[%dma_wait3A_97, %dma_wait3A_98] : memref<2x80xi32, #tpu.memory_space<vmem>> -> memref<1x80xi32, #tpu.memory_space<vmem>>
        %dma_wait3A_100 = tpu.memref_squeeze %dma_wait3A_99 : memref<1x80xi32, #tpu.memory_space<vmem>> -> memref<80xi32, #tpu.memory_space<vmem>>
        %dma_wait3A_101 = arith.constant 0 : i32
        %dma_wait3A_102 = arith.constant 0 : i32
        %dma_wait3A_103 = tpu.memref_slice %arg2[%dma_wait3A_101, %dma_wait3A_102] : memref<90000x128xf32, #tpu.memory_space<hbm>> -> memref<90000x128xf32, #tpu.memory_space<hbm>>
        tpu.wait_indirect_dma semaphore(%arg14 : memref<!tpu.dma_semaphore, #tpu.memory_space<semaphore_mem>>) src(%dma_wait3A_103 : memref<90000x128xf32, #tpu.memory_space<hbm>>) dst(%arg11 : memref<80x128xf32, #tpu.memory_space<vmem>>)
        %dma_wait3A_104 = arith.constant 0 : i32
        %dma_wait3A_105 = tpu.memref_slice %arg4[%add3A, %add3A_76, %dma_wait3A_104] : memref<32x125x80xf32, #tpu.memory_space<hbm>> -> memref<1x1x80xf32, #tpu.memory_space<hbm>>
        %dma_wait3A_106 = tpu.memref_squeeze %dma_wait3A_105 : memref<1x1x80xf32, #tpu.memory_space<hbm>> -> memref<80xf32, #tpu.memory_space<hbm>>
        %dma_wait3A_107 = arith.constant 0 : i32
        %dma_wait3A_108 = tpu.memref_slice %arg4[%add3A, %add3A_76, %dma_wait3A_107] : memref<32x125x80xf32, #tpu.memory_space<hbm>> -> memref<1x1x80xf32, #tpu.memory_space<hbm>>
        %dma_wait3A_109 = tpu.memref_squeeze %dma_wait3A_108 : memref<1x1x80xf32, #tpu.memory_space<hbm>> -> memref<80xf32, #tpu.memory_space<hbm>>
        tpu.wait_dma2 semaphore(%arg16 : memref<!tpu.dma_semaphore, #tpu.memory_space<semaphore_mem>>) src(%dma_wait3A_109 : memref<80xf32, #tpu.memory_space<hbm>>) dst(%arg9 : memref<80xf32, #tpu.memory_space<vmem>>)
        %scan3A_110 = arith.constant 0 : i32
        %scan3A_111 = arith.constant 0 : i32
        %scan3A_112 = arith.constant 80 : i32
        %scan3A_113 = arith.addi %scan3A_111, %scan3A_112 : i32
        %scan3A_114 = arith.constant 1 : i32
        scf.for %scan3A_123 = %scan3A_111 to %scan3A_113 step %scan3A_114  : i32 {
          %broadcast_in_dim3A = vector.broadcast %scan3A_123 : i32 to vector<16xi32>
          %gather3A = tpu.vector_load_idx %arg9[%broadcast_in_dim3A] : memref<80xf32, #tpu.memory_space<vmem>>[vector<16xi32>], vector<16xf32>,
          %get3A = arith.index_cast %scan3A_123 : i32 to index
          %get3A_124 = arith.constant 0 : index
          %get3A_125 = tpu.vector_load %arg11[%get3A, %get3A_124] {strides = array<i32>} : memref<80x128xf32, #tpu.memory_space<vmem>>, vector<16xf32>,
          %mul3A_126 = arith.mulf %get3A_125, %gather3A : vector<16xf32>
          %swap3A = arith.index_cast %scan3A_123 : i32 to index
          %swap3A_127 = arith.constant 0 : index
          %swap3A_128 = tpu.vector_load %arg11[%swap3A, %swap3A_127] {strides = array<i32>} : memref<80x128xf32, #tpu.memory_space<vmem>>, vector<16xf32>,
          tpu.vector_store %arg11[%swap3A, %swap3A_127], %mul3A_126 {strides = array<i32>} : memref<80x128xf32, #tpu.memory_space<vmem>>, vector<16xf32>,
          %get3A_129 = arith.index_cast %scan3A_123 : i32 to index
          %get3A_130 = arith.constant 16 : index
          %get3A_131 = tpu.vector_load %arg11[%get3A_129, %get3A_130] {strides = array<i32>} : memref<80x128xf32, #tpu.memory_space<vmem>>, vector<16xf32>,
          %mul3A_132 = arith.mulf %get3A_131, %gather3A : vector<16xf32>
          %swap3A_133 = arith.index_cast %scan3A_123 : i32 to index
          %swap3A_134 = arith.constant 16 : index
          %swap3A_135 = tpu.vector_load %arg11[%swap3A_133, %swap3A_134] {strides = array<i32>} : memref<80x128xf32, #tpu.memory_space<vmem>>, vector<16xf32>,
          tpu.vector_store %arg11[%swap3A_133, %swap3A_134], %mul3A_132 {strides = array<i32>} : memref<80x128xf32, #tpu.memory_space<vmem>>, vector<16xf32>,
          %get3A_136 = arith.index_cast %scan3A_123 : i32 to index
          %get3A_137 = arith.constant 32 : index
          %get3A_138 = tpu.vector_load %arg11[%get3A_136, %get3A_137] {strides = array<i32>} : memref<80x128xf32, #tpu.memory_space<vmem>>, vector<16xf32>,
          %mul3A_139 = arith.mulf %get3A_138, %gather3A : vector<16xf32>
          %swap3A_140 = arith.index_cast %scan3A_123 : i32 to index
          %swap3A_141 = arith.constant 32 : index
          %swap3A_142 = tpu.vector_load %arg11[%swap3A_140, %swap3A_141] {strides = array<i32>} : memref<80x128xf32, #tpu.memory_space<vmem>>, vector<16xf32>,
          tpu.vector_store %arg11[%swap3A_140, %swap3A_141], %mul3A_139 {strides = array<i32>} : memref<80x128xf32, #tpu.memory_space<vmem>>, vector<16xf32>,
          %get3A_143 = arith.index_cast %scan3A_123 : i32 to index
          %get3A_144 = arith.constant 48 : index
          %get3A_145 = tpu.vector_load %arg11[%get3A_143, %get3A_144] {strides = array<i32>} : memref<80x128xf32, #tpu.memory_space<vmem>>, vector<16xf32>,
          %mul3A_146 = arith.mulf %get3A_145, %gather3A : vector<16xf32>
          %swap3A_147 = arith.index_cast %scan3A_123 : i32 to index
          %swap3A_148 = arith.constant 48 : index
          %swap3A_149 = tpu.vector_load %arg11[%swap3A_147, %swap3A_148] {strides = array<i32>} : memref<80x128xf32, #tpu.memory_space<vmem>>, vector<16xf32>,
          tpu.vector_store %arg11[%swap3A_147, %swap3A_148], %mul3A_146 {strides = array<i32>} : memref<80x128xf32, #tpu.memory_space<vmem>>, vector<16xf32>,
          %get3A_150 = arith.index_cast %scan3A_123 : i32 to index
          %get3A_151 = arith.constant 64 : index
          %get3A_152 = tpu.vector_load %arg11[%get3A_150, %get3A_151] {strides = array<i32>} : memref<80x128xf32, #tpu.memory_space<vmem>>, vector<16xf32>,
          %mul3A_153 = arith.mulf %get3A_152, %gather3A : vector<16xf32>
          %swap3A_154 = arith.index_cast %scan3A_123 : i32 to index
          %swap3A_155 = arith.constant 64 : index
          %swap3A_156 = tpu.vector_load %arg11[%swap3A_154, %swap3A_155] {strides = array<i32>} : memref<80x128xf32, #tpu.memory_space<vmem>>, vector<16xf32>,
          tpu.vector_store %arg11[%swap3A_154, %swap3A_155], %mul3A_153 {strides = array<i32>} : memref<80x128xf32, #tpu.memory_space<vmem>>, vector<16xf32>,
          %get3A_157 = arith.index_cast %scan3A_123 : i32 to index
          %get3A_158 = arith.constant 80 : index
          %get3A_159 = tpu.vector_load %arg11[%get3A_157, %get3A_158] {strides = array<i32>} : memref<80x128xf32, #tpu.memory_space<vmem>>, vector<16xf32>,
          %mul3A_160 = arith.mulf %get3A_159, %gather3A : vector<16xf32>
          %swap3A_161 = arith.index_cast %scan3A_123 : i32 to index
          %swap3A_162 = arith.constant 80 : index
          %swap3A_163 = tpu.vector_load %arg11[%swap3A_161, %swap3A_162] {strides = array<i32>} : memref<80x128xf32, #tpu.memory_space<vmem>>, vector<16xf32>,
          tpu.vector_store %arg11[%swap3A_161, %swap3A_162], %mul3A_160 {strides = array<i32>} : memref<80x128xf32, #tpu.memory_space<vmem>>, vector<16xf32>,
          %get3A_164 = arith.index_cast %scan3A_123 : i32 to index
          %get3A_165 = arith.constant 96 : index
          %get3A_166 = tpu.vector_load %arg11[%get3A_164, %get3A_165] {strides = array<i32>} : memref<80x128xf32, #tpu.memory_space<vmem>>, vector<16xf32>,
          %mul3A_167 = arith.mulf %get3A_166, %gather3A : vector<16xf32>
          %swap3A_168 = arith.index_cast %scan3A_123 : i32 to index
          %swap3A_169 = arith.constant 96 : index
          %swap3A_170 = tpu.vector_load %arg11[%swap3A_168, %swap3A_169] {strides = array<i32>} : memref<80x128xf32, #tpu.memory_space<vmem>>, vector<16xf32>,
          tpu.vector_store %arg11[%swap3A_168, %swap3A_169], %mul3A_167 {strides = array<i32>} : memref<80x128xf32, #tpu.memory_space<vmem>>, vector<16xf32>,
          %get3A_171 = arith.index_cast %scan3A_123 : i32 to index
          %get3A_172 = arith.constant 112 : index
          %get3A_173 = tpu.vector_load %arg11[%get3A_171, %get3A_172] {strides = array<i32>} : memref<80x128xf32, #tpu.memory_space<vmem>>, vector<16xf32>,
          %mul3A_174 = arith.mulf %get3A_173, %gather3A : vector<16xf32>
          %swap3A_175 = arith.index_cast %scan3A_123 : i32 to index
          %swap3A_176 = arith.constant 112 : index
          %swap3A_177 = tpu.vector_load %arg11[%swap3A_175, %swap3A_176] {strides = array<i32>} : memref<80x128xf32, #tpu.memory_space<vmem>>, vector<16xf32>,
          tpu.vector_store %arg11[%swap3A_175, %swap3A_176], %mul3A_174 {strides = array<i32>} : memref<80x128xf32, #tpu.memory_space<vmem>>, vector<16xf32>,
        }
        %scan3A_115 = arith.constant 80 : i32
        %run_scoped3A = arith.constant 1 : i32
        "tpu.region"() ({
          %run_scoped3A_123 = tpu.sem_alloc : memref<!tpu.dma_semaphore, #tpu.memory_space<semaphore_mem>>
          %dma_start3A_124 = arith.constant 0 : i32
          %dma_start3A_125 = tpu.memref_slice %arg7[%run_scoped3A, %dma_start3A_124] : memref<2x80xi32, #tpu.memory_space<vmem>> -> memref<1x80xi32, #tpu.memory_space<vmem>>
          %dma_start3A_126 = tpu.memref_squeeze %dma_start3A_125 : memref<1x80xi32, #tpu.memory_space<vmem>> -> memref<80xi32, #tpu.memory_space<vmem>>
          %dma_start3A_127 = arith.constant 0 : i32
          %dma_start3A_128 = arith.constant 0 : i32
          %dma_start3A_129 = tpu.memref_slice %arg13[%dma_start3A_127, %dma_start3A_128] : memref<10240x128xf32, #tpu.memory_space<vmem_shared>> -> memref<10240x128xf32, #tpu.memory_space<vmem_shared>>
          tpu.enqueue_indirect_dma source(%arg11 : memref<80x128xf32, #tpu.memory_space<vmem>>) target(%dma_start3A_129 : memref<10240x128xf32, #tpu.memory_space<vmem_shared>>) offsets(%dma_start3A_126 : memref<80xi32, #tpu.memory_space<vmem>>) semaphore(%run_scoped3A_123 : memref<!tpu.dma_semaphore, #tpu.memory_space<semaphore_mem>>) {add = true}
          %dma_wait3A_130 = arith.constant 0 : i32
          %dma_wait3A_131 = tpu.memref_slice %arg7[%run_scoped3A, %dma_wait3A_130] : memref<2x80xi32, #tpu.memory_space<vmem>> -> memref<1x80xi32, #tpu.memory_space<vmem>>
          %dma_wait3A_132 = tpu.memref_squeeze %dma_wait3A_131 : memref<1x80xi32, #tpu.memory_space<vmem>> -> memref<80xi32, #tpu.memory_space<vmem>>
          %dma_wait3A_133 = arith.constant 0 : i32
          %dma_wait3A_134 = arith.constant 0 : i32
          %dma_wait3A_135 = tpu.memref_slice %arg13[%dma_wait3A_133, %dma_wait3A_134] : memref<10240x128xf32, #tpu.memory_space<vmem_shared>> -> memref<10240x128xf32, #tpu.memory_space<vmem_shared>>
          tpu.wait_indirect_dma semaphore(%run_scoped3A_123 : memref<!tpu.dma_semaphore, #tpu.memory_space<semaphore_mem>>) src(%arg11 : memref<80x128xf32, #tpu.memory_space<vmem>>) dst(%dma_wait3A_135 : memref<10240x128xf32, #tpu.memory_space<vmem_shared>>)
          tpu.yield
        }) : () -> ()
        %add3A_116 = arith.constant 2 : i32
        %add3A_117 = arith.addi %add3A_76, %add3A_116 : i32
        %lt3A_118 = arith.constant 125 : i32
        %lt3A_119 = arith.cmpi slt, %add3A_117, %lt3A_118 : i32
        %convert_element_type3A_120 = arith.extui %lt3A_119 : i1 to i32
        %cond3A_121 = arith.constant 0 : i32
        %cond3A_122 = arith.cmpi ne, %convert_element_type3A_120, %cond3A_121 : i32
        scf.if %cond3A_122 {
          %add3A_123 = arith.constant 2 : i32
          %add3A_124 = arith.addi %add3A_76, %add3A_123 : i32
          %dma_start3A_125 = arith.constant 0 : i32
          %dma_start3A_126 = arith.constant 0 : i32
          %dma_start3A_127 = tpu.memref_slice %arg3[%add3A, %add3A_124, %dma_start3A_125, %dma_start3A_126] : memref<32x125x2x80xi32, #tpu.memory_space<hbm>> -> memref<1x1x2x80xi32, #tpu.memory_space<hbm>>
          %dma_start3A_128 = tpu.memref_squeeze %dma_start3A_127 : memref<1x1x2x80xi32, #tpu.memory_space<hbm>> -> memref<2x80xi32, #tpu.memory_space<hbm>>
          %dma_start3A_129 = arith.constant 0 : i32
          %dma_start3A_130 = arith.constant 0 : i32
          %dma_start3A_131 = tpu.memref_slice %arg3[%add3A, %add3A_124, %dma_start3A_129, %dma_start3A_130] : memref<32x125x2x80xi32, #tpu.memory_space<hbm>> -> memref<1x1x2x80xi32, #tpu.memory_space<hbm>>
          %dma_start3A_132 = tpu.memref_squeeze %dma_start3A_131 : memref<1x1x2x80xi32, #tpu.memory_space<hbm>> -> memref<2x80xi32, #tpu.memory_space<hbm>>
          tpu.enqueue_dma source(%dma_start3A_132 : memref<2x80xi32, #tpu.memory_space<hbm>>) target(%arg7 : memref<2x80xi32, #tpu.memory_space<vmem>>) target_semaphore(%arg18 : memref<!tpu.dma_semaphore, #tpu.memory_space<semaphore_mem>>)
        } else {
        }
      } else {
      }
      %mul3A_81 = arith.constant 2 : i32
      %mul3A_82 = arith.muli %scan3A_72, %mul3A_81 : i32
      %add3A_83 = arith.constant 1 : i32
      %add3A_84 = arith.addi %mul3A_82, %add3A_83 : i32
      %lt3A_85 = arith.constant 125 : i32
      %lt3A_86 = arith.cmpi slt, %add3A_84, %lt3A_85 : i32
      %convert_element_type3A_87 = arith.extui %lt3A_86 : i1 to i32
      %cond3A_88 = arith.constant 0 : i32
      %cond3A_89 = arith.cmpi ne, %convert_element_type3A_87, %cond3A_88 : i32
      scf.if %cond3A_89 {
        %add3A_90 = arith.constant 1 : i32
        %add3A_91 = arith.addi %add3A_84, %add3A_90 : i32
        %lt3A_92 = arith.constant 125 : i32
        %lt3A_93 = arith.cmpi slt, %add3A_91, %lt3A_92 : i32
        %convert_element_type3A_94 = arith.extui %lt3A_93 : i1 to i32
        %cond3A_95 = arith.constant 0 : i32
        %cond3A_96 = arith.cmpi ne, %convert_element_type3A_94, %cond3A_95 : i32
        scf.if %cond3A_96 {
          %add3A_123 = arith.constant 1 : i32
          %add3A_124 = arith.addi %add3A_84, %add3A_123 : i32
          %dma_wait3A_125 = arith.constant 0 : i32
          %dma_wait3A_126 = arith.constant 0 : i32
          %dma_wait3A_127 = tpu.memref_slice %arg3[%add3A, %add3A_124, %dma_wait3A_125, %dma_wait3A_126] : memref<32x125x2x80xi32, #tpu.memory_space<hbm>> -> memref<1x1x2x80xi32, #tpu.memory_space<hbm>>
          %dma_wait3A_128 = tpu.memref_squeeze %dma_wait3A_127 : memref<1x1x2x80xi32, #tpu.memory_space<hbm>> -> memref<2x80xi32, #tpu.memory_space<hbm>>
          %dma_wait3A_129 = arith.constant 0 : i32
          %dma_wait3A_130 = arith.constant 0 : i32
          %dma_wait3A_131 = tpu.memref_slice %arg3[%add3A, %add3A_124, %dma_wait3A_129, %dma_wait3A_130] : memref<32x125x2x80xi32, #tpu.memory_space<hbm>> -> memref<1x1x2x80xi32, #tpu.memory_space<hbm>>
          %dma_wait3A_132 = tpu.memref_squeeze %dma_wait3A_131 : memref<1x1x2x80xi32, #tpu.memory_space<hbm>> -> memref<2x80xi32, #tpu.memory_space<hbm>>
          tpu.wait_dma2 semaphore(%arg18 : memref<!tpu.dma_semaphore, #tpu.memory_space<semaphore_mem>>) src(%dma_wait3A_132 : memref<2x80xi32, #tpu.memory_space<hbm>>) dst(%arg7 : memref<2x80xi32, #tpu.memory_space<vmem>>)
          %add3A_133 = arith.constant 1 : i32
          %add3A_134 = arith.addi %add3A_84, %add3A_133 : i32
          %dma_start3A_135 = arith.constant 0 : i32
          %dma_start3A_136 = arith.constant 0 : i32
          %dma_start3A_137 = tpu.memref_slice %arg7[%dma_start3A_135, %dma_start3A_136] : memref<2x80xi32, #tpu.memory_space<vmem>> -> memref<1x80xi32, #tpu.memory_space<vmem>>
          %dma_start3A_138 = tpu.memref_squeeze %dma_start3A_137 : memref<1x80xi32, #tpu.memory_space<vmem>> -> memref<80xi32, #tpu.memory_space<vmem>>
          %dma_start3A_139 = arith.constant 0 : i32
          %dma_start3A_140 = arith.constant 0 : i32
          %dma_start3A_141 = tpu.memref_slice %arg2[%dma_start3A_139, %dma_start3A_140] : memref<90000x128xf32, #tpu.memory_space<hbm>> -> memref<90000x128xf32, #tpu.memory_space<hbm>>
          tpu.enqueue_indirect_dma source(%dma_start3A_141 : memref<90000x128xf32, #tpu.memory_space<hbm>>) target(%arg11 : memref<80x128xf32, #tpu.memory_space<vmem>>) offsets(%dma_start3A_138 : memref<80xi32, #tpu.memory_space<vmem>>) semaphore(%arg14 : memref<!tpu.dma_semaphore, #tpu.memory_space<semaphore_mem>>)
          %dma_start3A_142 = arith.constant 0 : i32
          %dma_start3A_143 = tpu.memref_slice %arg4[%add3A, %add3A_134, %dma_start3A_142] : memref<32x125x80xf32, #tpu.memory_space<hbm>> -> memref<1x1x80xf32, #tpu.memory_space<hbm>>
          %dma_start3A_144 = tpu.memref_squeeze %dma_start3A_143 : memref<1x1x80xf32, #tpu.memory_space<hbm>> -> memref<80xf32, #tpu.memory_space<hbm>>
          %dma_start3A_145 = arith.constant 0 : i32
          %dma_start3A_146 = tpu.memref_slice %arg4[%add3A, %add3A_134, %dma_start3A_145] : memref<32x125x80xf32, #tpu.memory_space<hbm>> -> memref<1x1x80xf32, #tpu.memory_space<hbm>>
          %dma_start3A_147 = tpu.memref_squeeze %dma_start3A_146 : memref<1x1x80xf32, #tpu.memory_space<hbm>> -> memref<80xf32, #tpu.memory_space<hbm>>
          tpu.enqueue_dma source(%dma_start3A_147 : memref<80xf32, #tpu.memory_space<hbm>>) target(%arg9 : memref<80xf32, #tpu.memory_space<vmem>>) target_semaphore(%arg16 : memref<!tpu.dma_semaphore, #tpu.memory_space<semaphore_mem>>)
        } else {
        }
        %dma_wait3A_97 = arith.constant 0 : i32
        %dma_wait3A_98 = arith.constant 0 : i32
        %dma_wait3A_99 = tpu.memref_slice %arg8[%dma_wait3A_97, %dma_wait3A_98] : memref<2x80xi32, #tpu.memory_space<vmem>> -> memref<1x80xi32, #tpu.memory_space<vmem>>
        %dma_wait3A_100 = tpu.memref_squeeze %dma_wait3A_99 : memref<1x80xi32, #tpu.memory_space<vmem>> -> memref<80xi32, #tpu.memory_space<vmem>>
        %dma_wait3A_101 = arith.constant 0 : i32
        %dma_wait3A_102 = arith.constant 0 : i32
        %dma_wait3A_103 = tpu.memref_slice %arg2[%dma_wait3A_101, %dma_wait3A_102] : memref<90000x128xf32, #tpu.memory_space<hbm>> -> memref<90000x128xf32, #tpu.memory_space<hbm>>
        tpu.wait_indirect_dma semaphore(%arg15 : memref<!tpu.dma_semaphore, #tpu.memory_space<semaphore_mem>>) src(%dma_wait3A_103 : memref<90000x128xf32, #tpu.memory_space<hbm>>) dst(%arg12 : memref<80x128xf32, #tpu.memory_space<vmem>>)
        %dma_wait3A_104 = arith.constant 0 : i32
        %dma_wait3A_105 = tpu.memref_slice %arg4[%add3A, %add3A_84, %dma_wait3A_104] : memref<32x125x80xf32, #tpu.memory_space<hbm>> -> memref<1x1x80xf32, #tpu.memory_space<hbm>>
        %dma_wait3A_106 = tpu.memref_squeeze %dma_wait3A_105 : memref<1x1x80xf32, #tpu.memory_space<hbm>> -> memref<80xf32, #tpu.memory_space<hbm>>
        %dma_wait3A_107 = arith.constant 0 : i32
        %dma_wait3A_108 = tpu.memref_slice %arg4[%add3A, %add3A_84, %dma_wait3A_107] : memref<32x125x80xf32, #tpu.memory_space<hbm>> -> memref<1x1x80xf32, #tpu.memory_space<hbm>>
        %dma_wait3A_109 = tpu.memref_squeeze %dma_wait3A_108 : memref<1x1x80xf32, #tpu.memory_space<hbm>> -> memref<80xf32, #tpu.memory_space<hbm>>
        tpu.wait_dma2 semaphore(%arg17 : memref<!tpu.dma_semaphore, #tpu.memory_space<semaphore_mem>>) src(%dma_wait3A_109 : memref<80xf32, #tpu.memory_space<hbm>>) dst(%arg10 : memref<80xf32, #tpu.memory_space<vmem>>)
        %scan3A_110 = arith.constant 0 : i32
        %scan3A_111 = arith.constant 0 : i32
        %scan3A_112 = arith.constant 80 : i32
        %scan3A_113 = arith.addi %scan3A_111, %scan3A_112 : i32
        %scan3A_114 = arith.constant 1 : i32
        scf.for %scan3A_123 = %scan3A_111 to %scan3A_113 step %scan3A_114  : i32 {
          %broadcast_in_dim3A = vector.broadcast %scan3A_123 : i32 to vector<16xi32>
          %gather3A = tpu.vector_load_idx %arg10[%broadcast_in_dim3A] : memref<80xf32, #tpu.memory_space<vmem>>[vector<16xi32>], vector<16xf32>,
          %get3A = arith.index_cast %scan3A_123 : i32 to index
          %get3A_124 = arith.constant 0 : index
          %get3A_125 = tpu.vector_load %arg12[%get3A, %get3A_124] {strides = array<i32>} : memref<80x128xf32, #tpu.memory_space<vmem>>, vector<16xf32>,
          %mul3A_126 = arith.mulf %get3A_125, %gather3A : vector<16xf32>
          %swap3A = arith.index_cast %scan3A_123 : i32 to index
          %swap3A_127 = arith.constant 0 : index
          %swap3A_128 = tpu.vector_load %arg12[%swap3A, %swap3A_127] {strides = array<i32>} : memref<80x128xf32, #tpu.memory_space<vmem>>, vector<16xf32>,
          tpu.vector_store %arg12[%swap3A, %swap3A_127], %mul3A_126 {strides = array<i32>} : memref<80x128xf32, #tpu.memory_space<vmem>>, vector<16xf32>,
          %get3A_129 = arith.index_cast %scan3A_123 : i32 to index
          %get3A_130 = arith.constant 16 : index
          %get3A_131 = tpu.vector_load %arg12[%get3A_129, %get3A_130] {strides = array<i32>} : memref<80x128xf32, #tpu.memory_space<vmem>>, vector<16xf32>,
          %mul3A_132 = arith.mulf %get3A_131, %gather3A : vector<16xf32>
          %swap3A_133 = arith.index_cast %scan3A_123 : i32 to index
          %swap3A_134 = arith.constant 16 : index
          %swap3A_135 = tpu.vector_load %arg12[%swap3A_133, %swap3A_134] {strides = array<i32>} : memref<80x128xf32, #tpu.memory_space<vmem>>, vector<16xf32>,
          tpu.vector_store %arg12[%swap3A_133, %swap3A_134], %mul3A_132 {strides = array<i32>} : memref<80x128xf32, #tpu.memory_space<vmem>>, vector<16xf32>,
          %get3A_136 = arith.index_cast %scan3A_123 : i32 to index
          %get3A_137 = arith.constant 32 : index
          %get3A_138 = tpu.vector_load %arg12[%get3A_136, %get3A_137] {strides = array<i32>} : memref<80x128xf32, #tpu.memory_space<vmem>>, vector<16xf32>,
          %mul3A_139 = arith.mulf %get3A_138, %gather3A : vector<16xf32>
          %swap3A_140 = arith.index_cast %scan3A_123 : i32 to index
          %swap3A_141 = arith.constant 32 : index
          %swap3A_142 = tpu.vector_load %arg12[%swap3A_140, %swap3A_141] {strides = array<i32>} : memref<80x128xf32, #tpu.memory_space<vmem>>, vector<16xf32>,
          tpu.vector_store %arg12[%swap3A_140, %swap3A_141], %mul3A_139 {strides = array<i32>} : memref<80x128xf32, #tpu.memory_space<vmem>>, vector<16xf32>,
          %get3A_143 = arith.index_cast %scan3A_123 : i32 to index
          %get3A_144 = arith.constant 48 : index
          %get3A_145 = tpu.vector_load %arg12[%get3A_143, %get3A_144] {strides = array<i32>} : memref<80x128xf32, #tpu.memory_space<vmem>>, vector<16xf32>,
          %mul3A_146 = arith.mulf %get3A_145, %gather3A : vector<16xf32>
          %swap3A_147 = arith.index_cast %scan3A_123 : i32 to index
          %swap3A_148 = arith.constant 48 : index
          %swap3A_149 = tpu.vector_load %arg12[%swap3A_147, %swap3A_148] {strides = array<i32>} : memref<80x128xf32, #tpu.memory_space<vmem>>, vector<16xf32>,
          tpu.vector_store %arg12[%swap3A_147, %swap3A_148], %mul3A_146 {strides = array<i32>} : memref<80x128xf32, #tpu.memory_space<vmem>>, vector<16xf32>,
          %get3A_150 = arith.index_cast %scan3A_123 : i32 to index
          %get3A_151 = arith.constant 64 : index
          %get3A_152 = tpu.vector_load %arg12[%get3A_150, %get3A_151] {strides = array<i32>} : memref<80x128xf32, #tpu.memory_space<vmem>>, vector<16xf32>,
          %mul3A_153 = arith.mulf %get3A_152, %gather3A : vector<16xf32>
          %swap3A_154 = arith.index_cast %scan3A_123 : i32 to index
          %swap3A_155 = arith.constant 64 : index
          %swap3A_156 = tpu.vector_load %arg12[%swap3A_154, %swap3A_155] {strides = array<i32>} : memref<80x128xf32, #tpu.memory_space<vmem>>, vector<16xf32>,
          tpu.vector_store %arg12[%swap3A_154, %swap3A_155], %mul3A_153 {strides = array<i32>} : memref<80x128xf32, #tpu.memory_space<vmem>>, vector<16xf32>,
          %get3A_157 = arith.index_cast %scan3A_123 : i32 to index
          %get3A_158 = arith.constant 80 : index
          %get3A_159 = tpu.vector_load %arg12[%get3A_157, %get3A_158] {strides = array<i32>} : memref<80x128xf32, #tpu.memory_space<vmem>>, vector<16xf32>,
          %mul3A_160 = arith.mulf %get3A_159, %gather3A : vector<16xf32>
          %swap3A_161 = arith.index_cast %scan3A_123 : i32 to index
          %swap3A_162 = arith.constant 80 : index
          %swap3A_163 = tpu.vector_load %arg12[%swap3A_161, %swap3A_162] {strides = array<i32>} : memref<80x128xf32, #tpu.memory_space<vmem>>, vector<16xf32>,
          tpu.vector_store %arg12[%swap3A_161, %swap3A_162], %mul3A_160 {strides = array<i32>} : memref<80x128xf32, #tpu.memory_space<vmem>>, vector<16xf32>,
          %get3A_164 = arith.index_cast %scan3A_123 : i32 to index
          %get3A_165 = arith.constant 96 : index
          %get3A_166 = tpu.vector_load %arg12[%get3A_164, %get3A_165] {strides = array<i32>} : memref<80x128xf32, #tpu.memory_space<vmem>>, vector<16xf32>,
          %mul3A_167 = arith.mulf %get3A_166, %gather3A : vector<16xf32>
          %swap3A_168 = arith.index_cast %scan3A_123 : i32 to index
          %swap3A_169 = arith.constant 96 : index
          %swap3A_170 = tpu.vector_load %arg12[%swap3A_168, %swap3A_169] {strides = array<i32>} : memref<80x128xf32, #tpu.memory_space<vmem>>, vector<16xf32>,
          tpu.vector_store %arg12[%swap3A_168, %swap3A_169], %mul3A_167 {strides = array<i32>} : memref<80x128xf32, #tpu.memory_space<vmem>>, vector<16xf32>,
          %get3A_171 = arith.index_cast %scan3A_123 : i32 to index
          %get3A_172 = arith.constant 112 : index
          %get3A_173 = tpu.vector_load %arg12[%get3A_171, %get3A_172] {strides = array<i32>} : memref<80x128xf32, #tpu.memory_space<vmem>>, vector<16xf32>,
          %mul3A_174 = arith.mulf %get3A_173, %gather3A : vector<16xf32>
          %swap3A_175 = arith.index_cast %scan3A_123 : i32 to index
          %swap3A_176 = arith.constant 112 : index
          %swap3A_177 = tpu.vector_load %arg12[%swap3A_175, %swap3A_176] {strides = array<i32>} : memref<80x128xf32, #tpu.memory_space<vmem>>, vector<16xf32>,
          tpu.vector_store %arg12[%swap3A_175, %swap3A_176], %mul3A_174 {strides = array<i32>} : memref<80x128xf32, #tpu.memory_space<vmem>>, vector<16xf32>,
        }
        %scan3A_115 = arith.constant 80 : i32
        %run_scoped3A = arith.constant 1 : i32
        "tpu.region"() ({
          %run_scoped3A_123 = tpu.sem_alloc : memref<!tpu.dma_semaphore, #tpu.memory_space<semaphore_mem>>
          %dma_start3A_124 = arith.constant 0 : i32
          %dma_start3A_125 = tpu.memref_slice %arg8[%run_scoped3A, %dma_start3A_124] : memref<2x80xi32, #tpu.memory_space<vmem>> -> memref<1x80xi32, #tpu.memory_space<vmem>>
          %dma_start3A_126 = tpu.memref_squeeze %dma_start3A_125 : memref<1x80xi32, #tpu.memory_space<vmem>> -> memref<80xi32, #tpu.memory_space<vmem>>
          %dma_start3A_127 = arith.constant 0 : i32
          %dma_start3A_128 = arith.constant 0 : i32
          %dma_start3A_129 = tpu.memref_slice %arg13[%dma_start3A_127, %dma_start3A_128] : memref<10240x128xf32, #tpu.memory_space<vmem_shared>> -> memref<10240x128xf32, #tpu.memory_space<vmem_shared>>
          tpu.enqueue_indirect_dma source(%arg12 : memref<80x128xf32, #tpu.memory_space<vmem>>) target(%dma_start3A_129 : memref<10240x128xf32, #tpu.memory_space<vmem_shared>>) offsets(%dma_start3A_126 : memref<80xi32, #tpu.memory_space<vmem>>) semaphore(%run_scoped3A_123 : memref<!tpu.dma_semaphore, #tpu.memory_space<semaphore_mem>>) {add = true}
          %dma_wait3A_130 = arith.constant 0 : i32
          %dma_wait3A_131 = tpu.memref_slice %arg8[%run_scoped3A, %dma_wait3A_130] : memref<2x80xi32, #tpu.memory_space<vmem>> -> memref<1x80xi32, #tpu.memory_space<vmem>>
          %dma_wait3A_132 = tpu.memref_squeeze %dma_wait3A_131 : memref<1x80xi32, #tpu.memory_space<vmem>> -> memref<80xi32, #tpu.memory_space<vmem>>
          %dma_wait3A_133 = arith.constant 0 : i32
          %dma_wait3A_134 = arith.constant 0 : i32
          %dma_wait3A_135 = tpu.memref_slice %arg13[%dma_wait3A_133, %dma_wait3A_134] : memref<10240x128xf32, #tpu.memory_space<vmem_shared>> -> memref<10240x128xf32, #tpu.memory_space<vmem_shared>>
          tpu.wait_indirect_dma semaphore(%run_scoped3A_123 : memref<!tpu.dma_semaphore, #tpu.memory_space<semaphore_mem>>) src(%arg12 : memref<80x128xf32, #tpu.memory_space<vmem>>) dst(%dma_wait3A_135 : memref<10240x128xf32, #tpu.memory_space<vmem_shared>>)
          tpu.yield
        }) : () -> ()
        %add3A_116 = arith.constant 2 : i32
        %add3A_117 = arith.addi %add3A_84, %add3A_116 : i32
        %lt3A_118 = arith.constant 125 : i32
        %lt3A_119 = arith.cmpi slt, %add3A_117, %lt3A_118 : i32
        %convert_element_type3A_120 = arith.extui %lt3A_119 : i1 to i32
        %cond3A_121 = arith.constant 0 : i32
        %cond3A_122 = arith.cmpi ne, %convert_element_type3A_120, %cond3A_121 : i32
        scf.if %cond3A_122 {
          %add3A_123 = arith.constant 2 : i32
          %add3A_124 = arith.addi %add3A_84, %add3A_123 : i32
          %dma_start3A_125 = arith.constant 0 : i32
          %dma_start3A_126 = arith.constant 0 : i32
          %dma_start3A_127 = tpu.memref_slice %arg3[%add3A, %add3A_124, %dma_start3A_125, %dma_start3A_126] : memref<32x125x2x80xi32, #tpu.memory_space<hbm>> -> memref<1x1x2x80xi32, #tpu.memory_space<hbm>>
          %dma_start3A_128 = tpu.memref_squeeze %dma_start3A_127 : memref<1x1x2x80xi32, #tpu.memory_space<hbm>> -> memref<2x80xi32, #tpu.memory_space<hbm>>
          %dma_start3A_129 = arith.constant 0 : i32
          %dma_start3A_130 = arith.constant 0 : i32
          %dma_start3A_131 = tpu.memref_slice %arg3[%add3A, %add3A_124, %dma_start3A_129, %dma_start3A_130] : memref<32x125x2x80xi32, #tpu.memory_space<hbm>> -> memref<1x1x2x80xi32, #tpu.memory_space<hbm>>
          %dma_start3A_132 = tpu.memref_squeeze %dma_start3A_131 : memref<1x1x2x80xi32, #tpu.memory_space<hbm>> -> memref<2x80xi32, #tpu.memory_space<hbm>>
          tpu.enqueue_dma source(%dma_start3A_132 : memref<2x80xi32, #tpu.memory_space<hbm>>) target(%arg8 : memref<2x80xi32, #tpu.memory_space<vmem>>) target_semaphore(%arg19 : memref<!tpu.dma_semaphore, #tpu.memory_space<semaphore_mem>>)
        } else {
        }
      } else {
      }
    }
    %scan3A_50 = arith.constant 63 : i32
    %barrier3A_51 = arith.constant 0 : index
    tpu.barrier barrier_id(%barrier3A_51)
    %mul3A_52 = arith.constant 640 : i32
    %mul3A_53 = arith.muli %arg1, %mul3A_52 : i32
    %add3A_54 = arith.constant 0 : i32
    %add3A_55 = arith.addi %mul3A_53, %add3A_54 : i32
    "tpu.region"() ({
      %run_scoped3A = tpu.sem_alloc : memref<!tpu.dma_semaphore, #tpu.memory_space<semaphore_mem>>
      %dma_start3A_72 = arith.constant 0 : i32
      %dma_start3A_73 = tpu.memref_slice %arg6[%arg0, %add3A_55, %dma_start3A_72] : memref<2x10240x128xf32, #tpu.memory_space<hbm>> -> memref<1x128x128xf32, #tpu.memory_space<hbm>>
      %dma_start3A_74 = tpu.memref_squeeze %dma_start3A_73 : memref<1x128x128xf32, #tpu.memory_space<hbm>> -> memref<128x128xf32, #tpu.memory_space<hbm>>
      %dma_start3A_75 = arith.constant 0 : i32
      %dma_start3A_76 = tpu.memref_slice %arg13[%add3A_55, %dma_start3A_75] : memref<10240x128xf32, #tpu.memory_space<vmem_shared>> -> memref<128x128xf32, #tpu.memory_space<vmem_shared>>
      tpu.enqueue_dma source(%dma_start3A_76 : memref<128x128xf32, #tpu.memory_space<vmem_shared>>) target(%dma_start3A_74 : memref<128x128xf32, #tpu.memory_space<hbm>>) target_semaphore(%run_scoped3A : memref<!tpu.dma_semaphore, #tpu.memory_space<semaphore_mem>>)
      %dma_wait3A_77 = arith.constant 0 : i32
      %dma_wait3A_78 = tpu.memref_slice %arg6[%arg0, %add3A_55, %dma_wait3A_77] : memref<2x10240x128xf32, #tpu.memory_space<hbm>> -> memref<1x128x128xf32, #tpu.memory_space<hbm>>
      %dma_wait3A_79 = tpu.memref_squeeze %dma_wait3A_78 : memref<1x128x128xf32, #tpu.memory_space<hbm>> -> memref<128x128xf32, #tpu.memory_space<hbm>>
      %dma_wait3A_80 = arith.constant 0 : i32
      %dma_wait3A_81 = tpu.memref_slice %arg13[%add3A_55, %dma_wait3A_80] : memref<10240x128xf32, #tpu.memory_space<vmem_shared>> -> memref<128x128xf32, #tpu.memory_space<vmem_shared>>
      tpu.wait_dma2 semaphore(%run_scoped3A : memref<!tpu.dma_semaphore, #tpu.memory_space<semaphore_mem>>) src(%dma_wait3A_81 : memref<128x128xf32, #tpu.memory_space<vmem_shared>>) dst(%dma_wait3A_79 : memref<128x128xf32, #tpu.memory_space<hbm>>)
      tpu.yield
    }) : () -> ()
    %mul3A_56 = arith.constant 640 : i32
    %mul3A_57 = arith.muli %arg1, %mul3A_56 : i32
    %add3A_58 = arith.constant 128 : i32
    %add3A_59 = arith.addi %mul3A_57, %add3A_58 : i32
    "tpu.region"() ({
      %run_scoped3A = tpu.sem_alloc : memref<!tpu.dma_semaphore, #tpu.memory_space<semaphore_mem>>
      %dma_start3A_72 = arith.constant 0 : i32
      %dma_start3A_73 = tpu.memref_slice %arg6[%arg0, %add3A_59, %dma_start3A_72] : memref<2x10240x128xf32, #tpu.memory_space<hbm>> -> memref<1x128x128xf32, #tpu.memory_space<hbm>>
      %dma_start3A_74 = tpu.memref_squeeze %dma_start3A_73 : memref<1x128x128xf32, #tpu.memory_space<hbm>> -> memref<128x128xf32, #tpu.memory_space<hbm>>
      %dma_start3A_75 = arith.constant 0 : i32
      %dma_start3A_76 = tpu.memref_slice %arg13[%add3A_59, %dma_start3A_75] : memref<10240x128xf32, #tpu.memory_space<vmem_shared>> -> memref<128x128xf32, #tpu.memory_space<vmem_shared>>
      tpu.enqueue_dma source(%dma_start3A_76 : memref<128x128xf32, #tpu.memory_space<vmem_shared>>) target(%dma_start3A_74 : memref<128x128xf32, #tpu.memory_space<hbm>>) target_semaphore(%run_scoped3A : memref<!tpu.dma_semaphore, #tpu.memory_space<semaphore_mem>>)
      %dma_wait3A_77 = arith.constant 0 : i32
      %dma_wait3A_78 = tpu.memref_slice %arg6[%arg0, %add3A_59, %dma_wait3A_77] : memref<2x10240x128xf32, #tpu.memory_space<hbm>> -> memref<1x128x128xf32, #tpu.memory_space<hbm>>
      %dma_wait3A_79 = tpu.memref_squeeze %dma_wait3A_78 : memref<1x128x128xf32, #tpu.memory_space<hbm>> -> memref<128x128xf32, #tpu.memory_space<hbm>>
      %dma_wait3A_80 = arith.constant 0 : i32
      %dma_wait3A_81 = tpu.memref_slice %arg13[%add3A_59, %dma_wait3A_80] : memref<10240x128xf32, #tpu.memory_space<vmem_shared>> -> memref<128x128xf32, #tpu.memory_space<vmem_shared>>
      tpu.wait_dma2 semaphore(%run_scoped3A : memref<!tpu.dma_semaphore, #tpu.memory_space<semaphore_mem>>) src(%dma_wait3A_81 : memref<128x128xf32, #tpu.memory_space<vmem_shared>>) dst(%dma_wait3A_79 : memref<128x128xf32, #tpu.memory_space<hbm>>)
      tpu.yield
    }) : () -> ()
    %mul3A_60 = arith.constant 640 : i32
    %mul3A_61 = arith.muli %arg1, %mul3A_60 : i32
    %add3A_62 = arith.constant 256 : i32
    %add3A_63 = arith.addi %mul3A_61, %add3A_62 : i32
    "tpu.region"() ({
      %run_scoped3A = tpu.sem_alloc : memref<!tpu.dma_semaphore, #tpu.memory_space<semaphore_mem>>
      %dma_start3A_72 = arith.constant 0 : i32
      %dma_start3A_73 = tpu.memref_slice %arg6[%arg0, %add3A_63, %dma_start3A_72] : memref<2x10240x128xf32, #tpu.memory_space<hbm>> -> memref<1x128x128xf32, #tpu.memory_space<hbm>>
      %dma_start3A_74 = tpu.memref_squeeze %dma_start3A_73 : memref<1x128x128xf32, #tpu.memory_space<hbm>> -> memref<128x128xf32, #tpu.memory_space<hbm>>
      %dma_start3A_75 = arith.constant 0 : i32
      %dma_start3A_76 = tpu.memref_slice %arg13[%add3A_63, %dma_start3A_75] : memref<10240x128xf32, #tpu.memory_space<vmem_shared>> -> memref<128x128xf32, #tpu.memory_space<vmem_shared>>
      tpu.enqueue_dma source(%dma_start3A_76 : memref<128x128xf32, #tpu.memory_space<vmem_shared>>) target(%dma_start3A_74 : memref<128x128xf32, #tpu.memory_space<hbm>>) target_semaphore(%run_scoped3A : memref<!tpu.dma_semaphore, #tpu.memory_space<semaphore_mem>>)
      %dma_wait3A_77 = arith.constant 0 : i32
      %dma_wait3A_78 = tpu.memref_slice %arg6[%arg0, %add3A_63, %dma_wait3A_77] : memref<2x10240x128xf32, #tpu.memory_space<hbm>> -> memref<1x128x128xf32, #tpu.memory_space<hbm>>
      %dma_wait3A_79 = tpu.memref_squeeze %dma_wait3A_78 : memref<1x128x128xf32, #tpu.memory_space<hbm>> -> memref<128x128xf32, #tpu.memory_space<hbm>>
      %dma_wait3A_80 = arith.constant 0 : i32
      %dma_wait3A_81 = tpu.memref_slice %arg13[%add3A_63, %dma_wait3A_80] : memref<10240x128xf32, #tpu.memory_space<vmem_shared>> -> memref<128x128xf32, #tpu.memory_space<vmem_shared>>
      tpu.wait_dma2 semaphore(%run_scoped3A : memref<!tpu.dma_semaphore, #tpu.memory_space<semaphore_mem>>) src(%dma_wait3A_81 : memref<128x128xf32, #tpu.memory_space<vmem_shared>>) dst(%dma_wait3A_79 : memref<128x128xf32, #tpu.memory_space<hbm>>)
      tpu.yield
    }) : () -> ()
    %mul3A_64 = arith.constant 640 : i32
    %mul3A_65 = arith.muli %arg1, %mul3A_64 : i32
    %add3A_66 = arith.constant 384 : i32
    %add3A_67 = arith.addi %mul3A_65, %add3A_66 : i32
    "tpu.region"() ({
      %run_scoped3A = tpu.sem_alloc : memref<!tpu.dma_semaphore, #tpu.memory_space<semaphore_mem>>
      %dma_start3A_72 = arith.constant 0 : i32
      %dma_start3A_73 = tpu.memref_slice %arg6[%arg0, %add3A_67, %dma_start3A_72] : memref<2x10240x128xf32, #tpu.memory_space<hbm>> -> memref<1x128x128xf32, #tpu.memory_space<hbm>>
      %dma_start3A_74 = tpu.memref_squeeze %dma_start3A_73 : memref<1x128x128xf32, #tpu.memory_space<hbm>> -> memref<128x128xf32, #tpu.memory_space<hbm>>
      %dma_start3A_75 = arith.constant 0 : i32
      %dma_start3A_76 = tpu.memref_slice %arg13[%add3A_67, %dma_start3A_75] : memref<10240x128xf32, #tpu.memory_space<vmem_shared>> -> memref<128x128xf32, #tpu.memory_space<vmem_shared>>
      tpu.enqueue_dma source(%dma_start3A_76 : memref<128x128xf32, #tpu.memory_space<vmem_shared>>) target(%dma_start3A_74 : memref<128x128xf32, #tpu.memory_space<hbm>>) target_semaphore(%run_scoped3A : memref<!tpu.dma_semaphore, #tpu.memory_space<semaphore_mem>>)
      %dma_wait3A_77 = arith.constant 0 : i32
      %dma_wait3A_78 = tpu.memref_slice %arg6[%arg0, %add3A_67, %dma_wait3A_77] : memref<2x10240x128xf32, #tpu.memory_space<hbm>> -> memref<1x128x128xf32, #tpu.memory_space<hbm>>
      %dma_wait3A_79 = tpu.memref_squeeze %dma_wait3A_78 : memref<1x128x128xf32, #tpu.memory_space<hbm>> -> memref<128x128xf32, #tpu.memory_space<hbm>>
      %dma_wait3A_80 = arith.constant 0 : i32
      %dma_wait3A_81 = tpu.memref_slice %arg13[%add3A_67, %dma_wait3A_80] : memref<10240x128xf32, #tpu.memory_space<vmem_shared>> -> memref<128x128xf32, #tpu.memory_space<vmem_shared>>
      tpu.wait_dma2 semaphore(%run_scoped3A : memref<!tpu.dma_semaphore, #tpu.memory_space<semaphore_mem>>) src(%dma_wait3A_81 : memref<128x128xf32, #tpu.memory_space<vmem_shared>>) dst(%dma_wait3A_79 : memref<128x128xf32, #tpu.memory_space<hbm>>)
      tpu.yield
    }) : () -> ()
    %mul3A_68 = arith.constant 640 : i32
    %mul3A_69 = arith.muli %arg1, %mul3A_68 : i32
    %add3A_70 = arith.constant 512 : i32
    %add3A_71 = arith.addi %mul3A_69, %add3A_70 : i32
    "tpu.region"() ({
      %run_scoped3A = tpu.sem_alloc : memref<!tpu.dma_semaphore, #tpu.memory_space<semaphore_mem>>
      %dma_start3A_72 = arith.constant 0 : i32
      %dma_start3A_73 = tpu.memref_slice %arg6[%arg0, %add3A_71, %dma_start3A_72] : memref<2x10240x128xf32, #tpu.memory_space<hbm>> -> memref<1x128x128xf32, #tpu.memory_space<hbm>>
      %dma_start3A_74 = tpu.memref_squeeze %dma_start3A_73 : memref<1x128x128xf32, #tpu.memory_space<hbm>> -> memref<128x128xf32, #tpu.memory_space<hbm>>
      %dma_start3A_75 = arith.constant 0 : i32
      %dma_start3A_76 = tpu.memref_slice %arg13[%add3A_71, %dma_start3A_75] : memref<10240x128xf32, #tpu.memory_space<vmem_shared>> -> memref<128x128xf32, #tpu.memory_space<vmem_shared>>
      tpu.enqueue_dma source(%dma_start3A_76 : memref<128x128xf32, #tpu.memory_space<vmem_shared>>) target(%dma_start3A_74 : memref<128x128xf32, #tpu.memory_space<hbm>>) target_semaphore(%run_scoped3A : memref<!tpu.dma_semaphore, #tpu.memory_space<semaphore_mem>>)
      %dma_wait3A_77 = arith.constant 0 : i32
      %dma_wait3A_78 = tpu.memref_slice %arg6[%arg0, %add3A_71, %dma_wait3A_77] : memref<2x10240x128xf32, #tpu.memory_space<hbm>> -> memref<1x128x128xf32, #tpu.memory_space<hbm>>
      %dma_wait3A_79 = tpu.memref_squeeze %dma_wait3A_78 : memref<1x128x128xf32, #tpu.memory_space<hbm>> -> memref<128x128xf32, #tpu.memory_space<hbm>>
      %dma_wait3A_80 = arith.constant 0 : i32
      %dma_wait3A_81 = tpu.memref_slice %arg13[%add3A_71, %dma_wait3A_80] : memref<10240x128xf32, #tpu.memory_space<vmem_shared>> -> memref<128x128xf32, #tpu.memory_space<vmem_shared>>
      tpu.wait_dma2 semaphore(%run_scoped3A : memref<!tpu.dma_semaphore, #tpu.memory_space<semaphore_mem>>) src(%dma_wait3A_81 : memref<128x128xf32, #tpu.memory_space<vmem_shared>>) dst(%dma_wait3A_79 : memref<128x128xf32, #tpu.memory_space<hbm>>)
      tpu.yield
    }) : () -> ()
    return
  }
}

module attributes {stable_mosaic.version = 14 : i64} {
  func.func @_mm_body(%arg0: i32, %arg1: i32, %arg2: memref<2000x128xf32, #tpu.memory_space<vmem>>, %arg3: memref<1x128x128xf32, #tpu.memory_space<vmem>>, %arg4: memref<1x128xf32, #tpu.memory_space<vmem>>, %arg5: memref<2000x128xf32, #tpu.memory_space<vmem>>) attributes {dimension_semantics = [#tpu.dimension_semantics<arbitrary>, #tpu.dimension_semantics<arbitrary>], iteration_bounds = array<i64: 5, 9>, scalar_prefetch = 0 : i64, scratch_operands = 0 : i64, tpu.core_type = #tpu.core_type<tc>, window_params = [{transform_indices = @transform_0, window_bounds = array<i64: 2000, 128>}, {transform_indices = @transform_1, window_bounds = array<i64: 1, 128, 128>}, {pipeline_mode = #tpu.pipeline_mode<synchronous>, transform_indices = @transform_2, window_bounds = array<i64: 1, 128>}, {transform_indices = @transform_3, window_bounds = array<i64: 2000, 128>}]} {
    %get3A = arith.constant 0 : index
    %get3A_0 = arith.constant 0 : index
    %get3A_1 = vector.load %arg2[%get3A, %get3A_0] : memref<2000x128xf32, #tpu.memory_space<vmem>>, vector<2000x128xf32>
    %get3A_2 = arith.constant 0 : index
    %get3A_3 = arith.constant 0 : index
    %get3A_4 = arith.constant 0 : index
    %get3A_5 = vector.load %arg3[%get3A_2, %get3A_3, %get3A_4] : memref<1x128x128xf32, #tpu.memory_space<vmem>>, vector<1x128x128xf32>
    %get3A_6 = vector.shape_cast %get3A_5 : vector<1x128x128xf32> to vector<128x128xf32>
    %dot_general3A = arith.constant dense<0.000000e+00> : vector<2000x128xf32>
    %dot_general3A_7 = tpu.matmul %get3A_1, %get3A_6, %dot_general3A {dimension_numbers = #tpu.dot_dimension_numbers<[1], [0], [0], [1], [0, 0, 1, 1], [], []>, transpose_lhs_hint = false} : vector<2000x128xf32>, vector<128x128xf32>, vector<2000x128xf32> -> vector<2000x128xf32>
    %eq3A = arith.constant 8 : i32
    %eq3A_8 = arith.cmpi eq, %arg1, %eq3A : i32
    %jit3A = arith.constant 1.000000e+00 : f32
    %jit3A_9 = arith.constant 0.000000e+00 : f32
    %select_n3A = arith.select %eq3A_8, %jit3A, %jit3A_9 : f32
    %get3A_10 = arith.constant 0 : index
    %get3A_11 = arith.constant 0 : index
    %get3A_12 = vector.load %arg4[%get3A_10, %get3A_11] : memref<1x128xf32, #tpu.memory_space<vmem>>, vector<1x128xf32>
    %mul3A = vector.broadcast %select_n3A : f32 to vector<1x128xf32>
    %mul3A_13 = arith.mulf %mul3A, %get3A_12 : vector<1x128xf32>
    %add3A = vector.broadcast %mul3A_13 : vector<1x128xf32> to vector<2000x128xf32>
    %add3A_14 = arith.addf %dot_general3A_7, %add3A : vector<2000x128xf32>
    %swap3A = arith.constant 0 : index
    %swap3A_15 = arith.constant 0 : index
    %swap3A_16 = vector.load %arg5[%swap3A, %swap3A_15] : memref<2000x128xf32, #tpu.memory_space<vmem>>, vector<2000x128xf32>
    tpu.vector_store %arg5[%swap3A, %swap3A_15], %add3A_14 {strides = array<i32>} : memref<2000x128xf32, #tpu.memory_space<vmem>>, vector<2000x128xf32>,
    return
  }
  func.func @transform_0(%arg0: i32, %arg1: i32) -> (i32, i32) {
    %c0_i32 = arith.constant 0 : i32
    %c0_i32_0 = arith.constant 0 : i32
    return %arg0, %c0_i32 : i32, i32
  }
  func.func @transform_1(%arg0: i32, %arg1: i32) -> (i32, i32, i32) {
    %c0_i32 = arith.constant 0 : i32
    %c0_i32_0 = arith.constant 0 : i32
    %c0_i32_1 = arith.constant 0 : i32
    return %arg1, %c0_i32, %c0_i32_0 : i32, i32, i32
  }
  func.func @transform_2(%arg0: i32, %arg1: i32) -> (i32, i32) {
    %c0_i32 = arith.constant 0 : i32
    %c0_i32_0 = arith.constant 0 : i32
    %c0_i32_1 = arith.constant 0 : i32
    return %c0_i32, %c0_i32_0 : i32, i32
  }
  func.func @transform_3(%arg0: i32, %arg1: i32) -> (i32, i32) {
    %mul3A = arith.constant 5 : i32
    %mul3A_0 = arith.muli %arg1, %mul3A : i32
    %add3A = arith.addi %mul3A_0, %arg0 : i32
    %c0_i32 = arith.constant 0 : i32
    %c0_i32_1 = arith.constant 0 : i32
    return %add3A, %c0_i32 : i32, i32
  }
}

module attributes {stable_mosaic.version = 14 : i64} {
  func.func @_comb_body(%arg0: i32, %arg1: memref<2x2000x128xf32, #tpu.memory_space<vmem>>, %arg2: memref<2000x128xf32, #tpu.memory_space<vmem>>) attributes {dimension_semantics = [#tpu.dimension_semantics<arbitrary>], iteration_bounds = array<i64: 5>, scalar_prefetch = 0 : i64, scratch_operands = 0 : i64, tpu.core_type = #tpu.core_type<tc>, window_params = [{transform_indices = @transform_0, window_bounds = array<i64: 2, 2000, 128>}, {transform_indices = @transform_1, window_bounds = array<i64: 2000, 128>}]} {
    %get3A = arith.constant 0 : index
    %get3A_0 = arith.constant 0 : index
    %get3A_1 = arith.constant 0 : index
    %get3A_2 = vector.load %arg1[%get3A, %get3A_0, %get3A_1] : memref<2x2000x128xf32, #tpu.memory_space<vmem>>, vector<1x2000x128xf32>
    %get3A_3 = vector.shape_cast %get3A_2 : vector<1x2000x128xf32> to vector<2000x128xf32>
    %get3A_4 = arith.constant 1 : index
    %get3A_5 = arith.constant 0 : index
    %get3A_6 = arith.constant 0 : index
    %get3A_7 = vector.load %arg1[%get3A_4, %get3A_5, %get3A_6] : memref<2x2000x128xf32, #tpu.memory_space<vmem>>, vector<1x2000x128xf32>
    %get3A_8 = vector.shape_cast %get3A_7 : vector<1x2000x128xf32> to vector<2000x128xf32>
    %add3A = arith.addf %get3A_3, %get3A_8 : vector<2000x128xf32>
    %max3A = arith.constant 0.000000e+00 : f32
    %max3A_9 = vector.broadcast %max3A : f32 to vector<2000x128xf32>
    %max3A_10 = arith.maximumf %add3A, %max3A_9 : vector<2000x128xf32>
    %swap3A = arith.constant 0 : index
    %swap3A_11 = arith.constant 0 : index
    %swap3A_12 = vector.load %arg2[%swap3A, %swap3A_11] : memref<2000x128xf32, #tpu.memory_space<vmem>>, vector<2000x128xf32>
    tpu.vector_store %arg2[%swap3A, %swap3A_11], %max3A_10 {strides = array<i32>} : memref<2000x128xf32, #tpu.memory_space<vmem>>, vector<2000x128xf32>,
    return
  }
  func.func @transform_0(%arg0: i32) -> (i32, i32, i32) {
    %c0_i32 = arith.constant 0 : i32
    %c0_i32_0 = arith.constant 0 : i32
    %c0_i32_1 = arith.constant 0 : i32
    return %c0_i32, %arg0, %c0_i32_0 : i32, i32, i32
  }
  func.func @transform_1(%arg0: i32) -> (i32, i32) {
    %c0_i32 = arith.constant 0 : i32
    %c0_i32_0 = arith.constant 0 : i32
    return %arg0, %c0_i32 : i32, i32
  }
}

module attributes {stable_mosaic.version = 14 : i64} {
  func.func @_comb_body(%arg0: i32, %arg1: memref<2x2000x128xf32, #tpu.memory_space<vmem>>, %arg2: memref<2000x128xf32, #tpu.memory_space<vmem>>) attributes {dimension_semantics = [#tpu.dimension_semantics<arbitrary>], iteration_bounds = array<i64: 5>, scalar_prefetch = 0 : i64, scratch_operands = 0 : i64, tpu.core_type = #tpu.core_type<tc>, window_params = [{transform_indices = @transform_0, window_bounds = array<i64: 2, 2000, 128>}, {transform_indices = @transform_1, window_bounds = array<i64: 2000, 128>}]} {
    %get3A = arith.constant 0 : index
    %get3A_0 = arith.constant 0 : index
    %get3A_1 = arith.constant 0 : index
    %get3A_2 = vector.load %arg1[%get3A, %get3A_0, %get3A_1] : memref<2x2000x128xf32, #tpu.memory_space<vmem>>, vector<1x2000x128xf32>
    %get3A_3 = vector.shape_cast %get3A_2 : vector<1x2000x128xf32> to vector<2000x128xf32>
    %get3A_4 = arith.constant 1 : index
    %get3A_5 = arith.constant 0 : index
    %get3A_6 = arith.constant 0 : index
    %get3A_7 = vector.load %arg1[%get3A_4, %get3A_5, %get3A_6] : memref<2x2000x128xf32, #tpu.memory_space<vmem>>, vector<1x2000x128xf32>
    %get3A_8 = vector.shape_cast %get3A_7 : vector<1x2000x128xf32> to vector<2000x128xf32>
    %add3A = arith.addf %get3A_3, %get3A_8 : vector<2000x128xf32>
    %max3A = arith.constant 0.000000e+00 : f32
    %max3A_9 = vector.broadcast %max3A : f32 to vector<2000x128xf32>
    %max3A_10 = arith.maximumf %add3A, %max3A_9 : vector<2000x128xf32>
    %swap3A = arith.constant 0 : index
    %swap3A_11 = arith.constant 0 : index
    %swap3A_12 = vector.load %arg2[%swap3A, %swap3A_11] : memref<2000x128xf32, #tpu.memory_space<vmem>>, vector<2000x128xf32>
    tpu.vector_store %arg2[%swap3A, %swap3A_11], %max3A_10 {strides = array<i32>} : memref<2000x128xf32, #tpu.memory_space<vmem>>, vector<2000x128xf32>,
    return
  }
  func.func @transform_0(%arg0: i32) -> (i32, i32, i32) {
    %c0_i32 = arith.constant 0 : i32
    %c0_i32_0 = arith.constant 0 : i32
    %c0_i32_1 = arith.constant 0 : i32
    return %c0_i32, %arg0, %c0_i32_0 : i32, i32, i32
  }
  func.func @transform_1(%arg0: i32) -> (i32, i32) {
    %c0_i32 = arith.constant 0 : i32
    %c0_i32_0 = arith.constant 0 : i32
    return %arg0, %c0_i32 : i32, i32
  }
}

</mosaic_0001>

<sc_bundles>
// kernel: kernel.13.cloned.1.call-start
scs
__scs_entry_jumppad:
0x0: {  	(pc) =	sbr.rel $0x88, $3  }
0x1: {  	(tag) =	ssettag $0x0;
	lr =	simm.s32 $0x1  }
0x2: {  	[smem:$0x3F95] =	sst lr;
	_ =	strace $0xD0000000  }
0x3: {  	_ = 	snop  }
0x4: {  	_ = 	snop  }
0x5: {  	_ = 	snop  }
0x6: {  	_ = 	snop  }
0x7: {  	_ = 	snop  }
__scs_overlays_trampoline_lowered:
0x8: {  	[smem:$0x3FA4] =	sst s0  }
0x9: {  	[smem:$0x3FA5] =	sst s1  }
0xa: {  	[smem:$0x3FA6] =	sst s2  }
0xb: {  	[smem:$0x3FA7] =	sst s3  }
0xc: {  	[smem:$0x3FA8] =	sst s4  }
0xd: {  	[smem:$0x3FA9] =	sst s5  }
0xe: {  	[smem:$0x3FAA] =	sst s6  }
0xf: {  	[smem:$0x3FAB] =	sst s7  }
0x10: {  	[smem:$0x3FAC] =	sst s8  }
0x11: {  	[smem:$0x3FAD] =	sst s9;
	s0 =	simm.s32 @!p0 $0x0  }
0x12: {  	s1 =	sld [smem:$0x3F93];
	s0 =	simm.s32 @p0 $0x1  }
0x13: {  	[smem:$0x3FAE] =	sst s0;
	s0 =	simm.s32 @!p1 $0x0  }
0x14: {  	s2 =	sld [smem:$0x3F92];
	s0 =	simm.s32 @p1 $0x1  }
0x15: {  	[smem:$0x3FAF] =	sst s0;
	s0 =	simm.s32 @!p2 $0x0  }
0x16: {  	s3 =	sld [smem:$0x3FDB];
	s0 =	simm.s32 @p2 $0x1  }
0x17: {  	s4 =	simm.s32 $0x1BF5;
	[smem:$0x3FB1] =	sst s0  }
0x18: {  	s0 =	sld [smem:$0x3F94];
	_ =	swait.ge [sflag:s4], $0x0  }
0x19: {  	s7 =	sld [smem:$0x3F95]  }
0x1a: {  	s8 =	sadd.s32 $0xFFFFE003, lr  }
0x1b: {  	s9 =	sadd.s32 $0xFFFFFEF7, lr;
	s5 =	simm.s32 $0xFFFFFFFF;
	p2 =	slt.u32 s8, $0xFFFFF086  }
0x1c: {  	p1 =	slt.u32 s9, $0xF7A;
	s5 =	simm.s32 @!p2 $0x0  }
0x1d: {  	s5 =	simm.s32 @p1 $0x1;
	p0 =	seq.s32 s7, s2  }
0x1e: {  	s7 =	smul.u32 @!p0 $0xF7A, s2;
	p2 =	seq.s32 @!p0 s5, $0x0  }
0x1f: {  	s9 =	smul.u32 $0xF7A, s1;
	s8 =	simm.s32 @!p0 $0x1BF5;
	p2 =	por !p2, p0  }
0x20: {  	[sflag:s8] =	ssyncset.s32 @!p0 $0xFFFFF086;
	s6 =	sadd.s32 @!p0 s3, s7;
	s7 =	simm.s32 @!p0 $0x108  }
0x21: {  	s3 =	sadd.s32 s3, s9;
	s6 =	sadd.s32 @!p0 $0x88, s6;
	s7 =	simm.s32 @p2 $0x1082  }
0x22: {  	[simem:s7], [sflag:s8] =	dma.local @!p0 [hbm:s6], $0xF7A  }
0x23: {  	s9 =	sor.u32 $0xD0000000, s2;
	s6 =	simm.s32 $0x108;
	_ =	swait.ge @!p0 [sflag:s8], $0x0  }
0x24: {  	s3 =	sadd.s32 $0x88, s3;
	s6 =	simm.s32 @!p1 $0x1082;
	[sflag:s4] =	ssyncset.s32 $0xFFFFF086  }
0x25: {  	[simem:s6], [sflag:s4] =	dma.local [hbm:s3], $0xF7A  }
0x26: {  	[smem:$0x3F95] =	sst s1;
	(tag) =	ssettag s2;
	_ =	strace s9  }
0x27: {  	s1 =	sld [smem:$0x3FA5]  }
0x28: {  	s2 =	sld [smem:$0x3FA6]  }
0x29: {  	s4 =	sld [smem:$0x3FA8]  }
0x2a: {  	p0 =	seq.s32 s5, $0x0;
	s5 =	sld [smem:$0x3FA9]  }
0x2b: {  	s6 =	sld [smem:$0x3FAA]  }
0x2c: {  	s7 =	sld [smem:$0x3FAB]  }
0x2d: {  	s3 =	simm.s32 $0x108;
	s8 =	sld [smem:$0x3FAC]  }
0x2e: {  	s3 =	simm.s32 @!p0 $0x1082;
	s9 =	sld [smem:$0x3FAD]  }
0x2f: {  	lr =	sadd.s32 s0, s3;
	s0 =	sld [smem:$0x3FA4]  }
0x30: {  	s3 =	sld [smem:$0x3FA7]  }
0x31: {  	[smem:$0x3FB0] =	sst s10  }
0x32: {  	s10 =	sld [smem:$0x3FAE];
	_ =	sdelay $0x3  }
0x33: {  	p0 =	seq.s32 s10, $0x1;
	s10 =	sld [smem:$0x3FB0];
	_ =	sdelay $0x3  }
0x34: {  	[smem:$0x3FB0] =	sst s10  }
0x35: {  	s10 =	sld [smem:$0x3FAF];
	_ =	sdelay $0x3  }
0x36: {  	p1 =	seq.s32 s10, $0x1;
	s10 =	sld [smem:$0x3FB0];
	_ =	sdelay $0x3  }
0x37: {  	[smem:$0x3FB0] =	sst s10  }
0x38: {  	s10 =	sld [smem:$0x3FB1]  }
0x39: {  	_ = 	snop;
	(pc) =	sbr.ind lr, $3  }
0x3a: {  	_ = 	snop  }
0x3b: {  	_ = 	snop  }
0x3c: {  	p2 =	seq.s32 s10, $0x1;
	s10 =	sld [smem:$0x3FB0]  }
0x3d: {  	_ =	shalt  }
0x3e: {  	_ =	shalt  }
0x3f: {  	_ =	shalt  }
0x40: {  	_ =	shalt  }
0x41: {  	_ =	shalt  }
0x42: {  	_ =	shalt  }
0x43: {  	_ =	shalt  }
0x44: {  	_ =	shalt  }
0x45: {  	_ =	shalt  }
0x46: {  	_ =	shalt  }
0x47: {  	_ =	shalt  }
0x48: {  	_ =	shalt  }
0x49: {  	_ =	shalt  }
0x4a: {  	_ =	shalt  }
0x4b: {  	_ =	shalt  }
0x4c: {  	_ =	shalt  }
0x4d: {  	_ =	shalt  }
0x4e: {  	_ =	shalt  }
0x4f: {  	_ =	shalt  }
0x50: {  	_ =	shalt  }
0x51: {  	_ =	shalt  }
0x52: {  	_ =	shalt  }
0x53: {  	_ =	shalt  }
0x54: {  	_ =	shalt  }
0x55: {  	_ =	shalt  }
0x56: {  	_ =	shalt  }
0x57: {  	_ =	shalt  }
0x58: {  	_ =	shalt  }
0x59: {  	_ =	shalt  }
0x5a: {  	_ =	shalt  }
0x5b: {  	_ =	shalt  }
0x5c: {  	_ =	shalt  }
0x5d: {  	_ =	shalt  }
0x5e: {  	_ =	shalt  }
0x5f: {  	_ =	shalt  }
0x60: {  	_ =	shalt  }
0x61: {  	_ =	shalt  }
0x62: {  	_ =	shalt  }
0x63: {  	_ =	shalt  }
0x64: {  	_ =	shalt  }
0x65: {  	_ =	shalt  }
0x66: {  	_ =	shalt  }
0x67: {  	_ =	shalt  }
0x68: {  	_ =	shalt  }
0x69: {  	_ =	shalt  }
0x6a: {  	_ =	shalt  }
0x6b: {  	_ =	shalt  }
0x6c: {  	_ =	shalt  }
0x6d: {  	_ =	shalt  }
0x6e: {  	_ =	shalt  }
0x6f: {  	_ =	shalt  }
0x70: {  	_ =	shalt  }
0x71: {  	_ =	shalt  }
0x72: {  	_ =	shalt  }
0x73: {  	_ =	shalt  }
0x74: {  	_ =	shalt  }
0x75: {  	_ =	shalt  }
0x76: {  	_ =	shalt  }
0x77: {  	_ =	shalt  }
0x78: {  	_ =	shalt  }
0x79: {  	_ =	shalt  }
0x7a: {  	_ =	shalt  }
0x7b: {  	_ =	shalt  }
0x7c: {  	_ =	shalt  }
0x7d: {  	_ =	shalt  }
0x7e: {  	_ =	shalt  }
0x7f: {  	_ =	shalt  }
0x80: {  	_ =	shalt  }
0x81: {  	_ =	shalt  }
0x82: {  	_ =	shalt  }
0x83: {  	_ =	shalt  }
0x84: {  	_ =	shalt  }
0x85: {  	_ =	shalt  }
0x86: {  	_ =	shalt  }
0x87: {  	_ =	shalt  }
.Lfunc_end0:
.L_simem_size_0:
called_computation_lowered:
.L_overlay_start_0:
0x88: {  	s2 =	sld [smem:$0x3FD9]  }
0x89: {  	s3 =	sld [smem:$0x3FFE];
	_ =	sdelay $0x1  }
0x8a: {  	s1 =	srdreg.scid  }
0x8b: {  	s0 =	sand.u32 $0x1, s1  }
0x8c: {  	s17 =	sshll.u32 s0, $0xA;
	s2 =	sadd.s32 s3, s2  }
0x8d: {  	s2 =	sadd.s32 s2, s17  }
0x8e: {  	[smem:$0x3FBC] =	sst s2  }
0x8f: {  	_ = 	snop  }
0x90: {  	s2 =	sld [smem:$0x3FD0];
	(tm) =	ssettm $0x1  }
0x91: {  	s18 =	sld [smem:$0x3FFB];
	_ =	sdelay $0x3  }
0x92: {  	_ =	strace s18  }
0x93: {  	s3 =	sld [smem:$0x3FFC];
	_ =	sdelay $0x3  }
0x94: {  	_ =	strace s3  }
0x95: {  	s3 =	sld [smem:$0x3FFD];
	_ =	sdelay $0x3  }
0x96: {  	_ =	strace s3  }
0x97: {  	_ =	strace $0x8FFFFFFF  }
0x98: {  	s19 =	sld [smem:$0x3FDB];
	_ =	sdelay $0x1  }
0x99: {  	s4 =	simm.s32 $_scs_section_size  }
0x9a: {  	s5 =	simm.s32 $_size__tile_overlayer_lowered;
	s6 =	simm.s32 $_tile_overlayer_lowered  }
0x9b: {  	s22 =	simm.s32 $0x1BFF;
	s21 =	sshll.u32 s6, $0x1;
	s3 =	sadd.s32 s4, s19  }
0x9c: {  	s7 =	simm.s32 $0x0;
	s20 =	sshll.u32 s5, $0x1;
	s5 =	sadd.s32 s21, s3  }
0x9d: {  	[timem:s7], [sflag:s22] =	dma.local [hbm:s5], s20  }
0x9e: {  	_ =	swait.ge [sflag:s22], s20  }
0x9f: {  	s4 =	ssub.s32 $0x0, s20;
	[sflag:s22] =	ssyncset.done $0x0  }
0xa0: {  	[sflag:s22] =	ssyncadd.s32 s4;
	_ =	sdelay $0x1  }
0xa1: {  	s23 =	simm.s32 $0x1B8B  }
0xa2: {  	_ =	swait.ge [sflag:s23], $0x1  }
0xa3: {  	[sflag:s23] =	ssyncset.done $0x0  }
0xa4: {  	s25 =	simm.s32 $0x1B8E;
	s24 =	sld [smem:$0x3FFE];
	[sflag:s23] =	ssyncadd.s32 $0xFFFFFFFF  }
0xa5: {  	s26 =	simm.s32 $execute0_lowered;
	[smem:$0x3FD2] =	sst s25  }
0xa6: {  	s5 =	sshll.u32 s26, $0x1;
	_ =	strace $0x80000046;
	[dreg:$0x1] =	wrdreg $0xFFFFFFFF  }
0xa7: {  	s28 =	simm.s32 $_size_execute0_lowered;
	s3 =	sadd.s32 s3, s5;
	[dreg:$0x0] =	wrdreg $0x0  }
0xa8: {  	s5 =	sshll.u32 s28, $0x1;
	[dreg:$0x2] =	wrdreg s3  }
0xa9: {  	[dreg:$0x3] =	wrdreg s5  }
0xaa: {  	[dreg:$0x4] =	wrdreg $0xC0  }
0xab: {  	_ =	task [dreg:s7], $0x5FFFF  }
0xac: {  	[dreg:$0x1] =	wrdreg $0xFFFFFFFF  }
0xad: {  	[dreg:$0x0] =	wrdreg $0x60  }
0xae: {  	[dreg:$0x2] =	wrdreg s2  }
0xaf: {  	[dreg:$0x3] =	wrdreg s24  }
0xb0: {  	[dreg:$0x4] =	wrdreg $0x94800  }
0xb1: {  	[dreg:$0x5] =	wrdreg $0x9  }
0xb2: {  	_ =	task.clear_ibuf [dreg:s7], $0x6FFFF;
	_ =	strace $0x90000046  }
0xb3: {  	s29 =	simm.s32 $0x9;
	_ =	strace $0x80000048  }
0xb4: {  	_ =	swait.ge [sflag:s29], $0x1  }
0xb5: {  	[sflag:s29] =	ssyncadd.s32 $0xFFFFFFFF  }
0xb6: {  	_ =	strace $0x90000048  }
0xb7: {  	_ =	sfence  }
0xb8: {  	s30 =	sld [smem:$0x0];
	_ =	sdelay $0x2  }
0xb9: {  	s31 =	sshll.u32 s1, $0xD;
	s1 =	sshrl.u32 s1, $0x2  }
0xba: {  	s3 =	sand.u32 $0x4000, s31;
	s1 =	sadd.s32 s1, s30  }
0xbb: {  	s0 =	sor.u32 s3, s0;
	s1 =	sshll.u32 s1, $0x11  }
0xbc: {  	s0 =	sor.u32 s1, s0  }
0xbd: {  	s0 =	sadd.s32 $0x8F2B, s0  }
0xbe: {  	[sflag:s0] =	ssyncadd.remote.s32 $0x1  }
0xbf: {  	_ =	sfence.sel $0xFFFF  }
0xc0: {  	[dreg:$0x0] =	wrdreg $0xFFFFFFFF;
	(pc) =	sbr.abs _section_cstart, $3  }
0xc1: {  	[dreg:$0x1] =	wrdreg $0xFFFFFFFF  }
0xc2: {  	_ =	task.clear_ibuf [dreg:s7], $0x2FFFF;
	_ =	strace $0x9FFFFFFF  }
0xc3: {  	(tm) =	ssettm $0x7FFFFFFF  }
tec
execute0_lowered:
.L_overlay_start_1:
0x0: {  	(tag) =	ssettag $0x1  }
0x1: {  	s7 =	rddreg [dreg:$0x0]  }
0x2: {  	s4 =	rddreg [dreg:$0x1];
	s0 =	stileid.u32  }
0x3: {  	s1 =	srdreg.scid;
	s2 =	rddreg [dreg:$0x2]  }
0x4: {  	s3 =	simm.s32 $0x0;
	s11 =	simm.s32 $0x1;
	s12 =	simm.s32 $0x50  }
0x5: {  	s13 =	simm.s32 $0x8000;
	s14 =	sand.u32 $0x1, s1;
	s1 =	rddreg [dreg:$0x3]  }
0x6: {  	s15 =	simm.s32 $0x0;
	s5 =	smul.u32 $0x1400, s0;
	[smem:$0x7FF] =	sst s3  }
0x7: {  	s31 =	sshll.u32 s0, $0x6;
	s10 =	sshll.u32 s0, $0xC;
	s6 =	ssub.s32 $0x2, s14  }
.Ltmp0:
0x8: {  	_ =	strace $0x80000047;
	s7 =	sadd.s32 s7, s10;
	(pc) =	sbr.rel .LBB2_1-.Ltmp0, $4  }
0x9: {  	p0 =	sne.s32 s14, $0x0;
	s8 =	sshrl.u32 s5, $0x3;
	s9 =	sshrl.u32 s6, $0x1  }
0xa: {  	s14 =	simm.s32 $0x8080;
	s8 =	sadd.s32 s8, s4;
	s9 =	ssub.s32 s6, s9  }
0xb: {  	s4 =	sadd.s32 s5, s2;
	s6 =	sor.u32 $0x1C01, s31;
	s5 =	sadd.s32 $0xCA00, s8  }
0xc: {  	v0 =	vimm.f32 $1.000000000e+00;
	s8 =	sadd.s32 $0xF200, s8;
	s9 =	smax.u32 s9, $0x1;
	s10 =	sshrl.u32 s4, $0x3  }
.LBB2_6:
0xd: {  	v1 =	vld [tilespmem:s16+$0x8080];
	_ =	sdelay $0x4  }
0xe: {  	v1 =	vmax.f32 v1, $1.000000000e+00  }
0xf: {  	(erf) = vrcp.f32 v1;
	_ =	sdelay $0x8  }
0x10: {  	v1 =	vpop (erf)  }
0x11: {  	[tilespmem:s16+$0x8080] =	vst v1  }
0x12: {  	[hbm4b:s8+s3] =	stream.linear.scatter [tilespmem:s14], [sflag:$0x1], $0x1400, $0x38;
	[tilespmem:$0xA880] =	vst v63  }
0x13: {  	_ =	swait.ge [sflag:s11], $0x1400  }
0x14: {  	[sflag:s11] =	ssyncset.done $0x0  }
0x15: {  	[sflag:s11] =	ssyncadd.s32 $0xFFFFEC00  }
.LBB2_7:
0x16: {  	s15 =	sadd.s32 $0x1, s15  }
0x17: {  	p1 =	sne.s32 s15, s9  }
.Ltmp1:
0x18: {  	_ = 	snop;
	(pc) =	sbr.rel @!p1 .LBB2_8-.Ltmp1, $1  }
0x19: {  	_ =	sdelay $0x3  }
.LBB2_1:
0x1a: {  	[spmem:s10], [sflag:s6] =	dma.local [hbm:s5], $0x280  }
0x1b: {  	_ =	swait.ge [sflag:s11], $0x280  }
0x1c: {  	[sflag:s11] =	ssyncset.done $0x0  }
0x1d: {  	[sflag:s11] =	ssyncadd.s32 $0xFFFFFD80  }
0x1e: {  	[tilespmem:s3], [sflag:$0x1] =	stream.linear.gather [hbm4b:s7+s3], $0x7D00, $0x38;
	[tilespmem:$0xA880] =	vst v63  }
0x1f: {  	_ =	swait.ge [sflag:s11], $0x7D00  }
0x20: {  	[sflag:s11] =	ssyncset.done $0x0  }
0x21: {  	[sflag:s11] =	ssyncadd.s32 $0xFFFF8300  }
0x22: {  	[tilespmem:$0x8000] =	vst v0  }
0x23: {  	[tilespmem:$0x8010] =	vst v0  }
0x24: {  	[tilespmem:$0x8020] =	vst v0  }
0x25: {  	[tilespmem:$0x8030] =	vst v0  }
0x26: {  	[tilespmem:$0x8040] =	vst v0  }
0x27: {  	s16 =	simm.s32 $0x0;
	[bflag:$0x0] =	sbarrier.arrive $0xFFFF  }
0x28: {  	[spmem:s2] =	stream.indirect.scatter.add.f32 [tilespmem:s13], [sflag:$0x1], $0x1, s16, s12, $0xb8;
	[tilespmem:$0xA880] =	vst v63  }
0x29: {  	_ =	swait.ge [sflag:s11], $0x50  }
0x2a: {  	s16 =	simm.s32 $0x200;
	[sflag:s11] =	ssyncset.done $0x0  }
.LBB2_2:
0x2b: {  	s17 =	sshra.s32 s16, $0x2;
	[sflag:s11] =	ssyncadd.s32 $0xFFFFFFB0;
	p1 =	sne.s32 s16, $0x1F200  }
0x2c: {  	[spmem:s2] =	stream.indirect.scatter.add.f32 [tilespmem:s13], [sflag:$0x1], $0x1, s17, s12, $0xb8;
	[tilespmem:$0xA880] =	vst v63  }
.Ltmp2:
0x2d: {  	_ = 	snop;
	(pc) =	sbr.rel @p1 .LBB2_2-.Ltmp2, $4  }
0x2e: {  	_ = 	snop  }
0x2f: {  	s16 =	sadd.s32 $0x200, s16  }
0x30: {  	_ =	swait.ge [sflag:s11], $0x50  }
0x31: {  	[sflag:s11] =	ssyncset.done $0x0  }
.Ltmp3:
0x32: {  	(pc) =	sbr.rel @p0 .LBB2_7-.Ltmp3, $3  }
0x33: {  	_ = 	snop  }
0x34: {  	[sflag:s11] =	ssyncadd.s32 $0xFFFFFFB0  }
0x35: {  	[bflag:$0x0] =	sbarrier.arrive $0xFFFF;
	_ =	sdelay $0x1  }
0x36: {  	[tilespmem:s14], [sflag:$0x1] =	stream.linear.gather [spmem:s4], $0x1400, $0x38;
	[tilespmem:$0xA880] =	vst v63  }
0x37: {  	_ =	swait.ge [sflag:s11], $0x1400  }
0x38: {  	[sflag:s11] =	ssyncset.done $0x0  }
0x39: {  	s16 =	simm.s32 $0x0;
	s17 =	simm.s32 $0x40;
	[sflag:s11] =	ssyncadd.s32 $0xFFFFEC00  }
.LBB2_5:
0x3a: {  	p1 =	sne.s32 s17, $0x4FC0;
	v1 =	vld [tilespmem:s16+$0x8080];
	_ =	sdelay $0x4  }
0x3b: {  	v1 =	vmax.f32 v1, $1.000000000e+00  }
0x3c: {  	(erf) = vrcp.f32 v1;
	_ =	sdelay $0x5  }
.Ltmp4:
0x3d: {  	(pc) =	sbr.rel @p1 .LBB2_5-.Ltmp4, $3  }
0x3e: {  	_ =	sdelay $0x1  }
0x3f: {  	v1 =	vpop (erf)  }
0x40: {  	[tilespmem:s16+$0x8080] =	vst v1;
	s16 =	sshra.s32 s17, $0x2;
	s17 =	sadd.s32 $0x40, s17  }
.Ltmp5:
0x41: {  	_ = 	snop;
	(pc) =	sbr.rel .LBB2_6-.Ltmp5, $1  }
0x42: {  	_ =	sdelay $0x3  }
.LBB2_8:
0x43: {  	_ =	sfence.sel $0x180000  }
0x44: {  	[bflag:$0x0] =	sbarrier.arrive $0xFFFF  }
0x45: {  	p0 =	sne.s32 s0, $0x0;
	_ =	strace $0x90000047  }
0x46: {  	s0 =	sadd.s32 @!p0 $0x100000, s1;
	[bflag:$0x2] =	sbarrier.arrive $0xFFFF  }
0x47: {  	[sflag:s0] =	ssyncadd.tile.s32 @!p0 $0x1;
	_ =	shalt  }
.Lfunc_end2:
_tile_overlayer_lowered:
.L_overlay_start_2:
0x48: {  	(tag) =	ssettag $0x2  }
0x49: {  	s0 =	rddreg [dreg:$0x0];
	s2 =	stileid.u32  }
0x4a: {  	s1 =	rddreg [dreg:$0x1];
	p0 =	sne.s32 s2, $0x0  }
0x4b: {  	s3 =	rddreg [dreg:$0x2];
	[bflag:$0x3] =	sbarrier.arrive $0xFFFF;
	s2 =	simm.s32 @!p0 $0x1C01  }
0x4c: {  	[timem:s3], [sflag:s2] =	dma.local @!p0 [hbm:s0], s1  }
0x4d: {  	s0 =	simm.s32 @!p0 $0x1  }
0x4e: {  	_ =	swait.ge @!p0 [sflag:s0], s1  }
0x4f: {  	s1 =	ssub.s32 @!p0 $0x0, s1;
	[sflag:s0] =	ssyncset.done @!p0 $0x0  }
0x50: {  	[sflag:s0] =	ssyncadd.s32 @!p0 s1  }
0x51: {  	[bflag:$0x3] =	sbarrier.arrive $0xFFFF  }
0x52: {  	_ =	shalt  }

// kernel: kernel.16.cloned.1.call-start
scs
__scs_entry_jumppad:
0x0: {  	(pc) =	sbr.rel $0x88, $3  }
0x1: {  	(tag) =	ssettag $0x0;
	lr =	simm.s32 $0x1  }
0x2: {  	[smem:$0x3F95] =	sst lr;
	_ =	strace $0xD0000000  }
0x3: {  	_ = 	snop  }
0x4: {  	_ = 	snop  }
0x5: {  	_ = 	snop  }
0x6: {  	_ = 	snop  }
0x7: {  	_ = 	snop  }
__scs_overlays_trampoline_lowered:
0x8: {  	[smem:$0x3FA4] =	sst s0  }
0x9: {  	[smem:$0x3FA5] =	sst s1  }
0xa: {  	[smem:$0x3FA6] =	sst s2  }
0xb: {  	[smem:$0x3FA7] =	sst s3  }
0xc: {  	[smem:$0x3FA8] =	sst s4  }
0xd: {  	[smem:$0x3FA9] =	sst s5  }
0xe: {  	[smem:$0x3FAA] =	sst s6  }
0xf: {  	[smem:$0x3FAB] =	sst s7  }
0x10: {  	[smem:$0x3FAC] =	sst s8  }
0x11: {  	[smem:$0x3FAD] =	sst s9;
	s0 =	simm.s32 @!p0 $0x0  }
0x12: {  	s1 =	sld [smem:$0x3F93];
	s0 =	simm.s32 @p0 $0x1  }
0x13: {  	[smem:$0x3FAE] =	sst s0;
	s0 =	simm.s32 @!p1 $0x0  }
0x14: {  	s2 =	sld [smem:$0x3F92];
	s0 =	simm.s32 @p1 $0x1  }
0x15: {  	[smem:$0x3FAF] =	sst s0;
	s0 =	simm.s32 @!p2 $0x0  }
0x16: {  	s3 =	sld [smem:$0x3FDB];
	s0 =	simm.s32 @p2 $0x1  }
0x17: {  	s4 =	simm.s32 $0x1BF5;
	[smem:$0x3FB1] =	sst s0  }
0x18: {  	s0 =	sld [smem:$0x3F94];
	_ =	swait.ge [sflag:s4], $0x0  }
0x19: {  	s7 =	sld [smem:$0x3F95]  }
0x1a: {  	s8 =	sadd.s32 $0xFFFFE003, lr  }
0x1b: {  	s9 =	sadd.s32 $0xFFFFFEF7, lr;
	s5 =	simm.s32 $0xFFFFFFFF;
	p2 =	slt.u32 s8, $0xFFFFF086  }
0x1c: {  	p1 =	slt.u32 s9, $0xF7A;
	s5 =	simm.s32 @!p2 $0x0  }
0x1d: {  	s5 =	simm.s32 @p1 $0x1;
	p0 =	seq.s32 s7, s2  }
0x1e: {  	s7 =	smul.u32 @!p0 $0xF7A, s2;
	p2 =	seq.s32 @!p0 s5, $0x0  }
0x1f: {  	s9 =	smul.u32 $0xF7A, s1;
	s8 =	simm.s32 @!p0 $0x1BF5;
	p2 =	por !p2, p0  }
0x20: {  	[sflag:s8] =	ssyncset.s32 @!p0 $0xFFFFF086;
	s6 =	sadd.s32 @!p0 s3, s7;
	s7 =	simm.s32 @!p0 $0x108  }
0x21: {  	s3 =	sadd.s32 s3, s9;
	s6 =	sadd.s32 @!p0 $0x88, s6;
	s7 =	simm.s32 @p2 $0x1082  }
0x22: {  	[simem:s7], [sflag:s8] =	dma.local @!p0 [hbm:s6], $0xF7A  }
0x23: {  	s9 =	sor.u32 $0xD0000000, s2;
	s6 =	simm.s32 $0x108;
	_ =	swait.ge @!p0 [sflag:s8], $0x0  }
0x24: {  	s3 =	sadd.s32 $0x88, s3;
	s6 =	simm.s32 @!p1 $0x1082;
	[sflag:s4] =	ssyncset.s32 $0xFFFFF086  }
0x25: {  	[simem:s6], [sflag:s4] =	dma.local [hbm:s3], $0xF7A  }
0x26: {  	[smem:$0x3F95] =	sst s1;
	(tag) =	ssettag s2;
	_ =	strace s9  }
0x27: {  	s1 =	sld [smem:$0x3FA5]  }
0x28: {  	s2 =	sld [smem:$0x3FA6]  }
0x29: {  	s4 =	sld [smem:$0x3FA8]  }
0x2a: {  	p0 =	seq.s32 s5, $0x0;
	s5 =	sld [smem:$0x3FA9]  }
0x2b: {  	s6 =	sld [smem:$0x3FAA]  }
0x2c: {  	s7 =	sld [smem:$0x3FAB]  }
0x2d: {  	s3 =	simm.s32 $0x108;
	s8 =	sld [smem:$0x3FAC]  }
0x2e: {  	s3 =	simm.s32 @!p0 $0x1082;
	s9 =	sld [smem:$0x3FAD]  }
0x2f: {  	lr =	sadd.s32 s0, s3;
	s0 =	sld [smem:$0x3FA4]  }
0x30: {  	s3 =	sld [smem:$0x3FA7]  }
0x31: {  	[smem:$0x3FB0] =	sst s10  }
0x32: {  	s10 =	sld [smem:$0x3FAE];
	_ =	sdelay $0x3  }
0x33: {  	p0 =	seq.s32 s10, $0x1;
	s10 =	sld [smem:$0x3FB0];
	_ =	sdelay $0x3  }
0x34: {  	[smem:$0x3FB0] =	sst s10  }
0x35: {  	s10 =	sld [smem:$0x3FAF];
	_ =	sdelay $0x3  }
0x36: {  	p1 =	seq.s32 s10, $0x1;
	s10 =	sld [smem:$0x3FB0];
	_ =	sdelay $0x3  }
0x37: {  	[smem:$0x3FB0] =	sst s10  }
0x38: {  	s10 =	sld [smem:$0x3FB1]  }
0x39: {  	_ = 	snop;
	(pc) =	sbr.ind lr, $3  }
0x3a: {  	_ = 	snop  }
0x3b: {  	_ = 	snop  }
0x3c: {  	p2 =	seq.s32 s10, $0x1;
	s10 =	sld [smem:$0x3FB0]  }
0x3d: {  	_ =	shalt  }
0x3e: {  	_ =	shalt  }
0x3f: {  	_ =	shalt  }
0x40: {  	_ =	shalt  }
0x41: {  	_ =	shalt  }
0x42: {  	_ =	shalt  }
0x43: {  	_ =	shalt  }
0x44: {  	_ =	shalt  }
0x45: {  	_ =	shalt  }
0x46: {  	_ =	shalt  }
0x47: {  	_ =	shalt  }
0x48: {  	_ =	shalt  }
0x49: {  	_ =	shalt  }
0x4a: {  	_ =	shalt  }
0x4b: {  	_ =	shalt  }
0x4c: {  	_ =	shalt  }
0x4d: {  	_ =	shalt  }
0x4e: {  	_ =	shalt  }
0x4f: {  	_ =	shalt  }
0x50: {  	_ =	shalt  }
0x51: {  	_ =	shalt  }
0x52: {  	_ =	shalt  }
0x53: {  	_ =	shalt  }
0x54: {  	_ =	shalt  }
0x55: {  	_ =	shalt  }
0x56: {  	_ =	shalt  }
0x57: {  	_ =	shalt  }
0x58: {  	_ =	shalt  }
0x59: {  	_ =	shalt  }
0x5a: {  	_ =	shalt  }
0x5b: {  	_ =	shalt  }
0x5c: {  	_ =	shalt  }
0x5d: {  	_ =	shalt  }
0x5e: {  	_ =	shalt  }
0x5f: {  	_ =	shalt  }
0x60: {  	_ =	shalt  }
0x61: {  	_ =	shalt  }
0x62: {  	_ =	shalt  }
0x63: {  	_ =	shalt  }
0x64: {  	_ =	shalt  }
0x65: {  	_ =	shalt  }
0x66: {  	_ =	shalt  }
0x67: {  	_ =	shalt  }
0x68: {  	_ =	shalt  }
0x69: {  	_ =	shalt  }
0x6a: {  	_ =	shalt  }
0x6b: {  	_ =	shalt  }
0x6c: {  	_ =	shalt  }
0x6d: {  	_ =	shalt  }
0x6e: {  	_ =	shalt  }
0x6f: {  	_ =	shalt  }
0x70: {  	_ =	shalt  }
0x71: {  	_ =	shalt  }
0x72: {  	_ =	shalt  }
0x73: {  	_ =	shalt  }
0x74: {  	_ =	shalt  }
0x75: {  	_ =	shalt  }
0x76: {  	_ =	shalt  }
0x77: {  	_ =	shalt  }
0x78: {  	_ =	shalt  }
0x79: {  	_ =	shalt  }
0x7a: {  	_ =	shalt  }
0x7b: {  	_ =	shalt  }
0x7c: {  	_ =	shalt  }
0x7d: {  	_ =	shalt  }
0x7e: {  	_ =	shalt  }
0x7f: {  	_ =	shalt  }
0x80: {  	_ =	shalt  }
0x81: {  	_ =	shalt  }
0x82: {  	_ =	shalt  }
0x83: {  	_ =	shalt  }
0x84: {  	_ =	shalt  }
0x85: {  	_ =	shalt  }
0x86: {  	_ =	shalt  }
0x87: {  	_ =	shalt  }
.Lfunc_end0:
.L_simem_size_0:
called_computation.1_lowered:
.L_overlay_start_0:
0x88: {  	s2 =	sld [smem:$0x3FD9]  }
0x89: {  	s3 =	sld [smem:$0x3FFE];
	_ =	sdelay $0x1  }
0x8a: {  	s1 =	srdreg.scid  }
0x8b: {  	s0 =	sand.u32 $0x1, s1  }
0x8c: {  	s16 =	sshll.u32 s0, $0xA;
	s2 =	sadd.s32 s3, s2  }
0x8d: {  	s2 =	sadd.s32 s2, s16  }
0x8e: {  	[smem:$0x3FBC] =	sst s2  }
0x8f: {  	_ = 	snop  }
0x90: {  	(tm) =	ssettm $0x1  }
0x91: {  	s17 =	sld [smem:$0x3FFB];
	_ =	sdelay $0x3  }
0x92: {  	_ =	strace s17  }
0x93: {  	s2 =	sld [smem:$0x3FFC];
	_ =	sdelay $0x3  }
0x94: {  	_ =	strace s2  }
0x95: {  	s2 =	sld [smem:$0x3FFD];
	_ =	sdelay $0x3  }
0x96: {  	_ =	strace s2  }
0x97: {  	_ =	strace $0x8FFFFFFF  }
0x98: {  	s18 =	sld [smem:$0x3FDB];
	_ =	sdelay $0x1  }
0x99: {  	s19 =	simm.s32 $_scs_section_size  }
0x9a: {  	s4 =	simm.s32 $_size__tile_overlayer_lowered;
	s5 =	simm.s32 $_tile_overlayer_lowered  }
0x9b: {  	s22 =	simm.s32 $0x1BFF;
	s21 =	sshll.u32 s5, $0x1;
	s2 =	sadd.s32 s19, s18  }
0x9c: {  	s6 =	simm.s32 $0x0;
	s20 =	sshll.u32 s4, $0x1;
	s4 =	sadd.s32 s21, s2  }
0x9d: {  	[timem:s6], [sflag:s22] =	dma.local [hbm:s4], s20  }
0x9e: {  	_ =	swait.ge [sflag:s22], s20  }
0x9f: {  	s3 =	ssub.s32 $0x0, s20;
	[sflag:s22] =	ssyncset.done $0x0  }
0xa0: {  	[sflag:s22] =	ssyncadd.s32 s3;
	_ =	sdelay $0x1  }
0xa1: {  	s23 =	simm.s32 $0x1B8B  }
0xa2: {  	_ =	swait.ge [sflag:s23], $0x1  }
0xa3: {  	[sflag:s23] =	ssyncset.done $0x0  }
0xa4: {  	s25 =	simm.s32 $0x1B8E;
	s24 =	sld [smem:$0x3FFE];
	[sflag:s23] =	ssyncadd.s32 $0xFFFFFFFF  }
0xa5: {  	s26 =	simm.s32 $execute0_lowered;
	[smem:$0x3FD2] =	sst s25  }
0xa6: {  	s4 =	sshll.u32 s26, $0x1;
	_ =	strace $0x80000049;
	[dreg:$0x1] =	wrdreg $0xFFFFFFFF  }
0xa7: {  	s28 =	simm.s32 $_size_execute0_lowered;
	s2 =	sadd.s32 s2, s4;
	[dreg:$0x0] =	wrdreg $0x0  }
0xa8: {  	s4 =	sshll.u32 s28, $0x1;
	[dreg:$0x2] =	wrdreg s2  }
0xa9: {  	[dreg:$0x3] =	wrdreg s4  }
0xaa: {  	[dreg:$0x4] =	wrdreg $0xC0  }
0xab: {  	_ =	task [dreg:s6], $0x5FFFF  }
0xac: {  	[dreg:$0x1] =	wrdreg $0xFFFFFFFF  }
0xad: {  	[dreg:$0x0] =	wrdreg $0x60  }
0xae: {  	[dreg:$0x2] =	wrdreg s24  }
0xaf: {  	[dreg:$0x3] =	wrdreg $0x9  }
0xb0: {  	_ =	task.clear_ibuf [dreg:s6], $0x4FFFF;
	_ =	strace $0x90000049  }
0xb1: {  	s29 =	simm.s32 $0x9;
	_ =	strace $0x8000004B  }
0xb2: {  	_ =	swait.ge [sflag:s29], $0x1  }
0xb3: {  	[sflag:s29] =	ssyncadd.s32 $0xFFFFFFFF  }
0xb4: {  	_ =	strace $0x9000004B  }
0xb5: {  	_ =	sfence  }
0xb6: {  	s30 =	sld [smem:$0x0];
	_ =	sdelay $0x2  }
0xb7: {  	s31 =	sshll.u32 s1, $0xD;
	s1 =	sshrl.u32 s1, $0x2  }
0xb8: {  	s3 =	sand.u32 $0x4000, s31;
	s1 =	sadd.s32 s1, s30  }
0xb9: {  	s0 =	sor.u32 s3, s0;
	s1 =	sshll.u32 s1, $0x11  }
0xba: {  	s0 =	sor.u32 s1, s0  }
0xbb: {  	s0 =	sadd.s32 $0x8F2B, s0  }
0xbc: {  	[sflag:s0] =	ssyncadd.remote.s32 $0x1  }
0xbd: {  	_ =	sfence.sel $0xFFFF  }
0xbe: {  	[dreg:$0x0] =	wrdreg $0xFFFFFFFF;
	(pc) =	sbr.abs _section_cstart, $3  }
0xbf: {  	[dreg:$0x1] =	wrdreg $0xFFFFFFFF  }
0xc0: {  	_ =	task.clear_ibuf [dreg:s6], $0x2FFFF;
	_ =	strace $0x9FFFFFFF  }
0xc1: {  	(tm) =	ssettm $0x7FFFFFFF  }
tec
execute0_lowered:
.L_overlay_start_1:
0x0: {  	(tag) =	ssettag $0x1  }
0x1: {  	s5 =	rddreg [dreg:$0x0]  }
0x2: {  	s0 =	rddreg [dreg:$0x1];
	s1 =	simm.s32 $0x0;
	s2 =	srdreg.scid  }
0x3: {  	s9 =	simm.s32 $0x14000;
	s10 =	simm.s32 $0x14200;
	s11 =	simm.s32 $0x0  }
0x4: {  	[smem:$0x7FF] =	sst s1;
	s6 =	sand.u32 $0x1, s2;
	s3 =	sadd.s32 $0x2C00, s5  }
0x5: {  	s4 =	sadd.s32 $0xF200, s5;
	s2 =	stileid.u32;
	s7 =	ssub.s32 $0x2, s6  }
0x6: {  	s5 =	sadd.s32 $0x11A00, s5;
	s6 =	sshll.u32 s6, $0x4;
	s8 =	sshrl.u32 s7, $0x1  }
0x7: {  	_ =	strace $0x8000004A;
	s6 =	sor.u32 s2, s6;
	s7 =	ssub.s32 s7, s8  }
0x8: {  	s6 =	smul.u32 $0x2710, s6;
	s8 =	simm.s32 $0x1;
	s7 =	smax.u32 s7, $0x1  }
.LBB2_1:
0x9: {  	[tilespmem:s1], [sflag:$0x1] =	stream.linear.gather [hbm4b:s4+s1], $0x14000, $0x38;
	[tilespmem:$0x14400] =	vst v63  }
0xa: {  	_ =	swait.ge [sflag:s8], $0x14000  }
0xb: {  	[sflag:s8] =	ssyncset.done $0x0  }
0xc: {  	s12 =	simm.s32 $0x0;
	[sflag:s8] =	ssyncadd.s32 $0xFFFEC000  }
.LBB2_2:
0xd: {  	s13 =	smul.u32 $0x190, s12;
	_ =	sdelay $0x1  }
0xe: {  	s13 =	sadd.s32 s6, s13  }
0xf: {  	s13 =	sshrl.u32 s13, $0x3  }
0x10: {  	s15 =	simm.s32 $0x0;
	s14 =	sadd.s32 s3, s13  }
0x11: {  	[tilespmem:s9], [sflag:$0x1] =	stream.linear.gather [hbm4b:s14+s15], $0x190, $0x38;
	[tilespmem:$0x14400] =	vst v63  }
0x12: {  	_ =	swait.ge [sflag:s8], $0x190  }
0x13: {  	[sflag:s8] =	ssyncset.done $0x0  }
0x14: {  	s14 =	simm.s32 $0x0;
	[sflag:s8] =	ssyncadd.s32 $0xFFFFFE70  }
0x15: {  	v0 =	vld [tilespmem:s14+$0x14000];
	_ =	sdelay $0x7  }
0x16: {  	s16 =	simm.s32 $0x80;
	s15 =	simm.s32 $0x10;
	v0 =	vld.idx.msk [tilespmem:v0+s1+$0x0], $0xffff  }
.LBB2_3:
0x17: {  	p0 =	sne.s32 s16, $0x600;
	v1 =	vld [tilespmem:s15+$0x14000];
	_ =	sdelay $0x3  }
.Ltmp0:
0x18: {  	(pc) =	sbr.rel @p0 .LBB2_3-.Ltmp0, $2  }
0x19: {  	[tilespmem:s14+$0x14200] =	vst v0;
	s14 =	smov.u32 s15;
	_ =	sdelay $0x2  }
0x1a: {  	s15 =	sshra.s32 s16, $0x2;
	s16 =	sadd.s32 $0x40, s16;
	v0 =	vld.idx.msk [tilespmem:v1+s1+$0x0], $0xffff  }
0x1b: {  	v1 =	vld [tilespmem:s15+$0x14000];
	_ =	sdelay $0x6  }
0x1c: {  	[tilespmem:s14+$0x14200] =	vst v0  }
0x1d: {  	v0 =	vld.idx.msk [tilespmem:v1+s1+$0x0], $0xffff;
	_ =	sdelay $0x2  }
0x1e: {  	s12 =	sadd.s32 $0x1, s12  }
0x1f: {  	p0 =	sne.s32 s12, $0x19  }
.Ltmp1:
0x20: {  	s13 =	sadd.s32 s5, s13;
	[tilespmem:s15+$0x14200] =	vst v0;
	(pc) =	sbr.rel @p0 .LBB2_2-.Ltmp1, $4  }
0x21: {  	[hbm4b:s13+s1] =	stream.linear.scatter [tilespmem:s10], [sflag:$0x1], $0x190, $0x38;
	[tilespmem:$0x14400] =	vst v63  }
0x22: {  	_ =	swait.ge [sflag:s8], $0x190  }
0x23: {  	[sflag:s8] =	ssyncset.done $0x0  }
0x24: {  	[sflag:s8] =	ssyncadd.s32 $0xFFFFFE70  }
0x25: {  	s11 =	sadd.s32 $0x1, s11  }
0x26: {  	p0 =	sne.s32 s11, s7  }
.Ltmp2:
0x27: {  	_ = 	snop;
	(pc) =	sbr.rel @p0 .LBB2_1-.Ltmp2, $1  }
0x28: {  	_ =	sdelay $0x3  }
0x29: {  	_ =	sfence.sel $0x180000  }
0x2a: {  	[bflag:$0x0] =	sbarrier.arrive $0xFFFF  }
0x2b: {  	p0 =	sne.s32 s2, $0x0;
	_ =	strace $0x9000004A  }
0x2c: {  	s0 =	sadd.s32 @!p0 $0x100000, s0;
	[bflag:$0x2] =	sbarrier.arrive $0xFFFF  }
0x2d: {  	[sflag:s0] =	ssyncadd.tile.s32 @!p0 $0x1;
	_ =	shalt  }
.Lfunc_end2:
_tile_overlayer_lowered:
.L_overlay_start_2:
0x2e: {  	(tag) =	ssettag $0x2  }
0x2f: {  	s0 =	rddreg [dreg:$0x0];
	s2 =	stileid.u32  }
0x30: {  	s1 =	rddreg [dreg:$0x1];
	p0 =	sne.s32 s2, $0x0  }
0x31: {  	s3 =	rddreg [dreg:$0x2];
	[bflag:$0x3] =	sbarrier.arrive $0xFFFF;
	s2 =	simm.s32 @!p0 $0x1C01  }
0x32: {  	[timem:s3], [sflag:s2] =	dma.local @!p0 [hbm:s0], s1  }
0x33: {  	s0 =	simm.s32 @!p0 $0x1  }
0x34: {  	_ =	swait.ge @!p0 [sflag:s0], s1  }
0x35: {  	s1 =	ssub.s32 @!p0 $0x0, s1;
	[sflag:s0] =	ssyncset.done @!p0 $0x0  }
0x36: {  	[sflag:s0] =	ssyncadd.s32 @!p0 s1  }
0x37: {  	[bflag:$0x3] =	sbarrier.arrive $0xFFFF  }
0x38: {  	_ =	shalt  }

// kernel: kernel.19.cloned.1.call-start
scs
__scs_entry_jumppad:
0x0: {  	(pc) =	sbr.rel $0x88, $3  }
0x1: {  	(tag) =	ssettag $0x0;
	lr =	simm.s32 $0x1  }
0x2: {  	[smem:$0x3F95] =	sst lr;
	_ =	strace $0xD0000000  }
0x3: {  	_ = 	snop  }
0x4: {  	_ = 	snop  }
0x5: {  	_ = 	snop  }
0x6: {  	_ = 	snop  }
0x7: {  	_ = 	snop  }
__scs_overlays_trampoline_lowered:
0x8: {  	[smem:$0x3FA4] =	sst s0  }
0x9: {  	[smem:$0x3FA5] =	sst s1  }
0xa: {  	[smem:$0x3FA6] =	sst s2  }
0xb: {  	[smem:$0x3FA7] =	sst s3  }
0xc: {  	[smem:$0x3FA8] =	sst s4  }
0xd: {  	[smem:$0x3FA9] =	sst s5  }
0xe: {  	[smem:$0x3FAA] =	sst s6  }
0xf: {  	[smem:$0x3FAB] =	sst s7  }
0x10: {  	[smem:$0x3FAC] =	sst s8  }
0x11: {  	[smem:$0x3FAD] =	sst s9;
	s0 =	simm.s32 @!p0 $0x0  }
0x12: {  	s1 =	sld [smem:$0x3F93];
	s0 =	simm.s32 @p0 $0x1  }
0x13: {  	[smem:$0x3FAE] =	sst s0;
	s0 =	simm.s32 @!p1 $0x0  }
0x14: {  	s2 =	sld [smem:$0x3F92];
	s0 =	simm.s32 @p1 $0x1  }
0x15: {  	[smem:$0x3FAF] =	sst s0;
	s0 =	simm.s32 @!p2 $0x0  }
0x16: {  	s3 =	sld [smem:$0x3FDB];
	s0 =	simm.s32 @p2 $0x1  }
0x17: {  	s4 =	simm.s32 $0x1BF5;
	[smem:$0x3FB1] =	sst s0  }
0x18: {  	s0 =	sld [smem:$0x3F94];
	_ =	swait.ge [sflag:s4], $0x0  }
0x19: {  	s7 =	sld [smem:$0x3F95]  }
0x1a: {  	s8 =	sadd.s32 $0xFFFFE003, lr  }
0x1b: {  	s9 =	sadd.s32 $0xFFFFFEF7, lr;
	s5 =	simm.s32 $0xFFFFFFFF;
	p2 =	slt.u32 s8, $0xFFFFF086  }
0x1c: {  	p1 =	slt.u32 s9, $0xF7A;
	s5 =	simm.s32 @!p2 $0x0  }
0x1d: {  	s5 =	simm.s32 @p1 $0x1;
	p0 =	seq.s32 s7, s2  }
0x1e: {  	s7 =	smul.u32 @!p0 $0xF7A, s2;
	p2 =	seq.s32 @!p0 s5, $0x0  }
0x1f: {  	s9 =	smul.u32 $0xF7A, s1;
	s8 =	simm.s32 @!p0 $0x1BF5;
	p2 =	por !p2, p0  }
0x20: {  	[sflag:s8] =	ssyncset.s32 @!p0 $0xFFFFF086;
	s6 =	sadd.s32 @!p0 s3, s7;
	s7 =	simm.s32 @!p0 $0x108  }
0x21: {  	s3 =	sadd.s32 s3, s9;
	s6 =	sadd.s32 @!p0 $0x88, s6;
	s7 =	simm.s32 @p2 $0x1082  }
0x22: {  	[simem:s7], [sflag:s8] =	dma.local @!p0 [hbm:s6], $0xF7A  }
0x23: {  	s9 =	sor.u32 $0xD0000000, s2;
	s6 =	simm.s32 $0x108;
	_ =	swait.ge @!p0 [sflag:s8], $0x0  }
0x24: {  	s3 =	sadd.s32 $0x88, s3;
	s6 =	simm.s32 @!p1 $0x1082;
	[sflag:s4] =	ssyncset.s32 $0xFFFFF086  }
0x25: {  	[simem:s6], [sflag:s4] =	dma.local [hbm:s3], $0xF7A  }
0x26: {  	[smem:$0x3F95] =	sst s1;
	(tag) =	ssettag s2;
	_ =	strace s9  }
0x27: {  	s1 =	sld [smem:$0x3FA5]  }
0x28: {  	s2 =	sld [smem:$0x3FA6]  }
0x29: {  	s4 =	sld [smem:$0x3FA8]  }
0x2a: {  	p0 =	seq.s32 s5, $0x0;
	s5 =	sld [smem:$0x3FA9]  }
0x2b: {  	s6 =	sld [smem:$0x3FAA]  }
0x2c: {  	s7 =	sld [smem:$0x3FAB]  }
0x2d: {  	s3 =	simm.s32 $0x108;
	s8 =	sld [smem:$0x3FAC]  }
0x2e: {  	s3 =	simm.s32 @!p0 $0x1082;
	s9 =	sld [smem:$0x3FAD]  }
0x2f: {  	lr =	sadd.s32 s0, s3;
	s0 =	sld [smem:$0x3FA4]  }
0x30: {  	s3 =	sld [smem:$0x3FA7]  }
0x31: {  	[smem:$0x3FB0] =	sst s10  }
0x32: {  	s10 =	sld [smem:$0x3FAE];
	_ =	sdelay $0x3  }
0x33: {  	p0 =	seq.s32 s10, $0x1;
	s10 =	sld [smem:$0x3FB0];
	_ =	sdelay $0x3  }
0x34: {  	[smem:$0x3FB0] =	sst s10  }
0x35: {  	s10 =	sld [smem:$0x3FAF];
	_ =	sdelay $0x3  }
0x36: {  	p1 =	seq.s32 s10, $0x1;
	s10 =	sld [smem:$0x3FB0];
	_ =	sdelay $0x3  }
0x37: {  	[smem:$0x3FB0] =	sst s10  }
0x38: {  	s10 =	sld [smem:$0x3FB1]  }
0x39: {  	_ = 	snop;
	(pc) =	sbr.ind lr, $3  }
0x3a: {  	_ = 	snop  }
0x3b: {  	_ = 	snop  }
0x3c: {  	p2 =	seq.s32 s10, $0x1;
	s10 =	sld [smem:$0x3FB0]  }
0x3d: {  	_ =	shalt  }
0x3e: {  	_ =	shalt  }
0x3f: {  	_ =	shalt  }
0x40: {  	_ =	shalt  }
0x41: {  	_ =	shalt  }
0x42: {  	_ =	shalt  }
0x43: {  	_ =	shalt  }
0x44: {  	_ =	shalt  }
0x45: {  	_ =	shalt  }
0x46: {  	_ =	shalt  }
0x47: {  	_ =	shalt  }
0x48: {  	_ =	shalt  }
0x49: {  	_ =	shalt  }
0x4a: {  	_ =	shalt  }
0x4b: {  	_ =	shalt  }
0x4c: {  	_ =	shalt  }
0x4d: {  	_ =	shalt  }
0x4e: {  	_ =	shalt  }
0x4f: {  	_ =	shalt  }
0x50: {  	_ =	shalt  }
0x51: {  	_ =	shalt  }
0x52: {  	_ =	shalt  }
0x53: {  	_ =	shalt  }
0x54: {  	_ =	shalt  }
0x55: {  	_ =	shalt  }
0x56: {  	_ =	shalt  }
0x57: {  	_ =	shalt  }
0x58: {  	_ =	shalt  }
0x59: {  	_ =	shalt  }
0x5a: {  	_ =	shalt  }
0x5b: {  	_ =	shalt  }
0x5c: {  	_ =	shalt  }
0x5d: {  	_ =	shalt  }
0x5e: {  	_ =	shalt  }
0x5f: {  	_ =	shalt  }
0x60: {  	_ =	shalt  }
0x61: {  	_ =	shalt  }
0x62: {  	_ =	shalt  }
0x63: {  	_ =	shalt  }
0x64: {  	_ =	shalt  }
0x65: {  	_ =	shalt  }
0x66: {  	_ =	shalt  }
0x67: {  	_ =	shalt  }
0x68: {  	_ =	shalt  }
0x69: {  	_ =	shalt  }
0x6a: {  	_ =	shalt  }
0x6b: {  	_ =	shalt  }
0x6c: {  	_ =	shalt  }
0x6d: {  	_ =	shalt  }
0x6e: {  	_ =	shalt  }
0x6f: {  	_ =	shalt  }
0x70: {  	_ =	shalt  }
0x71: {  	_ =	shalt  }
0x72: {  	_ =	shalt  }
0x73: {  	_ =	shalt  }
0x74: {  	_ =	shalt  }
0x75: {  	_ =	shalt  }
0x76: {  	_ =	shalt  }
0x77: {  	_ =	shalt  }
0x78: {  	_ =	shalt  }
0x79: {  	_ =	shalt  }
0x7a: {  	_ =	shalt  }
0x7b: {  	_ =	shalt  }
0x7c: {  	_ =	shalt  }
0x7d: {  	_ =	shalt  }
0x7e: {  	_ =	shalt  }
0x7f: {  	_ =	shalt  }
0x80: {  	_ =	shalt  }
0x81: {  	_ =	shalt  }
0x82: {  	_ =	shalt  }
0x83: {  	_ =	shalt  }
0x84: {  	_ =	shalt  }
0x85: {  	_ =	shalt  }
0x86: {  	_ =	shalt  }
0x87: {  	_ =	shalt  }
.Lfunc_end0:
.L_simem_size_0:
called_computation.2_lowered:
.L_overlay_start_0:
0x88: {  	s2 =	sld [smem:$0x3FD9]  }
0x89: {  	s3 =	sld [smem:$0x3FFE];
	_ =	sdelay $0x1  }
0x8a: {  	s1 =	srdreg.scid  }
0x8b: {  	s0 =	sand.u32 $0x1, s1  }
0x8c: {  	s17 =	sshll.u32 s0, $0xA;
	s2 =	sadd.s32 s3, s2  }
0x8d: {  	s2 =	sadd.s32 s2, s17  }
0x8e: {  	[smem:$0x3FBC] =	sst s2  }
0x8f: {  	_ = 	snop  }
0x90: {  	s2 =	sld [smem:$0x3FD0];
	(tm) =	ssettm $0x1  }
0x91: {  	s18 =	sld [smem:$0x3FFB];
	_ =	sdelay $0x3  }
0x92: {  	_ =	strace s18  }
0x93: {  	s3 =	sld [smem:$0x3FFC];
	_ =	sdelay $0x3  }
0x94: {  	_ =	strace s3  }
0x95: {  	s3 =	sld [smem:$0x3FFD];
	_ =	sdelay $0x3  }
0x96: {  	_ =	strace s3  }
0x97: {  	_ =	strace $0x8FFFFFFF  }
0x98: {  	s19 =	sld [smem:$0x3FDB];
	_ =	sdelay $0x1  }
0x99: {  	s4 =	simm.s32 $_scs_section_size  }
0x9a: {  	s5 =	simm.s32 $_size__tile_overlayer_lowered;
	s6 =	simm.s32 $_tile_overlayer_lowered  }
0x9b: {  	s22 =	simm.s32 $0x1BFF;
	s21 =	sshll.u32 s6, $0x1;
	s3 =	sadd.s32 s4, s19  }
0x9c: {  	s7 =	simm.s32 $0x0;
	s20 =	sshll.u32 s5, $0x1;
	s5 =	sadd.s32 s21, s3  }
0x9d: {  	[timem:s7], [sflag:s22] =	dma.local [hbm:s5], s20  }
0x9e: {  	_ =	swait.ge [sflag:s22], s20  }
0x9f: {  	s4 =	ssub.s32 $0x0, s20;
	[sflag:s22] =	ssyncset.done $0x0  }
0xa0: {  	[sflag:s22] =	ssyncadd.s32 s4;
	_ =	sdelay $0x1  }
0xa1: {  	s23 =	simm.s32 $0x1B8B  }
0xa2: {  	_ =	swait.ge [sflag:s23], $0x1  }
0xa3: {  	[sflag:s23] =	ssyncset.done $0x0  }
0xa4: {  	s25 =	simm.s32 $0x1B8E;
	s24 =	sld [smem:$0x3FFE];
	[sflag:s23] =	ssyncadd.s32 $0xFFFFFFFF  }
0xa5: {  	s26 =	simm.s32 $execute0_lowered;
	[smem:$0x3FD2] =	sst s25  }
0xa6: {  	s5 =	sshll.u32 s26, $0x1;
	_ =	strace $0x8000004C;
	[dreg:$0x1] =	wrdreg $0xFFFFFFFF  }
0xa7: {  	s28 =	simm.s32 $_size_execute0_lowered;
	s3 =	sadd.s32 s3, s5;
	[dreg:$0x0] =	wrdreg $0x0  }
0xa8: {  	s5 =	sshll.u32 s28, $0x1;
	[dreg:$0x2] =	wrdreg s3  }
0xa9: {  	[dreg:$0x3] =	wrdreg s5  }
0xaa: {  	[dreg:$0x4] =	wrdreg $0xC0  }
0xab: {  	_ =	task [dreg:s7], $0x5FFFF  }
0xac: {  	[dreg:$0x1] =	wrdreg $0xFFFFFFFF  }
0xad: {  	[dreg:$0x0] =	wrdreg $0x60  }
0xae: {  	[dreg:$0x2] =	wrdreg s24  }
0xaf: {  	[dreg:$0x3] =	wrdreg s2  }
0xb0: {  	[dreg:$0x4] =	wrdreg $0x53000  }
0xb1: {  	[dreg:$0x5] =	wrdreg $0x9  }
0xb2: {  	_ =	task.clear_ibuf [dreg:s7], $0x6FFFF;
	_ =	strace $0x9000004C  }
0xb3: {  	s29 =	simm.s32 $0x9;
	_ =	strace $0x8000004E  }
0xb4: {  	_ =	swait.ge [sflag:s29], $0x1  }
0xb5: {  	[sflag:s29] =	ssyncadd.s32 $0xFFFFFFFF  }
0xb6: {  	_ =	strace $0x9000004E  }
0xb7: {  	_ =	sfence  }
0xb8: {  	s30 =	sld [smem:$0x0];
	_ =	sdelay $0x2  }
0xb9: {  	s31 =	sshll.u32 s1, $0xD;
	s1 =	sshrl.u32 s1, $0x2  }
0xba: {  	s3 =	sand.u32 $0x4000, s31;
	s1 =	sadd.s32 s1, s30  }
0xbb: {  	s0 =	sor.u32 s3, s0;
	s1 =	sshll.u32 s1, $0x11  }
0xbc: {  	s0 =	sor.u32 s1, s0  }
0xbd: {  	s0 =	sadd.s32 $0x8F2B, s0  }
0xbe: {  	[sflag:s0] =	ssyncadd.remote.s32 $0x1  }
0xbf: {  	_ =	sfence.sel $0xFFFF  }
0xc0: {  	[dreg:$0x0] =	wrdreg $0xFFFFFFFF;
	(pc) =	sbr.abs _section_cstart, $3  }
0xc1: {  	[dreg:$0x1] =	wrdreg $0xFFFFFFFF  }
0xc2: {  	_ =	task.clear_ibuf [dreg:s7], $0x2FFFF;
	_ =	strace $0x9FFFFFFF  }
0xc3: {  	(tm) =	ssettm $0x7FFFFFFF  }
tec
execute0_lowered:
.L_overlay_start_1:
0x0: {  	(tag) =	ssettag $0x1  }
0x1: {  	s0 =	rddreg [dreg:$0x0]  }
0x2: {  	s1 =	rddreg [dreg:$0x1]  }
0x3: {  	s2 =	rddreg [dreg:$0x2];
	s3 =	simm.s32 $0x0;
	s7 =	srdreg.scid  }
0x4: {  	s28 =	simm.s32 $0x7;
	s29 =	simm.s32 $0x4;
	s30 =	simm.s32 $0x280  }
0x5: {  	s31 =	simm.s32 $0x180;
	[smem:$0x7FF] =	sst s3;
	s5 =	sadd.s32 $0x1B800, s0  }
0x6: {  	s6 =	sadd.s32 $0x17B200, s0;
	s4 =	sadd.s32 $0x2C00, s0;
	s7 =	sand.u32 $0x1, s7  }
0x7: {  	s0 =	sadd.s32 $0x18B200, s0;
	_ =	strace $0x8000004D;
	[dreg:$0x4] =	wrdreg s4  }
0x8: {  	s4 =	stileid.u32;
	s8 =	ssub.s32 $0x2, s7;
	s14 =	smul.u32 $0x140000, s7  }
0x9: {  	s11 =	sshll.u32 s7, $0x4;
	p0 =	sne.s32 s7, $0x0;
	s9 =	smul.u32 $0x14000, s4  }
0xa: {  	s10 =	sshrl.u32 s8, $0x1;
	s12 =	smul.u32 $0x50000, s4;
	s11 =	sor.u32 s4, s11  }
0xb: {  	p1 =	seq.s32 @!p0 s4, $0xF;
	s10 =	ssub.s32 s8, s10;
	s21 =	sshrl.u32 s9, $0x3  }
0xc: {  	p1 =	por p1, p0;
	s10 =	smax.u32 s10, $0x1;
	s13 =	sadd.s32 s5, s21  }
0xd: {  	s12 =	sshrl.u32 s12, $0x2;
	[dreg:$0x13] =	wrdreg s10;
	s22 =	sadd.s32 $0x138800, s13  }
0xe: {  	s23 =	sadd.s32 s9, s14;
	s15 =	sadd.s32 $0x138D00, s13;
	[dreg:$0x5] =	wrdreg s22  }
0xf: {  	s8 =	sadd.s32 s12, s2;
	s17 =	sadd.s32 $0x139200, s13;
	[dreg:$0x6] =	wrdreg s15  }
0x10: {  	s12 =	sadd.s32 $0x4000, s9;
	s19 =	sadd.s32 $0x139700, s13;
	[dreg:$0x7] =	wrdreg s17  }
0x11: {  	s16 =	sadd.s32 s14, s12;
	s20 =	sadd.s32 $0x139C00, s13;
	[dreg:$0xd] =	wrdreg s19  }
0x12: {  	s21 =	sadd.s32 $0x13A100, s13;
	s15 =	sshrl.u32 s23, $0x3;
	[dreg:$0xe] =	wrdreg s20  }
0x13: {  	s16 =	sshrl.u32 s16, $0x3;
	[dreg:$0xf] =	wrdreg s21;
	s22 =	sadd.s32 $0x13A600, s13  }
0x14: {  	s17 =	sadd.s32 $0xC000, s9;
	s13 =	sadd.s32 $0x13AB00, s13;
	[dreg:$0x10] =	wrdreg s22  }
0x15: {  	s15 =	sadd.s32 s0, s15;
	s24 =	sadd.s32 s0, s16;
	[dreg:$0x11] =	wrdreg s13  }
0x16: {  	s18 =	sadd.s32 s14, s17;
	s13 =	sshll.u32 s11, $0xB;
	[dreg:$0x8] =	wrdreg s15  }
0x17: {  	s19 =	sadd.s32 s17, s2;
	s17 =	simm.s32 $0x50;
	[dreg:$0x9] =	wrdreg s24  }
0x18: {  	s15 =	sadd.s32 $0x8000, s9;
	s9 =	sadd.s32 $0x10000, s9;
	s26 =	sshrl.u32 s18, $0x3  }
0x19: {  	s18 =	smul.u32 $0x7D00, s11;
	s7 =	sadd.s32 s6, s13;
	s13 =	sadd.s32 $0xA000, s8  }
0x1a: {  	s21 =	sshrl.u32 s19, $0x3;
	s19 =	simm.s32 $0x200;
	s25 =	sadd.s32 s14, s15  }
0x1b: {  	s14 =	sadd.s32 s14, s9;
	[dreg:$0x12] =	wrdreg s7;
	s9 =	sadd.s32 s9, s2  }
0x1c: {  	[dreg:$0x1d] =	wrdreg s21;
	s21 =	simm.s32 $0x3;
	s16 =	sshrl.u32 s25, $0x3  }
0x1d: {  	s14 =	sshrl.u32 s14, $0x3;
	s23 =	sshrl.u32 s18, $0x3;
	s22 =	sshrl.u32 s9, $0x3  }
0x1e: {  	s25 =	sadd.s32 $0x200, s18;
	s16 =	sadd.s32 s0, s16;
	[dreg:$0x1e] =	wrdreg s22  }
0x1f: {  	s24 =	sadd.s32 s1, s23;
	[dreg:$0xa] =	wrdreg s16;
	s16 =	sadd.s32 s0, s26  }
0x20: {  	s0 =	sadd.s32 s0, s14;
	s26 =	sadd.s32 $0x300, s18;
	s18 =	sadd.s32 s15, s2  }
0x21: {  	s15 =	smov.u32 s24;
	s24 =	sadd.s32 $0x20, s24;
	[dreg:$0xb] =	wrdreg s16  }
0x22: {  	[dreg:$0xc] =	wrdreg s0;
	s16 =	sadd.s32 s12, s2;
	s12 =	sadd.s32 $0x2800, s8  }
0x23: {  	s7 =	simm.s32 $0x0;
	[dreg:$0x1f] =	wrdreg s24;
	s10 =	sshrl.u32 @!p0 s12, $0x3  }
0x24: {  	s20 =	sshrl.u32 s18, $0x3;
	[dreg:$0x14] =	wrdreg s10;
	s10 =	sadd.s32 $0x5000, s8  }
0x25: {  	s12 =	sadd.s32 $0x7800, s8;
	[dreg:$0x1c] =	wrdreg s20;
	s10 =	sshrl.u32 @!p0 s10, $0x3  }
0x26: {  	s23 =	sshll.u32 s11, $0xE;
	[dreg:$0x15] =	wrdreg s10;
	s10 =	sshrl.u32 @!p0 s12, $0x3  }
0x27: {  	s22 =	simm.s32 $0x2;
	[dreg:$0x16] =	wrdreg s10;
	s10 =	sshrl.u32 @!p0 s13, $0x3  }
0x28: {  	s18 =	simm.s32 $0x300;
	[dreg:$0x17] =	wrdreg s10;
	s10 =	sadd.s32 $0xC800, s8  }
.Ltmp0:
0x29: {  	s12 =	sadd.s32 $0xF000, s8;
	s10 =	sshrl.u32 @!p1 s10, $0x3;
	(pc) =	sbr.rel .LBB2_1-.Ltmp0, $4  }
0x2a: {  	s24 =	simm.s32 $0x80;
	[dreg:$0x18] =	wrdreg s10;
	s10 =	sshrl.u32 @!p1 s12, $0x3  }
0x2b: {  	s0 =	sshrl.u32 s16, $0x3;
	[dreg:$0x19] =	wrdreg s10;
	s10 =	sadd.s32 $0x11800, s8  }
0x2c: {  	s16 =	simm.s32 $0x5;
	[dreg:$0x1b] =	wrdreg s0;
	s10 =	sshrl.u32 @!p1 s10, $0x3  }
0x2d: {  	s20 =	simm.s32 $0x1;
	s0 =	simm.s32 $0x2B00;
	[dreg:$0x1a] =	wrdreg s10  }
.LBB2_10:
0x2e: {  	s9 =	sshll.u32 s4, $0x6;
	[bflag:$0x0] =	sbarrier.arrive $0xFFFF  }
0x2f: {  	s10 =	sshrl.u32 s8, $0x3;
	s9 =	sor.u32 $0x1C07, s9;
	s11 =	rddreg [dreg:$0x8]  }
0x30: {  	[hbm:s11], [sflag:s9] =	dma.local [spmem:s10], $0x800  }
0x31: {  	_ =	swait.ge [sflag:s28], $0x800  }
0x32: {  	[sflag:s28] =	ssyncset.done $0x0;
	s13 =	rddreg [dreg:$0x9]  }
0x33: {  	s14 =	rddreg [dreg:$0x1b];
	[sflag:s28] =	ssyncadd.s32 $0xFFFFF800  }
0x34: {  	[hbm:s13], [sflag:s9] =	dma.local [spmem:s14], $0x800  }
0x35: {  	_ =	swait.ge [sflag:s28], $0x800  }
0x36: {  	[sflag:s28] =	ssyncset.done $0x0;
	s11 =	rddreg [dreg:$0xa]  }
0x37: {  	s12 =	rddreg [dreg:$0x1c];
	[sflag:s28] =	ssyncadd.s32 $0xFFFFF800  }
0x38: {  	[hbm:s11], [sflag:s9] =	dma.local [spmem:s12], $0x800  }
0x39: {  	_ =	swait.ge [sflag:s28], $0x800  }
0x3a: {  	[sflag:s28] =	ssyncset.done $0x0;
	s13 =	rddreg [dreg:$0xb]  }
0x3b: {  	s14 =	rddreg [dreg:$0x1d];
	[sflag:s28] =	ssyncadd.s32 $0xFFFFF800  }
0x3c: {  	[hbm:s13], [sflag:s9] =	dma.local [spmem:s14], $0x800  }
0x3d: {  	_ =	swait.ge [sflag:s28], $0x800  }
0x3e: {  	[sflag:s28] =	ssyncset.done $0x0;
	s12 =	rddreg [dreg:$0xc]  }
0x3f: {  	s13 =	rddreg [dreg:$0x1e];
	[sflag:s28] =	ssyncadd.s32 $0xFFFFF800  }
0x40: {  	[hbm:s12], [sflag:s9] =	dma.local [spmem:s13], $0x800  }
0x41: {  	_ =	swait.ge [sflag:s28], $0x800  }
0x42: {  	s7 =	sadd.s32 $0x1, s7;
	s14 =	rddreg [dreg:$0x13]  }
0x43: {  	p2 =	sne.s32 s7, s14  }
.Ltmp1:
0x44: {  	_ = 	snop;
	(pc) =	sbr.rel @!p2 .LBB2_11-.Ltmp1, $3  }
0x45: {  	_ =	sdelay $0x1  }
0x46: {  	[sflag:s28] =	ssyncset.done $0x0  }
0x47: {  	[sflag:s28] =	ssyncadd.s32 $0xFFFFF800  }
.LBB2_1:
0x48: {  	s9 =	sshll.u32 @p0 s4, $0x6  }
0x49: {  	s10 =	sshrl.u32 @p0 s8, $0x3;
	s11 =	rddreg [dreg:$0x4];
	s9 =	sor.u32 @p0 $0x1C07, s9  }
0x4a: {  	[spmem:s10], [sflag:s9] =	dma.local @p0 [hbm:s11], $0x2800  }
0x4b: {  	s9 =	simm.s32 @p0 $0x7  }
0x4c: {  	_ =	swait.ge @p0 [sflag:s9], $0x2800  }
0x4d: {  	s10 =	sshll.u32 @!p0 s4, $0x6;
	[sflag:s9] =	ssyncset.done @p0 $0x0;
	s11 =	rddreg [dreg:$0x5]  }
0x4e: {  	[sflag:s9] =	ssyncadd.s32 @p0 $0xFFFFD800;
	s9 =	sor.u32 @!p0 $0x1C07, s10;
	s10 =	sshrl.u32 @!p0 s8, $0x3  }
0x4f: {  	[spmem:s10], [sflag:s9] =	dma.local @!p0 [hbm:s11], $0x500  }
0x50: {  	s10 =	simm.s32 @!p0 $0x7  }
0x51: {  	_ =	swait.ge @!p0 [sflag:s10], $0x500  }
0x52: {  	[sflag:s10] =	ssyncset.done @!p0 $0x0;
	s11 =	rddreg [dreg:$0x6]  }
0x53: {  	s12 =	rddreg [dreg:$0x14];
	[sflag:s10] =	ssyncadd.s32 @!p0 $0xFFFFFB00  }
0x54: {  	[spmem:s12], [sflag:s9] =	dma.local @!p0 [hbm:s11], $0x500  }
0x55: {  	_ =	swait.ge @!p0 [sflag:s10], $0x500  }
0x56: {  	[sflag:s10] =	ssyncset.done @!p0 $0x0;
	s11 =	rddreg [dreg:$0x7]  }
0x57: {  	s12 =	rddreg [dreg:$0x15];
	[sflag:s10] =	ssyncadd.s32 @!p0 $0xFFFFFB00  }
0x58: {  	[spmem:s12], [sflag:s9] =	dma.local @!p0 [hbm:s11], $0x500  }
0x59: {  	_ =	swait.ge @!p0 [sflag:s10], $0x500  }
0x5a: {  	[sflag:s10] =	ssyncset.done @!p0 $0x0;
	s11 =	rddreg [dreg:$0xd]  }
0x5b: {  	s12 =	rddreg [dreg:$0x16];
	[sflag:s10] =	ssyncadd.s32 @!p0 $0xFFFFFB00  }
0x5c: {  	[spmem:s12], [sflag:s9] =	dma.local @!p0 [hbm:s11], $0x500  }
0x5d: {  	_ =	swait.ge @!p0 [sflag:s10], $0x500  }
0x5e: {  	[sflag:s10] =	ssyncset.done @!p0 $0x0;
	s11 =	rddreg [dreg:$0xe]  }
0x5f: {  	s12 =	rddreg [dreg:$0x17];
	[sflag:s10] =	ssyncadd.s32 @!p0 $0xFFFFFB00  }
0x60: {  	[spmem:s12], [sflag:s9] =	dma.local @!p0 [hbm:s11], $0x500  }
0x61: {  	_ =	swait.ge @!p0 [sflag:s10], $0x500  }
0x62: {  	[sflag:s10] =	ssyncset.done @!p0 $0x0;
	s11 =	rddreg [dreg:$0x18]  }
0x63: {  	[sflag:s10] =	ssyncadd.s32 @!p0 $0xFFFFFB00;
	s10 =	rddreg [dreg:$0xf]  }
0x64: {  	[spmem:s11], [sflag:s9] =	dma.local @!p1 [hbm:s10], $0x500  }
0x65: {  	s10 =	simm.s32 @!p1 $0x7  }
0x66: {  	_ =	swait.ge @!p1 [sflag:s10], $0x500  }
0x67: {  	[sflag:s10] =	ssyncset.done @!p1 $0x0;
	s11 =	rddreg [dreg:$0x10]  }
0x68: {  	s12 =	rddreg [dreg:$0x19];
	[sflag:s10] =	ssyncadd.s32 @!p1 $0xFFFFFB00  }
0x69: {  	[spmem:s12], [sflag:s9] =	dma.local @!p1 [hbm:s11], $0x500  }
0x6a: {  	_ =	swait.ge @!p1 [sflag:s10], $0x500  }
0x6b: {  	[sflag:s10] =	ssyncset.done @!p1 $0x0;
	s11 =	rddreg [dreg:$0x11]  }
0x6c: {  	s12 =	rddreg [dreg:$0x1a];
	[sflag:s10] =	ssyncadd.s32 @!p1 $0xFFFFFB00  }
0x6d: {  	[spmem:s12], [sflag:s9] =	dma.local @!p1 [hbm:s11], $0x500  }
0x6e: {  	_ =	swait.ge @!p1 [sflag:s10], $0x500  }
0x6f: {  	[sflag:s10] =	ssyncset.done @!p1 $0x0  }
0x70: {  	[sflag:s10] =	ssyncadd.s32 @!p1 $0xFFFFFB00  }
0x71: {  	[bflag:$0x0] =	sbarrier.arrive $0xFFFF  }
0x72: {  	[tilespmem:s3], [sflag:$0x5] =	stream.linear.gather [hbm4b:s15+s3], $0x100, $0x38;
	[tilespmem:$0x19300] =	vst v63  }
0x73: {  	s13 =	simm.s32 $0x100;
	s12 =	rddreg [dreg:$0x1f]  }
0x74: {  	[tilespmem:s13], [sflag:$0x6] =	stream.linear.gather [hbm4b:s12+s3], $0x100, $0x38;
	[tilespmem:$0x19300] =	vst v63  }
0x75: {  	_ =	swait.ge [sflag:s16], $0x100  }
.Ltmp2:
0x76: {  	[sflag:s16] =	ssyncset.done $0x0;
	(pc) =	sbr.rel .LBB2_2-.Ltmp2, $4  }
0x77: {  	[sflag:s16] =	ssyncadd.s32 $0xFFFFFF00  }
0x78: {  	[tilespmem:s18], [sflag:$0x1] =	stream.indirect.gather [hbm4b:s5+s17], $0x80, s3, s17, $0xb8;
	[tilespmem:$0x19300] =	vst v63  }
0x79: {  	s9 =	simm.s32 $0x0;
	s14 =	rddreg [dreg:$0x12]  }
0x7a: {  	[tilespmem:s19], [sflag:$0x3] =	stream.linear.gather [hbm4b:s14+s3], $0x80, $0x38;
	[tilespmem:$0x19300] =	vst v63  }
.LBB2_9:
0x7b: {  	s9 =	sadd.s32 $0x1, s9  }
0x7c: {  	p2 =	sne.s32 s9, $0x3F  }
.Ltmp3:
0x7d: {  	_ = 	snop;
	(pc) =	sbr.rel @!p2 .LBB2_10-.Ltmp3, $1  }
0x7e: {  	_ =	sdelay $0x3  }
.LBB2_2:
0x7f: {  	s10 =	sshllo.u32 s9, $0x1  }
0x80: {  	p2 =	sgt.u32 s10, $0x7C  }
0x81: {  	s11 =	simm.s32 @!p2 $0x6  }
0x82: {  	_ =	swait.ge @!p2 [sflag:s11], $0x100  }
0x83: {  	s12 =	simm.s32 @!p2 $0x100;
	[sflag:s11] =	ssyncset.done @!p2 $0x0  }
0x84: {  	s13 =	simm.s32 @!p2 $0x2B00;
	[sflag:s11] =	ssyncadd.s32 @!p2 $0xFFFFFF00;
	s11 =	simm.s32 @!p2 $0x50  }
0x85: {  	[tilespmem:s13], [sflag:$0x2] =	stream.indirect.gather @!p2 [hbm4b:s5+s11], $0x80, s12, s11, $0xb8;
	[tilespmem:$0x19300] =	vst v63  }
0x86: {  	s10 =	sshll.u32 @!p2 s10, $0x7;
	s11 =	sshll.u32 @!p2 s9, $0x8  }
0x87: {  	s10 =	sand.u32 @!p2 $0x380, s10;
	s11 =	sand.u32 @!p2 $0x3C00, s11  }
0x88: {  	s10 =	sor.u32 @!p2 s10, s11  }
0x89: {  	s10 =	sor.u32 @!p2 s23, s10  }
0x8a: {  	s10 =	sshrl.u32 @!p2 s10, $0x3  }
0x8b: {  	s12 =	simm.s32 @!p2 $0x280;
	s11 =	simm.s32 @!p2 $0x0;
	s10 =	sadd.s32 @!p2 s6, s10  }
0x8c: {  	[tilespmem:s12], [sflag:$0x4] =	stream.linear.gather @!p2 [hbm4b:s10+s11], $0x80, $0x38;
	[tilespmem:$0x19300] =	vst v63  }
0x8d: {  	_ =	swait.ge [sflag:s20], $0x2800  }
0x8e: {  	[sflag:s20] =	ssyncset.done $0x0  }
0x8f: {  	[sflag:s20] =	ssyncadd.s32 $0xFFFFD800  }
0x90: {  	s14 =	simm.s32 $0x0;
	_ =	swait.ge [sflag:s21], $0x80  }
0x91: {  	v0 =	vmov s14;
	[sflag:s21] =	ssyncset.done $0x0  }
0x92: {  	s10 =	simm.s32 $0x340;
	[sflag:s21] =	ssyncadd.s32 $0xFFFFFF80  }
0x93: {  	v4 =	vld [tilespmem:s10+$0x30]  }
0x94: {  	v7 =	vld [tilespmem:s10+$0x10]  }
0x95: {  	v5 =	vld [tilespmem:s10+$0xFFFFFFC0]  }
0x96: {  	v1 =	vld.idx.msk [tilespmem:v0+s19+$0x0], $0xffff  }
0x97: {  	v9 =	vld [tilespmem:s10+$0xFFFFFFE0]  }
0x98: {  	v0 =	vld [tilespmem:s10+$0xFFFFFFF0]  }
0x99: {  	v2 =	vld [tilespmem:s10+$0x20]  }
0x9a: {  	v3 =	vld [tilespmem:s10+$0xFFFFFFD0]  }
0x9b: {  	v8 =	vmul.f32 v4, v1;
	v4 =	vld [tilespmem:s10+$0x0]  }
0x9c: {  	v6 =	vmul.f32 v5, v1  }
0x9d: {  	s11 =	simm.s32 $0x1;
	s12 =	simm.s32 $0x340;
	v5 =	vmul.f32 v9, v1;
	v7 =	vmul.f32 v7, v1  }
.LBB2_3:
0x9e: {  	p3 =	sne.s32 s11, $0x4F  }
0x9f: {  	v3 =	vmul.f32 v3, v1;
	v2 =	vmul.f32 v2, v1;
	[tilespmem:s10+$0x30] =	vst v8;
	s12 =	sadd.s32 $0x80, s12;
	s13 =	smov.u32 s11;
	s11 =	sadd.s32 $0x1, s11  }
0xa0: {  	[tilespmem:s10+$0xFFFFFFC0] =	vst v6;
	v6 =	vmul.f32 v0, v1;
	v1 =	vmul.f32 v4, v1  }
0xa1: {  	[tilespmem:s10+$0x10] =	vst v7  }
0xa2: {  	v4 =	vmov s13;
	[tilespmem:s10+$0xFFFFFFE0] =	vst v5  }
0xa3: {  	v0 =	vld [tilespmem:s12+$0xFFFFFFF0];
	[tilespmem:s10+$0xFFFFFFF0] =	vst v6  }
0xa4: {  	v5 =	vld [tilespmem:s12+$0x30];
	[tilespmem:s10+$0x0] =	vst v1  }
0xa5: {  	v7 =	vld [tilespmem:s12+$0x10];
	[tilespmem:s10+$0x20] =	vst v2  }
0xa6: {  	v6 =	vld [tilespmem:s12+$0xFFFFFFC0];
	[tilespmem:s10+$0xFFFFFFD0] =	vst v3;
	s10 =	smov.u32 s12  }
0xa7: {  	v1 =	vld.idx.msk [tilespmem:v4+s19+$0x0], $0xffff  }
0xa8: {  	v9 =	vld [tilespmem:s12+$0xFFFFFFE0]  }
0xa9: {  	v2 =	vld [tilespmem:s12+$0x20]  }
.Ltmp4:
0xaa: {  	v3 =	vld [tilespmem:s12+$0xFFFFFFD0];
	(pc) =	sbr.rel @p3 .LBB2_3-.Ltmp4, $3  }
0xab: {  	v4 =	vld [tilespmem:s12+$0x0];
	_ =	sdelay $0x1  }
0xac: {  	v6 =	vmul.f32 v6, v1;
	v8 =	vmul.f32 v5, v1  }
0xad: {  	v7 =	vmul.f32 v7, v1;
	v5 =	vmul.f32 v9, v1  }
0xae: {  	[tilespmem:s10+$0x30] =	vst v8  }
0xaf: {  	[tilespmem:s10+$0xFFFFFFC0] =	vst v6  }
0xb0: {  	v0 =	vmul.f32 v0, v1;
	[tilespmem:s10+$0x10] =	vst v7  }
0xb1: {  	v2 =	vmul.f32 v2, v1;
	[tilespmem:s10+$0xFFFFFFE0] =	vst v5  }
0xb2: {  	v63 =	vmul.f32 v3, v1;
	[tilespmem:s10+$0xFFFFFFF0] =	vst v0  }
0xb3: {  	v4 =	vmul.f32 v4, v1;
	[tilespmem:s10+$0x20] =	vst v2  }
0xb4: {  	p3 =	seq.s32 s9, $0x3E;
	[tilespmem:s10+$0xFFFFFFD0] =	vst v63  }
.Ltmp5:
0xb5: {  	[tilespmem:s10+$0x0] =	vst v4;
	(pc) =	sbr.rel @p3 .LBB2_10-.Ltmp5, $4  }
0xb6: {  	[spmem:s2] =	stream.indirect.scatter.add.f32 [tilespmem:s18], [sflag:$0x7], $0x80, s24, s17, $0xb8;
	[tilespmem:$0x19300] =	vst v63  }
0xb7: {  	_ =	swait.ge [sflag:s28], $0x2800  }
0xb8: {  	[sflag:s28] =	ssyncset.done $0x0  }
0xb9: {  	[sflag:s28] =	ssyncadd.s32 $0xFFFFD800  }
.Ltmp6:
0xba: {  	s10 =	sshll.u32 s9, $0x9;
	(pc) =	sbr.rel @p2 .LBB2_9-.Ltmp6, $4  }
0xbb: {  	s11 =	sadd.s32 s10, s25  }
0xbc: {  	s11 =	sshrl.u32 s11, $0x3  }
0xbd: {  	s11 =	sadd.s32 s1, s11  }
0xbe: {  	[tilespmem:s3], [sflag:$0x5] =	stream.linear.gather [hbm4b:s11+s3], $0x100, $0x38;
	[tilespmem:$0x19300] =	vst v63  }
0xbf: {  	_ =	swait.ge [sflag:s16], $0x100;
	s12 =	sshll.u32 s9, $0x8  }
0xc0: {  	[sflag:s16] =	ssyncset.done $0x0;
	s12 =	sadd.s32 $0x100, s12  }
0xc1: {  	s11 =	simm.s32 $0x0;
	[sflag:s16] =	ssyncadd.s32 $0xFFFFFF00;
	s13 =	sand.u32 $0x7C00, s12  }
0xc2: {  	[tilespmem:s18], [sflag:$0x1] =	stream.indirect.gather [hbm4b:s5+s17], $0x80, s11, s17, $0xb8;
	[tilespmem:$0x19300] =	vst v63  }
0xc3: {  	s12 =	sand.u32 $0x300, s12;
	s13 =	sadd.s32 s23, s13  }
0xc4: {  	s12 =	sor.u32 s12, s13  }
0xc5: {  	s12 =	sshrl.u32 s12, $0x3  }
0xc6: {  	s12 =	sadd.s32 s6, s12  }
0xc7: {  	[tilespmem:s19], [sflag:$0x3] =	stream.linear.gather [hbm4b:s12+s11], $0x80, $0x38;
	[tilespmem:$0x19300] =	vst v63  }
0xc8: {  	_ =	swait.ge [sflag:s22], $0x2800  }
0xc9: {  	[sflag:s22] =	ssyncset.done $0x0  }
0xca: {  	[sflag:s22] =	ssyncadd.s32 $0xFFFFD800  }
0xcb: {  	_ =	swait.ge [sflag:s29], $0x80  }
0xcc: {  	v0 =	vmov s11;
	[sflag:s29] =	ssyncset.done $0x0  }
0xcd: {  	s11 =	simm.s32 $0x2B40;
	[sflag:s29] =	ssyncadd.s32 $0xFFFFFF80  }
0xce: {  	v4 =	vld [tilespmem:s11+$0x30]  }
0xcf: {  	v7 =	vld [tilespmem:s11+$0x10]  }
0xd0: {  	v5 =	vld [tilespmem:s11+$0xFFFFFFC0]  }
0xd1: {  	v1 =	vld.idx.msk [tilespmem:v0+s30+$0x0], $0xffff  }
0xd2: {  	v9 =	vld [tilespmem:s11+$0xFFFFFFE0]  }
0xd3: {  	v0 =	vld [tilespmem:s11+$0xFFFFFFF0]  }
0xd4: {  	v2 =	vld [tilespmem:s11+$0x20]  }
0xd5: {  	v3 =	vld [tilespmem:s11+$0xFFFFFFD0]  }
0xd6: {  	v8 =	vmul.f32 v4, v1;
	v4 =	vld [tilespmem:s11+$0x0]  }
0xd7: {  	v6 =	vmul.f32 v5, v1  }
0xd8: {  	s13 =	simm.s32 $0x2B40;
	s12 =	simm.s32 $0x1;
	v5 =	vmul.f32 v9, v1;
	v7 =	vmul.f32 v7, v1  }
.LBB2_7:
0xd9: {  	p2 =	sne.s32 s12, $0x4F  }
0xda: {  	v3 =	vmul.f32 v3, v1;
	v2 =	vmul.f32 v2, v1;
	[tilespmem:s11+$0x30] =	vst v8;
	s13 =	sadd.s32 $0x80, s13;
	s14 =	smov.u32 s12;
	s12 =	sadd.s32 $0x1, s12  }
0xdb: {  	[tilespmem:s11+$0xFFFFFFC0] =	vst v6;
	v6 =	vmul.f32 v0, v1;
	v1 =	vmul.f32 v4, v1  }
0xdc: {  	[tilespmem:s11+$0x10] =	vst v7  }
0xdd: {  	v4 =	vmov s14;
	[tilespmem:s11+$0xFFFFFFE0] =	vst v5  }
0xde: {  	v0 =	vld [tilespmem:s13+$0xFFFFFFF0];
	[tilespmem:s11+$0xFFFFFFF0] =	vst v6  }
0xdf: {  	v5 =	vld [tilespmem:s13+$0x30];
	[tilespmem:s11+$0x0] =	vst v1  }
0xe0: {  	v7 =	vld [tilespmem:s13+$0x10];
	[tilespmem:s11+$0x20] =	vst v2  }
0xe1: {  	v6 =	vld [tilespmem:s13+$0xFFFFFFC0];
	[tilespmem:s11+$0xFFFFFFD0] =	vst v3;
	s11 =	smov.u32 s13  }
0xe2: {  	v1 =	vld.idx.msk [tilespmem:v4+s30+$0x0], $0xffff  }
0xe3: {  	v9 =	vld [tilespmem:s13+$0xFFFFFFE0]  }
0xe4: {  	v2 =	vld [tilespmem:s13+$0x20]  }
.Ltmp7:
0xe5: {  	v3 =	vld [tilespmem:s13+$0xFFFFFFD0];
	(pc) =	sbr.rel @p2 .LBB2_7-.Ltmp7, $3  }
0xe6: {  	v4 =	vld [tilespmem:s13+$0x0];
	_ =	sdelay $0x1  }
0xe7: {  	v6 =	vmul.f32 v6, v1;
	v8 =	vmul.f32 v5, v1  }
0xe8: {  	v7 =	vmul.f32 v7, v1;
	v5 =	vmul.f32 v9, v1  }
0xe9: {  	[tilespmem:s11+$0x30] =	vst v8  }
0xea: {  	[tilespmem:s11+$0xFFFFFFC0] =	vst v6  }
0xeb: {  	v0 =	vmul.f32 v0, v1;
	[tilespmem:s11+$0x10] =	vst v7  }
0xec: {  	v2 =	vmul.f32 v2, v1;
	[tilespmem:s11+$0xFFFFFFE0] =	vst v5  }
0xed: {  	v63 =	vmul.f32 v3, v1;
	[tilespmem:s11+$0xFFFFFFF0] =	vst v0  }
0xee: {  	v4 =	vmul.f32 v4, v1;
	[tilespmem:s11+$0x20] =	vst v2  }
0xef: {  	[tilespmem:s11+$0xFFFFFFD0] =	vst v63  }
0xf0: {  	[tilespmem:s11+$0x0] =	vst v4  }
0xf1: {  	[spmem:s2] =	stream.indirect.scatter.add.f32 [tilespmem:s0], [sflag:$0x7], $0x80, s31, s17, $0xb8;
	[tilespmem:$0x19300] =	vst v63  }
.Ltmp8:
0xf2: {  	p2 =	sgt.u32 s9, $0x3C;
	(pc) =	sbr.rel .LBB2_9-.Ltmp8, $4  }
0xf3: {  	s10 =	sadd.s32 @!p2 s10, s26;
	_ =	swait.ge [sflag:s28], $0x2800  }
0xf4: {  	s12 =	simm.s32 @!p2 $0x100;
	s10 =	sshrl.u32 @!p2 s10, $0x3;
	[sflag:s28] =	ssyncset.done $0x0  }
0xf5: {  	s10 =	sadd.s32 @!p2 s1, s10;
	s11 =	simm.s32 @!p2 $0x0;
	[sflag:s28] =	ssyncadd.s32 $0xFFFFD800  }
0xf6: {  	[tilespmem:s12], [sflag:$0x6] =	stream.linear.gather @!p2 [hbm4b:s10+s11], $0x100, $0x38;
	[tilespmem:$0x19300] =	vst v63  }
.LBB2_11:
0xf7: {  	_ =	sfence.sel $0x180000  }
0xf8: {  	[bflag:$0x0] =	sbarrier.arrive $0xFFFF  }
0xf9: {  	_ =	strace $0x9000004D  }
0xfa: {  	[bflag:$0x2] =	sbarrier.arrive $0xFFFF  }
0xfb: {  	p0 =	sne.s32 s4, $0x0;
	s0 =	rddreg [dreg:$0x3]  }
0xfc: {  	s0 =	sadd.s32 @!p0 $0x100000, s0  }
0xfd: {  	[sflag:s0] =	ssyncadd.tile.s32 @!p0 $0x1;
	_ =	shalt  }
.Lfunc_end2:
_tile_overlayer_lowered:
.L_overlay_start_2:
0xfe: {  	(tag) =	ssettag $0x2  }
0xff: {  	s0 =	rddreg [dreg:$0x0];
	s2 =	stileid.u32  }
0x100: {  	s1 =	rddreg [dreg:$0x1];
	p0 =	sne.s32 s2, $0x0  }
0x101: {  	s3 =	rddreg [dreg:$0x2];
	[bflag:$0x3] =	sbarrier.arrive $0xFFFF;
	s2 =	simm.s32 @!p0 $0x1C07  }
0x102: {  	[timem:s3], [sflag:s2] =	dma.local @!p0 [hbm:s0], s1  }
0x103: {  	s0 =	simm.s32 @!p0 $0x7  }
0x104: {  	_ =	swait.ge @!p0 [sflag:s0], s1  }
0x105: {  	s1 =	ssub.s32 @!p0 $0x0, s1;
	[sflag:s0] =	ssyncset.done @!p0 $0x0  }
0x106: {  	[sflag:s0] =	ssyncadd.s32 @!p0 s1  }
0x107: {  	[bflag:$0x3] =	sbarrier.arrive $0xFFFF  }
0x108: {  	_ =	shalt  }

// kernel: kernel.22.cloned.1.call-start
scs
__scs_entry_jumppad:
0x0: {  	(pc) =	sbr.rel $0x88, $3  }
0x1: {  	(tag) =	ssettag $0x0;
	lr =	simm.s32 $0x1  }
0x2: {  	[smem:$0x3F95] =	sst lr;
	_ =	strace $0xD0000000  }
0x3: {  	_ = 	snop  }
0x4: {  	_ = 	snop  }
0x5: {  	_ = 	snop  }
0x6: {  	_ = 	snop  }
0x7: {  	_ = 	snop  }
__scs_overlays_trampoline_lowered:
0x8: {  	[smem:$0x3FA4] =	sst s0  }
0x9: {  	[smem:$0x3FA5] =	sst s1  }
0xa: {  	[smem:$0x3FA6] =	sst s2  }
0xb: {  	[smem:$0x3FA7] =	sst s3  }
0xc: {  	[smem:$0x3FA8] =	sst s4  }
0xd: {  	[smem:$0x3FA9] =	sst s5  }
0xe: {  	[smem:$0x3FAA] =	sst s6  }
0xf: {  	[smem:$0x3FAB] =	sst s7  }
0x10: {  	[smem:$0x3FAC] =	sst s8  }
0x11: {  	[smem:$0x3FAD] =	sst s9;
	s0 =	simm.s32 @!p0 $0x0  }
0x12: {  	s1 =	sld [smem:$0x3F93];
	s0 =	simm.s32 @p0 $0x1  }
0x13: {  	[smem:$0x3FAE] =	sst s0;
	s0 =	simm.s32 @!p1 $0x0  }
0x14: {  	s2 =	sld [smem:$0x3F92];
	s0 =	simm.s32 @p1 $0x1  }
0x15: {  	[smem:$0x3FAF] =	sst s0;
	s0 =	simm.s32 @!p2 $0x0  }
0x16: {  	s3 =	sld [smem:$0x3FDB];
	s0 =	simm.s32 @p2 $0x1  }
0x17: {  	s4 =	simm.s32 $0x1BF5;
	[smem:$0x3FB1] =	sst s0  }
0x18: {  	s0 =	sld [smem:$0x3F94];
	_ =	swait.ge [sflag:s4], $0x0  }
0x19: {  	s7 =	sld [smem:$0x3F95]  }
0x1a: {  	s8 =	sadd.s32 $0xFFFFE003, lr  }
0x1b: {  	s9 =	sadd.s32 $0xFFFFFEF7, lr;
	s5 =	simm.s32 $0xFFFFFFFF;
	p2 =	slt.u32 s8, $0xFFFFF086  }
0x1c: {  	p1 =	slt.u32 s9, $0xF7A;
	s5 =	simm.s32 @!p2 $0x0  }
0x1d: {  	s5 =	simm.s32 @p1 $0x1;
	p0 =	seq.s32 s7, s2  }
0x1e: {  	s7 =	smul.u32 @!p0 $0xF7A, s2;
	p2 =	seq.s32 @!p0 s5, $0x0  }
0x1f: {  	s9 =	smul.u32 $0xF7A, s1;
	s8 =	simm.s32 @!p0 $0x1BF5;
	p2 =	por !p2, p0  }
0x20: {  	[sflag:s8] =	ssyncset.s32 @!p0 $0xFFFFF086;
	s6 =	sadd.s32 @!p0 s3, s7;
	s7 =	simm.s32 @!p0 $0x108  }
0x21: {  	s3 =	sadd.s32 s3, s9;
	s6 =	sadd.s32 @!p0 $0x88, s6;
	s7 =	simm.s32 @p2 $0x1082  }
0x22: {  	[simem:s7], [sflag:s8] =	dma.local @!p0 [hbm:s6], $0xF7A  }
0x23: {  	s9 =	sor.u32 $0xD0000000, s2;
	s6 =	simm.s32 $0x108;
	_ =	swait.ge @!p0 [sflag:s8], $0x0  }
0x24: {  	s3 =	sadd.s32 $0x88, s3;
	s6 =	simm.s32 @!p1 $0x1082;
	[sflag:s4] =	ssyncset.s32 $0xFFFFF086  }
0x25: {  	[simem:s6], [sflag:s4] =	dma.local [hbm:s3], $0xF7A  }
0x26: {  	[smem:$0x3F95] =	sst s1;
	(tag) =	ssettag s2;
	_ =	strace s9  }
0x27: {  	s1 =	sld [smem:$0x3FA5]  }
0x28: {  	s2 =	sld [smem:$0x3FA6]  }
0x29: {  	s4 =	sld [smem:$0x3FA8]  }
0x2a: {  	p0 =	seq.s32 s5, $0x0;
	s5 =	sld [smem:$0x3FA9]  }
0x2b: {  	s6 =	sld [smem:$0x3FAA]  }
0x2c: {  	s7 =	sld [smem:$0x3FAB]  }
0x2d: {  	s3 =	simm.s32 $0x108;
	s8 =	sld [smem:$0x3FAC]  }
0x2e: {  	s3 =	simm.s32 @!p0 $0x1082;
	s9 =	sld [smem:$0x3FAD]  }
0x2f: {  	lr =	sadd.s32 s0, s3;
	s0 =	sld [smem:$0x3FA4]  }
0x30: {  	s3 =	sld [smem:$0x3FA7]  }
0x31: {  	[smem:$0x3FB0] =	sst s10  }
0x32: {  	s10 =	sld [smem:$0x3FAE];
	_ =	sdelay $0x3  }
0x33: {  	p0 =	seq.s32 s10, $0x1;
	s10 =	sld [smem:$0x3FB0];
	_ =	sdelay $0x3  }
0x34: {  	[smem:$0x3FB0] =	sst s10  }
0x35: {  	s10 =	sld [smem:$0x3FAF];
	_ =	sdelay $0x3  }
0x36: {  	p1 =	seq.s32 s10, $0x1;
	s10 =	sld [smem:$0x3FB0];
	_ =	sdelay $0x3  }
0x37: {  	[smem:$0x3FB0] =	sst s10  }
0x38: {  	s10 =	sld [smem:$0x3FB1]  }
0x39: {  	_ = 	snop;
	(pc) =	sbr.ind lr, $3  }
0x3a: {  	_ = 	snop  }
0x3b: {  	_ = 	snop  }
0x3c: {  	p2 =	seq.s32 s10, $0x1;
	s10 =	sld [smem:$0x3FB0]  }
0x3d: {  	_ =	shalt  }
0x3e: {  	_ =	shalt  }
0x3f: {  	_ =	shalt  }
0x40: {  	_ =	shalt  }
0x41: {  	_ =	shalt  }
0x42: {  	_ =	shalt  }
0x43: {  	_ =	shalt  }
0x44: {  	_ =	shalt  }
0x45: {  	_ =	shalt  }
0x46: {  	_ =	shalt  }
0x47: {  	_ =	shalt  }
0x48: {  	_ =	shalt  }
0x49: {  	_ =	shalt  }
0x4a: {  	_ =	shalt  }
0x4b: {  	_ =	shalt  }
0x4c: {  	_ =	shalt  }
0x4d: {  	_ =	shalt  }
0x4e: {  	_ =	shalt  }
0x4f: {  	_ =	shalt  }
0x50: {  	_ =	shalt  }
0x51: {  	_ =	shalt  }
0x52: {  	_ =	shalt  }
0x53: {  	_ =	shalt  }
0x54: {  	_ =	shalt  }
0x55: {  	_ =	shalt  }
0x56: {  	_ =	shalt  }
0x57: {  	_ =	shalt  }
0x58: {  	_ =	shalt  }
0x59: {  	_ =	shalt  }
0x5a: {  	_ =	shalt  }
0x5b: {  	_ =	shalt  }
0x5c: {  	_ =	shalt  }
0x5d: {  	_ =	shalt  }
0x5e: {  	_ =	shalt  }
0x5f: {  	_ =	shalt  }
0x60: {  	_ =	shalt  }
0x61: {  	_ =	shalt  }
0x62: {  	_ =	shalt  }
0x63: {  	_ =	shalt  }
0x64: {  	_ =	shalt  }
0x65: {  	_ =	shalt  }
0x66: {  	_ =	shalt  }
0x67: {  	_ =	shalt  }
0x68: {  	_ =	shalt  }
0x69: {  	_ =	shalt  }
0x6a: {  	_ =	shalt  }
0x6b: {  	_ =	shalt  }
0x6c: {  	_ =	shalt  }
0x6d: {  	_ =	shalt  }
0x6e: {  	_ =	shalt  }
0x6f: {  	_ =	shalt  }
0x70: {  	_ =	shalt  }
0x71: {  	_ =	shalt  }
0x72: {  	_ =	shalt  }
0x73: {  	_ =	shalt  }
0x74: {  	_ =	shalt  }
0x75: {  	_ =	shalt  }
0x76: {  	_ =	shalt  }
0x77: {  	_ =	shalt  }
0x78: {  	_ =	shalt  }
0x79: {  	_ =	shalt  }
0x7a: {  	_ =	shalt  }
0x7b: {  	_ =	shalt  }
0x7c: {  	_ =	shalt  }
0x7d: {  	_ =	shalt  }
0x7e: {  	_ =	shalt  }
0x7f: {  	_ =	shalt  }
0x80: {  	_ =	shalt  }
0x81: {  	_ =	shalt  }
0x82: {  	_ =	shalt  }
0x83: {  	_ =	shalt  }
0x84: {  	_ =	shalt  }
0x85: {  	_ =	shalt  }
0x86: {  	_ =	shalt  }
0x87: {  	_ =	shalt  }
.Lfunc_end0:
.L_simem_size_0:
called_computation.3_lowered:
.L_overlay_start_0:
0x88: {  	s2 =	sld [smem:$0x3FD9]  }
0x89: {  	s3 =	sld [smem:$0x3FFE];
	_ =	sdelay $0x1  }
0x8a: {  	s1 =	srdreg.scid  }
0x8b: {  	s0 =	sand.u32 $0x1, s1  }
0x8c: {  	s17 =	sshll.u32 s0, $0xA;
	s2 =	sadd.s32 s3, s2  }
0x8d: {  	s2 =	sadd.s32 s2, s17  }
0x8e: {  	[smem:$0x3FBC] =	sst s2  }
0x8f: {  	_ = 	snop  }
0x90: {  	s2 =	sld [smem:$0x3FD0];
	(tm) =	ssettm $0x1  }
0x91: {  	s18 =	sld [smem:$0x3FFB];
	_ =	sdelay $0x3  }
0x92: {  	_ =	strace s18  }
0x93: {  	s3 =	sld [smem:$0x3FFC];
	_ =	sdelay $0x3  }
0x94: {  	_ =	strace s3  }
0x95: {  	s3 =	sld [smem:$0x3FFD];
	_ =	sdelay $0x3  }
0x96: {  	_ =	strace s3  }
0x97: {  	_ =	strace $0x8FFFFFFF  }
0x98: {  	s19 =	sld [smem:$0x3FDB];
	_ =	sdelay $0x1  }
0x99: {  	s4 =	simm.s32 $_scs_section_size  }
0x9a: {  	s5 =	simm.s32 $_size__tile_overlayer_lowered;
	s6 =	simm.s32 $_tile_overlayer_lowered  }
0x9b: {  	s22 =	simm.s32 $0x1BFF;
	s21 =	sshll.u32 s6, $0x1;
	s3 =	sadd.s32 s4, s19  }
0x9c: {  	s7 =	simm.s32 $0x0;
	s20 =	sshll.u32 s5, $0x1;
	s5 =	sadd.s32 s21, s3  }
0x9d: {  	[timem:s7], [sflag:s22] =	dma.local [hbm:s5], s20  }
0x9e: {  	_ =	swait.ge [sflag:s22], s20  }
0x9f: {  	s4 =	ssub.s32 $0x0, s20;
	[sflag:s22] =	ssyncset.done $0x0  }
0xa0: {  	[sflag:s22] =	ssyncadd.s32 s4;
	_ =	sdelay $0x1  }
0xa1: {  	s23 =	simm.s32 $0x1B8B  }
0xa2: {  	_ =	swait.ge [sflag:s23], $0x1  }
0xa3: {  	[sflag:s23] =	ssyncset.done $0x0  }
0xa4: {  	s25 =	simm.s32 $0x1B8E;
	s24 =	sld [smem:$0x3FFE];
	[sflag:s23] =	ssyncadd.s32 $0xFFFFFFFF  }
0xa5: {  	s26 =	simm.s32 $execute0_lowered;
	[smem:$0x3FD2] =	sst s25  }
0xa6: {  	s5 =	sshll.u32 s26, $0x1;
	_ =	strace $0x8000004F;
	[dreg:$0x1] =	wrdreg $0xFFFFFFFF  }
0xa7: {  	s28 =	simm.s32 $_size_execute0_lowered;
	s3 =	sadd.s32 s3, s5;
	[dreg:$0x0] =	wrdreg $0x0  }
0xa8: {  	s5 =	sshll.u32 s28, $0x1;
	[dreg:$0x2] =	wrdreg s3  }
0xa9: {  	[dreg:$0x3] =	wrdreg s5  }
0xaa: {  	[dreg:$0x4] =	wrdreg $0xC0  }
0xab: {  	_ =	task [dreg:s7], $0x5FFFF  }
0xac: {  	[dreg:$0x1] =	wrdreg $0xFFFFFFFF  }
0xad: {  	[dreg:$0x0] =	wrdreg $0x60  }
0xae: {  	[dreg:$0x2] =	wrdreg s24  }
0xaf: {  	[dreg:$0x3] =	wrdreg s2  }
0xb0: {  	[dreg:$0x4] =	wrdreg $0x53000  }
0xb1: {  	[dreg:$0x5] =	wrdreg $0x9  }
0xb2: {  	_ =	task.clear_ibuf [dreg:s7], $0x6FFFF;
	_ =	strace $0x9000004F  }
0xb3: {  	s29 =	simm.s32 $0x9;
	_ =	strace $0x80000051  }
0xb4: {  	_ =	swait.ge [sflag:s29], $0x1  }
0xb5: {  	[sflag:s29] =	ssyncadd.s32 $0xFFFFFFFF  }
0xb6: {  	_ =	strace $0x90000051  }
0xb7: {  	_ =	sfence  }
0xb8: {  	s30 =	sld [smem:$0x0];
	_ =	sdelay $0x2  }
0xb9: {  	s31 =	sshll.u32 s1, $0xD;
	s1 =	sshrl.u32 s1, $0x2  }
0xba: {  	s3 =	sand.u32 $0x4000, s31;
	s1 =	sadd.s32 s1, s30  }
0xbb: {  	s0 =	sor.u32 s3, s0;
	s1 =	sshll.u32 s1, $0x11  }
0xbc: {  	s0 =	sor.u32 s1, s0  }
0xbd: {  	s0 =	sadd.s32 $0x8F2B, s0  }
0xbe: {  	[sflag:s0] =	ssyncadd.remote.s32 $0x1  }
0xbf: {  	_ =	sfence.sel $0xFFFF  }
0xc0: {  	[dreg:$0x0] =	wrdreg $0xFFFFFFFF;
	(pc) =	sbr.abs _section_cstart, $3  }
0xc1: {  	[dreg:$0x1] =	wrdreg $0xFFFFFFFF  }
0xc2: {  	_ =	task.clear_ibuf [dreg:s7], $0x2FFFF;
	_ =	strace $0x9FFFFFFF  }
0xc3: {  	(tm) =	ssettm $0x7FFFFFFF  }
tec
execute0_lowered:
.L_overlay_start_1:
0x0: {  	(tag) =	ssettag $0x1  }
0x1: {  	s0 =	rddreg [dreg:$0x0]  }
0x2: {  	s1 =	rddreg [dreg:$0x1]  }
0x3: {  	s2 =	rddreg [dreg:$0x2];
	s3 =	simm.s32 $0x0;
	s7 =	srdreg.scid  }
0x4: {  	s28 =	simm.s32 $0x7;
	s29 =	simm.s32 $0x4;
	s30 =	simm.s32 $0x280  }
0x5: {  	s31 =	simm.s32 $0x180;
	[smem:$0x7FF] =	sst s3;
	s5 =	sadd.s32 $0x5400, s0  }
0x6: {  	s6 =	sadd.s32 $0x17B200, s0;
	s4 =	sadd.s32 $0x2C00, s0;
	s7 =	sand.u32 $0x1, s7  }
0x7: {  	s0 =	sadd.s32 $0x18B200, s0;
	_ =	strace $0x80000050;
	[dreg:$0x4] =	wrdreg s4  }
0x8: {  	s4 =	stileid.u32;
	s8 =	ssub.s32 $0x2, s7;
	s14 =	smul.u32 $0x140000, s7  }
0x9: {  	s11 =	sshll.u32 s7, $0x4;
	p0 =	sne.s32 s7, $0x0;
	s9 =	smul.u32 $0x14000, s4  }
0xa: {  	s10 =	sshrl.u32 s8, $0x1;
	s12 =	smul.u32 $0x50000, s4;
	s11 =	sor.u32 s4, s11  }
0xb: {  	p1 =	seq.s32 @!p0 s4, $0xF;
	s10 =	ssub.s32 s8, s10;
	s21 =	sshrl.u32 s9, $0x3  }
0xc: {  	p1 =	por p1, p0;
	s10 =	smax.u32 s10, $0x1;
	s13 =	sadd.s32 s5, s21  }
0xd: {  	s12 =	sshrl.u32 s12, $0x2;
	[dreg:$0x13] =	wrdreg s10;
	s22 =	sadd.s32 $0x138800, s13  }
0xe: {  	s23 =	sadd.s32 s9, s14;
	s15 =	sadd.s32 $0x138D00, s13;
	[dreg:$0x5] =	wrdreg s22  }
0xf: {  	s8 =	sadd.s32 s12, s2;
	s17 =	sadd.s32 $0x139200, s13;
	[dreg:$0x6] =	wrdreg s15  }
0x10: {  	s12 =	sadd.s32 $0x4000, s9;
	s19 =	sadd.s32 $0x139700, s13;
	[dreg:$0x7] =	wrdreg s17  }
0x11: {  	s16 =	sadd.s32 s14, s12;
	s20 =	sadd.s32 $0x139C00, s13;
	[dreg:$0xd] =	wrdreg s19  }
0x12: {  	s21 =	sadd.s32 $0x13A100, s13;
	s15 =	sshrl.u32 s23, $0x3;
	[dreg:$0xe] =	wrdreg s20  }
0x13: {  	s16 =	sshrl.u32 s16, $0x3;
	[dreg:$0xf] =	wrdreg s21;
	s22 =	sadd.s32 $0x13A600, s13  }
0x14: {  	s17 =	sadd.s32 $0xC000, s9;
	s13 =	sadd.s32 $0x13AB00, s13;
	[dreg:$0x10] =	wrdreg s22  }
0x15: {  	s15 =	sadd.s32 s0, s15;
	s24 =	sadd.s32 s0, s16;
	[dreg:$0x11] =	wrdreg s13  }
0x16: {  	s18 =	sadd.s32 s14, s17;
	s13 =	sshll.u32 s11, $0xB;
	[dreg:$0x8] =	wrdreg s15  }
0x17: {  	s19 =	sadd.s32 s17, s2;
	s17 =	simm.s32 $0x50;
	[dreg:$0x9] =	wrdreg s24  }
0x18: {  	s15 =	sadd.s32 $0x8000, s9;
	s9 =	sadd.s32 $0x10000, s9;
	s26 =	sshrl.u32 s18, $0x3  }
0x19: {  	s18 =	smul.u32 $0x7D00, s11;
	s7 =	sadd.s32 s6, s13;
	s13 =	sadd.s32 $0xA000, s8  }
0x1a: {  	s21 =	sshrl.u32 s19, $0x3;
	s19 =	simm.s32 $0x200;
	s25 =	sadd.s32 s14, s15  }
0x1b: {  	s14 =	sadd.s32 s14, s9;
	[dreg:$0x12] =	wrdreg s7;
	s9 =	sadd.s32 s9, s2  }
0x1c: {  	[dreg:$0x1d] =	wrdreg s21;
	s21 =	simm.s32 $0x3;
	s16 =	sshrl.u32 s25, $0x3  }
0x1d: {  	s14 =	sshrl.u32 s14, $0x3;
	s23 =	sshrl.u32 s18, $0x3;
	s22 =	sshrl.u32 s9, $0x3  }
0x1e: {  	s25 =	sadd.s32 $0x200, s18;
	s16 =	sadd.s32 s0, s16;
	[dreg:$0x1e] =	wrdreg s22  }
0x1f: {  	s24 =	sadd.s32 s1, s23;
	[dreg:$0xa] =	wrdreg s16;
	s16 =	sadd.s32 s0, s26  }
0x20: {  	s0 =	sadd.s32 s0, s14;
	s26 =	sadd.s32 $0x300, s18;
	s18 =	sadd.s32 s15, s2  }
0x21: {  	s15 =	smov.u32 s24;
	s24 =	sadd.s32 $0x20, s24;
	[dreg:$0xb] =	wrdreg s16  }
0x22: {  	[dreg:$0xc] =	wrdreg s0;
	s16 =	sadd.s32 s12, s2;
	s12 =	sadd.s32 $0x2800, s8  }
0x23: {  	s7 =	simm.s32 $0x0;
	[dreg:$0x1f] =	wrdreg s24;
	s10 =	sshrl.u32 @!p0 s12, $0x3  }
0x24: {  	s20 =	sshrl.u32 s18, $0x3;
	[dreg:$0x14] =	wrdreg s10;
	s10 =	sadd.s32 $0x5000, s8  }
0x25: {  	s12 =	sadd.s32 $0x7800, s8;
	[dreg:$0x1c] =	wrdreg s20;
	s10 =	sshrl.u32 @!p0 s10, $0x3  }
0x26: {  	s23 =	sshll.u32 s11, $0xE;
	[dreg:$0x15] =	wrdreg s10;
	s10 =	sshrl.u32 @!p0 s12, $0x3  }
0x27: {  	s22 =	simm.s32 $0x2;
	[dreg:$0x16] =	wrdreg s10;
	s10 =	sshrl.u32 @!p0 s13, $0x3  }
0x28: {  	s18 =	simm.s32 $0x300;
	[dreg:$0x17] =	wrdreg s10;
	s10 =	sadd.s32 $0xC800, s8  }
.Ltmp0:
0x29: {  	s12 =	sadd.s32 $0xF000, s8;
	s10 =	sshrl.u32 @!p1 s10, $0x3;
	(pc) =	sbr.rel .LBB2_1-.Ltmp0, $4  }
0x2a: {  	s24 =	simm.s32 $0x80;
	[dreg:$0x18] =	wrdreg s10;
	s10 =	sshrl.u32 @!p1 s12, $0x3  }
0x2b: {  	s0 =	sshrl.u32 s16, $0x3;
	[dreg:$0x19] =	wrdreg s10;
	s10 =	sadd.s32 $0x11800, s8  }
0x2c: {  	s16 =	simm.s32 $0x5;
	[dreg:$0x1b] =	wrdreg s0;
	s10 =	sshrl.u32 @!p1 s10, $0x3  }
0x2d: {  	s20 =	simm.s32 $0x1;
	s0 =	simm.s32 $0x2B00;
	[dreg:$0x1a] =	wrdreg s10  }
.LBB2_10:
0x2e: {  	s9 =	sshll.u32 s4, $0x6;
	[bflag:$0x0] =	sbarrier.arrive $0xFFFF  }
0x2f: {  	s10 =	sshrl.u32 s8, $0x3;
	s9 =	sor.u32 $0x1C07, s9;
	s11 =	rddreg [dreg:$0x8]  }
0x30: {  	[hbm:s11], [sflag:s9] =	dma.local [spmem:s10], $0x800  }
0x31: {  	_ =	swait.ge [sflag:s28], $0x800  }
0x32: {  	[sflag:s28] =	ssyncset.done $0x0;
	s13 =	rddreg [dreg:$0x9]  }
0x33: {  	s14 =	rddreg [dreg:$0x1b];
	[sflag:s28] =	ssyncadd.s32 $0xFFFFF800  }
0x34: {  	[hbm:s13], [sflag:s9] =	dma.local [spmem:s14], $0x800  }
0x35: {  	_ =	swait.ge [sflag:s28], $0x800  }
0x36: {  	[sflag:s28] =	ssyncset.done $0x0;
	s11 =	rddreg [dreg:$0xa]  }
0x37: {  	s12 =	rddreg [dreg:$0x1c];
	[sflag:s28] =	ssyncadd.s32 $0xFFFFF800  }
0x38: {  	[hbm:s11], [sflag:s9] =	dma.local [spmem:s12], $0x800  }
0x39: {  	_ =	swait.ge [sflag:s28], $0x800  }
0x3a: {  	[sflag:s28] =	ssyncset.done $0x0;
	s13 =	rddreg [dreg:$0xb]  }
0x3b: {  	s14 =	rddreg [dreg:$0x1d];
	[sflag:s28] =	ssyncadd.s32 $0xFFFFF800  }
0x3c: {  	[hbm:s13], [sflag:s9] =	dma.local [spmem:s14], $0x800  }
0x3d: {  	_ =	swait.ge [sflag:s28], $0x800  }
0x3e: {  	[sflag:s28] =	ssyncset.done $0x0;
	s12 =	rddreg [dreg:$0xc]  }
0x3f: {  	s13 =	rddreg [dreg:$0x1e];
	[sflag:s28] =	ssyncadd.s32 $0xFFFFF800  }
0x40: {  	[hbm:s12], [sflag:s9] =	dma.local [spmem:s13], $0x800  }
0x41: {  	_ =	swait.ge [sflag:s28], $0x800  }
0x42: {  	s7 =	sadd.s32 $0x1, s7;
	s14 =	rddreg [dreg:$0x13]  }
0x43: {  	p2 =	sne.s32 s7, s14  }
.Ltmp1:
0x44: {  	_ = 	snop;
	(pc) =	sbr.rel @!p2 .LBB2_11-.Ltmp1, $3  }
0x45: {  	_ =	sdelay $0x1  }
0x46: {  	[sflag:s28] =	ssyncset.done $0x0  }
0x47: {  	[sflag:s28] =	ssyncadd.s32 $0xFFFFF800  }
.LBB2_1:
0x48: {  	s9 =	sshll.u32 @p0 s4, $0x6  }
0x49: {  	s10 =	sshrl.u32 @p0 s8, $0x3;
	s11 =	rddreg [dreg:$0x4];
	s9 =	sor.u32 @p0 $0x1C07, s9  }
0x4a: {  	[spmem:s10], [sflag:s9] =	dma.local @p0 [hbm:s11], $0x2800  }
0x4b: {  	s9 =	simm.s32 @p0 $0x7  }
0x4c: {  	_ =	swait.ge @p0 [sflag:s9], $0x2800  }
0x4d: {  	s10 =	sshll.u32 @!p0 s4, $0x6;
	[sflag:s9] =	ssyncset.done @p0 $0x0;
	s11 =	rddreg [dreg:$0x5]  }
0x4e: {  	[sflag:s9] =	ssyncadd.s32 @p0 $0xFFFFD800;
	s9 =	sor.u32 @!p0 $0x1C07, s10;
	s10 =	sshrl.u32 @!p0 s8, $0x3  }
0x4f: {  	[spmem:s10], [sflag:s9] =	dma.local @!p0 [hbm:s11], $0x500  }
0x50: {  	s10 =	simm.s32 @!p0 $0x7  }
0x51: {  	_ =	swait.ge @!p0 [sflag:s10], $0x500  }
0x52: {  	[sflag:s10] =	ssyncset.done @!p0 $0x0;
	s11 =	rddreg [dreg:$0x6]  }
0x53: {  	s12 =	rddreg [dreg:$0x14];
	[sflag:s10] =	ssyncadd.s32 @!p0 $0xFFFFFB00  }
0x54: {  	[spmem:s12], [sflag:s9] =	dma.local @!p0 [hbm:s11], $0x500  }
0x55: {  	_ =	swait.ge @!p0 [sflag:s10], $0x500  }
0x56: {  	[sflag:s10] =	ssyncset.done @!p0 $0x0;
	s11 =	rddreg [dreg:$0x7]  }
0x57: {  	s12 =	rddreg [dreg:$0x15];
	[sflag:s10] =	ssyncadd.s32 @!p0 $0xFFFFFB00  }
0x58: {  	[spmem:s12], [sflag:s9] =	dma.local @!p0 [hbm:s11], $0x500  }
0x59: {  	_ =	swait.ge @!p0 [sflag:s10], $0x500  }
0x5a: {  	[sflag:s10] =	ssyncset.done @!p0 $0x0;
	s11 =	rddreg [dreg:$0xd]  }
0x5b: {  	s12 =	rddreg [dreg:$0x16];
	[sflag:s10] =	ssyncadd.s32 @!p0 $0xFFFFFB00  }
0x5c: {  	[spmem:s12], [sflag:s9] =	dma.local @!p0 [hbm:s11], $0x500  }
0x5d: {  	_ =	swait.ge @!p0 [sflag:s10], $0x500  }
0x5e: {  	[sflag:s10] =	ssyncset.done @!p0 $0x0;
	s11 =	rddreg [dreg:$0xe]  }
0x5f: {  	s12 =	rddreg [dreg:$0x17];
	[sflag:s10] =	ssyncadd.s32 @!p0 $0xFFFFFB00  }
0x60: {  	[spmem:s12], [sflag:s9] =	dma.local @!p0 [hbm:s11], $0x500  }
0x61: {  	_ =	swait.ge @!p0 [sflag:s10], $0x500  }
0x62: {  	[sflag:s10] =	ssyncset.done @!p0 $0x0;
	s11 =	rddreg [dreg:$0x18]  }
0x63: {  	[sflag:s10] =	ssyncadd.s32 @!p0 $0xFFFFFB00;
	s10 =	rddreg [dreg:$0xf]  }
0x64: {  	[spmem:s11], [sflag:s9] =	dma.local @!p1 [hbm:s10], $0x500  }
0x65: {  	s10 =	simm.s32 @!p1 $0x7  }
0x66: {  	_ =	swait.ge @!p1 [sflag:s10], $0x500  }
0x67: {  	[sflag:s10] =	ssyncset.done @!p1 $0x0;
	s11 =	rddreg [dreg:$0x10]  }
0x68: {  	s12 =	rddreg [dreg:$0x19];
	[sflag:s10] =	ssyncadd.s32 @!p1 $0xFFFFFB00  }
0x69: {  	[spmem:s12], [sflag:s9] =	dma.local @!p1 [hbm:s11], $0x500  }
0x6a: {  	_ =	swait.ge @!p1 [sflag:s10], $0x500  }
0x6b: {  	[sflag:s10] =	ssyncset.done @!p1 $0x0;
	s11 =	rddreg [dreg:$0x11]  }
0x6c: {  	s12 =	rddreg [dreg:$0x1a];
	[sflag:s10] =	ssyncadd.s32 @!p1 $0xFFFFFB00  }
0x6d: {  	[spmem:s12], [sflag:s9] =	dma.local @!p1 [hbm:s11], $0x500  }
0x6e: {  	_ =	swait.ge @!p1 [sflag:s10], $0x500  }
0x6f: {  	[sflag:s10] =	ssyncset.done @!p1 $0x0  }
0x70: {  	[sflag:s10] =	ssyncadd.s32 @!p1 $0xFFFFFB00  }
0x71: {  	[bflag:$0x0] =	sbarrier.arrive $0xFFFF  }
0x72: {  	[tilespmem:s3], [sflag:$0x5] =	stream.linear.gather [hbm4b:s15+s3], $0x100, $0x38;
	[tilespmem:$0x19300] =	vst v63  }
0x73: {  	s13 =	simm.s32 $0x100;
	s12 =	rddreg [dreg:$0x1f]  }
0x74: {  	[tilespmem:s13], [sflag:$0x6] =	stream.linear.gather [hbm4b:s12+s3], $0x100, $0x38;
	[tilespmem:$0x19300] =	vst v63  }
0x75: {  	_ =	swait.ge [sflag:s16], $0x100  }
.Ltmp2:
0x76: {  	[sflag:s16] =	ssyncset.done $0x0;
	(pc) =	sbr.rel .LBB2_2-.Ltmp2, $4  }
0x77: {  	[sflag:s16] =	ssyncadd.s32 $0xFFFFFF00  }
0x78: {  	[tilespmem:s18], [sflag:$0x1] =	stream.indirect.gather [hbm4b:s5+s17], $0x80, s3, s17, $0xb8;
	[tilespmem:$0x19300] =	vst v63  }
0x79: {  	s9 =	simm.s32 $0x0;
	s14 =	rddreg [dreg:$0x12]  }
0x7a: {  	[tilespmem:s19], [sflag:$0x3] =	stream.linear.gather [hbm4b:s14+s3], $0x80, $0x38;
	[tilespmem:$0x19300] =	vst v63  }
.LBB2_9:
0x7b: {  	s9 =	sadd.s32 $0x1, s9  }
0x7c: {  	p2 =	sne.s32 s9, $0x3F  }
.Ltmp3:
0x7d: {  	_ = 	snop;
	(pc) =	sbr.rel @!p2 .LBB2_10-.Ltmp3, $1  }
0x7e: {  	_ =	sdelay $0x3  }
.LBB2_2:
0x7f: {  	s10 =	sshllo.u32 s9, $0x1  }
0x80: {  	p2 =	sgt.u32 s10, $0x7C  }
0x81: {  	s11 =	simm.s32 @!p2 $0x6  }
0x82: {  	_ =	swait.ge @!p2 [sflag:s11], $0x100  }
0x83: {  	s12 =	simm.s32 @!p2 $0x100;
	[sflag:s11] =	ssyncset.done @!p2 $0x0  }
0x84: {  	s13 =	simm.s32 @!p2 $0x2B00;
	[sflag:s11] =	ssyncadd.s32 @!p2 $0xFFFFFF00;
	s11 =	simm.s32 @!p2 $0x50  }
0x85: {  	[tilespmem:s13], [sflag:$0x2] =	stream.indirect.gather @!p2 [hbm4b:s5+s11], $0x80, s12, s11, $0xb8;
	[tilespmem:$0x19300] =	vst v63  }
0x86: {  	s10 =	sshll.u32 @!p2 s10, $0x7;
	s11 =	sshll.u32 @!p2 s9, $0x8  }
0x87: {  	s10 =	sand.u32 @!p2 $0x380, s10;
	s11 =	sand.u32 @!p2 $0x3C00, s11  }
0x88: {  	s10 =	sor.u32 @!p2 s10, s11  }
0x89: {  	s10 =	sor.u32 @!p2 s23, s10  }
0x8a: {  	s10 =	sshrl.u32 @!p2 s10, $0x3  }
0x8b: {  	s12 =	simm.s32 @!p2 $0x280;
	s11 =	simm.s32 @!p2 $0x0;
	s10 =	sadd.s32 @!p2 s6, s10  }
0x8c: {  	[tilespmem:s12], [sflag:$0x4] =	stream.linear.gather @!p2 [hbm4b:s10+s11], $0x80, $0x38;
	[tilespmem:$0x19300] =	vst v63  }
0x8d: {  	_ =	swait.ge [sflag:s20], $0x2800  }
0x8e: {  	[sflag:s20] =	ssyncset.done $0x0  }
0x8f: {  	[sflag:s20] =	ssyncadd.s32 $0xFFFFD800  }
0x90: {  	s14 =	simm.s32 $0x0;
	_ =	swait.ge [sflag:s21], $0x80  }
0x91: {  	v0 =	vmov s14;
	[sflag:s21] =	ssyncset.done $0x0  }
0x92: {  	s10 =	simm.s32 $0x340;
	[sflag:s21] =	ssyncadd.s32 $0xFFFFFF80  }
0x93: {  	v4 =	vld [tilespmem:s10+$0x30]  }
0x94: {  	v7 =	vld [tilespmem:s10+$0x10]  }
0x95: {  	v5 =	vld [tilespmem:s10+$0xFFFFFFC0]  }
0x96: {  	v1 =	vld.idx.msk [tilespmem:v0+s19+$0x0], $0xffff  }
0x97: {  	v9 =	vld [tilespmem:s10+$0xFFFFFFE0]  }
0x98: {  	v0 =	vld [tilespmem:s10+$0xFFFFFFF0]  }
0x99: {  	v2 =	vld [tilespmem:s10+$0x20]  }
0x9a: {  	v3 =	vld [tilespmem:s10+$0xFFFFFFD0]  }
0x9b: {  	v8 =	vmul.f32 v4, v1;
	v4 =	vld [tilespmem:s10+$0x0]  }
0x9c: {  	v6 =	vmul.f32 v5, v1  }
0x9d: {  	s11 =	simm.s32 $0x1;
	s12 =	simm.s32 $0x340;
	v5 =	vmul.f32 v9, v1;
	v7 =	vmul.f32 v7, v1  }
.LBB2_3:
0x9e: {  	p3 =	sne.s32 s11, $0x4F  }
0x9f: {  	v3 =	vmul.f32 v3, v1;
	v2 =	vmul.f32 v2, v1;
	[tilespmem:s10+$0x30] =	vst v8;
	s12 =	sadd.s32 $0x80, s12;
	s13 =	smov.u32 s11;
	s11 =	sadd.s32 $0x1, s11  }
0xa0: {  	[tilespmem:s10+$0xFFFFFFC0] =	vst v6;
	v6 =	vmul.f32 v0, v1;
	v1 =	vmul.f32 v4, v1  }
0xa1: {  	[tilespmem:s10+$0x10] =	vst v7  }
0xa2: {  	v4 =	vmov s13;
	[tilespmem:s10+$0xFFFFFFE0] =	vst v5  }
0xa3: {  	v0 =	vld [tilespmem:s12+$0xFFFFFFF0];
	[tilespmem:s10+$0xFFFFFFF0] =	vst v6  }
0xa4: {  	v5 =	vld [tilespmem:s12+$0x30];
	[tilespmem:s10+$0x0] =	vst v1  }
0xa5: {  	v7 =	vld [tilespmem:s12+$0x10];
	[tilespmem:s10+$0x20] =	vst v2  }
0xa6: {  	v6 =	vld [tilespmem:s12+$0xFFFFFFC0];
	[tilespmem:s10+$0xFFFFFFD0] =	vst v3;
	s10 =	smov.u32 s12  }
0xa7: {  	v1 =	vld.idx.msk [tilespmem:v4+s19+$0x0], $0xffff  }
0xa8: {  	v9 =	vld [tilespmem:s12+$0xFFFFFFE0]  }
0xa9: {  	v2 =	vld [tilespmem:s12+$0x20]  }
.Ltmp4:
0xaa: {  	v3 =	vld [tilespmem:s12+$0xFFFFFFD0];
	(pc) =	sbr.rel @p3 .LBB2_3-.Ltmp4, $3  }
0xab: {  	v4 =	vld [tilespmem:s12+$0x0];
	_ =	sdelay $0x1  }
0xac: {  	v6 =	vmul.f32 v6, v1;
	v8 =	vmul.f32 v5, v1  }
0xad: {  	v7 =	vmul.f32 v7, v1;
	v5 =	vmul.f32 v9, v1  }
0xae: {  	[tilespmem:s10+$0x30] =	vst v8  }
0xaf: {  	[tilespmem:s10+$0xFFFFFFC0] =	vst v6  }
0xb0: {  	v0 =	vmul.f32 v0, v1;
	[tilespmem:s10+$0x10] =	vst v7  }
0xb1: {  	v2 =	vmul.f32 v2, v1;
	[tilespmem:s10+$0xFFFFFFE0] =	vst v5  }
0xb2: {  	v63 =	vmul.f32 v3, v1;
	[tilespmem:s10+$0xFFFFFFF0] =	vst v0  }
0xb3: {  	v4 =	vmul.f32 v4, v1;
	[tilespmem:s10+$0x20] =	vst v2  }
0xb4: {  	p3 =	seq.s32 s9, $0x3E;
	[tilespmem:s10+$0xFFFFFFD0] =	vst v63  }
.Ltmp5:
0xb5: {  	[tilespmem:s10+$0x0] =	vst v4;
	(pc) =	sbr.rel @p3 .LBB2_10-.Ltmp5, $4  }
0xb6: {  	[spmem:s2] =	stream.indirect.scatter.add.f32 [tilespmem:s18], [sflag:$0x7], $0x80, s24, s17, $0xb8;
	[tilespmem:$0x19300] =	vst v63  }
0xb7: {  	_ =	swait.ge [sflag:s28], $0x2800  }
0xb8: {  	[sflag:s28] =	ssyncset.done $0x0  }
0xb9: {  	[sflag:s28] =	ssyncadd.s32 $0xFFFFD800  }
.Ltmp6:
0xba: {  	s10 =	sshll.u32 s9, $0x9;
	(pc) =	sbr.rel @p2 .LBB2_9-.Ltmp6, $4  }
0xbb: {  	s11 =	sadd.s32 s10, s25  }
0xbc: {  	s11 =	sshrl.u32 s11, $0x3  }
0xbd: {  	s11 =	sadd.s32 s1, s11  }
0xbe: {  	[tilespmem:s3], [sflag:$0x5] =	stream.linear.gather [hbm4b:s11+s3], $0x100, $0x38;
	[tilespmem:$0x19300] =	vst v63  }
0xbf: {  	_ =	swait.ge [sflag:s16], $0x100;
	s12 =	sshll.u32 s9, $0x8  }
0xc0: {  	[sflag:s16] =	ssyncset.done $0x0;
	s12 =	sadd.s32 $0x100, s12  }
0xc1: {  	s11 =	simm.s32 $0x0;
	[sflag:s16] =	ssyncadd.s32 $0xFFFFFF00;
	s13 =	sand.u32 $0x7C00, s12  }
0xc2: {  	[tilespmem:s18], [sflag:$0x1] =	stream.indirect.gather [hbm4b:s5+s17], $0x80, s11, s17, $0xb8;
	[tilespmem:$0x19300] =	vst v63  }
0xc3: {  	s12 =	sand.u32 $0x300, s12;
	s13 =	sadd.s32 s23, s13  }
0xc4: {  	s12 =	sor.u32 s12, s13  }
0xc5: {  	s12 =	sshrl.u32 s12, $0x3  }
0xc6: {  	s12 =	sadd.s32 s6, s12  }
0xc7: {  	[tilespmem:s19], [sflag:$0x3] =	stream.linear.gather [hbm4b:s12+s11], $0x80, $0x38;
	[tilespmem:$0x19300] =	vst v63  }
0xc8: {  	_ =	swait.ge [sflag:s22], $0x2800  }
0xc9: {  	[sflag:s22] =	ssyncset.done $0x0  }
0xca: {  	[sflag:s22] =	ssyncadd.s32 $0xFFFFD800  }
0xcb: {  	_ =	swait.ge [sflag:s29], $0x80  }
0xcc: {  	v0 =	vmov s11;
	[sflag:s29] =	ssyncset.done $0x0  }
0xcd: {  	s11 =	simm.s32 $0x2B40;
	[sflag:s29] =	ssyncadd.s32 $0xFFFFFF80  }
0xce: {  	v4 =	vld [tilespmem:s11+$0x30]  }
0xcf: {  	v7 =	vld [tilespmem:s11+$0x10]  }
0xd0: {  	v5 =	vld [tilespmem:s11+$0xFFFFFFC0]  }
0xd1: {  	v1 =	vld.idx.msk [tilespmem:v0+s30+$0x0], $0xffff  }
0xd2: {  	v9 =	vld [tilespmem:s11+$0xFFFFFFE0]  }
0xd3: {  	v0 =	vld [tilespmem:s11+$0xFFFFFFF0]  }
0xd4: {  	v2 =	vld [tilespmem:s11+$0x20]  }
0xd5: {  	v3 =	vld [tilespmem:s11+$0xFFFFFFD0]  }
0xd6: {  	v8 =	vmul.f32 v4, v1;
	v4 =	vld [tilespmem:s11+$0x0]  }
0xd7: {  	v6 =	vmul.f32 v5, v1  }
0xd8: {  	s13 =	simm.s32 $0x2B40;
	s12 =	simm.s32 $0x1;
	v5 =	vmul.f32 v9, v1;
	v7 =	vmul.f32 v7, v1  }
.LBB2_7:
0xd9: {  	p2 =	sne.s32 s12, $0x4F  }
0xda: {  	v3 =	vmul.f32 v3, v1;
	v2 =	vmul.f32 v2, v1;
	[tilespmem:s11+$0x30] =	vst v8;
	s13 =	sadd.s32 $0x80, s13;
	s14 =	smov.u32 s12;
	s12 =	sadd.s32 $0x1, s12  }
0xdb: {  	[tilespmem:s11+$0xFFFFFFC0] =	vst v6;
	v6 =	vmul.f32 v0, v1;
	v1 =	vmul.f32 v4, v1  }
0xdc: {  	[tilespmem:s11+$0x10] =	vst v7  }
0xdd: {  	v4 =	vmov s14;
	[tilespmem:s11+$0xFFFFFFE0] =	vst v5  }
0xde: {  	v0 =	vld [tilespmem:s13+$0xFFFFFFF0];
	[tilespmem:s11+$0xFFFFFFF0] =	vst v6  }
0xdf: {  	v5 =	vld [tilespmem:s13+$0x30];
	[tilespmem:s11+$0x0] =	vst v1  }
0xe0: {  	v7 =	vld [tilespmem:s13+$0x10];
	[tilespmem:s11+$0x20] =	vst v2  }
0xe1: {  	v6 =	vld [tilespmem:s13+$0xFFFFFFC0];
	[tilespmem:s11+$0xFFFFFFD0] =	vst v3;
	s11 =	smov.u32 s13  }
0xe2: {  	v1 =	vld.idx.msk [tilespmem:v4+s30+$0x0], $0xffff  }
0xe3: {  	v9 =	vld [tilespmem:s13+$0xFFFFFFE0]  }
0xe4: {  	v2 =	vld [tilespmem:s13+$0x20]  }
.Ltmp7:
0xe5: {  	v3 =	vld [tilespmem:s13+$0xFFFFFFD0];
	(pc) =	sbr.rel @p2 .LBB2_7-.Ltmp7, $3  }
0xe6: {  	v4 =	vld [tilespmem:s13+$0x0];
	_ =	sdelay $0x1  }
0xe7: {  	v6 =	vmul.f32 v6, v1;
	v8 =	vmul.f32 v5, v1  }
0xe8: {  	v7 =	vmul.f32 v7, v1;
	v5 =	vmul.f32 v9, v1  }
0xe9: {  	[tilespmem:s11+$0x30] =	vst v8  }
0xea: {  	[tilespmem:s11+$0xFFFFFFC0] =	vst v6  }
0xeb: {  	v0 =	vmul.f32 v0, v1;
	[tilespmem:s11+$0x10] =	vst v7  }
0xec: {  	v2 =	vmul.f32 v2, v1;
	[tilespmem:s11+$0xFFFFFFE0] =	vst v5  }
0xed: {  	v63 =	vmul.f32 v3, v1;
	[tilespmem:s11+$0xFFFFFFF0] =	vst v0  }
0xee: {  	v4 =	vmul.f32 v4, v1;
	[tilespmem:s11+$0x20] =	vst v2  }
0xef: {  	[tilespmem:s11+$0xFFFFFFD0] =	vst v63  }
0xf0: {  	[tilespmem:s11+$0x0] =	vst v4  }
0xf1: {  	[spmem:s2] =	stream.indirect.scatter.add.f32 [tilespmem:s0], [sflag:$0x7], $0x80, s31, s17, $0xb8;
	[tilespmem:$0x19300] =	vst v63  }
.Ltmp8:
0xf2: {  	p2 =	sgt.u32 s9, $0x3C;
	(pc) =	sbr.rel .LBB2_9-.Ltmp8, $4  }
0xf3: {  	s10 =	sadd.s32 @!p2 s10, s26;
	_ =	swait.ge [sflag:s28], $0x2800  }
0xf4: {  	s12 =	simm.s32 @!p2 $0x100;
	s10 =	sshrl.u32 @!p2 s10, $0x3;
	[sflag:s28] =	ssyncset.done $0x0  }
0xf5: {  	s10 =	sadd.s32 @!p2 s1, s10;
	s11 =	simm.s32 @!p2 $0x0;
	[sflag:s28] =	ssyncadd.s32 $0xFFFFD800  }
0xf6: {  	[tilespmem:s12], [sflag:$0x6] =	stream.linear.gather @!p2 [hbm4b:s10+s11], $0x100, $0x38;
	[tilespmem:$0x19300] =	vst v63  }
.LBB2_11:
0xf7: {  	_ =	sfence.sel $0x180000  }
0xf8: {  	[bflag:$0x0] =	sbarrier.arrive $0xFFFF  }
0xf9: {  	_ =	strace $0x90000050  }
0xfa: {  	[bflag:$0x2] =	sbarrier.arrive $0xFFFF  }
0xfb: {  	p0 =	sne.s32 s4, $0x0;
	s0 =	rddreg [dreg:$0x3]  }
0xfc: {  	s0 =	sadd.s32 @!p0 $0x100000, s0  }
0xfd: {  	[sflag:s0] =	ssyncadd.tile.s32 @!p0 $0x1;
	_ =	shalt  }
.Lfunc_end2:
_tile_overlayer_lowered:
.L_overlay_start_2:
0xfe: {  	(tag) =	ssettag $0x2  }
0xff: {  	s0 =	rddreg [dreg:$0x0];
	s2 =	stileid.u32  }
0x100: {  	s1 =	rddreg [dreg:$0x1];
	p0 =	sne.s32 s2, $0x0  }
0x101: {  	s3 =	rddreg [dreg:$0x2];
	[bflag:$0x3] =	sbarrier.arrive $0xFFFF;
	s2 =	simm.s32 @!p0 $0x1C07  }
0x102: {  	[timem:s3], [sflag:s2] =	dma.local @!p0 [hbm:s0], s1  }
0x103: {  	s0 =	simm.s32 @!p0 $0x7  }
0x104: {  	_ =	swait.ge @!p0 [sflag:s0], s1  }
0x105: {  	s1 =	ssub.s32 @!p0 $0x0, s1;
	[sflag:s0] =	ssyncset.done @!p0 $0x0  }
0x106: {  	[sflag:s0] =	ssyncadd.s32 @!p0 s1  }
0x107: {  	[bflag:$0x3] =	sbarrier.arrive $0xFFFF  }
0x108: {  	_ =	shalt  }

// kernel: kernel.25.cloned.1.call-start
scs
__scs_entry_jumppad:
0x0: {  	(pc) =	sbr.rel $0x88, $3  }
0x1: {  	(tag) =	ssettag $0x0;
	lr =	simm.s32 $0x1  }
0x2: {  	[smem:$0x3F95] =	sst lr;
	_ =	strace $0xD0000000  }
0x3: {  	_ = 	snop  }
0x4: {  	_ = 	snop  }
0x5: {  	_ = 	snop  }
0x6: {  	_ = 	snop  }
0x7: {  	_ = 	snop  }
__scs_overlays_trampoline_lowered:
0x8: {  	[smem:$0x3FA4] =	sst s0  }
0x9: {  	[smem:$0x3FA5] =	sst s1  }
0xa: {  	[smem:$0x3FA6] =	sst s2  }
0xb: {  	[smem:$0x3FA7] =	sst s3  }
0xc: {  	[smem:$0x3FA8] =	sst s4  }
0xd: {  	[smem:$0x3FA9] =	sst s5  }
0xe: {  	[smem:$0x3FAA] =	sst s6  }
0xf: {  	[smem:$0x3FAB] =	sst s7  }
0x10: {  	[smem:$0x3FAC] =	sst s8  }
0x11: {  	[smem:$0x3FAD] =	sst s9;
	s0 =	simm.s32 @!p0 $0x0  }
0x12: {  	s1 =	sld [smem:$0x3F93];
	s0 =	simm.s32 @p0 $0x1  }
0x13: {  	[smem:$0x3FAE] =	sst s0;
	s0 =	simm.s32 @!p1 $0x0  }
0x14: {  	s2 =	sld [smem:$0x3F92];
	s0 =	simm.s32 @p1 $0x1  }
0x15: {  	[smem:$0x3FAF] =	sst s0;
	s0 =	simm.s32 @!p2 $0x0  }
0x16: {  	s3 =	sld [smem:$0x3FDB];
	s0 =	simm.s32 @p2 $0x1  }
0x17: {  	s4 =	simm.s32 $0x1BF5;
	[smem:$0x3FB1] =	sst s0  }
0x18: {  	s0 =	sld [smem:$0x3F94];
	_ =	swait.ge [sflag:s4], $0x0  }
0x19: {  	s7 =	sld [smem:$0x3F95]  }
0x1a: {  	s8 =	sadd.s32 $0xFFFFE003, lr  }
0x1b: {  	s9 =	sadd.s32 $0xFFFFFEF7, lr;
	s5 =	simm.s32 $0xFFFFFFFF;
	p2 =	slt.u32 s8, $0xFFFFF086  }
0x1c: {  	p1 =	slt.u32 s9, $0xF7A;
	s5 =	simm.s32 @!p2 $0x0  }
0x1d: {  	s5 =	simm.s32 @p1 $0x1;
	p0 =	seq.s32 s7, s2  }
0x1e: {  	s7 =	smul.u32 @!p0 $0xF7A, s2;
	p2 =	seq.s32 @!p0 s5, $0x0  }
0x1f: {  	s9 =	smul.u32 $0xF7A, s1;
	s8 =	simm.s32 @!p0 $0x1BF5;
	p2 =	por !p2, p0  }
0x20: {  	[sflag:s8] =	ssyncset.s32 @!p0 $0xFFFFF086;
	s6 =	sadd.s32 @!p0 s3, s7;
	s7 =	simm.s32 @!p0 $0x108  }
0x21: {  	s3 =	sadd.s32 s3, s9;
	s6 =	sadd.s32 @!p0 $0x88, s6;
	s7 =	simm.s32 @p2 $0x1082  }
0x22: {  	[simem:s7], [sflag:s8] =	dma.local @!p0 [hbm:s6], $0xF7A  }
0x23: {  	s9 =	sor.u32 $0xD0000000, s2;
	s6 =	simm.s32 $0x108;
	_ =	swait.ge @!p0 [sflag:s8], $0x0  }
0x24: {  	s3 =	sadd.s32 $0x88, s3;
	s6 =	simm.s32 @!p1 $0x1082;
	[sflag:s4] =	ssyncset.s32 $0xFFFFF086  }
0x25: {  	[simem:s6], [sflag:s4] =	dma.local [hbm:s3], $0xF7A  }
0x26: {  	[smem:$0x3F95] =	sst s1;
	(tag) =	ssettag s2;
	_ =	strace s9  }
0x27: {  	s1 =	sld [smem:$0x3FA5]  }
0x28: {  	s2 =	sld [smem:$0x3FA6]  }
0x29: {  	s4 =	sld [smem:$0x3FA8]  }
0x2a: {  	p0 =	seq.s32 s5, $0x0;
	s5 =	sld [smem:$0x3FA9]  }
0x2b: {  	s6 =	sld [smem:$0x3FAA]  }
0x2c: {  	s7 =	sld [smem:$0x3FAB]  }
0x2d: {  	s3 =	simm.s32 $0x108;
	s8 =	sld [smem:$0x3FAC]  }
0x2e: {  	s3 =	simm.s32 @!p0 $0x1082;
	s9 =	sld [smem:$0x3FAD]  }
0x2f: {  	lr =	sadd.s32 s0, s3;
	s0 =	sld [smem:$0x3FA4]  }
0x30: {  	s3 =	sld [smem:$0x3FA7]  }
0x31: {  	[smem:$0x3FB0] =	sst s10  }
0x32: {  	s10 =	sld [smem:$0x3FAE];
	_ =	sdelay $0x3  }
0x33: {  	p0 =	seq.s32 s10, $0x1;
	s10 =	sld [smem:$0x3FB0];
	_ =	sdelay $0x3  }
0x34: {  	[smem:$0x3FB0] =	sst s10  }
0x35: {  	s10 =	sld [smem:$0x3FAF];
	_ =	sdelay $0x3  }
0x36: {  	p1 =	seq.s32 s10, $0x1;
	s10 =	sld [smem:$0x3FB0];
	_ =	sdelay $0x3  }
0x37: {  	[smem:$0x3FB0] =	sst s10  }
0x38: {  	s10 =	sld [smem:$0x3FB1]  }
0x39: {  	_ = 	snop;
	(pc) =	sbr.ind lr, $3  }
0x3a: {  	_ = 	snop  }
0x3b: {  	_ = 	snop  }
0x3c: {  	p2 =	seq.s32 s10, $0x1;
	s10 =	sld [smem:$0x3FB0]  }
0x3d: {  	_ =	shalt  }
0x3e: {  	_ =	shalt  }
0x3f: {  	_ =	shalt  }
0x40: {  	_ =	shalt  }
0x41: {  	_ =	shalt  }
0x42: {  	_ =	shalt  }
0x43: {  	_ =	shalt  }
0x44: {  	_ =	shalt  }
0x45: {  	_ =	shalt  }
0x46: {  	_ =	shalt  }
0x47: {  	_ =	shalt  }
0x48: {  	_ =	shalt  }
0x49: {  	_ =	shalt  }
0x4a: {  	_ =	shalt  }
0x4b: {  	_ =	shalt  }
0x4c: {  	_ =	shalt  }
0x4d: {  	_ =	shalt  }
0x4e: {  	_ =	shalt  }
0x4f: {  	_ =	shalt  }
0x50: {  	_ =	shalt  }
0x51: {  	_ =	shalt  }
0x52: {  	_ =	shalt  }
0x53: {  	_ =	shalt  }
0x54: {  	_ =	shalt  }
0x55: {  	_ =	shalt  }
0x56: {  	_ =	shalt  }
0x57: {  	_ =	shalt  }
0x58: {  	_ =	shalt  }
0x59: {  	_ =	shalt  }
0x5a: {  	_ =	shalt  }
0x5b: {  	_ =	shalt  }
0x5c: {  	_ =	shalt  }
0x5d: {  	_ =	shalt  }
0x5e: {  	_ =	shalt  }
0x5f: {  	_ =	shalt  }
0x60: {  	_ =	shalt  }
0x61: {  	_ =	shalt  }
0x62: {  	_ =	shalt  }
0x63: {  	_ =	shalt  }
0x64: {  	_ =	shalt  }
0x65: {  	_ =	shalt  }
0x66: {  	_ =	shalt  }
0x67: {  	_ =	shalt  }
0x68: {  	_ =	shalt  }
0x69: {  	_ =	shalt  }
0x6a: {  	_ =	shalt  }
0x6b: {  	_ =	shalt  }
0x6c: {  	_ =	shalt  }
0x6d: {  	_ =	shalt  }
0x6e: {  	_ =	shalt  }
0x6f: {  	_ =	shalt  }
0x70: {  	_ =	shalt  }
0x71: {  	_ =	shalt  }
0x72: {  	_ =	shalt  }
0x73: {  	_ =	shalt  }
0x74: {  	_ =	shalt  }
0x75: {  	_ =	shalt  }
0x76: {  	_ =	shalt  }
0x77: {  	_ =	shalt  }
0x78: {  	_ =	shalt  }
0x79: {  	_ =	shalt  }
0x7a: {  	_ =	shalt  }
0x7b: {  	_ =	shalt  }
0x7c: {  	_ =	shalt  }
0x7d: {  	_ =	shalt  }
0x7e: {  	_ =	shalt  }
0x7f: {  	_ =	shalt  }
0x80: {  	_ =	shalt  }
0x81: {  	_ =	shalt  }
0x82: {  	_ =	shalt  }
0x83: {  	_ =	shalt  }
0x84: {  	_ =	shalt  }
0x85: {  	_ =	shalt  }
0x86: {  	_ =	shalt  }
0x87: {  	_ =	shalt  }
.Lfunc_end0:
.L_simem_size_0:
called_computation.4_lowered:
.L_overlay_start_0:
0x88: {  	s2 =	sld [smem:$0x3FD9]  }
0x89: {  	s3 =	sld [smem:$0x3FFE];
	_ =	sdelay $0x1  }
0x8a: {  	s1 =	srdreg.scid  }
0x8b: {  	s0 =	sand.u32 $0x1, s1  }
0x8c: {  	s17 =	sshll.u32 s0, $0xA;
	s2 =	sadd.s32 s3, s2  }
0x8d: {  	s2 =	sadd.s32 s2, s17  }
0x8e: {  	[smem:$0x3FBC] =	sst s2  }
0x8f: {  	_ = 	snop  }
0x90: {  	s2 =	sld [smem:$0x3FD0];
	(tm) =	ssettm $0x1  }
0x91: {  	s18 =	sld [smem:$0x3FFB];
	_ =	sdelay $0x3  }
0x92: {  	_ =	strace s18  }
0x93: {  	s3 =	sld [smem:$0x3FFC];
	_ =	sdelay $0x3  }
0x94: {  	_ =	strace s3  }
0x95: {  	s3 =	sld [smem:$0x3FFD];
	_ =	sdelay $0x3  }
0x96: {  	_ =	strace s3  }
0x97: {  	_ =	strace $0x8FFFFFFF  }
0x98: {  	s19 =	sld [smem:$0x3FDB];
	_ =	sdelay $0x1  }
0x99: {  	s4 =	simm.s32 $_scs_section_size  }
0x9a: {  	s5 =	simm.s32 $_size__tile_overlayer_lowered;
	s6 =	simm.s32 $_tile_overlayer_lowered  }
0x9b: {  	s22 =	simm.s32 $0x1BFF;
	s21 =	sshll.u32 s6, $0x1;
	s3 =	sadd.s32 s4, s19  }
0x9c: {  	s7 =	simm.s32 $0x0;
	s20 =	sshll.u32 s5, $0x1;
	s5 =	sadd.s32 s21, s3  }
0x9d: {  	[timem:s7], [sflag:s22] =	dma.local [hbm:s5], s20  }
0x9e: {  	_ =	swait.ge [sflag:s22], s20  }
0x9f: {  	s4 =	ssub.s32 $0x0, s20;
	[sflag:s22] =	ssyncset.done $0x0  }
0xa0: {  	[sflag:s22] =	ssyncadd.s32 s4;
	_ =	sdelay $0x1  }
0xa1: {  	s23 =	simm.s32 $0x1B8B  }
0xa2: {  	_ =	swait.ge [sflag:s23], $0x1  }
0xa3: {  	[sflag:s23] =	ssyncset.done $0x0  }
0xa4: {  	s25 =	simm.s32 $0x1B8E;
	s24 =	sld [smem:$0x3FFE];
	[sflag:s23] =	ssyncadd.s32 $0xFFFFFFFF  }
0xa5: {  	s26 =	simm.s32 $execute0_lowered;
	[smem:$0x3FD2] =	sst s25  }
0xa6: {  	s5 =	sshll.u32 s26, $0x1;
	_ =	strace $0x80000052;
	[dreg:$0x1] =	wrdreg $0xFFFFFFFF  }
0xa7: {  	s28 =	simm.s32 $_size_execute0_lowered;
	s3 =	sadd.s32 s3, s5;
	[dreg:$0x0] =	wrdreg $0x0  }
0xa8: {  	s5 =	sshll.u32 s28, $0x1;
	[dreg:$0x2] =	wrdreg s3  }
0xa9: {  	[dreg:$0x3] =	wrdreg s5  }
0xaa: {  	[dreg:$0x4] =	wrdreg $0xC0  }
0xab: {  	_ =	task [dreg:s7], $0x5FFFF  }
0xac: {  	[dreg:$0x1] =	wrdreg $0xFFFFFFFF  }
0xad: {  	[dreg:$0x0] =	wrdreg $0x60  }
0xae: {  	[dreg:$0x2] =	wrdreg s24  }
0xaf: {  	[dreg:$0x3] =	wrdreg s2  }
0xb0: {  	[dreg:$0x4] =	wrdreg $0x53000  }
0xb1: {  	[dreg:$0x5] =	wrdreg $0x9  }
0xb2: {  	_ =	task.clear_ibuf [dreg:s7], $0x6FFFF;
	_ =	strace $0x90000052  }
0xb3: {  	s29 =	simm.s32 $0x9;
	_ =	strace $0x80000054  }
0xb4: {  	_ =	swait.ge [sflag:s29], $0x1  }
0xb5: {  	[sflag:s29] =	ssyncadd.s32 $0xFFFFFFFF  }
0xb6: {  	_ =	strace $0x90000054  }
0xb7: {  	_ =	sfence  }
0xb8: {  	s30 =	sld [smem:$0x0];
	_ =	sdelay $0x2  }
0xb9: {  	s31 =	sshll.u32 s1, $0xD;
	s1 =	sshrl.u32 s1, $0x2  }
0xba: {  	s3 =	sand.u32 $0x4000, s31;
	s1 =	sadd.s32 s1, s30  }
0xbb: {  	s0 =	sor.u32 s3, s0;
	s1 =	sshll.u32 s1, $0x11  }
0xbc: {  	s0 =	sor.u32 s1, s0  }
0xbd: {  	s0 =	sadd.s32 $0x8F2B, s0  }
0xbe: {  	[sflag:s0] =	ssyncadd.remote.s32 $0x1  }
0xbf: {  	_ =	sfence.sel $0xFFFF  }
0xc0: {  	[dreg:$0x0] =	wrdreg $0xFFFFFFFF;
	(pc) =	sbr.abs _section_cstart, $3  }
0xc1: {  	[dreg:$0x1] =	wrdreg $0xFFFFFFFF  }
0xc2: {  	_ =	task.clear_ibuf [dreg:s7], $0x2FFFF;
	_ =	strace $0x9FFFFFFF  }
0xc3: {  	(tm) =	ssettm $0x7FFFFFFF  }
tec
execute0_lowered:
.L_overlay_start_1:
0x0: {  	(tag) =	ssettag $0x1  }
0x1: {  	s0 =	rddreg [dreg:$0x0]  }
0x2: {  	s1 =	rddreg [dreg:$0x1]  }
0x3: {  	s2 =	rddreg [dreg:$0x2];
	s3 =	simm.s32 $0x0;
	s7 =	srdreg.scid  }
0x4: {  	s28 =	simm.s32 $0x7;
	s29 =	simm.s32 $0x4;
	s30 =	simm.s32 $0x280  }
0x5: {  	s31 =	simm.s32 $0x180;
	[smem:$0x7FF] =	sst s3;
	s5 =	sadd.s32 $0x5400, s0  }
0x6: {  	s6 =	sadd.s32 $0x17B200, s0;
	s4 =	sadd.s32 $0x2C00, s0;
	s7 =	sand.u32 $0x1, s7  }
0x7: {  	s0 =	sadd.s32 $0x18B200, s0;
	_ =	strace $0x80000053;
	[dreg:$0x4] =	wrdreg s4  }
0x8: {  	s4 =	stileid.u32;
	s8 =	ssub.s32 $0x2, s7;
	s14 =	smul.u32 $0x140000, s7  }
0x9: {  	s11 =	sshll.u32 s7, $0x4;
	p0 =	sne.s32 s7, $0x0;
	s9 =	smul.u32 $0x14000, s4  }
0xa: {  	s10 =	sshrl.u32 s8, $0x1;
	s12 =	smul.u32 $0x50000, s4;
	s11 =	sor.u32 s4, s11  }
0xb: {  	p1 =	seq.s32 @!p0 s4, $0xF;
	s10 =	ssub.s32 s8, s10;
	s21 =	sshrl.u32 s9, $0x3  }
0xc: {  	p1 =	por p1, p0;
	s10 =	smax.u32 s10, $0x1;
	s13 =	sadd.s32 s5, s21  }
0xd: {  	s12 =	sshrl.u32 s12, $0x2;
	[dreg:$0x13] =	wrdreg s10;
	s22 =	sadd.s32 $0x138800, s13  }
0xe: {  	s23 =	sadd.s32 s9, s14;
	s15 =	sadd.s32 $0x138D00, s13;
	[dreg:$0x5] =	wrdreg s22  }
0xf: {  	s8 =	sadd.s32 s12, s2;
	s17 =	sadd.s32 $0x139200, s13;
	[dreg:$0x6] =	wrdreg s15  }
0x10: {  	s12 =	sadd.s32 $0x4000, s9;
	s19 =	sadd.s32 $0x139700, s13;
	[dreg:$0x7] =	wrdreg s17  }
0x11: {  	s16 =	sadd.s32 s14, s12;
	s20 =	sadd.s32 $0x139C00, s13;
	[dreg:$0xd] =	wrdreg s19  }
0x12: {  	s21 =	sadd.s32 $0x13A100, s13;
	s15 =	sshrl.u32 s23, $0x3;
	[dreg:$0xe] =	wrdreg s20  }
0x13: {  	s16 =	sshrl.u32 s16, $0x3;
	[dreg:$0xf] =	wrdreg s21;
	s22 =	sadd.s32 $0x13A600, s13  }
0x14: {  	s17 =	sadd.s32 $0xC000, s9;
	s13 =	sadd.s32 $0x13AB00, s13;
	[dreg:$0x10] =	wrdreg s22  }
0x15: {  	s15 =	sadd.s32 s0, s15;
	s24 =	sadd.s32 s0, s16;
	[dreg:$0x11] =	wrdreg s13  }
0x16: {  	s18 =	sadd.s32 s14, s17;
	s13 =	sshll.u32 s11, $0xB;
	[dreg:$0x8] =	wrdreg s15  }
0x17: {  	s19 =	sadd.s32 s17, s2;
	s17 =	simm.s32 $0x50;
	[dreg:$0x9] =	wrdreg s24  }
0x18: {  	s15 =	sadd.s32 $0x8000, s9;
	s9 =	sadd.s32 $0x10000, s9;
	s26 =	sshrl.u32 s18, $0x3  }
0x19: {  	s18 =	smul.u32 $0x7D00, s11;
	s7 =	sadd.s32 s6, s13;
	s13 =	sadd.s32 $0xA000, s8  }
0x1a: {  	s21 =	sshrl.u32 s19, $0x3;
	s19 =	simm.s32 $0x200;
	s25 =	sadd.s32 s14, s15  }
0x1b: {  	s14 =	sadd.s32 s14, s9;
	[dreg:$0x12] =	wrdreg s7;
	s9 =	sadd.s32 s9, s2  }
0x1c: {  	[dreg:$0x1d] =	wrdreg s21;
	s21 =	simm.s32 $0x3;
	s16 =	sshrl.u32 s25, $0x3  }
0x1d: {  	s14 =	sshrl.u32 s14, $0x3;
	s23 =	sshrl.u32 s18, $0x3;
	s22 =	sshrl.u32 s9, $0x3  }
0x1e: {  	s25 =	sadd.s32 $0x200, s18;
	s16 =	sadd.s32 s0, s16;
	[dreg:$0x1e] =	wrdreg s22  }
0x1f: {  	s24 =	sadd.s32 s1, s23;
	[dreg:$0xa] =	wrdreg s16;
	s16 =	sadd.s32 s0, s26  }
0x20: {  	s0 =	sadd.s32 s0, s14;
	s26 =	sadd.s32 $0x300, s18;
	s18 =	sadd.s32 s15, s2  }
0x21: {  	s15 =	smov.u32 s24;
	s24 =	sadd.s32 $0x20, s24;
	[dreg:$0xb] =	wrdreg s16  }
0x22: {  	[dreg:$0xc] =	wrdreg s0;
	s16 =	sadd.s32 s12, s2;
	s12 =	sadd.s32 $0x2800, s8  }
0x23: {  	s7 =	simm.s32 $0x0;
	[dreg:$0x1f] =	wrdreg s24;
	s10 =	sshrl.u32 @!p0 s12, $0x3  }
0x24: {  	s20 =	sshrl.u32 s18, $0x3;
	[dreg:$0x14] =	wrdreg s10;
	s10 =	sadd.s32 $0x5000, s8  }
0x25: {  	s12 =	sadd.s32 $0x7800, s8;
	[dreg:$0x1c] =	wrdreg s20;
	s10 =	sshrl.u32 @!p0 s10, $0x3  }
0x26: {  	s23 =	sshll.u32 s11, $0xE;
	[dreg:$0x15] =	wrdreg s10;
	s10 =	sshrl.u32 @!p0 s12, $0x3  }
0x27: {  	s22 =	simm.s32 $0x2;
	[dreg:$0x16] =	wrdreg s10;
	s10 =	sshrl.u32 @!p0 s13, $0x3  }
0x28: {  	s18 =	simm.s32 $0x300;
	[dreg:$0x17] =	wrdreg s10;
	s10 =	sadd.s32 $0xC800, s8  }
.Ltmp0:
0x29: {  	s12 =	sadd.s32 $0xF000, s8;
	s10 =	sshrl.u32 @!p1 s10, $0x3;
	(pc) =	sbr.rel .LBB2_1-.Ltmp0, $4  }
0x2a: {  	s24 =	simm.s32 $0x80;
	[dreg:$0x18] =	wrdreg s10;
	s10 =	sshrl.u32 @!p1 s12, $0x3  }
0x2b: {  	s0 =	sshrl.u32 s16, $0x3;
	[dreg:$0x19] =	wrdreg s10;
	s10 =	sadd.s32 $0x11800, s8  }
0x2c: {  	s16 =	simm.s32 $0x5;
	[dreg:$0x1b] =	wrdreg s0;
	s10 =	sshrl.u32 @!p1 s10, $0x3  }
0x2d: {  	s20 =	simm.s32 $0x1;
	s0 =	simm.s32 $0x2B00;
	[dreg:$0x1a] =	wrdreg s10  }
.LBB2_10:
0x2e: {  	s9 =	sshll.u32 s4, $0x6;
	[bflag:$0x0] =	sbarrier.arrive $0xFFFF  }
0x2f: {  	s10 =	sshrl.u32 s8, $0x3;
	s9 =	sor.u32 $0x1C07, s9;
	s11 =	rddreg [dreg:$0x8]  }
0x30: {  	[hbm:s11], [sflag:s9] =	dma.local [spmem:s10], $0x800  }
0x31: {  	_ =	swait.ge [sflag:s28], $0x800  }
0x32: {  	[sflag:s28] =	ssyncset.done $0x0;
	s13 =	rddreg [dreg:$0x9]  }
0x33: {  	s14 =	rddreg [dreg:$0x1b];
	[sflag:s28] =	ssyncadd.s32 $0xFFFFF800  }
0x34: {  	[hbm:s13], [sflag:s9] =	dma.local [spmem:s14], $0x800  }
0x35: {  	_ =	swait.ge [sflag:s28], $0x800  }
0x36: {  	[sflag:s28] =	ssyncset.done $0x0;
	s11 =	rddreg [dreg:$0xa]  }
0x37: {  	s12 =	rddreg [dreg:$0x1c];
	[sflag:s28] =	ssyncadd.s32 $0xFFFFF800  }
0x38: {  	[hbm:s11], [sflag:s9] =	dma.local [spmem:s12], $0x800  }
0x39: {  	_ =	swait.ge [sflag:s28], $0x800  }
0x3a: {  	[sflag:s28] =	ssyncset.done $0x0;
	s13 =	rddreg [dreg:$0xb]  }
0x3b: {  	s14 =	rddreg [dreg:$0x1d];
	[sflag:s28] =	ssyncadd.s32 $0xFFFFF800  }
0x3c: {  	[hbm:s13], [sflag:s9] =	dma.local [spmem:s14], $0x800  }
0x3d: {  	_ =	swait.ge [sflag:s28], $0x800  }
0x3e: {  	[sflag:s28] =	ssyncset.done $0x0;
	s12 =	rddreg [dreg:$0xc]  }
0x3f: {  	s13 =	rddreg [dreg:$0x1e];
	[sflag:s28] =	ssyncadd.s32 $0xFFFFF800  }
0x40: {  	[hbm:s12], [sflag:s9] =	dma.local [spmem:s13], $0x800  }
0x41: {  	_ =	swait.ge [sflag:s28], $0x800  }
0x42: {  	s7 =	sadd.s32 $0x1, s7;
	s14 =	rddreg [dreg:$0x13]  }
0x43: {  	p2 =	sne.s32 s7, s14  }
.Ltmp1:
0x44: {  	_ = 	snop;
	(pc) =	sbr.rel @!p2 .LBB2_11-.Ltmp1, $3  }
0x45: {  	_ =	sdelay $0x1  }
0x46: {  	[sflag:s28] =	ssyncset.done $0x0  }
0x47: {  	[sflag:s28] =	ssyncadd.s32 $0xFFFFF800  }
.LBB2_1:
0x48: {  	s9 =	sshll.u32 @p0 s4, $0x6  }
0x49: {  	s10 =	sshrl.u32 @p0 s8, $0x3;
	s11 =	rddreg [dreg:$0x4];
	s9 =	sor.u32 @p0 $0x1C07, s9  }
0x4a: {  	[spmem:s10], [sflag:s9] =	dma.local @p0 [hbm:s11], $0x2800  }
0x4b: {  	s9 =	simm.s32 @p0 $0x7  }
0x4c: {  	_ =	swait.ge @p0 [sflag:s9], $0x2800  }
0x4d: {  	s10 =	sshll.u32 @!p0 s4, $0x6;
	[sflag:s9] =	ssyncset.done @p0 $0x0;
	s11 =	rddreg [dreg:$0x5]  }
0x4e: {  	[sflag:s9] =	ssyncadd.s32 @p0 $0xFFFFD800;
	s9 =	sor.u32 @!p0 $0x1C07, s10;
	s10 =	sshrl.u32 @!p0 s8, $0x3  }
0x4f: {  	[spmem:s10], [sflag:s9] =	dma.local @!p0 [hbm:s11], $0x500  }
0x50: {  	s10 =	simm.s32 @!p0 $0x7  }
0x51: {  	_ =	swait.ge @!p0 [sflag:s10], $0x500  }
0x52: {  	[sflag:s10] =	ssyncset.done @!p0 $0x0;
	s11 =	rddreg [dreg:$0x6]  }
0x53: {  	s12 =	rddreg [dreg:$0x14];
	[sflag:s10] =	ssyncadd.s32 @!p0 $0xFFFFFB00  }
0x54: {  	[spmem:s12], [sflag:s9] =	dma.local @!p0 [hbm:s11], $0x500  }
0x55: {  	_ =	swait.ge @!p0 [sflag:s10], $0x500  }
0x56: {  	[sflag:s10] =	ssyncset.done @!p0 $0x0;
	s11 =	rddreg [dreg:$0x7]  }
0x57: {  	s12 =	rddreg [dreg:$0x15];
	[sflag:s10] =	ssyncadd.s32 @!p0 $0xFFFFFB00  }
0x58: {  	[spmem:s12], [sflag:s9] =	dma.local @!p0 [hbm:s11], $0x500  }
0x59: {  	_ =	swait.ge @!p0 [sflag:s10], $0x500  }
0x5a: {  	[sflag:s10] =	ssyncset.done @!p0 $0x0;
	s11 =	rddreg [dreg:$0xd]  }
0x5b: {  	s12 =	rddreg [dreg:$0x16];
	[sflag:s10] =	ssyncadd.s32 @!p0 $0xFFFFFB00  }
0x5c: {  	[spmem:s12], [sflag:s9] =	dma.local @!p0 [hbm:s11], $0x500  }
0x5d: {  	_ =	swait.ge @!p0 [sflag:s10], $0x500  }
0x5e: {  	[sflag:s10] =	ssyncset.done @!p0 $0x0;
	s11 =	rddreg [dreg:$0xe]  }
0x5f: {  	s12 =	rddreg [dreg:$0x17];
	[sflag:s10] =	ssyncadd.s32 @!p0 $0xFFFFFB00  }
0x60: {  	[spmem:s12], [sflag:s9] =	dma.local @!p0 [hbm:s11], $0x500  }
0x61: {  	_ =	swait.ge @!p0 [sflag:s10], $0x500  }
0x62: {  	[sflag:s10] =	ssyncset.done @!p0 $0x0;
	s11 =	rddreg [dreg:$0x18]  }
0x63: {  	[sflag:s10] =	ssyncadd.s32 @!p0 $0xFFFFFB00;
	s10 =	rddreg [dreg:$0xf]  }
0x64: {  	[spmem:s11], [sflag:s9] =	dma.local @!p1 [hbm:s10], $0x500  }
0x65: {  	s10 =	simm.s32 @!p1 $0x7  }
0x66: {  	_ =	swait.ge @!p1 [sflag:s10], $0x500  }
0x67: {  	[sflag:s10] =	ssyncset.done @!p1 $0x0;
	s11 =	rddreg [dreg:$0x10]  }
0x68: {  	s12 =	rddreg [dreg:$0x19];
	[sflag:s10] =	ssyncadd.s32 @!p1 $0xFFFFFB00  }
0x69: {  	[spmem:s12], [sflag:s9] =	dma.local @!p1 [hbm:s11], $0x500  }
0x6a: {  	_ =	swait.ge @!p1 [sflag:s10], $0x500  }
0x6b: {  	[sflag:s10] =	ssyncset.done @!p1 $0x0;
	s11 =	rddreg [dreg:$0x11]  }
0x6c: {  	s12 =	rddreg [dreg:$0x1a];
	[sflag:s10] =	ssyncadd.s32 @!p1 $0xFFFFFB00  }
0x6d: {  	[spmem:s12], [sflag:s9] =	dma.local @!p1 [hbm:s11], $0x500  }
0x6e: {  	_ =	swait.ge @!p1 [sflag:s10], $0x500  }
0x6f: {  	[sflag:s10] =	ssyncset.done @!p1 $0x0  }
0x70: {  	[sflag:s10] =	ssyncadd.s32 @!p1 $0xFFFFFB00  }
0x71: {  	[bflag:$0x0] =	sbarrier.arrive $0xFFFF  }
0x72: {  	[tilespmem:s3], [sflag:$0x5] =	stream.linear.gather [hbm4b:s15+s3], $0x100, $0x38;
	[tilespmem:$0x19300] =	vst v63  }
0x73: {  	s13 =	simm.s32 $0x100;
	s12 =	rddreg [dreg:$0x1f]  }
0x74: {  	[tilespmem:s13], [sflag:$0x6] =	stream.linear.gather [hbm4b:s12+s3], $0x100, $0x38;
	[tilespmem:$0x19300] =	vst v63  }
0x75: {  	_ =	swait.ge [sflag:s16], $0x100  }
.Ltmp2:
0x76: {  	[sflag:s16] =	ssyncset.done $0x0;
	(pc) =	sbr.rel .LBB2_2-.Ltmp2, $4  }
0x77: {  	[sflag:s16] =	ssyncadd.s32 $0xFFFFFF00  }
0x78: {  	[tilespmem:s18], [sflag:$0x1] =	stream.indirect.gather [hbm4b:s5+s17], $0x80, s3, s17, $0xb8;
	[tilespmem:$0x19300] =	vst v63  }
0x79: {  	s9 =	simm.s32 $0x0;
	s14 =	rddreg [dreg:$0x12]  }
0x7a: {  	[tilespmem:s19], [sflag:$0x3] =	stream.linear.gather [hbm4b:s14+s3], $0x80, $0x38;
	[tilespmem:$0x19300] =	vst v63  }
.LBB2_9:
0x7b: {  	s9 =	sadd.s32 $0x1, s9  }
0x7c: {  	p2 =	sne.s32 s9, $0x3F  }
.Ltmp3:
0x7d: {  	_ = 	snop;
	(pc) =	sbr.rel @!p2 .LBB2_10-.Ltmp3, $1  }
0x7e: {  	_ =	sdelay $0x3  }
.LBB2_2:
0x7f: {  	s10 =	sshllo.u32 s9, $0x1  }
0x80: {  	p2 =	sgt.u32 s10, $0x7C  }
0x81: {  	s11 =	simm.s32 @!p2 $0x6  }
0x82: {  	_ =	swait.ge @!p2 [sflag:s11], $0x100  }
0x83: {  	s12 =	simm.s32 @!p2 $0x100;
	[sflag:s11] =	ssyncset.done @!p2 $0x0  }
0x84: {  	s13 =	simm.s32 @!p2 $0x2B00;
	[sflag:s11] =	ssyncadd.s32 @!p2 $0xFFFFFF00;
	s11 =	simm.s32 @!p2 $0x50  }
0x85: {  	[tilespmem:s13], [sflag:$0x2] =	stream.indirect.gather @!p2 [hbm4b:s5+s11], $0x80, s12, s11, $0xb8;
	[tilespmem:$0x19300] =	vst v63  }
0x86: {  	s10 =	sshll.u32 @!p2 s10, $0x7;
	s11 =	sshll.u32 @!p2 s9, $0x8  }
0x87: {  	s10 =	sand.u32 @!p2 $0x380, s10;
	s11 =	sand.u32 @!p2 $0x3C00, s11  }
0x88: {  	s10 =	sor.u32 @!p2 s10, s11  }
0x89: {  	s10 =	sor.u32 @!p2 s23, s10  }
0x8a: {  	s10 =	sshrl.u32 @!p2 s10, $0x3  }
0x8b: {  	s12 =	simm.s32 @!p2 $0x280;
	s11 =	simm.s32 @!p2 $0x0;
	s10 =	sadd.s32 @!p2 s6, s10  }
0x8c: {  	[tilespmem:s12], [sflag:$0x4] =	stream.linear.gather @!p2 [hbm4b:s10+s11], $0x80, $0x38;
	[tilespmem:$0x19300] =	vst v63  }
0x8d: {  	_ =	swait.ge [sflag:s20], $0x2800  }
0x8e: {  	[sflag:s20] =	ssyncset.done $0x0  }
0x8f: {  	[sflag:s20] =	ssyncadd.s32 $0xFFFFD800  }
0x90: {  	s14 =	simm.s32 $0x0;
	_ =	swait.ge [sflag:s21], $0x80  }
0x91: {  	v0 =	vmov s14;
	[sflag:s21] =	ssyncset.done $0x0  }
0x92: {  	s10 =	simm.s32 $0x340;
	[sflag:s21] =	ssyncadd.s32 $0xFFFFFF80  }
0x93: {  	v4 =	vld [tilespmem:s10+$0x30]  }
0x94: {  	v7 =	vld [tilespmem:s10+$0x10]  }
0x95: {  	v5 =	vld [tilespmem:s10+$0xFFFFFFC0]  }
0x96: {  	v1 =	vld.idx.msk [tilespmem:v0+s19+$0x0], $0xffff  }
0x97: {  	v9 =	vld [tilespmem:s10+$0xFFFFFFE0]  }
0x98: {  	v0 =	vld [tilespmem:s10+$0xFFFFFFF0]  }
0x99: {  	v2 =	vld [tilespmem:s10+$0x20]  }
0x9a: {  	v3 =	vld [tilespmem:s10+$0xFFFFFFD0]  }
0x9b: {  	v8 =	vmul.f32 v4, v1;
	v4 =	vld [tilespmem:s10+$0x0]  }
0x9c: {  	v6 =	vmul.f32 v5, v1  }
0x9d: {  	s11 =	simm.s32 $0x1;
	s12 =	simm.s32 $0x340;
	v5 =	vmul.f32 v9, v1;
	v7 =	vmul.f32 v7, v1  }
.LBB2_3:
0x9e: {  	p3 =	sne.s32 s11, $0x4F  }
0x9f: {  	v3 =	vmul.f32 v3, v1;
	v2 =	vmul.f32 v2, v1;
	[tilespmem:s10+$0x30] =	vst v8;
	s12 =	sadd.s32 $0x80, s12;
	s13 =	smov.u32 s11;
	s11 =	sadd.s32 $0x1, s11  }
0xa0: {  	[tilespmem:s10+$0xFFFFFFC0] =	vst v6;
	v6 =	vmul.f32 v0, v1;
	v1 =	vmul.f32 v4, v1  }
0xa1: {  	[tilespmem:s10+$0x10] =	vst v7  }
0xa2: {  	v4 =	vmov s13;
	[tilespmem:s10+$0xFFFFFFE0] =	vst v5  }
0xa3: {  	v0 =	vld [tilespmem:s12+$0xFFFFFFF0];
	[tilespmem:s10+$0xFFFFFFF0] =	vst v6  }
0xa4: {  	v5 =	vld [tilespmem:s12+$0x30];
	[tilespmem:s10+$0x0] =	vst v1  }
0xa5: {  	v7 =	vld [tilespmem:s12+$0x10];
	[tilespmem:s10+$0x20] =	vst v2  }
0xa6: {  	v6 =	vld [tilespmem:s12+$0xFFFFFFC0];
	[tilespmem:s10+$0xFFFFFFD0] =	vst v3;
	s10 =	smov.u32 s12  }
0xa7: {  	v1 =	vld.idx.msk [tilespmem:v4+s19+$0x0], $0xffff  }
0xa8: {  	v9 =	vld [tilespmem:s12+$0xFFFFFFE0]  }
0xa9: {  	v2 =	vld [tilespmem:s12+$0x20]  }
.Ltmp4:
0xaa: {  	v3 =	vld [tilespmem:s12+$0xFFFFFFD0];
	(pc) =	sbr.rel @p3 .LBB2_3-.Ltmp4, $3  }
0xab: {  	v4 =	vld [tilespmem:s12+$0x0];
	_ =	sdelay $0x1  }
0xac: {  	v6 =	vmul.f32 v6, v1;
	v8 =	vmul.f32 v5, v1  }
0xad: {  	v7 =	vmul.f32 v7, v1;
	v5 =	vmul.f32 v9, v1  }
0xae: {  	[tilespmem:s10+$0x30] =	vst v8  }
0xaf: {  	[tilespmem:s10+$0xFFFFFFC0] =	vst v6  }
0xb0: {  	v0 =	vmul.f32 v0, v1;
	[tilespmem:s10+$0x10] =	vst v7  }
0xb1: {  	v2 =	vmul.f32 v2, v1;
	[tilespmem:s10+$0xFFFFFFE0] =	vst v5  }
0xb2: {  	v63 =	vmul.f32 v3, v1;
	[tilespmem:s10+$0xFFFFFFF0] =	vst v0  }
0xb3: {  	v4 =	vmul.f32 v4, v1;
	[tilespmem:s10+$0x20] =	vst v2  }
0xb4: {  	p3 =	seq.s32 s9, $0x3E;
	[tilespmem:s10+$0xFFFFFFD0] =	vst v63  }
.Ltmp5:
0xb5: {  	[tilespmem:s10+$0x0] =	vst v4;
	(pc) =	sbr.rel @p3 .LBB2_10-.Ltmp5, $4  }
0xb6: {  	[spmem:s2] =	stream.indirect.scatter.add.f32 [tilespmem:s18], [sflag:$0x7], $0x80, s24, s17, $0xb8;
	[tilespmem:$0x19300] =	vst v63  }
0xb7: {  	_ =	swait.ge [sflag:s28], $0x2800  }
0xb8: {  	[sflag:s28] =	ssyncset.done $0x0  }
0xb9: {  	[sflag:s28] =	ssyncadd.s32 $0xFFFFD800  }
.Ltmp6:
0xba: {  	s10 =	sshll.u32 s9, $0x9;
	(pc) =	sbr.rel @p2 .LBB2_9-.Ltmp6, $4  }
0xbb: {  	s11 =	sadd.s32 s10, s25  }
0xbc: {  	s11 =	sshrl.u32 s11, $0x3  }
0xbd: {  	s11 =	sadd.s32 s1, s11  }
0xbe: {  	[tilespmem:s3], [sflag:$0x5] =	stream.linear.gather [hbm4b:s11+s3], $0x100, $0x38;
	[tilespmem:$0x19300] =	vst v63  }
0xbf: {  	_ =	swait.ge [sflag:s16], $0x100;
	s12 =	sshll.u32 s9, $0x8  }
0xc0: {  	[sflag:s16] =	ssyncset.done $0x0;
	s12 =	sadd.s32 $0x100, s12  }
0xc1: {  	s11 =	simm.s32 $0x0;
	[sflag:s16] =	ssyncadd.s32 $0xFFFFFF00;
	s13 =	sand.u32 $0x7C00, s12  }
0xc2: {  	[tilespmem:s18], [sflag:$0x1] =	stream.indirect.gather [hbm4b:s5+s17], $0x80, s11, s17, $0xb8;
	[tilespmem:$0x19300] =	vst v63  }
0xc3: {  	s12 =	sand.u32 $0x300, s12;
	s13 =	sadd.s32 s23, s13  }
0xc4: {  	s12 =	sor.u32 s12, s13  }
0xc5: {  	s12 =	sshrl.u32 s12, $0x3  }
0xc6: {  	s12 =	sadd.s32 s6, s12  }
0xc7: {  	[tilespmem:s19], [sflag:$0x3] =	stream.linear.gather [hbm4b:s12+s11], $0x80, $0x38;
	[tilespmem:$0x19300] =	vst v63  }
0xc8: {  	_ =	swait.ge [sflag:s22], $0x2800  }
0xc9: {  	[sflag:s22] =	ssyncset.done $0x0  }
0xca: {  	[sflag:s22] =	ssyncadd.s32 $0xFFFFD800  }
0xcb: {  	_ =	swait.ge [sflag:s29], $0x80  }
0xcc: {  	v0 =	vmov s11;
	[sflag:s29] =	ssyncset.done $0x0  }
0xcd: {  	s11 =	simm.s32 $0x2B40;
	[sflag:s29] =	ssyncadd.s32 $0xFFFFFF80  }
0xce: {  	v4 =	vld [tilespmem:s11+$0x30]  }
0xcf: {  	v7 =	vld [tilespmem:s11+$0x10]  }
0xd0: {  	v5 =	vld [tilespmem:s11+$0xFFFFFFC0]  }
0xd1: {  	v1 =	vld.idx.msk [tilespmem:v0+s30+$0x0], $0xffff  }
0xd2: {  	v9 =	vld [tilespmem:s11+$0xFFFFFFE0]  }
0xd3: {  	v0 =	vld [tilespmem:s11+$0xFFFFFFF0]  }
0xd4: {  	v2 =	vld [tilespmem:s11+$0x20]  }
0xd5: {  	v3 =	vld [tilespmem:s11+$0xFFFFFFD0]  }
0xd6: {  	v8 =	vmul.f32 v4, v1;
	v4 =	vld [tilespmem:s11+$0x0]  }
0xd7: {  	v6 =	vmul.f32 v5, v1  }
0xd8: {  	s13 =	simm.s32 $0x2B40;
	s12 =	simm.s32 $0x1;
	v5 =	vmul.f32 v9, v1;
	v7 =	vmul.f32 v7, v1  }
.LBB2_7:
0xd9: {  	p2 =	sne.s32 s12, $0x4F  }
0xda: {  	v3 =	vmul.f32 v3, v1;
	v2 =	vmul.f32 v2, v1;
	[tilespmem:s11+$0x30] =	vst v8;
	s13 =	sadd.s32 $0x80, s13;
	s14 =	smov.u32 s12;
	s12 =	sadd.s32 $0x1, s12  }
0xdb: {  	[tilespmem:s11+$0xFFFFFFC0] =	vst v6;
	v6 =	vmul.f32 v0, v1;
	v1 =	vmul.f32 v4, v1  }
0xdc: {  	[tilespmem:s11+$0x10] =	vst v7  }
0xdd: {  	v4 =	vmov s14;
	[tilespmem:s11+$0xFFFFFFE0] =	vst v5  }
0xde: {  	v0 =	vld [tilespmem:s13+$0xFFFFFFF0];
	[tilespmem:s11+$0xFFFFFFF0] =	vst v6  }
0xdf: {  	v5 =	vld [tilespmem:s13+$0x30];
	[tilespmem:s11+$0x0] =	vst v1  }
0xe0: {  	v7 =	vld [tilespmem:s13+$0x10];
	[tilespmem:s11+$0x20] =	vst v2  }
0xe1: {  	v6 =	vld [tilespmem:s13+$0xFFFFFFC0];
	[tilespmem:s11+$0xFFFFFFD0] =	vst v3;
	s11 =	smov.u32 s13  }
0xe2: {  	v1 =	vld.idx.msk [tilespmem:v4+s30+$0x0], $0xffff  }
0xe3: {  	v9 =	vld [tilespmem:s13+$0xFFFFFFE0]  }
0xe4: {  	v2 =	vld [tilespmem:s13+$0x20]  }
.Ltmp7:
0xe5: {  	v3 =	vld [tilespmem:s13+$0xFFFFFFD0];
	(pc) =	sbr.rel @p2 .LBB2_7-.Ltmp7, $3  }
0xe6: {  	v4 =	vld [tilespmem:s13+$0x0];
	_ =	sdelay $0x1  }
0xe7: {  	v6 =	vmul.f32 v6, v1;
	v8 =	vmul.f32 v5, v1  }
0xe8: {  	v7 =	vmul.f32 v7, v1;
	v5 =	vmul.f32 v9, v1  }
0xe9: {  	[tilespmem:s11+$0x30] =	vst v8  }
0xea: {  	[tilespmem:s11+$0xFFFFFFC0] =	vst v6  }
0xeb: {  	v0 =	vmul.f32 v0, v1;
	[tilespmem:s11+$0x10] =	vst v7  }
0xec: {  	v2 =	vmul.f32 v2, v1;
	[tilespmem:s11+$0xFFFFFFE0] =	vst v5  }
0xed: {  	v63 =	vmul.f32 v3, v1;
	[tilespmem:s11+$0xFFFFFFF0] =	vst v0  }
0xee: {  	v4 =	vmul.f32 v4, v1;
	[tilespmem:s11+$0x20] =	vst v2  }
0xef: {  	[tilespmem:s11+$0xFFFFFFD0] =	vst v63  }
0xf0: {  	[tilespmem:s11+$0x0] =	vst v4  }
0xf1: {  	[spmem:s2] =	stream.indirect.scatter.add.f32 [tilespmem:s0], [sflag:$0x7], $0x80, s31, s17, $0xb8;
	[tilespmem:$0x19300] =	vst v63  }
.Ltmp8:
0xf2: {  	p2 =	sgt.u32 s9, $0x3C;
	(pc) =	sbr.rel .LBB2_9-.Ltmp8, $4  }
0xf3: {  	s10 =	sadd.s32 @!p2 s10, s26;
	_ =	swait.ge [sflag:s28], $0x2800  }
0xf4: {  	s12 =	simm.s32 @!p2 $0x100;
	s10 =	sshrl.u32 @!p2 s10, $0x3;
	[sflag:s28] =	ssyncset.done $0x0  }
0xf5: {  	s10 =	sadd.s32 @!p2 s1, s10;
	s11 =	simm.s32 @!p2 $0x0;
	[sflag:s28] =	ssyncadd.s32 $0xFFFFD800  }
0xf6: {  	[tilespmem:s12], [sflag:$0x6] =	stream.linear.gather @!p2 [hbm4b:s10+s11], $0x100, $0x38;
	[tilespmem:$0x19300] =	vst v63  }
.LBB2_11:
0xf7: {  	_ =	sfence.sel $0x180000  }
0xf8: {  	[bflag:$0x0] =	sbarrier.arrive $0xFFFF  }
0xf9: {  	_ =	strace $0x90000053  }
0xfa: {  	[bflag:$0x2] =	sbarrier.arrive $0xFFFF  }
0xfb: {  	p0 =	sne.s32 s4, $0x0;
	s0 =	rddreg [dreg:$0x3]  }
0xfc: {  	s0 =	sadd.s32 @!p0 $0x100000, s0  }
0xfd: {  	[sflag:s0] =	ssyncadd.tile.s32 @!p0 $0x1;
	_ =	shalt  }
.Lfunc_end2:
_tile_overlayer_lowered:
.L_overlay_start_2:
0xfe: {  	(tag) =	ssettag $0x2  }
0xff: {  	s0 =	rddreg [dreg:$0x0];
	s2 =	stileid.u32  }
0x100: {  	s1 =	rddreg [dreg:$0x1];
	p0 =	sne.s32 s2, $0x0  }
0x101: {  	s3 =	rddreg [dreg:$0x2];
	[bflag:$0x3] =	sbarrier.arrive $0xFFFF;
	s2 =	simm.s32 @!p0 $0x1C07  }
0x102: {  	[timem:s3], [sflag:s2] =	dma.local @!p0 [hbm:s0], s1  }
0x103: {  	s0 =	simm.s32 @!p0 $0x7  }
0x104: {  	_ =	swait.ge @!p0 [sflag:s0], s1  }
0x105: {  	s1 =	ssub.s32 @!p0 $0x0, s1;
	[sflag:s0] =	ssyncset.done @!p0 $0x0  }
0x106: {  	[sflag:s0] =	ssyncadd.s32 @!p0 s1  }
0x107: {  	[bflag:$0x3] =	sbarrier.arrive $0xFFFF  }
0x108: {  	_ =	shalt  }

</sc_bundles>
